<compile_context>
chip_gen: v7x
topology: tpu7x:2x2x1
jax: 0.10.2.dev20260603
libtpu: 0.0.44.dev20260713+nightly
codegen_flags: <defaults>
</compile_context>

<pallas_src>
import functools

import jax
import jax.numpy as jnp
from jax import lax
from jax.experimental import pallas as pl
from jax.experimental.pallas import tpu as pltpu
from jax.experimental.pallas import tpu_sc as plsc

D = H = W = 128
F = 16
B = 1048576

NC = 2
NS = 16
NW = NC * NS
PER_W = B // NW
C = 512
NSUB = C // 128
NCHUNK = PER_W // C
L = 16


DHW = D * H * W
VCHUNK = 2048
VPW = DHW // NW
NVC = VPW // VCHUNK

_SC_PARAMS = pltpu.CompilerParams(
    needs_layout_passes=False, use_tc_tiling_on_sc=False)


@functools.partial(
    pl.kernel,
    out_type=jax.ShapeDtypeStruct((DHW, F), jnp.float32),
    mesh=plsc.VectorSubcoreMesh(core_axis_name="c", subcore_axis_name="s"),
    compiler_params=_SC_PARAMS,
    scratch_types=[
        pltpu.VMEM((F * VCHUNK,), jnp.float32),
        pltpu.VMEM((VCHUNK, F), jnp.float32),
        pltpu.SemaphoreType.DMA,
    ],
)
def _sc_transpose(grid1d, table2d, blk_v, tb_v, sem):
    wid = lax.axis_index("s") * NC + lax.axis_index("c")
    v_base = wid * VPW

    def chunk(ci, _):
        v0 = v_base + ci * VCHUNK
        cps = [pltpu.async_copy(
            grid1d.at[pl.ds(f * DHW + v0, VCHUNK)],
            blk_v.at[pl.ds(f * VCHUNK, VCHUNK)], sem) for f in range(F)]
        for cp in cps:
            cp.wait()
        col = lax.iota(jnp.int32, L) * VCHUNK

        def grp(j, _):
            for k in range(L):
                v = j * L + k
                tb_v[v] = plsc.load_gather(blk_v, [col + v])
            return _

        lax.fori_loop(0, VCHUNK // L, grp, None)
        pltpu.sync_copy(tb_v, table2d.at[pl.ds(v0, VCHUNK)])
        return _

    lax.fori_loop(0, NVC, chunk, None)


def _body(x_hbm, table1d_hbm, out_hbm, coords_v, idx_v, fx_v, fy_v, fz_v,
          rows_v, out_v, sem):
    table_hbm = table1d_hbm
    cid = lax.axis_index("c")
    sid = lax.axis_index("s")
    wid = sid * NC + cid
    base_w = wid * PER_W

    def chunk_body(g, _):
        base = base_w + g * C

        pltpu.sync_copy(x_hbm.at[pl.ds(base * 3, C * 3)], coords_v)

        def grp(j, _):
            pts3 = (j * L + lax.iota(jnp.int32, L)) * 3
            xv = plsc.load_gather(coords_v, [pts3])
            yv = plsc.load_gather(coords_v, [pts3 + 1])
            zv = plsc.load_gather(coords_v, [pts3 + 2])
            cx = (xv + 1.0) * 0.5 * (W - 1)
            cy = (yv + 1.0) * 0.5 * (H - 1)
            cz = (zv + 1.0) * 0.5 * (D - 1)
            x0 = jnp.minimum(cx.astype(jnp.int32), W - 1)
            y0 = jnp.minimum(cy.astype(jnp.int32), H - 1)
            z0 = jnp.minimum(cz.astype(jnp.int32), D - 1)
            fx = cx - x0.astype(jnp.float32)
            fy = cy - y0.astype(jnp.float32)
            fz = cz - z0.astype(jnp.float32)
            dx = jnp.minimum(x0 + 1, W - 1) - x0
            dy = (jnp.minimum(y0 + 1, H - 1) - y0) * W
            dz = (jnp.minimum(z0 + 1, D - 1) - z0) * (H * W)
            k0 = (z0 * H + y0) * W + x0
            corners = (k0, k0 + dx, k0 + dy, k0 + dy + dx,
                       k0 + dz, k0 + dz + dx, k0 + dz + dy, k0 + dz + dy + dx)
            row = j // 8
            off = (j % 8) * L
            for c in range(8):
                idx_v[c * NSUB + row, pl.ds(off, L)] = corners[c]
            fx_v[pl.ds(j * L, L)] = fx
            fy_v[pl.ds(j * L, L)] = fy
            fz_v[pl.ds(j * L, L)] = fz
            return _

        lax.fori_loop(0, C // L, grp, None)

        copies = []
        for c in range(8):
            for s in range(NSUB):
                copies.append(pltpu.async_copy(
                    table_hbm.at[idx_v.at[c * NSUB + s]],
                    rows_v.at[c, pl.ds(s * 128, 128)],
                    sem,
                ))
        for cp in copies:
            cp.wait()

        def comb(j, _):
            fxg = fx_v[pl.ds(j * L, L)]
            fyg = fy_v[pl.ds(j * L, L)]
            fzg = fz_v[pl.ds(j * L, L)]
            for k in range(L):
                i = j * L + k
                fxk = lax.broadcast_in_dim(fxg[k], (L,), ())
                fyk = lax.broadcast_in_dim(fyg[k], (L,), ())
                fzk = lax.broadcast_in_dim(fzg[k], (L,), ())
                r000 = rows_v[0, i]
                r001 = rows_v[1, i]
                r010 = rows_v[2, i]
                r011 = rows_v[3, i]
                r100 = rows_v[4, i]
                r101 = rows_v[5, i]
                r110 = rows_v[6, i]
                r111 = rows_v[7, i]
                a00 = r000 + fxk * (r001 - r000)
                a01 = r010 + fxk * (r011 - r010)
                a10 = r100 + fxk * (r101 - r100)
                a11 = r110 + fxk * (r111 - r110)
                b0 = a00 + fyk * (a01 - a00)
                b1 = a10 + fyk * (a11 - a10)
                out_v[i] = b0 + fzk * (b1 - b0)
            return _

        lax.fori_loop(0, C // L, comb, None)

        pltpu.sync_copy(out_v, out_hbm.at[pl.ds(base, C)])
        return _

    lax.fori_loop(0, NCHUNK, chunk_body, None)


@functools.partial(
    pl.kernel,
    out_type=jax.ShapeDtypeStruct((B, F), jnp.float32),
    mesh=plsc.VectorSubcoreMesh(core_axis_name="c", subcore_axis_name="s"),
    compiler_params=_SC_PARAMS,
    scratch_types=[
        pltpu.VMEM((C * 3,), jnp.float32),
        pltpu.VMEM((8 * NSUB, 128), jnp.int32),
        pltpu.VMEM((C,), jnp.float32),
        pltpu.VMEM((C,), jnp.float32),
        pltpu.VMEM((C,), jnp.float32),
        pltpu.VMEM((8, C, F), jnp.float32),
        pltpu.VMEM((C, F), jnp.float32),
        pltpu.SemaphoreType.DMA,
    ],
)
def _sc_interp(x_hbm, table_hbm, out_hbm, coords_v, idx_v, fx_v, fy_v, fz_v,
               rows_v, out_v, sem):
    _body(x_hbm, table_hbm, out_hbm, coords_v, idx_v, fx_v, fy_v, fz_v,
          rows_v, out_v, sem)


def kernel(x, feature_grid):
    table = _sc_transpose(feature_grid.reshape(DHW * F))
    return _sc_interp(x.reshape(B * 3), table)

# --- scband reference (transcript-rebuilt; emitter-appended) ---
"""Pipeline reference for scband-feature-grid-sp-34617436406211 (READ-ONLY COPY).

The authoritative reference and input builder live on the scoring server;
editing this copy changes nothing except your own understanding.
"""

import jax, jax.numpy as jnp
import numpy as np

GRID_SHAPE = (128, 128, 128)
NUM_FEAT = 16
BATCH = 1048576


def setup_inputs(seed: int = 0) -> dict:
    key = jax.random.key(seed)
    k1, k2 = jax.random.split(key)
    x = jax.random.uniform(k1, (BATCH, 3), minval=-1.0, maxval=1.0, dtype=jnp.float32)
    # torch: Parameter(1, num_feat, *reversed(grid_shape)), init uniform(-1e-4, 1e-4)
    feature_grid = jax.random.uniform(
        k2,
        (1, NUM_FEAT) + tuple(reversed(GRID_SHAPE)),
        minval=-1e-4,
        maxval=1e-4,
        dtype=jnp.float32,
    )
    return {"x": x, "feature_grid": feature_grid}


def _trilinear_sample(grid, coords):
    # grid: (F, D, H, W); coords: (B, 3) as (x, y, z) in [-1, 1]
    # Emulates torch.nn.functional.grid_sample(mode='bilinear', align_corners=True)
    F_, D, H, W = grid.shape
    cx = (coords[:, 0] + 1.0) * 0.5 * (W - 1)
    cy = (coords[:, 1] + 1.0) * 0.5 * (H - 1)
    cz = (coords[:, 2] + 1.0) * 0.5 * (D - 1)

    x0f = jnp.floor(cx); y0f = jnp.floor(cy); z0f = jnp.floor(cz)
    wx1 = cx - x0f; wx0 = 1.0 - wx1
    wy1 = cy - y0f; wy0 = 1.0 - wy1
    wz1 = cz - z0f; wz0 = 1.0 - wz1

    x0 = jnp.clip(x0f.astype(jnp.int32), 0, W - 1)
    x1 = jnp.clip(x0 + 1, 0, W - 1)
    y0 = jnp.clip(y0f.astype(jnp.int32), 0, H - 1)
    y1 = jnp.clip(y0 + 1, 0, H - 1)
    z0 = jnp.clip(z0f.astype(jnp.int32), 0, D - 1)
    z1 = jnp.clip(z0 + 1, 0, D - 1)

    out = jnp.zeros((F_, coords.shape[0]), dtype=grid.dtype)
    for zi, wz in ((z0, wz0), (z1, wz1)):
        for yi, wy in ((y0, wy0), (y1, wy1)):
            for xi, wx in ((x0, wx0), (x1, wx1)):
                v = grid[:, zi, yi, xi]  # gather -> (F, B)
                out = out + v * (wz * wy * wx)[None, :]
    return out  # (F, B)


def reference(x, feature_grid):
    # dropout is a no-op (eval / p=0); grid_sample then squeeze().permute(1, 0)
    grid = feature_grid[0]  # (F, D, H, W)
    feats = _trilinear_sample(grid, x)  # (F, B)
    return feats.T  # (B, F)

if __name__ == "__main__":
    import jax
    _d = setup_inputs()
    print(jax.jit(kernel)(*tuple(_d.values())))

</pallas_src>

<mosaic_0001>
#map = affine_map<(d0, d1) -> (0)>
#map1 = affine_map<(d0, d1) -> (0, 0)>
module attributes {stable_mosaic.version = 14 : i64} {
  func.func @_sc_interp(%arg0: i32, %arg1: i32, %arg2: memref<3145728xf32, #tpu.memory_space<hbm>>, %arg3: memref<2097152x16xf32, #tpu.memory_space<hbm>>, %arg4: memref<1048576x16xf32, #tpu.memory_space<hbm>>, %arg5: memref<1536xf32, #tpu.memory_space<vmem>>, %arg6: memref<32x128xi32, #tpu.memory_space<vmem>>, %arg7: memref<512xf32, #tpu.memory_space<vmem>>, %arg8: memref<512xf32, #tpu.memory_space<vmem>>, %arg9: memref<512xf32, #tpu.memory_space<vmem>>, %arg10: memref<8x512x16xf32, #tpu.memory_space<vmem>>, %arg11: memref<512x16xf32, #tpu.memory_space<vmem>>, %arg12: memref<!tpu.dma_semaphore, #tpu.memory_space<semaphore_mem>>) attributes {dimension_semantics = [#tpu.dimension_semantics<core_parallel>, #tpu.dimension_semantics<subcore_parallel>], iteration_bounds = array<i64: 2, 16>, scalar_prefetch = 0 : i64, scratch_operands = 8 : i64, tpu.core_type = #tpu.core_type<sc_vector_subcore>, window_params = [{transform_indices = #map}, {transform_indices = #map1}, {transform_indices = #map1}]} {
    %mul3A = arith.constant 2 : i32
    %mul3A_0 = arith.muli %arg1, %mul3A : i32
    %add3A = arith.addi %mul3A_0, %arg0 : i32
    %mul3A_1 = arith.constant 32768 : i32
    %mul3A_2 = arith.muli %add3A, %mul3A_1 : i32
    %scan3A = arith.constant 0 : i32
    %scan3A_3 = arith.constant 64 : i32
    %scan3A_4 = arith.addi %scan3A, %scan3A_3 : i32
    %scan3A_5 = arith.constant 1 : i32
    scf.for %scan3A_7 = %scan3A to %scan3A_4 step %scan3A_5  : i32 {
      %mul3A_8 = arith.constant 512 : i32
      %mul3A_9 = arith.muli %scan3A_7, %mul3A_8 : i32
      %add3A_10 = arith.addi %mul3A_2, %mul3A_9 : i32
      %mul3A_11 = arith.constant 3 : i32
      %mul3A_12 = arith.muli %add3A_10, %mul3A_11 : i32
      "tpu.region"() ({
        %run_scoped3A = tpu.sem_alloc : memref<!tpu.dma_semaphore, #tpu.memory_space<semaphore_mem>>
        %dma_start3A_789 = tpu.memref_slice %arg2[%mul3A_12] : memref<3145728xf32, #tpu.memory_space<hbm>> -> memref<1536xf32, #tpu.memory_space<hbm>>
        %dma_start3A_790 = tpu.memref_slice %arg2[%mul3A_12] : memref<3145728xf32, #tpu.memory_space<hbm>> -> memref<1536xf32, #tpu.memory_space<hbm>>
        tpu.enqueue_dma source(%dma_start3A_790 : memref<1536xf32, #tpu.memory_space<hbm>>) target(%arg5 : memref<1536xf32, #tpu.memory_space<vmem>>) target_semaphore(%run_scoped3A : memref<!tpu.dma_semaphore, #tpu.memory_space<semaphore_mem>>)
        %dma_wait3A_791 = tpu.memref_slice %arg2[%mul3A_12] : memref<3145728xf32, #tpu.memory_space<hbm>> -> memref<1536xf32, #tpu.memory_space<hbm>>
        %dma_wait3A_792 = tpu.memref_slice %arg2[%mul3A_12] : memref<3145728xf32, #tpu.memory_space<hbm>> -> memref<1536xf32, #tpu.memory_space<hbm>>
        tpu.wait_dma2 semaphore(%run_scoped3A : memref<!tpu.dma_semaphore, #tpu.memory_space<semaphore_mem>>) src(%dma_wait3A_792 : memref<1536xf32, #tpu.memory_space<hbm>>) dst(%arg5 : memref<1536xf32, #tpu.memory_space<vmem>>)
        tpu.yield
      }) : () -> ()
      %scan3A_13 = arith.constant 0 : i32
      %scan3A_14 = arith.constant 32 : i32
      %scan3A_15 = arith.addi %scan3A_13, %scan3A_14 : i32
      %scan3A_16 = arith.constant 1 : i32
      scf.for %scan3A_789 = %scan3A_13 to %scan3A_15 step %scan3A_16  : i32 {
        %mul3A_790 = arith.constant 16 : i32
        %mul3A_791 = arith.muli %scan3A_789, %mul3A_790 : i32
        %iota3A = tpu.iota {dimensions = array<i32: 0>} : vector<16xi32>
        %add3A_792 = vector.broadcast %mul3A_791 : i32 to vector<16xi32>
        %add3A_793 = arith.addi %add3A_792, %iota3A : vector<16xi32>
        %mul3A_794 = arith.constant 3 : i32
        %mul3A_795 = vector.broadcast %mul3A_794 : i32 to vector<16xi32>
        %mul3A_796 = arith.muli %add3A_793, %mul3A_795 : vector<16xi32>
        %gather3A = tpu.vector_load_idx %arg5[%mul3A_796] : memref<1536xf32, #tpu.memory_space<vmem>>[vector<16xi32>], vector<16xf32>,
        %add3A_797 = arith.constant 1 : i32
        %add3A_798 = vector.broadcast %add3A_797 : i32 to vector<16xi32>
        %add3A_799 = arith.addi %mul3A_796, %add3A_798 : vector<16xi32>
        %gather3A_800 = tpu.vector_load_idx %arg5[%add3A_799] : memref<1536xf32, #tpu.memory_space<vmem>>[vector<16xi32>], vector<16xf32>,
        %add3A_801 = arith.constant 2 : i32
        %add3A_802 = vector.broadcast %add3A_801 : i32 to vector<16xi32>
        %add3A_803 = arith.addi %mul3A_796, %add3A_802 : vector<16xi32>
        %gather3A_804 = tpu.vector_load_idx %arg5[%add3A_803] : memref<1536xf32, #tpu.memory_space<vmem>>[vector<16xi32>], vector<16xf32>,
        %add3A_805 = arith.constant 1.000000e+00 : f32
        %add3A_806 = vector.broadcast %add3A_805 : f32 to vector<16xf32>
        %add3A_807 = arith.addf %gather3A, %add3A_806 : vector<16xf32>
        %mul3A_808 = arith.constant 5.000000e-01 : f32
        %mul3A_809 = vector.broadcast %mul3A_808 : f32 to vector<16xf32>
        %mul3A_810 = arith.mulf %add3A_807, %mul3A_809 : vector<16xf32>
        %mul3A_811 = arith.constant 1.270000e+02 : f32
        %mul3A_812 = vector.broadcast %mul3A_811 : f32 to vector<16xf32>
        %mul3A_813 = arith.mulf %mul3A_810, %mul3A_812 : vector<16xf32>
        %add3A_814 = arith.constant 1.000000e+00 : f32
        %add3A_815 = vector.broadcast %add3A_814 : f32 to vector<16xf32>
        %add3A_816 = arith.addf %gather3A_800, %add3A_815 : vector<16xf32>
        %mul3A_817 = arith.constant 5.000000e-01 : f32
        %mul3A_818 = vector.broadcast %mul3A_817 : f32 to vector<16xf32>
        %mul3A_819 = arith.mulf %add3A_816, %mul3A_818 : vector<16xf32>
        %mul3A_820 = arith.constant 1.270000e+02 : f32
        %mul3A_821 = vector.broadcast %mul3A_820 : f32 to vector<16xf32>
        %mul3A_822 = arith.mulf %mul3A_819, %mul3A_821 : vector<16xf32>
        %add3A_823 = arith.constant 1.000000e+00 : f32
        %add3A_824 = vector.broadcast %add3A_823 : f32 to vector<16xf32>
        %add3A_825 = arith.addf %gather3A_804, %add3A_824 : vector<16xf32>
        %mul3A_826 = arith.constant 5.000000e-01 : f32
        %mul3A_827 = vector.broadcast %mul3A_826 : f32 to vector<16xf32>
        %mul3A_828 = arith.mulf %add3A_825, %mul3A_827 : vector<16xf32>
        %mul3A_829 = arith.constant 1.270000e+02 : f32
        %mul3A_830 = vector.broadcast %mul3A_829 : f32 to vector<16xf32>
        %mul3A_831 = arith.mulf %mul3A_828, %mul3A_830 : vector<16xf32>
        %convert_element_type3A = arith.fptosi %mul3A_813 : vector<16xf32> to vector<16xi32>
        %min3A = arith.constant 127 : i32
        %min3A_832 = vector.broadcast %min3A : i32 to vector<16xi32>
        %min3A_833 = arith.minsi %convert_element_type3A, %min3A_832 : vector<16xi32>
        %convert_element_type3A_834 = arith.fptosi %mul3A_822 : vector<16xf32> to vector<16xi32>
        %min3A_835 = arith.constant 127 : i32
        %min3A_836 = vector.broadcast %min3A_835 : i32 to vector<16xi32>
        %min3A_837 = arith.minsi %convert_element_type3A_834, %min3A_836 : vector<16xi32>
        %convert_element_type3A_838 = arith.fptosi %mul3A_831 : vector<16xf32> to vector<16xi32>
        %min3A_839 = arith.constant 127 : i32
        %min3A_840 = vector.broadcast %min3A_839 : i32 to vector<16xi32>
        %min3A_841 = arith.minsi %convert_element_type3A_838, %min3A_840 : vector<16xi32>
        %convert_element_type3A_842 = arith.sitofp %min3A_833 : vector<16xi32> to vector<16xf32>
        %sub3A = arith.subf %mul3A_813, %convert_element_type3A_842 : vector<16xf32>
        %convert_element_type3A_843 = arith.sitofp %min3A_837 : vector<16xi32> to vector<16xf32>
        %sub3A_844 = arith.subf %mul3A_822, %convert_element_type3A_843 : vector<16xf32>
        %convert_element_type3A_845 = arith.sitofp %min3A_841 : vector<16xi32> to vector<16xf32>
        %sub3A_846 = arith.subf %mul3A_831, %convert_element_type3A_845 : vector<16xf32>
        %add3A_847 = arith.constant 1 : i32
        %add3A_848 = vector.broadcast %add3A_847 : i32 to vector<16xi32>
        %add3A_849 = arith.addi %min3A_833, %add3A_848 : vector<16xi32>
        %min3A_850 = arith.constant 127 : i32
        %min3A_851 = vector.broadcast %min3A_850 : i32 to vector<16xi32>
        %min3A_852 = arith.minsi %add3A_849, %min3A_851 : vector<16xi32>
        %sub3A_853 = arith.subi %min3A_852, %min3A_833 : vector<16xi32>
        %add3A_854 = arith.constant 1 : i32
        %add3A_855 = vector.broadcast %add3A_854 : i32 to vector<16xi32>
        %add3A_856 = arith.addi %min3A_837, %add3A_855 : vector<16xi32>
        %min3A_857 = arith.constant 127 : i32
        %min3A_858 = vector.broadcast %min3A_857 : i32 to vector<16xi32>
        %min3A_859 = arith.minsi %add3A_856, %min3A_858 : vector<16xi32>
        %sub3A_860 = arith.subi %min3A_859, %min3A_837 : vector<16xi32>
        %mul3A_861 = arith.constant 128 : i32
        %mul3A_862 = vector.broadcast %mul3A_861 : i32 to vector<16xi32>
        %mul3A_863 = arith.muli %sub3A_860, %mul3A_862 : vector<16xi32>
        %add3A_864 = arith.constant 1 : i32
        %add3A_865 = vector.broadcast %add3A_864 : i32 to vector<16xi32>
        %add3A_866 = arith.addi %min3A_841, %add3A_865 : vector<16xi32>
        %min3A_867 = arith.constant 127 : i32
        %min3A_868 = vector.broadcast %min3A_867 : i32 to vector<16xi32>
        %min3A_869 = arith.minsi %add3A_866, %min3A_868 : vector<16xi32>
        %sub3A_870 = arith.subi %min3A_869, %min3A_841 : vector<16xi32>
        %mul3A_871 = arith.constant 16384 : i32
        %mul3A_872 = vector.broadcast %mul3A_871 : i32 to vector<16xi32>
        %mul3A_873 = arith.muli %sub3A_870, %mul3A_872 : vector<16xi32>
        %mul3A_874 = arith.constant 128 : i32
        %mul3A_875 = vector.broadcast %mul3A_874 : i32 to vector<16xi32>
        %mul3A_876 = arith.muli %min3A_841, %mul3A_875 : vector<16xi32>
        %add3A_877 = arith.addi %mul3A_876, %min3A_837 : vector<16xi32>
        %mul3A_878 = arith.constant 128 : i32
        %mul3A_879 = vector.broadcast %mul3A_878 : i32 to vector<16xi32>
        %mul3A_880 = arith.muli %add3A_877, %mul3A_879 : vector<16xi32>
        %add3A_881 = arith.addi %mul3A_880, %min3A_833 : vector<16xi32>
        %add3A_882 = arith.addi %add3A_881, %sub3A_853 : vector<16xi32>
        %add3A_883 = arith.addi %add3A_881, %mul3A_863 : vector<16xi32>
        %add3A_884 = arith.addi %add3A_881, %mul3A_863 : vector<16xi32>
        %add3A_885 = arith.addi %add3A_884, %sub3A_853 : vector<16xi32>
        %add3A_886 = arith.addi %add3A_881, %mul3A_873 : vector<16xi32>
        %add3A_887 = arith.addi %add3A_881, %mul3A_873 : vector<16xi32>
        %add3A_888 = arith.addi %add3A_887, %sub3A_853 : vector<16xi32>
        %add3A_889 = arith.addi %add3A_881, %mul3A_873 : vector<16xi32>
        %add3A_890 = arith.addi %add3A_889, %mul3A_863 : vector<16xi32>
        %add3A_891 = arith.addi %add3A_881, %mul3A_873 : vector<16xi32>
        %add3A_892 = arith.addi %add3A_891, %mul3A_863 : vector<16xi32>
        %add3A_893 = arith.addi %add3A_892, %sub3A_853 : vector<16xi32>
        %jit3A = arith.constant 8 : i32
        %div3A = arith.divsi %scan3A_789, %jit3A : i32
        %sign3A = arith.constant 0 : i32
        %sign3A_894 = arith.cmpi sgt, %scan3A_789, %sign3A : i32
        %sign3A_895 = arith.extui %sign3A_894 : i1 to i32
        %sign3A_896 = arith.constant 0 : i32
        %sign3A_897 = arith.cmpi slt, %scan3A_789, %sign3A_896 : i32
        %sign3A_898 = arith.extui %sign3A_897 : i1 to i32
        %sign3A_899 = arith.subi %sign3A_895, %sign3A_898 : i32
        %sign3A_900 = arith.constant 0 : i32
        %sign3A_901 = arith.cmpi sgt, %jit3A, %sign3A_900 : i32
        %sign3A_902 = arith.extui %sign3A_901 : i1 to i32
        %sign3A_903 = arith.constant 0 : i32
        %sign3A_904 = arith.cmpi slt, %jit3A, %sign3A_903 : i32
        %sign3A_905 = arith.extui %sign3A_904 : i1 to i32
        %sign3A_906 = arith.subi %sign3A_902, %sign3A_905 : i32
        %ne3A = arith.cmpi ne, %sign3A_899, %sign3A_906 : i32
        %rem3A = arith.remsi %scan3A_789, %jit3A : i32
        %ne3A_907 = arith.constant 0 : i32
        %ne3A_908 = arith.cmpi ne, %rem3A, %ne3A_907 : i32
        %and3A = arith.andi %ne3A, %ne3A_908 : i1
        %sub3A_909 = arith.constant 1 : i32
        %sub3A_910 = arith.subi %div3A, %sub3A_909 : i32
        %select_n3A = arith.select %and3A, %sub3A_910, %div3A : i32
        %jit3A_911 = arith.constant 8 : i32
        %eq3A = arith.constant 0 : i32
        %eq3A_912 = arith.cmpi eq, %jit3A_911, %eq3A : i32
        %jit3A_913 = arith.constant 1 : i32
        %select_n3A_914 = arith.select %eq3A_912, %jit3A_913, %jit3A_911 : i32
        %rem3A_915 = arith.remsi %scan3A_789, %select_n3A_914 : i32
        %ne3A_916 = arith.constant 0 : i32
        %ne3A_917 = arith.cmpi ne, %rem3A_915, %ne3A_916 : i32
        %lt3A = arith.constant 0 : i32
        %lt3A_918 = arith.cmpi slt, %rem3A_915, %lt3A : i32
        %lt3A_919 = arith.constant 0 : i32
        %lt3A_920 = arith.cmpi slt, %select_n3A_914, %lt3A_919 : i32
        %ne3A_921 = arith.xori %lt3A_918, %lt3A_920 : i1
        %and3A_922 = arith.andi %ne3A_921, %ne3A_917 : i1
        %add3A_923 = arith.addi %rem3A_915, %select_n3A_914 : i32
        %select_n3A_924 = arith.select %and3A_922, %add3A_923, %rem3A_915 : i32
        %mul3A_925 = arith.constant 16 : i32
        %mul3A_926 = arith.muli %select_n3A_924, %mul3A_925 : i32
        %add3A_927 = arith.constant 0 : i32
        %add3A_928 = arith.addi %add3A_927, %select_n3A : i32
        %swap3A = arith.index_cast %add3A_928 : i32 to index
        %swap3A_929 = arith.index_cast %mul3A_926 : i32 to index
        %swap3A_930 = tpu.vector_load %arg6[%swap3A, %swap3A_929] {strides = array<i32>} : memref<32x128xi32, #tpu.memory_space<vmem>>, vector<16xi32>,
        tpu.vector_store %arg6[%swap3A, %swap3A_929], %add3A_881 {strides = array<i32>} : memref<32x128xi32, #tpu.memory_space<vmem>>, vector<16xi32>,
        %add3A_931 = arith.constant 4 : i32
        %add3A_932 = arith.addi %add3A_931, %select_n3A : i32
        %swap3A_933 = arith.index_cast %add3A_932 : i32 to index
        %swap3A_934 = arith.index_cast %mul3A_926 : i32 to index
        %swap3A_935 = tpu.vector_load %arg6[%swap3A_933, %swap3A_934] {strides = array<i32>} : memref<32x128xi32, #tpu.memory_space<vmem>>, vector<16xi32>,
        tpu.vector_store %arg6[%swap3A_933, %swap3A_934], %add3A_882 {strides = array<i32>} : memref<32x128xi32, #tpu.memory_space<vmem>>, vector<16xi32>,
        %add3A_936 = arith.constant 8 : i32
        %add3A_937 = arith.addi %add3A_936, %select_n3A : i32
        %swap3A_938 = arith.index_cast %add3A_937 : i32 to index
        %swap3A_939 = arith.index_cast %mul3A_926 : i32 to index
        %swap3A_940 = tpu.vector_load %arg6[%swap3A_938, %swap3A_939] {strides = array<i32>} : memref<32x128xi32, #tpu.memory_space<vmem>>, vector<16xi32>,
        tpu.vector_store %arg6[%swap3A_938, %swap3A_939], %add3A_883 {strides = array<i32>} : memref<32x128xi32, #tpu.memory_space<vmem>>, vector<16xi32>,
        %add3A_941 = arith.constant 12 : i32
        %add3A_942 = arith.addi %add3A_941, %select_n3A : i32
        %swap3A_943 = arith.index_cast %add3A_942 : i32 to index
        %swap3A_944 = arith.index_cast %mul3A_926 : i32 to index
        %swap3A_945 = tpu.vector_load %arg6[%swap3A_943, %swap3A_944] {strides = array<i32>} : memref<32x128xi32, #tpu.memory_space<vmem>>, vector<16xi32>,
        tpu.vector_store %arg6[%swap3A_943, %swap3A_944], %add3A_885 {strides = array<i32>} : memref<32x128xi32, #tpu.memory_space<vmem>>, vector<16xi32>,
        %add3A_946 = arith.constant 16 : i32
        %add3A_947 = arith.addi %add3A_946, %select_n3A : i32
        %swap3A_948 = arith.index_cast %add3A_947 : i32 to index
        %swap3A_949 = arith.index_cast %mul3A_926 : i32 to index
        %swap3A_950 = tpu.vector_load %arg6[%swap3A_948, %swap3A_949] {strides = array<i32>} : memref<32x128xi32, #tpu.memory_space<vmem>>, vector<16xi32>,
        tpu.vector_store %arg6[%swap3A_948, %swap3A_949], %add3A_886 {strides = array<i32>} : memref<32x128xi32, #tpu.memory_space<vmem>>, vector<16xi32>,
        %add3A_951 = arith.constant 20 : i32
        %add3A_952 = arith.addi %add3A_951, %select_n3A : i32
        %swap3A_953 = arith.index_cast %add3A_952 : i32 to index
        %swap3A_954 = arith.index_cast %mul3A_926 : i32 to index
        %swap3A_955 = tpu.vector_load %arg6[%swap3A_953, %swap3A_954] {strides = array<i32>} : memref<32x128xi32, #tpu.memory_space<vmem>>, vector<16xi32>,
        tpu.vector_store %arg6[%swap3A_953, %swap3A_954], %add3A_888 {strides = array<i32>} : memref<32x128xi32, #tpu.memory_space<vmem>>, vector<16xi32>,
        %add3A_956 = arith.constant 24 : i32
        %add3A_957 = arith.addi %add3A_956, %select_n3A : i32
        %swap3A_958 = arith.index_cast %add3A_957 : i32 to index
        %swap3A_959 = arith.index_cast %mul3A_926 : i32 to index
        %swap3A_960 = tpu.vector_load %arg6[%swap3A_958, %swap3A_959] {strides = array<i32>} : memref<32x128xi32, #tpu.memory_space<vmem>>, vector<16xi32>,
        tpu.vector_store %arg6[%swap3A_958, %swap3A_959], %add3A_890 {strides = array<i32>} : memref<32x128xi32, #tpu.memory_space<vmem>>, vector<16xi32>,
        %add3A_961 = arith.constant 28 : i32
        %add3A_962 = arith.addi %add3A_961, %select_n3A : i32
        %swap3A_963 = arith.index_cast %add3A_962 : i32 to index
        %swap3A_964 = arith.index_cast %mul3A_926 : i32 to index
        %swap3A_965 = tpu.vector_load %arg6[%swap3A_963, %swap3A_964] {strides = array<i32>} : memref<32x128xi32, #tpu.memory_space<vmem>>, vector<16xi32>,
        tpu.vector_store %arg6[%swap3A_963, %swap3A_964], %add3A_893 {strides = array<i32>} : memref<32x128xi32, #tpu.memory_space<vmem>>, vector<16xi32>,
        %mul3A_966 = arith.constant 16 : i32
        %mul3A_967 = arith.muli %scan3A_789, %mul3A_966 : i32
        %swap3A_968 = arith.index_cast %mul3A_967 : i32 to index
        %swap3A_969 = tpu.vector_load %arg7[%swap3A_968] {strides = array<i32>} : memref<512xf32, #tpu.memory_space<vmem>>, vector<16xf32>,
        tpu.vector_store %arg7[%swap3A_968], %sub3A {strides = array<i32>} : memref<512xf32, #tpu.memory_space<vmem>>, vector<16xf32>,
        %mul3A_970 = arith.constant 16 : i32
        %mul3A_971 = arith.muli %scan3A_789, %mul3A_970 : i32
        %swap3A_972 = arith.index_cast %mul3A_971 : i32 to index
        %swap3A_973 = tpu.vector_load %arg8[%swap3A_972] {strides = array<i32>} : memref<512xf32, #tpu.memory_space<vmem>>, vector<16xf32>,
        tpu.vector_store %arg8[%swap3A_972], %sub3A_844 {strides = array<i32>} : memref<512xf32, #tpu.memory_space<vmem>>, vector<16xf32>,
        %mul3A_974 = arith.constant 16 : i32
        %mul3A_975 = arith.muli %scan3A_789, %mul3A_974 : i32
        %swap3A_976 = arith.index_cast %mul3A_975 : i32 to index
        %swap3A_977 = tpu.vector_load %arg9[%swap3A_976] {strides = array<i32>} : memref<512xf32, #tpu.memory_space<vmem>>, vector<16xf32>,
        tpu.vector_store %arg9[%swap3A_976], %sub3A_846 {strides = array<i32>} : memref<512xf32, #tpu.memory_space<vmem>>, vector<16xf32>,
      }
      %scan3A_17 = arith.constant 32 : i32
      %dma_start3A = arith.constant 0 : i32
      %dma_start3A_18 = arith.constant 0 : i32
      %dma_start3A_19 = arith.constant 0 : i32
      %dma_start3A_20 = arith.constant 0 : i32
      %dma_start3A_21 = tpu.memref_slice %arg10[%dma_start3A_18, %dma_start3A_19, %dma_start3A_20] : memref<8x512x16xf32, #tpu.memory_space<vmem>> -> memref<1x128x16xf32, #tpu.memory_space<vmem>>
      %dma_start3A_22 = tpu.memref_squeeze %dma_start3A_21 : memref<1x128x16xf32, #tpu.memory_space<vmem>> -> memref<128x16xf32, #tpu.memory_space<vmem>>
      %dma_start3A_23 = arith.constant 0 : i32
      %dma_start3A_24 = tpu.memref_slice %arg6[%dma_start3A, %dma_start3A_23] : memref<32x128xi32, #tpu.memory_space<vmem>> -> memref<1x128xi32, #tpu.memory_space<vmem>>
      %dma_start3A_25 = tpu.memref_squeeze %dma_start3A_24 : memref<1x128xi32, #tpu.memory_space<vmem>> -> memref<128xi32, #tpu.memory_space<vmem>>
      %dma_start3A_26 = arith.constant 0 : i32
      %dma_start3A_27 = arith.constant 0 : i32
      %dma_start3A_28 = tpu.memref_slice %arg3[%dma_start3A_26, %dma_start3A_27] : memref<2097152x16xf32, #tpu.memory_space<hbm>> -> memref<2097152x16xf32, #tpu.memory_space<hbm>>
      tpu.enqueue_indirect_dma source(%dma_start3A_28 : memref<2097152x16xf32, #tpu.memory_space<hbm>>) target(%dma_start3A_22 : memref<128x16xf32, #tpu.memory_space<vmem>>) offsets(%dma_start3A_25 : memref<128xi32, #tpu.memory_space<vmem>>) semaphore(%arg12 : memref<!tpu.dma_semaphore, #tpu.memory_space<semaphore_mem>>)
      %dma_start3A_29 = arith.constant 1 : i32
      %dma_start3A_30 = arith.constant 0 : i32
      %dma_start3A_31 = arith.constant 128 : i32
      %dma_start3A_32 = arith.constant 0 : i32
      %dma_start3A_33 = tpu.memref_slice %arg10[%dma_start3A_30, %dma_start3A_31, %dma_start3A_32] : memref<8x512x16xf32, #tpu.memory_space<vmem>> -> memref<1x128x16xf32, #tpu.memory_space<vmem>>
      %dma_start3A_34 = tpu.memref_squeeze %dma_start3A_33 : memref<1x128x16xf32, #tpu.memory_space<vmem>> -> memref<128x16xf32, #tpu.memory_space<vmem>>
      %dma_start3A_35 = arith.constant 0 : i32
      %dma_start3A_36 = tpu.memref_slice %arg6[%dma_start3A_29, %dma_start3A_35] : memref<32x128xi32, #tpu.memory_space<vmem>> -> memref<1x128xi32, #tpu.memory_space<vmem>>
      %dma_start3A_37 = tpu.memref_squeeze %dma_start3A_36 : memref<1x128xi32, #tpu.memory_space<vmem>> -> memref<128xi32, #tpu.memory_space<vmem>>
      %dma_start3A_38 = arith.constant 0 : i32
      %dma_start3A_39 = arith.constant 0 : i32
      %dma_start3A_40 = tpu.memref_slice %arg3[%dma_start3A_38, %dma_start3A_39] : memref<2097152x16xf32, #tpu.memory_space<hbm>> -> memref<2097152x16xf32, #tpu.memory_space<hbm>>
      tpu.enqueue_indirect_dma source(%dma_start3A_40 : memref<2097152x16xf32, #tpu.memory_space<hbm>>) target(%dma_start3A_34 : memref<128x16xf32, #tpu.memory_space<vmem>>) offsets(%dma_start3A_37 : memref<128xi32, #tpu.memory_space<vmem>>) semaphore(%arg12 : memref<!tpu.dma_semaphore, #tpu.memory_space<semaphore_mem>>)
      %dma_start3A_41 = arith.constant 2 : i32
      %dma_start3A_42 = arith.constant 0 : i32
      %dma_start3A_43 = arith.constant 256 : i32
      %dma_start3A_44 = arith.constant 0 : i32
      %dma_start3A_45 = tpu.memref_slice %arg10[%dma_start3A_42, %dma_start3A_43, %dma_start3A_44] : memref<8x512x16xf32, #tpu.memory_space<vmem>> -> memref<1x128x16xf32, #tpu.memory_space<vmem>>
      %dma_start3A_46 = tpu.memref_squeeze %dma_start3A_45 : memref<1x128x16xf32, #tpu.memory_space<vmem>> -> memref<128x16xf32, #tpu.memory_space<vmem>>
      %dma_start3A_47 = arith.constant 0 : i32
      %dma_start3A_48 = tpu.memref_slice %arg6[%dma_start3A_41, %dma_start3A_47] : memref<32x128xi32, #tpu.memory_space<vmem>> -> memref<1x128xi32, #tpu.memory_space<vmem>>
      %dma_start3A_49 = tpu.memref_squeeze %dma_start3A_48 : memref<1x128xi32, #tpu.memory_space<vmem>> -> memref<128xi32, #tpu.memory_space<vmem>>
      %dma_start3A_50 = arith.constant 0 : i32
      %dma_start3A_51 = arith.constant 0 : i32
      %dma_start3A_52 = tpu.memref_slice %arg3[%dma_start3A_50, %dma_start3A_51] : memref<2097152x16xf32, #tpu.memory_space<hbm>> -> memref<2097152x16xf32, #tpu.memory_space<hbm>>
      tpu.enqueue_indirect_dma source(%dma_start3A_52 : memref<2097152x16xf32, #tpu.memory_space<hbm>>) target(%dma_start3A_46 : memref<128x16xf32, #tpu.memory_space<vmem>>) offsets(%dma_start3A_49 : memref<128xi32, #tpu.memory_space<vmem>>) semaphore(%arg12 : memref<!tpu.dma_semaphore, #tpu.memory_space<semaphore_mem>>)
      %dma_start3A_53 = arith.constant 3 : i32
      %dma_start3A_54 = arith.constant 0 : i32
      %dma_start3A_55 = arith.constant 384 : i32
      %dma_start3A_56 = arith.constant 0 : i32
      %dma_start3A_57 = tpu.memref_slice %arg10[%dma_start3A_54, %dma_start3A_55, %dma_start3A_56] : memref<8x512x16xf32, #tpu.memory_space<vmem>> -> memref<1x128x16xf32, #tpu.memory_space<vmem>>
      %dma_start3A_58 = tpu.memref_squeeze %dma_start3A_57 : memref<1x128x16xf32, #tpu.memory_space<vmem>> -> memref<128x16xf32, #tpu.memory_space<vmem>>
      %dma_start3A_59 = arith.constant 0 : i32
      %dma_start3A_60 = tpu.memref_slice %arg6[%dma_start3A_53, %dma_start3A_59] : memref<32x128xi32, #tpu.memory_space<vmem>> -> memref<1x128xi32, #tpu.memory_space<vmem>>
      %dma_start3A_61 = tpu.memref_squeeze %dma_start3A_60 : memref<1x128xi32, #tpu.memory_space<vmem>> -> memref<128xi32, #tpu.memory_space<vmem>>
      %dma_start3A_62 = arith.constant 0 : i32
      %dma_start3A_63 = arith.constant 0 : i32
      %dma_start3A_64 = tpu.memref_slice %arg3[%dma_start3A_62, %dma_start3A_63] : memref<2097152x16xf32, #tpu.memory_space<hbm>> -> memref<2097152x16xf32, #tpu.memory_space<hbm>>
      tpu.enqueue_indirect_dma source(%dma_start3A_64 : memref<2097152x16xf32, #tpu.memory_space<hbm>>) target(%dma_start3A_58 : memref<128x16xf32, #tpu.memory_space<vmem>>) offsets(%dma_start3A_61 : memref<128xi32, #tpu.memory_space<vmem>>) semaphore(%arg12 : memref<!tpu.dma_semaphore, #tpu.memory_space<semaphore_mem>>)
      %dma_start3A_65 = arith.constant 4 : i32
      %dma_start3A_66 = arith.constant 1 : i32
      %dma_start3A_67 = arith.constant 0 : i32
      %dma_start3A_68 = arith.constant 0 : i32
      %dma_start3A_69 = tpu.memref_slice %arg10[%dma_start3A_66, %dma_start3A_67, %dma_start3A_68] : memref<8x512x16xf32, #tpu.memory_space<vmem>> -> memref<1x128x16xf32, #tpu.memory_space<vmem>>
      %dma_start3A_70 = tpu.memref_squeeze %dma_start3A_69 : memref<1x128x16xf32, #tpu.memory_space<vmem>> -> memref<128x16xf32, #tpu.memory_space<vmem>>
      %dma_start3A_71 = arith.constant 0 : i32
      %dma_start3A_72 = tpu.memref_slice %arg6[%dma_start3A_65, %dma_start3A_71] : memref<32x128xi32, #tpu.memory_space<vmem>> -> memref<1x128xi32, #tpu.memory_space<vmem>>
      %dma_start3A_73 = tpu.memref_squeeze %dma_start3A_72 : memref<1x128xi32, #tpu.memory_space<vmem>> -> memref<128xi32, #tpu.memory_space<vmem>>
      %dma_start3A_74 = arith.constant 0 : i32
      %dma_start3A_75 = arith.constant 0 : i32
      %dma_start3A_76 = tpu.memref_slice %arg3[%dma_start3A_74, %dma_start3A_75] : memref<2097152x16xf32, #tpu.memory_space<hbm>> -> memref<2097152x16xf32, #tpu.memory_space<hbm>>
      tpu.enqueue_indirect_dma source(%dma_start3A_76 : memref<2097152x16xf32, #tpu.memory_space<hbm>>) target(%dma_start3A_70 : memref<128x16xf32, #tpu.memory_space<vmem>>) offsets(%dma_start3A_73 : memref<128xi32, #tpu.memory_space<vmem>>) semaphore(%arg12 : memref<!tpu.dma_semaphore, #tpu.memory_space<semaphore_mem>>)
      %dma_start3A_77 = arith.constant 5 : i32
      %dma_start3A_78 = arith.constant 1 : i32
      %dma_start3A_79 = arith.constant 128 : i32
      %dma_start3A_80 = arith.constant 0 : i32
      %dma_start3A_81 = tpu.memref_slice %arg10[%dma_start3A_78, %dma_start3A_79, %dma_start3A_80] : memref<8x512x16xf32, #tpu.memory_space<vmem>> -> memref<1x128x16xf32, #tpu.memory_space<vmem>>
      %dma_start3A_82 = tpu.memref_squeeze %dma_start3A_81 : memref<1x128x16xf32, #tpu.memory_space<vmem>> -> memref<128x16xf32, #tpu.memory_space<vmem>>
      %dma_start3A_83 = arith.constant 0 : i32
      %dma_start3A_84 = tpu.memref_slice %arg6[%dma_start3A_77, %dma_start3A_83] : memref<32x128xi32, #tpu.memory_space<vmem>> -> memref<1x128xi32, #tpu.memory_space<vmem>>
      %dma_start3A_85 = tpu.memref_squeeze %dma_start3A_84 : memref<1x128xi32, #tpu.memory_space<vmem>> -> memref<128xi32, #tpu.memory_space<vmem>>
      %dma_start3A_86 = arith.constant 0 : i32
      %dma_start3A_87 = arith.constant 0 : i32
      %dma_start3A_88 = tpu.memref_slice %arg3[%dma_start3A_86, %dma_start3A_87] : memref<2097152x16xf32, #tpu.memory_space<hbm>> -> memref<2097152x16xf32, #tpu.memory_space<hbm>>
      tpu.enqueue_indirect_dma source(%dma_start3A_88 : memref<2097152x16xf32, #tpu.memory_space<hbm>>) target(%dma_start3A_82 : memref<128x16xf32, #tpu.memory_space<vmem>>) offsets(%dma_start3A_85 : memref<128xi32, #tpu.memory_space<vmem>>) semaphore(%arg12 : memref<!tpu.dma_semaphore, #tpu.memory_space<semaphore_mem>>)
      %dma_start3A_89 = arith.constant 6 : i32
      %dma_start3A_90 = arith.constant 1 : i32
      %dma_start3A_91 = arith.constant 256 : i32
      %dma_start3A_92 = arith.constant 0 : i32
      %dma_start3A_93 = tpu.memref_slice %arg10[%dma_start3A_90, %dma_start3A_91, %dma_start3A_92] : memref<8x512x16xf32, #tpu.memory_space<vmem>> -> memref<1x128x16xf32, #tpu.memory_space<vmem>>
      %dma_start3A_94 = tpu.memref_squeeze %dma_start3A_93 : memref<1x128x16xf32, #tpu.memory_space<vmem>> -> memref<128x16xf32, #tpu.memory_space<vmem>>
      %dma_start3A_95 = arith.constant 0 : i32
      %dma_start3A_96 = tpu.memref_slice %arg6[%dma_start3A_89, %dma_start3A_95] : memref<32x128xi32, #tpu.memory_space<vmem>> -> memref<1x128xi32, #tpu.memory_space<vmem>>
      %dma_start3A_97 = tpu.memref_squeeze %dma_start3A_96 : memref<1x128xi32, #tpu.memory_space<vmem>> -> memref<128xi32, #tpu.memory_space<vmem>>
      %dma_start3A_98 = arith.constant 0 : i32
      %dma_start3A_99 = arith.constant 0 : i32
      %dma_start3A_100 = tpu.memref_slice %arg3[%dma_start3A_98, %dma_start3A_99] : memref<2097152x16xf32, #tpu.memory_space<hbm>> -> memref<2097152x16xf32, #tpu.memory_space<hbm>>
      tpu.enqueue_indirect_dma source(%dma_start3A_100 : memref<2097152x16xf32, #tpu.memory_space<hbm>>) target(%dma_start3A_94 : memref<128x16xf32, #tpu.memory_space<vmem>>) offsets(%dma_start3A_97 : memref<128xi32, #tpu.memory_space<vmem>>) semaphore(%arg12 : memref<!tpu.dma_semaphore, #tpu.memory_space<semaphore_mem>>)
      %dma_start3A_101 = arith.constant 7 : i32
      %dma_start3A_102 = arith.constant 1 : i32
      %dma_start3A_103 = arith.constant 384 : i32
      %dma_start3A_104 = arith.constant 0 : i32
      %dma_start3A_105 = tpu.memref_slice %arg10[%dma_start3A_102, %dma_start3A_103, %dma_start3A_104] : memref<8x512x16xf32, #tpu.memory_space<vmem>> -> memref<1x128x16xf32, #tpu.memory_space<vmem>>
      %dma_start3A_106 = tpu.memref_squeeze %dma_start3A_105 : memref<1x128x16xf32, #tpu.memory_space<vmem>> -> memref<128x16xf32, #tpu.memory_space<vmem>>
      %dma_start3A_107 = arith.constant 0 : i32
      %dma_start3A_108 = tpu.memref_slice %arg6[%dma_start3A_101, %dma_start3A_107] : memref<32x128xi32, #tpu.memory_space<vmem>> -> memref<1x128xi32, #tpu.memory_space<vmem>>
      %dma_start3A_109 = tpu.memref_squeeze %dma_start3A_108 : memref<1x128xi32, #tpu.memory_space<vmem>> -> memref<128xi32, #tpu.memory_space<vmem>>
      %dma_start3A_110 = arith.constant 0 : i32
      %dma_start3A_111 = arith.constant 0 : i32
      %dma_start3A_112 = tpu.memref_slice %arg3[%dma_start3A_110, %dma_start3A_111] : memref<2097152x16xf32, #tpu.memory_space<hbm>> -> memref<2097152x16xf32, #tpu.memory_space<hbm>>
      tpu.enqueue_indirect_dma source(%dma_start3A_112 : memref<2097152x16xf32, #tpu.memory_space<hbm>>) target(%dma_start3A_106 : memref<128x16xf32, #tpu.memory_space<vmem>>) offsets(%dma_start3A_109 : memref<128xi32, #tpu.memory_space<vmem>>) semaphore(%arg12 : memref<!tpu.dma_semaphore, #tpu.memory_space<semaphore_mem>>)
      %dma_start3A_113 = arith.constant 8 : i32
      %dma_start3A_114 = arith.constant 2 : i32
      %dma_start3A_115 = arith.constant 0 : i32
      %dma_start3A_116 = arith.constant 0 : i32
      %dma_start3A_117 = tpu.memref_slice %arg10[%dma_start3A_114, %dma_start3A_115, %dma_start3A_116] : memref<8x512x16xf32, #tpu.memory_space<vmem>> -> memref<1x128x16xf32, #tpu.memory_space<vmem>>
      %dma_start3A_118 = tpu.memref_squeeze %dma_start3A_117 : memref<1x128x16xf32, #tpu.memory_space<vmem>> -> memref<128x16xf32, #tpu.memory_space<vmem>>
      %dma_start3A_119 = arith.constant 0 : i32
      %dma_start3A_120 = tpu.memref_slice %arg6[%dma_start3A_113, %dma_start3A_119] : memref<32x128xi32, #tpu.memory_space<vmem>> -> memref<1x128xi32, #tpu.memory_space<vmem>>
      %dma_start3A_121 = tpu.memref_squeeze %dma_start3A_120 : memref<1x128xi32, #tpu.memory_space<vmem>> -> memref<128xi32, #tpu.memory_space<vmem>>
      %dma_start3A_122 = arith.constant 0 : i32
      %dma_start3A_123 = arith.constant 0 : i32
      %dma_start3A_124 = tpu.memref_slice %arg3[%dma_start3A_122, %dma_start3A_123] : memref<2097152x16xf32, #tpu.memory_space<hbm>> -> memref<2097152x16xf32, #tpu.memory_space<hbm>>
      tpu.enqueue_indirect_dma source(%dma_start3A_124 : memref<2097152x16xf32, #tpu.memory_space<hbm>>) target(%dma_start3A_118 : memref<128x16xf32, #tpu.memory_space<vmem>>) offsets(%dma_start3A_121 : memref<128xi32, #tpu.memory_space<vmem>>) semaphore(%arg12 : memref<!tpu.dma_semaphore, #tpu.memory_space<semaphore_mem>>)
      %dma_start3A_125 = arith.constant 9 : i32
      %dma_start3A_126 = arith.constant 2 : i32
      %dma_start3A_127 = arith.constant 128 : i32
      %dma_start3A_128 = arith.constant 0 : i32
      %dma_start3A_129 = tpu.memref_slice %arg10[%dma_start3A_126, %dma_start3A_127, %dma_start3A_128] : memref<8x512x16xf32, #tpu.memory_space<vmem>> -> memref<1x128x16xf32, #tpu.memory_space<vmem>>
      %dma_start3A_130 = tpu.memref_squeeze %dma_start3A_129 : memref<1x128x16xf32, #tpu.memory_space<vmem>> -> memref<128x16xf32, #tpu.memory_space<vmem>>
      %dma_start3A_131 = arith.constant 0 : i32
      %dma_start3A_132 = tpu.memref_slice %arg6[%dma_start3A_125, %dma_start3A_131] : memref<32x128xi32, #tpu.memory_space<vmem>> -> memref<1x128xi32, #tpu.memory_space<vmem>>
      %dma_start3A_133 = tpu.memref_squeeze %dma_start3A_132 : memref<1x128xi32, #tpu.memory_space<vmem>> -> memref<128xi32, #tpu.memory_space<vmem>>
      %dma_start3A_134 = arith.constant 0 : i32
      %dma_start3A_135 = arith.constant 0 : i32
      %dma_start3A_136 = tpu.memref_slice %arg3[%dma_start3A_134, %dma_start3A_135] : memref<2097152x16xf32, #tpu.memory_space<hbm>> -> memref<2097152x16xf32, #tpu.memory_space<hbm>>
      tpu.enqueue_indirect_dma source(%dma_start3A_136 : memref<2097152x16xf32, #tpu.memory_space<hbm>>) target(%dma_start3A_130 : memref<128x16xf32, #tpu.memory_space<vmem>>) offsets(%dma_start3A_133 : memref<128xi32, #tpu.memory_space<vmem>>) semaphore(%arg12 : memref<!tpu.dma_semaphore, #tpu.memory_space<semaphore_mem>>)
      %dma_start3A_137 = arith.constant 10 : i32
      %dma_start3A_138 = arith.constant 2 : i32
      %dma_start3A_139 = arith.constant 256 : i32
      %dma_start3A_140 = arith.constant 0 : i32
      %dma_start3A_141 = tpu.memref_slice %arg10[%dma_start3A_138, %dma_start3A_139, %dma_start3A_140] : memref<8x512x16xf32, #tpu.memory_space<vmem>> -> memref<1x128x16xf32, #tpu.memory_space<vmem>>
      %dma_start3A_142 = tpu.memref_squeeze %dma_start3A_141 : memref<1x128x16xf32, #tpu.memory_space<vmem>> -> memref<128x16xf32, #tpu.memory_space<vmem>>
      %dma_start3A_143 = arith.constant 0 : i32
      %dma_start3A_144 = tpu.memref_slice %arg6[%dma_start3A_137, %dma_start3A_143] : memref<32x128xi32, #tpu.memory_space<vmem>> -> memref<1x128xi32, #tpu.memory_space<vmem>>
      %dma_start3A_145 = tpu.memref_squeeze %dma_start3A_144 : memref<1x128xi32, #tpu.memory_space<vmem>> -> memref<128xi32, #tpu.memory_space<vmem>>
      %dma_start3A_146 = arith.constant 0 : i32
      %dma_start3A_147 = arith.constant 0 : i32
      %dma_start3A_148 = tpu.memref_slice %arg3[%dma_start3A_146, %dma_start3A_147] : memref<2097152x16xf32, #tpu.memory_space<hbm>> -> memref<2097152x16xf32, #tpu.memory_space<hbm>>
      tpu.enqueue_indirect_dma source(%dma_start3A_148 : memref<2097152x16xf32, #tpu.memory_space<hbm>>) target(%dma_start3A_142 : memref<128x16xf32, #tpu.memory_space<vmem>>) offsets(%dma_start3A_145 : memref<128xi32, #tpu.memory_space<vmem>>) semaphore(%arg12 : memref<!tpu.dma_semaphore, #tpu.memory_space<semaphore_mem>>)
      %dma_start3A_149 = arith.constant 11 : i32
      %dma_start3A_150 = arith.constant 2 : i32
      %dma_start3A_151 = arith.constant 384 : i32
      %dma_start3A_152 = arith.constant 0 : i32
      %dma_start3A_153 = tpu.memref_slice %arg10[%dma_start3A_150, %dma_start3A_151, %dma_start3A_152] : memref<8x512x16xf32, #tpu.memory_space<vmem>> -> memref<1x128x16xf32, #tpu.memory_space<vmem>>
      %dma_start3A_154 = tpu.memref_squeeze %dma_start3A_153 : memref<1x128x16xf32, #tpu.memory_space<vmem>> -> memref<128x16xf32, #tpu.memory_space<vmem>>
      %dma_start3A_155 = arith.constant 0 : i32
      %dma_start3A_156 = tpu.memref_slice %arg6[%dma_start3A_149, %dma_start3A_155] : memref<32x128xi32, #tpu.memory_space<vmem>> -> memref<1x128xi32, #tpu.memory_space<vmem>>
      %dma_start3A_157 = tpu.memref_squeeze %dma_start3A_156 : memref<1x128xi32, #tpu.memory_space<vmem>> -> memref<128xi32, #tpu.memory_space<vmem>>
      %dma_start3A_158 = arith.constant 0 : i32
      %dma_start3A_159 = arith.constant 0 : i32
      %dma_start3A_160 = tpu.memref_slice %arg3[%dma_start3A_158, %dma_start3A_159] : memref<2097152x16xf32, #tpu.memory_space<hbm>> -> memref<2097152x16xf32, #tpu.memory_space<hbm>>
      tpu.enqueue_indirect_dma source(%dma_start3A_160 : memref<2097152x16xf32, #tpu.memory_space<hbm>>) target(%dma_start3A_154 : memref<128x16xf32, #tpu.memory_space<vmem>>) offsets(%dma_start3A_157 : memref<128xi32, #tpu.memory_space<vmem>>) semaphore(%arg12 : memref<!tpu.dma_semaphore, #tpu.memory_space<semaphore_mem>>)
      %dma_start3A_161 = arith.constant 12 : i32
      %dma_start3A_162 = arith.constant 3 : i32
      %dma_start3A_163 = arith.constant 0 : i32
      %dma_start3A_164 = arith.constant 0 : i32
      %dma_start3A_165 = tpu.memref_slice %arg10[%dma_start3A_162, %dma_start3A_163, %dma_start3A_164] : memref<8x512x16xf32, #tpu.memory_space<vmem>> -> memref<1x128x16xf32, #tpu.memory_space<vmem>>
      %dma_start3A_166 = tpu.memref_squeeze %dma_start3A_165 : memref<1x128x16xf32, #tpu.memory_space<vmem>> -> memref<128x16xf32, #tpu.memory_space<vmem>>
      %dma_start3A_167 = arith.constant 0 : i32
      %dma_start3A_168 = tpu.memref_slice %arg6[%dma_start3A_161, %dma_start3A_167] : memref<32x128xi32, #tpu.memory_space<vmem>> -> memref<1x128xi32, #tpu.memory_space<vmem>>
      %dma_start3A_169 = tpu.memref_squeeze %dma_start3A_168 : memref<1x128xi32, #tpu.memory_space<vmem>> -> memref<128xi32, #tpu.memory_space<vmem>>
      %dma_start3A_170 = arith.constant 0 : i32
      %dma_start3A_171 = arith.constant 0 : i32
      %dma_start3A_172 = tpu.memref_slice %arg3[%dma_start3A_170, %dma_start3A_171] : memref<2097152x16xf32, #tpu.memory_space<hbm>> -> memref<2097152x16xf32, #tpu.memory_space<hbm>>
      tpu.enqueue_indirect_dma source(%dma_start3A_172 : memref<2097152x16xf32, #tpu.memory_space<hbm>>) target(%dma_start3A_166 : memref<128x16xf32, #tpu.memory_space<vmem>>) offsets(%dma_start3A_169 : memref<128xi32, #tpu.memory_space<vmem>>) semaphore(%arg12 : memref<!tpu.dma_semaphore, #tpu.memory_space<semaphore_mem>>)
      %dma_start3A_173 = arith.constant 13 : i32
      %dma_start3A_174 = arith.constant 3 : i32
      %dma_start3A_175 = arith.constant 128 : i32
      %dma_start3A_176 = arith.constant 0 : i32
      %dma_start3A_177 = tpu.memref_slice %arg10[%dma_start3A_174, %dma_start3A_175, %dma_start3A_176] : memref<8x512x16xf32, #tpu.memory_space<vmem>> -> memref<1x128x16xf32, #tpu.memory_space<vmem>>
      %dma_start3A_178 = tpu.memref_squeeze %dma_start3A_177 : memref<1x128x16xf32, #tpu.memory_space<vmem>> -> memref<128x16xf32, #tpu.memory_space<vmem>>
      %dma_start3A_179 = arith.constant 0 : i32
      %dma_start3A_180 = tpu.memref_slice %arg6[%dma_start3A_173, %dma_start3A_179] : memref<32x128xi32, #tpu.memory_space<vmem>> -> memref<1x128xi32, #tpu.memory_space<vmem>>
      %dma_start3A_181 = tpu.memref_squeeze %dma_start3A_180 : memref<1x128xi32, #tpu.memory_space<vmem>> -> memref<128xi32, #tpu.memory_space<vmem>>
      %dma_start3A_182 = arith.constant 0 : i32
      %dma_start3A_183 = arith.constant 0 : i32
      %dma_start3A_184 = tpu.memref_slice %arg3[%dma_start3A_182, %dma_start3A_183] : memref<2097152x16xf32, #tpu.memory_space<hbm>> -> memref<2097152x16xf32, #tpu.memory_space<hbm>>
      tpu.enqueue_indirect_dma source(%dma_start3A_184 : memref<2097152x16xf32, #tpu.memory_space<hbm>>) target(%dma_start3A_178 : memref<128x16xf32, #tpu.memory_space<vmem>>) offsets(%dma_start3A_181 : memref<128xi32, #tpu.memory_space<vmem>>) semaphore(%arg12 : memref<!tpu.dma_semaphore, #tpu.memory_space<semaphore_mem>>)
      %dma_start3A_185 = arith.constant 14 : i32
      %dma_start3A_186 = arith.constant 3 : i32
      %dma_start3A_187 = arith.constant 256 : i32
      %dma_start3A_188 = arith.constant 0 : i32
      %dma_start3A_189 = tpu.memref_slice %arg10[%dma_start3A_186, %dma_start3A_187, %dma_start3A_188] : memref<8x512x16xf32, #tpu.memory_space<vmem>> -> memref<1x128x16xf32, #tpu.memory_space<vmem>>
      %dma_start3A_190 = tpu.memref_squeeze %dma_start3A_189 : memref<1x128x16xf32, #tpu.memory_space<vmem>> -> memref<128x16xf32, #tpu.memory_space<vmem>>
      %dma_start3A_191 = arith.constant 0 : i32
      %dma_start3A_192 = tpu.memref_slice %arg6[%dma_start3A_185, %dma_start3A_191] : memref<32x128xi32, #tpu.memory_space<vmem>> -> memref<1x128xi32, #tpu.memory_space<vmem>>
      %dma_start3A_193 = tpu.memref_squeeze %dma_start3A_192 : memref<1x128xi32, #tpu.memory_space<vmem>> -> memref<128xi32, #tpu.memory_space<vmem>>
      %dma_start3A_194 = arith.constant 0 : i32
      %dma_start3A_195 = arith.constant 0 : i32
      %dma_start3A_196 = tpu.memref_slice %arg3[%dma_start3A_194, %dma_start3A_195] : memref<2097152x16xf32, #tpu.memory_space<hbm>> -> memref<2097152x16xf32, #tpu.memory_space<hbm>>
      tpu.enqueue_indirect_dma source(%dma_start3A_196 : memref<2097152x16xf32, #tpu.memory_space<hbm>>) target(%dma_start3A_190 : memref<128x16xf32, #tpu.memory_space<vmem>>) offsets(%dma_start3A_193 : memref<128xi32, #tpu.memory_space<vmem>>) semaphore(%arg12 : memref<!tpu.dma_semaphore, #tpu.memory_space<semaphore_mem>>)
      %dma_start3A_197 = arith.constant 15 : i32
      %dma_start3A_198 = arith.constant 3 : i32
      %dma_start3A_199 = arith.constant 384 : i32
      %dma_start3A_200 = arith.constant 0 : i32
      %dma_start3A_201 = tpu.memref_slice %arg10[%dma_start3A_198, %dma_start3A_199, %dma_start3A_200] : memref<8x512x16xf32, #tpu.memory_space<vmem>> -> memref<1x128x16xf32, #tpu.memory_space<vmem>>
      %dma_start3A_202 = tpu.memref_squeeze %dma_start3A_201 : memref<1x128x16xf32, #tpu.memory_space<vmem>> -> memref<128x16xf32, #tpu.memory_space<vmem>>
      %dma_start3A_203 = arith.constant 0 : i32
      %dma_start3A_204 = tpu.memref_slice %arg6[%dma_start3A_197, %dma_start3A_203] : memref<32x128xi32, #tpu.memory_space<vmem>> -> memref<1x128xi32, #tpu.memory_space<vmem>>
      %dma_start3A_205 = tpu.memref_squeeze %dma_start3A_204 : memref<1x128xi32, #tpu.memory_space<vmem>> -> memref<128xi32, #tpu.memory_space<vmem>>
      %dma_start3A_206 = arith.constant 0 : i32
      %dma_start3A_207 = arith.constant 0 : i32
      %dma_start3A_208 = tpu.memref_slice %arg3[%dma_start3A_206, %dma_start3A_207] : memref<2097152x16xf32, #tpu.memory_space<hbm>> -> memref<2097152x16xf32, #tpu.memory_space<hbm>>
      tpu.enqueue_indirect_dma source(%dma_start3A_208 : memref<2097152x16xf32, #tpu.memory_space<hbm>>) target(%dma_start3A_202 : memref<128x16xf32, #tpu.memory_space<vmem>>) offsets(%dma_start3A_205 : memref<128xi32, #tpu.memory_space<vmem>>) semaphore(%arg12 : memref<!tpu.dma_semaphore, #tpu.memory_space<semaphore_mem>>)
      %dma_start3A_209 = arith.constant 16 : i32
      %dma_start3A_210 = arith.constant 4 : i32
      %dma_start3A_211 = arith.constant 0 : i32
      %dma_start3A_212 = arith.constant 0 : i32
      %dma_start3A_213 = tpu.memref_slice %arg10[%dma_start3A_210, %dma_start3A_211, %dma_start3A_212] : memref<8x512x16xf32, #tpu.memory_space<vmem>> -> memref<1x128x16xf32, #tpu.memory_space<vmem>>
      %dma_start3A_214 = tpu.memref_squeeze %dma_start3A_213 : memref<1x128x16xf32, #tpu.memory_space<vmem>> -> memref<128x16xf32, #tpu.memory_space<vmem>>
      %dma_start3A_215 = arith.constant 0 : i32
      %dma_start3A_216 = tpu.memref_slice %arg6[%dma_start3A_209, %dma_start3A_215] : memref<32x128xi32, #tpu.memory_space<vmem>> -> memref<1x128xi32, #tpu.memory_space<vmem>>
      %dma_start3A_217 = tpu.memref_squeeze %dma_start3A_216 : memref<1x128xi32, #tpu.memory_space<vmem>> -> memref<128xi32, #tpu.memory_space<vmem>>
      %dma_start3A_218 = arith.constant 0 : i32
      %dma_start3A_219 = arith.constant 0 : i32
      %dma_start3A_220 = tpu.memref_slice %arg3[%dma_start3A_218, %dma_start3A_219] : memref<2097152x16xf32, #tpu.memory_space<hbm>> -> memref<2097152x16xf32, #tpu.memory_space<hbm>>
      tpu.enqueue_indirect_dma source(%dma_start3A_220 : memref<2097152x16xf32, #tpu.memory_space<hbm>>) target(%dma_start3A_214 : memref<128x16xf32, #tpu.memory_space<vmem>>) offsets(%dma_start3A_217 : memref<128xi32, #tpu.memory_space<vmem>>) semaphore(%arg12 : memref<!tpu.dma_semaphore, #tpu.memory_space<semaphore_mem>>)
      %dma_start3A_221 = arith.constant 17 : i32
      %dma_start3A_222 = arith.constant 4 : i32
      %dma_start3A_223 = arith.constant 128 : i32
      %dma_start3A_224 = arith.constant 0 : i32
      %dma_start3A_225 = tpu.memref_slice %arg10[%dma_start3A_222, %dma_start3A_223, %dma_start3A_224] : memref<8x512x16xf32, #tpu.memory_space<vmem>> -> memref<1x128x16xf32, #tpu.memory_space<vmem>>
      %dma_start3A_226 = tpu.memref_squeeze %dma_start3A_225 : memref<1x128x16xf32, #tpu.memory_space<vmem>> -> memref<128x16xf32, #tpu.memory_space<vmem>>
      %dma_start3A_227 = arith.constant 0 : i32
      %dma_start3A_228 = tpu.memref_slice %arg6[%dma_start3A_221, %dma_start3A_227] : memref<32x128xi32, #tpu.memory_space<vmem>> -> memref<1x128xi32, #tpu.memory_space<vmem>>
      %dma_start3A_229 = tpu.memref_squeeze %dma_start3A_228 : memref<1x128xi32, #tpu.memory_space<vmem>> -> memref<128xi32, #tpu.memory_space<vmem>>
      %dma_start3A_230 = arith.constant 0 : i32
      %dma_start3A_231 = arith.constant 0 : i32
      %dma_start3A_232 = tpu.memref_slice %arg3[%dma_start3A_230, %dma_start3A_231] : memref<2097152x16xf32, #tpu.memory_space<hbm>> -> memref<2097152x16xf32, #tpu.memory_space<hbm>>
      tpu.enqueue_indirect_dma source(%dma_start3A_232 : memref<2097152x16xf32, #tpu.memory_space<hbm>>) target(%dma_start3A_226 : memref<128x16xf32, #tpu.memory_space<vmem>>) offsets(%dma_start3A_229 : memref<128xi32, #tpu.memory_space<vmem>>) semaphore(%arg12 : memref<!tpu.dma_semaphore, #tpu.memory_space<semaphore_mem>>)
      %dma_start3A_233 = arith.constant 18 : i32
      %dma_start3A_234 = arith.constant 4 : i32
      %dma_start3A_235 = arith.constant 256 : i32
      %dma_start3A_236 = arith.constant 0 : i32
      %dma_start3A_237 = tpu.memref_slice %arg10[%dma_start3A_234, %dma_start3A_235, %dma_start3A_236] : memref<8x512x16xf32, #tpu.memory_space<vmem>> -> memref<1x128x16xf32, #tpu.memory_space<vmem>>
      %dma_start3A_238 = tpu.memref_squeeze %dma_start3A_237 : memref<1x128x16xf32, #tpu.memory_space<vmem>> -> memref<128x16xf32, #tpu.memory_space<vmem>>
      %dma_start3A_239 = arith.constant 0 : i32
      %dma_start3A_240 = tpu.memref_slice %arg6[%dma_start3A_233, %dma_start3A_239] : memref<32x128xi32, #tpu.memory_space<vmem>> -> memref<1x128xi32, #tpu.memory_space<vmem>>
      %dma_start3A_241 = tpu.memref_squeeze %dma_start3A_240 : memref<1x128xi32, #tpu.memory_space<vmem>> -> memref<128xi32, #tpu.memory_space<vmem>>
      %dma_start3A_242 = arith.constant 0 : i32
      %dma_start3A_243 = arith.constant 0 : i32
      %dma_start3A_244 = tpu.memref_slice %arg3[%dma_start3A_242, %dma_start3A_243] : memref<2097152x16xf32, #tpu.memory_space<hbm>> -> memref<2097152x16xf32, #tpu.memory_space<hbm>>
      tpu.enqueue_indirect_dma source(%dma_start3A_244 : memref<2097152x16xf32, #tpu.memory_space<hbm>>) target(%dma_start3A_238 : memref<128x16xf32, #tpu.memory_space<vmem>>) offsets(%dma_start3A_241 : memref<128xi32, #tpu.memory_space<vmem>>) semaphore(%arg12 : memref<!tpu.dma_semaphore, #tpu.memory_space<semaphore_mem>>)
      %dma_start3A_245 = arith.constant 19 : i32
      %dma_start3A_246 = arith.constant 4 : i32
      %dma_start3A_247 = arith.constant 384 : i32
      %dma_start3A_248 = arith.constant 0 : i32
      %dma_start3A_249 = tpu.memref_slice %arg10[%dma_start3A_246, %dma_start3A_247, %dma_start3A_248] : memref<8x512x16xf32, #tpu.memory_space<vmem>> -> memref<1x128x16xf32, #tpu.memory_space<vmem>>
      %dma_start3A_250 = tpu.memref_squeeze %dma_start3A_249 : memref<1x128x16xf32, #tpu.memory_space<vmem>> -> memref<128x16xf32, #tpu.memory_space<vmem>>
      %dma_start3A_251 = arith.constant 0 : i32
      %dma_start3A_252 = tpu.memref_slice %arg6[%dma_start3A_245, %dma_start3A_251] : memref<32x128xi32, #tpu.memory_space<vmem>> -> memref<1x128xi32, #tpu.memory_space<vmem>>
      %dma_start3A_253 = tpu.memref_squeeze %dma_start3A_252 : memref<1x128xi32, #tpu.memory_space<vmem>> -> memref<128xi32, #tpu.memory_space<vmem>>
      %dma_start3A_254 = arith.constant 0 : i32
      %dma_start3A_255 = arith.constant 0 : i32
      %dma_start3A_256 = tpu.memref_slice %arg3[%dma_start3A_254, %dma_start3A_255] : memref<2097152x16xf32, #tpu.memory_space<hbm>> -> memref<2097152x16xf32, #tpu.memory_space<hbm>>
      tpu.enqueue_indirect_dma source(%dma_start3A_256 : memref<2097152x16xf32, #tpu.memory_space<hbm>>) target(%dma_start3A_250 : memref<128x16xf32, #tpu.memory_space<vmem>>) offsets(%dma_start3A_253 : memref<128xi32, #tpu.memory_space<vmem>>) semaphore(%arg12 : memref<!tpu.dma_semaphore, #tpu.memory_space<semaphore_mem>>)
      %dma_start3A_257 = arith.constant 20 : i32
      %dma_start3A_258 = arith.constant 5 : i32
      %dma_start3A_259 = arith.constant 0 : i32
      %dma_start3A_260 = arith.constant 0 : i32
      %dma_start3A_261 = tpu.memref_slice %arg10[%dma_start3A_258, %dma_start3A_259, %dma_start3A_260] : memref<8x512x16xf32, #tpu.memory_space<vmem>> -> memref<1x128x16xf32, #tpu.memory_space<vmem>>
      %dma_start3A_262 = tpu.memref_squeeze %dma_start3A_261 : memref<1x128x16xf32, #tpu.memory_space<vmem>> -> memref<128x16xf32, #tpu.memory_space<vmem>>
      %dma_start3A_263 = arith.constant 0 : i32
      %dma_start3A_264 = tpu.memref_slice %arg6[%dma_start3A_257, %dma_start3A_263] : memref<32x128xi32, #tpu.memory_space<vmem>> -> memref<1x128xi32, #tpu.memory_space<vmem>>
      %dma_start3A_265 = tpu.memref_squeeze %dma_start3A_264 : memref<1x128xi32, #tpu.memory_space<vmem>> -> memref<128xi32, #tpu.memory_space<vmem>>
      %dma_start3A_266 = arith.constant 0 : i32
      %dma_start3A_267 = arith.constant 0 : i32
      %dma_start3A_268 = tpu.memref_slice %arg3[%dma_start3A_266, %dma_start3A_267] : memref<2097152x16xf32, #tpu.memory_space<hbm>> -> memref<2097152x16xf32, #tpu.memory_space<hbm>>
      tpu.enqueue_indirect_dma source(%dma_start3A_268 : memref<2097152x16xf32, #tpu.memory_space<hbm>>) target(%dma_start3A_262 : memref<128x16xf32, #tpu.memory_space<vmem>>) offsets(%dma_start3A_265 : memref<128xi32, #tpu.memory_space<vmem>>) semaphore(%arg12 : memref<!tpu.dma_semaphore, #tpu.memory_space<semaphore_mem>>)
      %dma_start3A_269 = arith.constant 21 : i32
      %dma_start3A_270 = arith.constant 5 : i32
      %dma_start3A_271 = arith.constant 128 : i32
      %dma_start3A_272 = arith.constant 0 : i32
      %dma_start3A_273 = tpu.memref_slice %arg10[%dma_start3A_270, %dma_start3A_271, %dma_start3A_272] : memref<8x512x16xf32, #tpu.memory_space<vmem>> -> memref<1x128x16xf32, #tpu.memory_space<vmem>>
      %dma_start3A_274 = tpu.memref_squeeze %dma_start3A_273 : memref<1x128x16xf32, #tpu.memory_space<vmem>> -> memref<128x16xf32, #tpu.memory_space<vmem>>
      %dma_start3A_275 = arith.constant 0 : i32
      %dma_start3A_276 = tpu.memref_slice %arg6[%dma_start3A_269, %dma_start3A_275] : memref<32x128xi32, #tpu.memory_space<vmem>> -> memref<1x128xi32, #tpu.memory_space<vmem>>
      %dma_start3A_277 = tpu.memref_squeeze %dma_start3A_276 : memref<1x128xi32, #tpu.memory_space<vmem>> -> memref<128xi32, #tpu.memory_space<vmem>>
      %dma_start3A_278 = arith.constant 0 : i32
      %dma_start3A_279 = arith.constant 0 : i32
      %dma_start3A_280 = tpu.memref_slice %arg3[%dma_start3A_278, %dma_start3A_279] : memref<2097152x16xf32, #tpu.memory_space<hbm>> -> memref<2097152x16xf32, #tpu.memory_space<hbm>>
      tpu.enqueue_indirect_dma source(%dma_start3A_280 : memref<2097152x16xf32, #tpu.memory_space<hbm>>) target(%dma_start3A_274 : memref<128x16xf32, #tpu.memory_space<vmem>>) offsets(%dma_start3A_277 : memref<128xi32, #tpu.memory_space<vmem>>) semaphore(%arg12 : memref<!tpu.dma_semaphore, #tpu.memory_space<semaphore_mem>>)
      %dma_start3A_281 = arith.constant 22 : i32
      %dma_start3A_282 = arith.constant 5 : i32
      %dma_start3A_283 = arith.constant 256 : i32
      %dma_start3A_284 = arith.constant 0 : i32
      %dma_start3A_285 = tpu.memref_slice %arg10[%dma_start3A_282, %dma_start3A_283, %dma_start3A_284] : memref<8x512x16xf32, #tpu.memory_space<vmem>> -> memref<1x128x16xf32, #tpu.memory_space<vmem>>
      %dma_start3A_286 = tpu.memref_squeeze %dma_start3A_285 : memref<1x128x16xf32, #tpu.memory_space<vmem>> -> memref<128x16xf32, #tpu.memory_space<vmem>>
      %dma_start3A_287 = arith.constant 0 : i32
      %dma_start3A_288 = tpu.memref_slice %arg6[%dma_start3A_281, %dma_start3A_287] : memref<32x128xi32, #tpu.memory_space<vmem>> -> memref<1x128xi32, #tpu.memory_space<vmem>>
      %dma_start3A_289 = tpu.memref_squeeze %dma_start3A_288 : memref<1x128xi32, #tpu.memory_space<vmem>> -> memref<128xi32, #tpu.memory_space<vmem>>
      %dma_start3A_290 = arith.constant 0 : i32
      %dma_start3A_291 = arith.constant 0 : i32
      %dma_start3A_292 = tpu.memref_slice %arg3[%dma_start3A_290, %dma_start3A_291] : memref<2097152x16xf32, #tpu.memory_space<hbm>> -> memref<2097152x16xf32, #tpu.memory_space<hbm>>
      tpu.enqueue_indirect_dma source(%dma_start3A_292 : memref<2097152x16xf32, #tpu.memory_space<hbm>>) target(%dma_start3A_286 : memref<128x16xf32, #tpu.memory_space<vmem>>) offsets(%dma_start3A_289 : memref<128xi32, #tpu.memory_space<vmem>>) semaphore(%arg12 : memref<!tpu.dma_semaphore, #tpu.memory_space<semaphore_mem>>)
      %dma_start3A_293 = arith.constant 23 : i32
      %dma_start3A_294 = arith.constant 5 : i32
      %dma_start3A_295 = arith.constant 384 : i32
      %dma_start3A_296 = arith.constant 0 : i32
      %dma_start3A_297 = tpu.memref_slice %arg10[%dma_start3A_294, %dma_start3A_295, %dma_start3A_296] : memref<8x512x16xf32, #tpu.memory_space<vmem>> -> memref<1x128x16xf32, #tpu.memory_space<vmem>>
      %dma_start3A_298 = tpu.memref_squeeze %dma_start3A_297 : memref<1x128x16xf32, #tpu.memory_space<vmem>> -> memref<128x16xf32, #tpu.memory_space<vmem>>
      %dma_start3A_299 = arith.constant 0 : i32
      %dma_start3A_300 = tpu.memref_slice %arg6[%dma_start3A_293, %dma_start3A_299] : memref<32x128xi32, #tpu.memory_space<vmem>> -> memref<1x128xi32, #tpu.memory_space<vmem>>
      %dma_start3A_301 = tpu.memref_squeeze %dma_start3A_300 : memref<1x128xi32, #tpu.memory_space<vmem>> -> memref<128xi32, #tpu.memory_space<vmem>>
      %dma_start3A_302 = arith.constant 0 : i32
      %dma_start3A_303 = arith.constant 0 : i32
      %dma_start3A_304 = tpu.memref_slice %arg3[%dma_start3A_302, %dma_start3A_303] : memref<2097152x16xf32, #tpu.memory_space<hbm>> -> memref<2097152x16xf32, #tpu.memory_space<hbm>>
      tpu.enqueue_indirect_dma source(%dma_start3A_304 : memref<2097152x16xf32, #tpu.memory_space<hbm>>) target(%dma_start3A_298 : memref<128x16xf32, #tpu.memory_space<vmem>>) offsets(%dma_start3A_301 : memref<128xi32, #tpu.memory_space<vmem>>) semaphore(%arg12 : memref<!tpu.dma_semaphore, #tpu.memory_space<semaphore_mem>>)
      %dma_start3A_305 = arith.constant 24 : i32
      %dma_start3A_306 = arith.constant 6 : i32
      %dma_start3A_307 = arith.constant 0 : i32
      %dma_start3A_308 = arith.constant 0 : i32
      %dma_start3A_309 = tpu.memref_slice %arg10[%dma_start3A_306, %dma_start3A_307, %dma_start3A_308] : memref<8x512x16xf32, #tpu.memory_space<vmem>> -> memref<1x128x16xf32, #tpu.memory_space<vmem>>
      %dma_start3A_310 = tpu.memref_squeeze %dma_start3A_309 : memref<1x128x16xf32, #tpu.memory_space<vmem>> -> memref<128x16xf32, #tpu.memory_space<vmem>>
      %dma_start3A_311 = arith.constant 0 : i32
      %dma_start3A_312 = tpu.memref_slice %arg6[%dma_start3A_305, %dma_start3A_311] : memref<32x128xi32, #tpu.memory_space<vmem>> -> memref<1x128xi32, #tpu.memory_space<vmem>>
      %dma_start3A_313 = tpu.memref_squeeze %dma_start3A_312 : memref<1x128xi32, #tpu.memory_space<vmem>> -> memref<128xi32, #tpu.memory_space<vmem>>
      %dma_start3A_314 = arith.constant 0 : i32
      %dma_start3A_315 = arith.constant 0 : i32
      %dma_start3A_316 = tpu.memref_slice %arg3[%dma_start3A_314, %dma_start3A_315] : memref<2097152x16xf32, #tpu.memory_space<hbm>> -> memref<2097152x16xf32, #tpu.memory_space<hbm>>
      tpu.enqueue_indirect_dma source(%dma_start3A_316 : memref<2097152x16xf32, #tpu.memory_space<hbm>>) target(%dma_start3A_310 : memref<128x16xf32, #tpu.memory_space<vmem>>) offsets(%dma_start3A_313 : memref<128xi32, #tpu.memory_space<vmem>>) semaphore(%arg12 : memref<!tpu.dma_semaphore, #tpu.memory_space<semaphore_mem>>)
      %dma_start3A_317 = arith.constant 25 : i32
      %dma_start3A_318 = arith.constant 6 : i32
      %dma_start3A_319 = arith.constant 128 : i32
      %dma_start3A_320 = arith.constant 0 : i32
      %dma_start3A_321 = tpu.memref_slice %arg10[%dma_start3A_318, %dma_start3A_319, %dma_start3A_320] : memref<8x512x16xf32, #tpu.memory_space<vmem>> -> memref<1x128x16xf32, #tpu.memory_space<vmem>>
      %dma_start3A_322 = tpu.memref_squeeze %dma_start3A_321 : memref<1x128x16xf32, #tpu.memory_space<vmem>> -> memref<128x16xf32, #tpu.memory_space<vmem>>
      %dma_start3A_323 = arith.constant 0 : i32
      %dma_start3A_324 = tpu.memref_slice %arg6[%dma_start3A_317, %dma_start3A_323] : memref<32x128xi32, #tpu.memory_space<vmem>> -> memref<1x128xi32, #tpu.memory_space<vmem>>
      %dma_start3A_325 = tpu.memref_squeeze %dma_start3A_324 : memref<1x128xi32, #tpu.memory_space<vmem>> -> memref<128xi32, #tpu.memory_space<vmem>>
      %dma_start3A_326 = arith.constant 0 : i32
      %dma_start3A_327 = arith.constant 0 : i32
      %dma_start3A_328 = tpu.memref_slice %arg3[%dma_start3A_326, %dma_start3A_327] : memref<2097152x16xf32, #tpu.memory_space<hbm>> -> memref<2097152x16xf32, #tpu.memory_space<hbm>>
      tpu.enqueue_indirect_dma source(%dma_start3A_328 : memref<2097152x16xf32, #tpu.memory_space<hbm>>) target(%dma_start3A_322 : memref<128x16xf32, #tpu.memory_space<vmem>>) offsets(%dma_start3A_325 : memref<128xi32, #tpu.memory_space<vmem>>) semaphore(%arg12 : memref<!tpu.dma_semaphore, #tpu.memory_space<semaphore_mem>>)
      %dma_start3A_329 = arith.constant 26 : i32
      %dma_start3A_330 = arith.constant 6 : i32
      %dma_start3A_331 = arith.constant 256 : i32
      %dma_start3A_332 = arith.constant 0 : i32
      %dma_start3A_333 = tpu.memref_slice %arg10[%dma_start3A_330, %dma_start3A_331, %dma_start3A_332] : memref<8x512x16xf32, #tpu.memory_space<vmem>> -> memref<1x128x16xf32, #tpu.memory_space<vmem>>
      %dma_start3A_334 = tpu.memref_squeeze %dma_start3A_333 : memref<1x128x16xf32, #tpu.memory_space<vmem>> -> memref<128x16xf32, #tpu.memory_space<vmem>>
      %dma_start3A_335 = arith.constant 0 : i32
      %dma_start3A_336 = tpu.memref_slice %arg6[%dma_start3A_329, %dma_start3A_335] : memref<32x128xi32, #tpu.memory_space<vmem>> -> memref<1x128xi32, #tpu.memory_space<vmem>>
      %dma_start3A_337 = tpu.memref_squeeze %dma_start3A_336 : memref<1x128xi32, #tpu.memory_space<vmem>> -> memref<128xi32, #tpu.memory_space<vmem>>
      %dma_start3A_338 = arith.constant 0 : i32
      %dma_start3A_339 = arith.constant 0 : i32
      %dma_start3A_340 = tpu.memref_slice %arg3[%dma_start3A_338, %dma_start3A_339] : memref<2097152x16xf32, #tpu.memory_space<hbm>> -> memref<2097152x16xf32, #tpu.memory_space<hbm>>
      tpu.enqueue_indirect_dma source(%dma_start3A_340 : memref<2097152x16xf32, #tpu.memory_space<hbm>>) target(%dma_start3A_334 : memref<128x16xf32, #tpu.memory_space<vmem>>) offsets(%dma_start3A_337 : memref<128xi32, #tpu.memory_space<vmem>>) semaphore(%arg12 : memref<!tpu.dma_semaphore, #tpu.memory_space<semaphore_mem>>)
      %dma_start3A_341 = arith.constant 27 : i32
      %dma_start3A_342 = arith.constant 6 : i32
      %dma_start3A_343 = arith.constant 384 : i32
      %dma_start3A_344 = arith.constant 0 : i32
      %dma_start3A_345 = tpu.memref_slice %arg10[%dma_start3A_342, %dma_start3A_343, %dma_start3A_344] : memref<8x512x16xf32, #tpu.memory_space<vmem>> -> memref<1x128x16xf32, #tpu.memory_space<vmem>>
      %dma_start3A_346 = tpu.memref_squeeze %dma_start3A_345 : memref<1x128x16xf32, #tpu.memory_space<vmem>> -> memref<128x16xf32, #tpu.memory_space<vmem>>
      %dma_start3A_347 = arith.constant 0 : i32
      %dma_start3A_348 = tpu.memref_slice %arg6[%dma_start3A_341, %dma_start3A_347] : memref<32x128xi32, #tpu.memory_space<vmem>> -> memref<1x128xi32, #tpu.memory_space<vmem>>
      %dma_start3A_349 = tpu.memref_squeeze %dma_start3A_348 : memref<1x128xi32, #tpu.memory_space<vmem>> -> memref<128xi32, #tpu.memory_space<vmem>>
      %dma_start3A_350 = arith.constant 0 : i32
      %dma_start3A_351 = arith.constant 0 : i32
      %dma_start3A_352 = tpu.memref_slice %arg3[%dma_start3A_350, %dma_start3A_351] : memref<2097152x16xf32, #tpu.memory_space<hbm>> -> memref<2097152x16xf32, #tpu.memory_space<hbm>>
      tpu.enqueue_indirect_dma source(%dma_start3A_352 : memref<2097152x16xf32, #tpu.memory_space<hbm>>) target(%dma_start3A_346 : memref<128x16xf32, #tpu.memory_space<vmem>>) offsets(%dma_start3A_349 : memref<128xi32, #tpu.memory_space<vmem>>) semaphore(%arg12 : memref<!tpu.dma_semaphore, #tpu.memory_space<semaphore_mem>>)
      %dma_start3A_353 = arith.constant 28 : i32
      %dma_start3A_354 = arith.constant 7 : i32
      %dma_start3A_355 = arith.constant 0 : i32
      %dma_start3A_356 = arith.constant 0 : i32
      %dma_start3A_357 = tpu.memref_slice %arg10[%dma_start3A_354, %dma_start3A_355, %dma_start3A_356] : memref<8x512x16xf32, #tpu.memory_space<vmem>> -> memref<1x128x16xf32, #tpu.memory_space<vmem>>
      %dma_start3A_358 = tpu.memref_squeeze %dma_start3A_357 : memref<1x128x16xf32, #tpu.memory_space<vmem>> -> memref<128x16xf32, #tpu.memory_space<vmem>>
      %dma_start3A_359 = arith.constant 0 : i32
      %dma_start3A_360 = tpu.memref_slice %arg6[%dma_start3A_353, %dma_start3A_359] : memref<32x128xi32, #tpu.memory_space<vmem>> -> memref<1x128xi32, #tpu.memory_space<vmem>>
      %dma_start3A_361 = tpu.memref_squeeze %dma_start3A_360 : memref<1x128xi32, #tpu.memory_space<vmem>> -> memref<128xi32, #tpu.memory_space<vmem>>
      %dma_start3A_362 = arith.constant 0 : i32
      %dma_start3A_363 = arith.constant 0 : i32
      %dma_start3A_364 = tpu.memref_slice %arg3[%dma_start3A_362, %dma_start3A_363] : memref<2097152x16xf32, #tpu.memory_space<hbm>> -> memref<2097152x16xf32, #tpu.memory_space<hbm>>
      tpu.enqueue_indirect_dma source(%dma_start3A_364 : memref<2097152x16xf32, #tpu.memory_space<hbm>>) target(%dma_start3A_358 : memref<128x16xf32, #tpu.memory_space<vmem>>) offsets(%dma_start3A_361 : memref<128xi32, #tpu.memory_space<vmem>>) semaphore(%arg12 : memref<!tpu.dma_semaphore, #tpu.memory_space<semaphore_mem>>)
      %dma_start3A_365 = arith.constant 29 : i32
      %dma_start3A_366 = arith.constant 7 : i32
      %dma_start3A_367 = arith.constant 128 : i32
      %dma_start3A_368 = arith.constant 0 : i32
      %dma_start3A_369 = tpu.memref_slice %arg10[%dma_start3A_366, %dma_start3A_367, %dma_start3A_368] : memref<8x512x16xf32, #tpu.memory_space<vmem>> -> memref<1x128x16xf32, #tpu.memory_space<vmem>>
      %dma_start3A_370 = tpu.memref_squeeze %dma_start3A_369 : memref<1x128x16xf32, #tpu.memory_space<vmem>> -> memref<128x16xf32, #tpu.memory_space<vmem>>
      %dma_start3A_371 = arith.constant 0 : i32
      %dma_start3A_372 = tpu.memref_slice %arg6[%dma_start3A_365, %dma_start3A_371] : memref<32x128xi32, #tpu.memory_space<vmem>> -> memref<1x128xi32, #tpu.memory_space<vmem>>
      %dma_start3A_373 = tpu.memref_squeeze %dma_start3A_372 : memref<1x128xi32, #tpu.memory_space<vmem>> -> memref<128xi32, #tpu.memory_space<vmem>>
      %dma_start3A_374 = arith.constant 0 : i32
      %dma_start3A_375 = arith.constant 0 : i32
      %dma_start3A_376 = tpu.memref_slice %arg3[%dma_start3A_374, %dma_start3A_375] : memref<2097152x16xf32, #tpu.memory_space<hbm>> -> memref<2097152x16xf32, #tpu.memory_space<hbm>>
      tpu.enqueue_indirect_dma source(%dma_start3A_376 : memref<2097152x16xf32, #tpu.memory_space<hbm>>) target(%dma_start3A_370 : memref<128x16xf32, #tpu.memory_space<vmem>>) offsets(%dma_start3A_373 : memref<128xi32, #tpu.memory_space<vmem>>) semaphore(%arg12 : memref<!tpu.dma_semaphore, #tpu.memory_space<semaphore_mem>>)
      %dma_start3A_377 = arith.constant 30 : i32
      %dma_start3A_378 = arith.constant 7 : i32
      %dma_start3A_379 = arith.constant 256 : i32
      %dma_start3A_380 = arith.constant 0 : i32
      %dma_start3A_381 = tpu.memref_slice %arg10[%dma_start3A_378, %dma_start3A_379, %dma_start3A_380] : memref<8x512x16xf32, #tpu.memory_space<vmem>> -> memref<1x128x16xf32, #tpu.memory_space<vmem>>
      %dma_start3A_382 = tpu.memref_squeeze %dma_start3A_381 : memref<1x128x16xf32, #tpu.memory_space<vmem>> -> memref<128x16xf32, #tpu.memory_space<vmem>>
      %dma_start3A_383 = arith.constant 0 : i32
      %dma_start3A_384 = tpu.memref_slice %arg6[%dma_start3A_377, %dma_start3A_383] : memref<32x128xi32, #tpu.memory_space<vmem>> -> memref<1x128xi32, #tpu.memory_space<vmem>>
      %dma_start3A_385 = tpu.memref_squeeze %dma_start3A_384 : memref<1x128xi32, #tpu.memory_space<vmem>> -> memref<128xi32, #tpu.memory_space<vmem>>
      %dma_start3A_386 = arith.constant 0 : i32
      %dma_start3A_387 = arith.constant 0 : i32
      %dma_start3A_388 = tpu.memref_slice %arg3[%dma_start3A_386, %dma_start3A_387] : memref<2097152x16xf32, #tpu.memory_space<hbm>> -> memref<2097152x16xf32, #tpu.memory_space<hbm>>
      tpu.enqueue_indirect_dma source(%dma_start3A_388 : memref<2097152x16xf32, #tpu.memory_space<hbm>>) target(%dma_start3A_382 : memref<128x16xf32, #tpu.memory_space<vmem>>) offsets(%dma_start3A_385 : memref<128xi32, #tpu.memory_space<vmem>>) semaphore(%arg12 : memref<!tpu.dma_semaphore, #tpu.memory_space<semaphore_mem>>)
      %dma_start3A_389 = arith.constant 31 : i32
      %dma_start3A_390 = arith.constant 7 : i32
      %dma_start3A_391 = arith.constant 384 : i32
      %dma_start3A_392 = arith.constant 0 : i32
      %dma_start3A_393 = tpu.memref_slice %arg10[%dma_start3A_390, %dma_start3A_391, %dma_start3A_392] : memref<8x512x16xf32, #tpu.memory_space<vmem>> -> memref<1x128x16xf32, #tpu.memory_space<vmem>>
      %dma_start3A_394 = tpu.memref_squeeze %dma_start3A_393 : memref<1x128x16xf32, #tpu.memory_space<vmem>> -> memref<128x16xf32, #tpu.memory_space<vmem>>
      %dma_start3A_395 = arith.constant 0 : i32
      %dma_start3A_396 = tpu.memref_slice %arg6[%dma_start3A_389, %dma_start3A_395] : memref<32x128xi32, #tpu.memory_space<vmem>> -> memref<1x128xi32, #tpu.memory_space<vmem>>
      %dma_start3A_397 = tpu.memref_squeeze %dma_start3A_396 : memref<1x128xi32, #tpu.memory_space<vmem>> -> memref<128xi32, #tpu.memory_space<vmem>>
      %dma_start3A_398 = arith.constant 0 : i32
      %dma_start3A_399 = arith.constant 0 : i32
      %dma_start3A_400 = tpu.memref_slice %arg3[%dma_start3A_398, %dma_start3A_399] : memref<2097152x16xf32, #tpu.memory_space<hbm>> -> memref<2097152x16xf32, #tpu.memory_space<hbm>>
      tpu.enqueue_indirect_dma source(%dma_start3A_400 : memref<2097152x16xf32, #tpu.memory_space<hbm>>) target(%dma_start3A_394 : memref<128x16xf32, #tpu.memory_space<vmem>>) offsets(%dma_start3A_397 : memref<128xi32, #tpu.memory_space<vmem>>) semaphore(%arg12 : memref<!tpu.dma_semaphore, #tpu.memory_space<semaphore_mem>>)
      %dma_wait3A = arith.constant 0 : i32
      %dma_wait3A_401 = arith.constant 0 : i32
      %dma_wait3A_402 = arith.constant 0 : i32
      %dma_wait3A_403 = arith.constant 0 : i32
      %dma_wait3A_404 = tpu.memref_slice %arg10[%dma_wait3A_401, %dma_wait3A_402, %dma_wait3A_403] : memref<8x512x16xf32, #tpu.memory_space<vmem>> -> memref<1x128x16xf32, #tpu.memory_space<vmem>>
      %dma_wait3A_405 = tpu.memref_squeeze %dma_wait3A_404 : memref<1x128x16xf32, #tpu.memory_space<vmem>> -> memref<128x16xf32, #tpu.memory_space<vmem>>
      %dma_wait3A_406 = arith.constant 0 : i32
      %dma_wait3A_407 = tpu.memref_slice %arg6[%dma_wait3A, %dma_wait3A_406] : memref<32x128xi32, #tpu.memory_space<vmem>> -> memref<1x128xi32, #tpu.memory_space<vmem>>
      %dma_wait3A_408 = tpu.memref_squeeze %dma_wait3A_407 : memref<1x128xi32, #tpu.memory_space<vmem>> -> memref<128xi32, #tpu.memory_space<vmem>>
      %dma_wait3A_409 = arith.constant 0 : i32
      %dma_wait3A_410 = arith.constant 0 : i32
      %dma_wait3A_411 = tpu.memref_slice %arg3[%dma_wait3A_409, %dma_wait3A_410] : memref<2097152x16xf32, #tpu.memory_space<hbm>> -> memref<2097152x16xf32, #tpu.memory_space<hbm>>
      tpu.wait_indirect_dma semaphore(%arg12 : memref<!tpu.dma_semaphore, #tpu.memory_space<semaphore_mem>>) src(%dma_wait3A_411 : memref<2097152x16xf32, #tpu.memory_space<hbm>>) dst(%dma_wait3A_405 : memref<128x16xf32, #tpu.memory_space<vmem>>)
      %dma_wait3A_412 = arith.constant 1 : i32
      %dma_wait3A_413 = arith.constant 0 : i32
      %dma_wait3A_414 = arith.constant 128 : i32
      %dma_wait3A_415 = arith.constant 0 : i32
      %dma_wait3A_416 = tpu.memref_slice %arg10[%dma_wait3A_413, %dma_wait3A_414, %dma_wait3A_415] : memref<8x512x16xf32, #tpu.memory_space<vmem>> -> memref<1x128x16xf32, #tpu.memory_space<vmem>>
      %dma_wait3A_417 = tpu.memref_squeeze %dma_wait3A_416 : memref<1x128x16xf32, #tpu.memory_space<vmem>> -> memref<128x16xf32, #tpu.memory_space<vmem>>
      %dma_wait3A_418 = arith.constant 0 : i32
      %dma_wait3A_419 = tpu.memref_slice %arg6[%dma_wait3A_412, %dma_wait3A_418] : memref<32x128xi32, #tpu.memory_space<vmem>> -> memref<1x128xi32, #tpu.memory_space<vmem>>
      %dma_wait3A_420 = tpu.memref_squeeze %dma_wait3A_419 : memref<1x128xi32, #tpu.memory_space<vmem>> -> memref<128xi32, #tpu.memory_space<vmem>>
      %dma_wait3A_421 = arith.constant 0 : i32
      %dma_wait3A_422 = arith.constant 0 : i32
      %dma_wait3A_423 = tpu.memref_slice %arg3[%dma_wait3A_421, %dma_wait3A_422] : memref<2097152x16xf32, #tpu.memory_space<hbm>> -> memref<2097152x16xf32, #tpu.memory_space<hbm>>
      tpu.wait_indirect_dma semaphore(%arg12 : memref<!tpu.dma_semaphore, #tpu.memory_space<semaphore_mem>>) src(%dma_wait3A_423 : memref<2097152x16xf32, #tpu.memory_space<hbm>>) dst(%dma_wait3A_417 : memref<128x16xf32, #tpu.memory_space<vmem>>)
      %dma_wait3A_424 = arith.constant 2 : i32
      %dma_wait3A_425 = arith.constant 0 : i32
      %dma_wait3A_426 = arith.constant 256 : i32
      %dma_wait3A_427 = arith.constant 0 : i32
      %dma_wait3A_428 = tpu.memref_slice %arg10[%dma_wait3A_425, %dma_wait3A_426, %dma_wait3A_427] : memref<8x512x16xf32, #tpu.memory_space<vmem>> -> memref<1x128x16xf32, #tpu.memory_space<vmem>>
      %dma_wait3A_429 = tpu.memref_squeeze %dma_wait3A_428 : memref<1x128x16xf32, #tpu.memory_space<vmem>> -> memref<128x16xf32, #tpu.memory_space<vmem>>
      %dma_wait3A_430 = arith.constant 0 : i32
      %dma_wait3A_431 = tpu.memref_slice %arg6[%dma_wait3A_424, %dma_wait3A_430] : memref<32x128xi32, #tpu.memory_space<vmem>> -> memref<1x128xi32, #tpu.memory_space<vmem>>
      %dma_wait3A_432 = tpu.memref_squeeze %dma_wait3A_431 : memref<1x128xi32, #tpu.memory_space<vmem>> -> memref<128xi32, #tpu.memory_space<vmem>>
      %dma_wait3A_433 = arith.constant 0 : i32
      %dma_wait3A_434 = arith.constant 0 : i32
      %dma_wait3A_435 = tpu.memref_slice %arg3[%dma_wait3A_433, %dma_wait3A_434] : memref<2097152x16xf32, #tpu.memory_space<hbm>> -> memref<2097152x16xf32, #tpu.memory_space<hbm>>
      tpu.wait_indirect_dma semaphore(%arg12 : memref<!tpu.dma_semaphore, #tpu.memory_space<semaphore_mem>>) src(%dma_wait3A_435 : memref<2097152x16xf32, #tpu.memory_space<hbm>>) dst(%dma_wait3A_429 : memref<128x16xf32, #tpu.memory_space<vmem>>)
      %dma_wait3A_436 = arith.constant 3 : i32
      %dma_wait3A_437 = arith.constant 0 : i32
      %dma_wait3A_438 = arith.constant 384 : i32
      %dma_wait3A_439 = arith.constant 0 : i32
      %dma_wait3A_440 = tpu.memref_slice %arg10[%dma_wait3A_437, %dma_wait3A_438, %dma_wait3A_439] : memref<8x512x16xf32, #tpu.memory_space<vmem>> -> memref<1x128x16xf32, #tpu.memory_space<vmem>>
      %dma_wait3A_441 = tpu.memref_squeeze %dma_wait3A_440 : memref<1x128x16xf32, #tpu.memory_space<vmem>> -> memref<128x16xf32, #tpu.memory_space<vmem>>
      %dma_wait3A_442 = arith.constant 0 : i32
      %dma_wait3A_443 = tpu.memref_slice %arg6[%dma_wait3A_436, %dma_wait3A_442] : memref<32x128xi32, #tpu.memory_space<vmem>> -> memref<1x128xi32, #tpu.memory_space<vmem>>
      %dma_wait3A_444 = tpu.memref_squeeze %dma_wait3A_443 : memref<1x128xi32, #tpu.memory_space<vmem>> -> memref<128xi32, #tpu.memory_space<vmem>>
      %dma_wait3A_445 = arith.constant 0 : i32
      %dma_wait3A_446 = arith.constant 0 : i32
      %dma_wait3A_447 = tpu.memref_slice %arg3[%dma_wait3A_445, %dma_wait3A_446] : memref<2097152x16xf32, #tpu.memory_space<hbm>> -> memref<2097152x16xf32, #tpu.memory_space<hbm>>
      tpu.wait_indirect_dma semaphore(%arg12 : memref<!tpu.dma_semaphore, #tpu.memory_space<semaphore_mem>>) src(%dma_wait3A_447 : memref<2097152x16xf32, #tpu.memory_space<hbm>>) dst(%dma_wait3A_441 : memref<128x16xf32, #tpu.memory_space<vmem>>)
      %dma_wait3A_448 = arith.constant 4 : i32
      %dma_wait3A_449 = arith.constant 1 : i32
      %dma_wait3A_450 = arith.constant 0 : i32
      %dma_wait3A_451 = arith.constant 0 : i32
      %dma_wait3A_452 = tpu.memref_slice %arg10[%dma_wait3A_449, %dma_wait3A_450, %dma_wait3A_451] : memref<8x512x16xf32, #tpu.memory_space<vmem>> -> memref<1x128x16xf32, #tpu.memory_space<vmem>>
      %dma_wait3A_453 = tpu.memref_squeeze %dma_wait3A_452 : memref<1x128x16xf32, #tpu.memory_space<vmem>> -> memref<128x16xf32, #tpu.memory_space<vmem>>
      %dma_wait3A_454 = arith.constant 0 : i32
      %dma_wait3A_455 = tpu.memref_slice %arg6[%dma_wait3A_448, %dma_wait3A_454] : memref<32x128xi32, #tpu.memory_space<vmem>> -> memref<1x128xi32, #tpu.memory_space<vmem>>
      %dma_wait3A_456 = tpu.memref_squeeze %dma_wait3A_455 : memref<1x128xi32, #tpu.memory_space<vmem>> -> memref<128xi32, #tpu.memory_space<vmem>>
      %dma_wait3A_457 = arith.constant 0 : i32
      %dma_wait3A_458 = arith.constant 0 : i32
      %dma_wait3A_459 = tpu.memref_slice %arg3[%dma_wait3A_457, %dma_wait3A_458] : memref<2097152x16xf32, #tpu.memory_space<hbm>> -> memref<2097152x16xf32, #tpu.memory_space<hbm>>
      tpu.wait_indirect_dma semaphore(%arg12 : memref<!tpu.dma_semaphore, #tpu.memory_space<semaphore_mem>>) src(%dma_wait3A_459 : memref<2097152x16xf32, #tpu.memory_space<hbm>>) dst(%dma_wait3A_453 : memref<128x16xf32, #tpu.memory_space<vmem>>)
      %dma_wait3A_460 = arith.constant 5 : i32
      %dma_wait3A_461 = arith.constant 1 : i32
      %dma_wait3A_462 = arith.constant 128 : i32
      %dma_wait3A_463 = arith.constant 0 : i32
      %dma_wait3A_464 = tpu.memref_slice %arg10[%dma_wait3A_461, %dma_wait3A_462, %dma_wait3A_463] : memref<8x512x16xf32, #tpu.memory_space<vmem>> -> memref<1x128x16xf32, #tpu.memory_space<vmem>>
      %dma_wait3A_465 = tpu.memref_squeeze %dma_wait3A_464 : memref<1x128x16xf32, #tpu.memory_space<vmem>> -> memref<128x16xf32, #tpu.memory_space<vmem>>
      %dma_wait3A_466 = arith.constant 0 : i32
      %dma_wait3A_467 = tpu.memref_slice %arg6[%dma_wait3A_460, %dma_wait3A_466] : memref<32x128xi32, #tpu.memory_space<vmem>> -> memref<1x128xi32, #tpu.memory_space<vmem>>
      %dma_wait3A_468 = tpu.memref_squeeze %dma_wait3A_467 : memref<1x128xi32, #tpu.memory_space<vmem>> -> memref<128xi32, #tpu.memory_space<vmem>>
      %dma_wait3A_469 = arith.constant 0 : i32
      %dma_wait3A_470 = arith.constant 0 : i32
      %dma_wait3A_471 = tpu.memref_slice %arg3[%dma_wait3A_469, %dma_wait3A_470] : memref<2097152x16xf32, #tpu.memory_space<hbm>> -> memref<2097152x16xf32, #tpu.memory_space<hbm>>
      tpu.wait_indirect_dma semaphore(%arg12 : memref<!tpu.dma_semaphore, #tpu.memory_space<semaphore_mem>>) src(%dma_wait3A_471 : memref<2097152x16xf32, #tpu.memory_space<hbm>>) dst(%dma_wait3A_465 : memref<128x16xf32, #tpu.memory_space<vmem>>)
      %dma_wait3A_472 = arith.constant 6 : i32
      %dma_wait3A_473 = arith.constant 1 : i32
      %dma_wait3A_474 = arith.constant 256 : i32
      %dma_wait3A_475 = arith.constant 0 : i32
      %dma_wait3A_476 = tpu.memref_slice %arg10[%dma_wait3A_473, %dma_wait3A_474, %dma_wait3A_475] : memref<8x512x16xf32, #tpu.memory_space<vmem>> -> memref<1x128x16xf32, #tpu.memory_space<vmem>>
      %dma_wait3A_477 = tpu.memref_squeeze %dma_wait3A_476 : memref<1x128x16xf32, #tpu.memory_space<vmem>> -> memref<128x16xf32, #tpu.memory_space<vmem>>
      %dma_wait3A_478 = arith.constant 0 : i32
      %dma_wait3A_479 = tpu.memref_slice %arg6[%dma_wait3A_472, %dma_wait3A_478] : memref<32x128xi32, #tpu.memory_space<vmem>> -> memref<1x128xi32, #tpu.memory_space<vmem>>
      %dma_wait3A_480 = tpu.memref_squeeze %dma_wait3A_479 : memref<1x128xi32, #tpu.memory_space<vmem>> -> memref<128xi32, #tpu.memory_space<vmem>>
      %dma_wait3A_481 = arith.constant 0 : i32
      %dma_wait3A_482 = arith.constant 0 : i32
      %dma_wait3A_483 = tpu.memref_slice %arg3[%dma_wait3A_481, %dma_wait3A_482] : memref<2097152x16xf32, #tpu.memory_space<hbm>> -> memref<2097152x16xf32, #tpu.memory_space<hbm>>
      tpu.wait_indirect_dma semaphore(%arg12 : memref<!tpu.dma_semaphore, #tpu.memory_space<semaphore_mem>>) src(%dma_wait3A_483 : memref<2097152x16xf32, #tpu.memory_space<hbm>>) dst(%dma_wait3A_477 : memref<128x16xf32, #tpu.memory_space<vmem>>)
      %dma_wait3A_484 = arith.constant 7 : i32
      %dma_wait3A_485 = arith.constant 1 : i32
      %dma_wait3A_486 = arith.constant 384 : i32
      %dma_wait3A_487 = arith.constant 0 : i32
      %dma_wait3A_488 = tpu.memref_slice %arg10[%dma_wait3A_485, %dma_wait3A_486, %dma_wait3A_487] : memref<8x512x16xf32, #tpu.memory_space<vmem>> -> memref<1x128x16xf32, #tpu.memory_space<vmem>>
      %dma_wait3A_489 = tpu.memref_squeeze %dma_wait3A_488 : memref<1x128x16xf32, #tpu.memory_space<vmem>> -> memref<128x16xf32, #tpu.memory_space<vmem>>
      %dma_wait3A_490 = arith.constant 0 : i32
      %dma_wait3A_491 = tpu.memref_slice %arg6[%dma_wait3A_484, %dma_wait3A_490] : memref<32x128xi32, #tpu.memory_space<vmem>> -> memref<1x128xi32, #tpu.memory_space<vmem>>
      %dma_wait3A_492 = tpu.memref_squeeze %dma_wait3A_491 : memref<1x128xi32, #tpu.memory_space<vmem>> -> memref<128xi32, #tpu.memory_space<vmem>>
      %dma_wait3A_493 = arith.constant 0 : i32
      %dma_wait3A_494 = arith.constant 0 : i32
      %dma_wait3A_495 = tpu.memref_slice %arg3[%dma_wait3A_493, %dma_wait3A_494] : memref<2097152x16xf32, #tpu.memory_space<hbm>> -> memref<2097152x16xf32, #tpu.memory_space<hbm>>
      tpu.wait_indirect_dma semaphore(%arg12 : memref<!tpu.dma_semaphore, #tpu.memory_space<semaphore_mem>>) src(%dma_wait3A_495 : memref<2097152x16xf32, #tpu.memory_space<hbm>>) dst(%dma_wait3A_489 : memref<128x16xf32, #tpu.memory_space<vmem>>)
      %dma_wait3A_496 = arith.constant 8 : i32
      %dma_wait3A_497 = arith.constant 2 : i32
      %dma_wait3A_498 = arith.constant 0 : i32
      %dma_wait3A_499 = arith.constant 0 : i32
      %dma_wait3A_500 = tpu.memref_slice %arg10[%dma_wait3A_497, %dma_wait3A_498, %dma_wait3A_499] : memref<8x512x16xf32, #tpu.memory_space<vmem>> -> memref<1x128x16xf32, #tpu.memory_space<vmem>>
      %dma_wait3A_501 = tpu.memref_squeeze %dma_wait3A_500 : memref<1x128x16xf32, #tpu.memory_space<vmem>> -> memref<128x16xf32, #tpu.memory_space<vmem>>
      %dma_wait3A_502 = arith.constant 0 : i32
      %dma_wait3A_503 = tpu.memref_slice %arg6[%dma_wait3A_496, %dma_wait3A_502] : memref<32x128xi32, #tpu.memory_space<vmem>> -> memref<1x128xi32, #tpu.memory_space<vmem>>
      %dma_wait3A_504 = tpu.memref_squeeze %dma_wait3A_503 : memref<1x128xi32, #tpu.memory_space<vmem>> -> memref<128xi32, #tpu.memory_space<vmem>>
      %dma_wait3A_505 = arith.constant 0 : i32
      %dma_wait3A_506 = arith.constant 0 : i32
      %dma_wait3A_507 = tpu.memref_slice %arg3[%dma_wait3A_505, %dma_wait3A_506] : memref<2097152x16xf32, #tpu.memory_space<hbm>> -> memref<2097152x16xf32, #tpu.memory_space<hbm>>
      tpu.wait_indirect_dma semaphore(%arg12 : memref<!tpu.dma_semaphore, #tpu.memory_space<semaphore_mem>>) src(%dma_wait3A_507 : memref<2097152x16xf32, #tpu.memory_space<hbm>>) dst(%dma_wait3A_501 : memref<128x16xf32, #tpu.memory_space<vmem>>)
      %dma_wait3A_508 = arith.constant 9 : i32
      %dma_wait3A_509 = arith.constant 2 : i32
      %dma_wait3A_510 = arith.constant 128 : i32
      %dma_wait3A_511 = arith.constant 0 : i32
      %dma_wait3A_512 = tpu.memref_slice %arg10[%dma_wait3A_509, %dma_wait3A_510, %dma_wait3A_511] : memref<8x512x16xf32, #tpu.memory_space<vmem>> -> memref<1x128x16xf32, #tpu.memory_space<vmem>>
      %dma_wait3A_513 = tpu.memref_squeeze %dma_wait3A_512 : memref<1x128x16xf32, #tpu.memory_space<vmem>> -> memref<128x16xf32, #tpu.memory_space<vmem>>
      %dma_wait3A_514 = arith.constant 0 : i32
      %dma_wait3A_515 = tpu.memref_slice %arg6[%dma_wait3A_508, %dma_wait3A_514] : memref<32x128xi32, #tpu.memory_space<vmem>> -> memref<1x128xi32, #tpu.memory_space<vmem>>
      %dma_wait3A_516 = tpu.memref_squeeze %dma_wait3A_515 : memref<1x128xi32, #tpu.memory_space<vmem>> -> memref<128xi32, #tpu.memory_space<vmem>>
      %dma_wait3A_517 = arith.constant 0 : i32
      %dma_wait3A_518 = arith.constant 0 : i32
      %dma_wait3A_519 = tpu.memref_slice %arg3[%dma_wait3A_517, %dma_wait3A_518] : memref<2097152x16xf32, #tpu.memory_space<hbm>> -> memref<2097152x16xf32, #tpu.memory_space<hbm>>
      tpu.wait_indirect_dma semaphore(%arg12 : memref<!tpu.dma_semaphore, #tpu.memory_space<semaphore_mem>>) src(%dma_wait3A_519 : memref<2097152x16xf32, #tpu.memory_space<hbm>>) dst(%dma_wait3A_513 : memref<128x16xf32, #tpu.memory_space<vmem>>)
      %dma_wait3A_520 = arith.constant 10 : i32
      %dma_wait3A_521 = arith.constant 2 : i32
      %dma_wait3A_522 = arith.constant 256 : i32
      %dma_wait3A_523 = arith.constant 0 : i32
      %dma_wait3A_524 = tpu.memref_slice %arg10[%dma_wait3A_521, %dma_wait3A_522, %dma_wait3A_523] : memref<8x512x16xf32, #tpu.memory_space<vmem>> -> memref<1x128x16xf32, #tpu.memory_space<vmem>>
      %dma_wait3A_525 = tpu.memref_squeeze %dma_wait3A_524 : memref<1x128x16xf32, #tpu.memory_space<vmem>> -> memref<128x16xf32, #tpu.memory_space<vmem>>
      %dma_wait3A_526 = arith.constant 0 : i32
      %dma_wait3A_527 = tpu.memref_slice %arg6[%dma_wait3A_520, %dma_wait3A_526] : memref<32x128xi32, #tpu.memory_space<vmem>> -> memref<1x128xi32, #tpu.memory_space<vmem>>
      %dma_wait3A_528 = tpu.memref_squeeze %dma_wait3A_527 : memref<1x128xi32, #tpu.memory_space<vmem>> -> memref<128xi32, #tpu.memory_space<vmem>>
      %dma_wait3A_529 = arith.constant 0 : i32
      %dma_wait3A_530 = arith.constant 0 : i32
      %dma_wait3A_531 = tpu.memref_slice %arg3[%dma_wait3A_529, %dma_wait3A_530] : memref<2097152x16xf32, #tpu.memory_space<hbm>> -> memref<2097152x16xf32, #tpu.memory_space<hbm>>
      tpu.wait_indirect_dma semaphore(%arg12 : memref<!tpu.dma_semaphore, #tpu.memory_space<semaphore_mem>>) src(%dma_wait3A_531 : memref<2097152x16xf32, #tpu.memory_space<hbm>>) dst(%dma_wait3A_525 : memref<128x16xf32, #tpu.memory_space<vmem>>)
      %dma_wait3A_532 = arith.constant 11 : i32
      %dma_wait3A_533 = arith.constant 2 : i32
      %dma_wait3A_534 = arith.constant 384 : i32
      %dma_wait3A_535 = arith.constant 0 : i32
      %dma_wait3A_536 = tpu.memref_slice %arg10[%dma_wait3A_533, %dma_wait3A_534, %dma_wait3A_535] : memref<8x512x16xf32, #tpu.memory_space<vmem>> -> memref<1x128x16xf32, #tpu.memory_space<vmem>>
      %dma_wait3A_537 = tpu.memref_squeeze %dma_wait3A_536 : memref<1x128x16xf32, #tpu.memory_space<vmem>> -> memref<128x16xf32, #tpu.memory_space<vmem>>
      %dma_wait3A_538 = arith.constant 0 : i32
      %dma_wait3A_539 = tpu.memref_slice %arg6[%dma_wait3A_532, %dma_wait3A_538] : memref<32x128xi32, #tpu.memory_space<vmem>> -> memref<1x128xi32, #tpu.memory_space<vmem>>
      %dma_wait3A_540 = tpu.memref_squeeze %dma_wait3A_539 : memref<1x128xi32, #tpu.memory_space<vmem>> -> memref<128xi32, #tpu.memory_space<vmem>>
      %dma_wait3A_541 = arith.constant 0 : i32
      %dma_wait3A_542 = arith.constant 0 : i32
      %dma_wait3A_543 = tpu.memref_slice %arg3[%dma_wait3A_541, %dma_wait3A_542] : memref<2097152x16xf32, #tpu.memory_space<hbm>> -> memref<2097152x16xf32, #tpu.memory_space<hbm>>
      tpu.wait_indirect_dma semaphore(%arg12 : memref<!tpu.dma_semaphore, #tpu.memory_space<semaphore_mem>>) src(%dma_wait3A_543 : memref<2097152x16xf32, #tpu.memory_space<hbm>>) dst(%dma_wait3A_537 : memref<128x16xf32, #tpu.memory_space<vmem>>)
      %dma_wait3A_544 = arith.constant 12 : i32
      %dma_wait3A_545 = arith.constant 3 : i32
      %dma_wait3A_546 = arith.constant 0 : i32
      %dma_wait3A_547 = arith.constant 0 : i32
      %dma_wait3A_548 = tpu.memref_slice %arg10[%dma_wait3A_545, %dma_wait3A_546, %dma_wait3A_547] : memref<8x512x16xf32, #tpu.memory_space<vmem>> -> memref<1x128x16xf32, #tpu.memory_space<vmem>>
      %dma_wait3A_549 = tpu.memref_squeeze %dma_wait3A_548 : memref<1x128x16xf32, #tpu.memory_space<vmem>> -> memref<128x16xf32, #tpu.memory_space<vmem>>
      %dma_wait3A_550 = arith.constant 0 : i32
      %dma_wait3A_551 = tpu.memref_slice %arg6[%dma_wait3A_544, %dma_wait3A_550] : memref<32x128xi32, #tpu.memory_space<vmem>> -> memref<1x128xi32, #tpu.memory_space<vmem>>
      %dma_wait3A_552 = tpu.memref_squeeze %dma_wait3A_551 : memref<1x128xi32, #tpu.memory_space<vmem>> -> memref<128xi32, #tpu.memory_space<vmem>>
      %dma_wait3A_553 = arith.constant 0 : i32
      %dma_wait3A_554 = arith.constant 0 : i32
      %dma_wait3A_555 = tpu.memref_slice %arg3[%dma_wait3A_553, %dma_wait3A_554] : memref<2097152x16xf32, #tpu.memory_space<hbm>> -> memref<2097152x16xf32, #tpu.memory_space<hbm>>
      tpu.wait_indirect_dma semaphore(%arg12 : memref<!tpu.dma_semaphore, #tpu.memory_space<semaphore_mem>>) src(%dma_wait3A_555 : memref<2097152x16xf32, #tpu.memory_space<hbm>>) dst(%dma_wait3A_549 : memref<128x16xf32, #tpu.memory_space<vmem>>)
      %dma_wait3A_556 = arith.constant 13 : i32
      %dma_wait3A_557 = arith.constant 3 : i32
      %dma_wait3A_558 = arith.constant 128 : i32
      %dma_wait3A_559 = arith.constant 0 : i32
      %dma_wait3A_560 = tpu.memref_slice %arg10[%dma_wait3A_557, %dma_wait3A_558, %dma_wait3A_559] : memref<8x512x16xf32, #tpu.memory_space<vmem>> -> memref<1x128x16xf32, #tpu.memory_space<vmem>>
      %dma_wait3A_561 = tpu.memref_squeeze %dma_wait3A_560 : memref<1x128x16xf32, #tpu.memory_space<vmem>> -> memref<128x16xf32, #tpu.memory_space<vmem>>
      %dma_wait3A_562 = arith.constant 0 : i32
      %dma_wait3A_563 = tpu.memref_slice %arg6[%dma_wait3A_556, %dma_wait3A_562] : memref<32x128xi32, #tpu.memory_space<vmem>> -> memref<1x128xi32, #tpu.memory_space<vmem>>
      %dma_wait3A_564 = tpu.memref_squeeze %dma_wait3A_563 : memref<1x128xi32, #tpu.memory_space<vmem>> -> memref<128xi32, #tpu.memory_space<vmem>>
      %dma_wait3A_565 = arith.constant 0 : i32
      %dma_wait3A_566 = arith.constant 0 : i32
      %dma_wait3A_567 = tpu.memref_slice %arg3[%dma_wait3A_565, %dma_wait3A_566] : memref<2097152x16xf32, #tpu.memory_space<hbm>> -> memref<2097152x16xf32, #tpu.memory_space<hbm>>
      tpu.wait_indirect_dma semaphore(%arg12 : memref<!tpu.dma_semaphore, #tpu.memory_space<semaphore_mem>>) src(%dma_wait3A_567 : memref<2097152x16xf32, #tpu.memory_space<hbm>>) dst(%dma_wait3A_561 : memref<128x16xf32, #tpu.memory_space<vmem>>)
      %dma_wait3A_568 = arith.constant 14 : i32
      %dma_wait3A_569 = arith.constant 3 : i32
      %dma_wait3A_570 = arith.constant 256 : i32
      %dma_wait3A_571 = arith.constant 0 : i32
      %dma_wait3A_572 = tpu.memref_slice %arg10[%dma_wait3A_569, %dma_wait3A_570, %dma_wait3A_571] : memref<8x512x16xf32, #tpu.memory_space<vmem>> -> memref<1x128x16xf32, #tpu.memory_space<vmem>>
      %dma_wait3A_573 = tpu.memref_squeeze %dma_wait3A_572 : memref<1x128x16xf32, #tpu.memory_space<vmem>> -> memref<128x16xf32, #tpu.memory_space<vmem>>
      %dma_wait3A_574 = arith.constant 0 : i32
      %dma_wait3A_575 = tpu.memref_slice %arg6[%dma_wait3A_568, %dma_wait3A_574] : memref<32x128xi32, #tpu.memory_space<vmem>> -> memref<1x128xi32, #tpu.memory_space<vmem>>
      %dma_wait3A_576 = tpu.memref_squeeze %dma_wait3A_575 : memref<1x128xi32, #tpu.memory_space<vmem>> -> memref<128xi32, #tpu.memory_space<vmem>>
      %dma_wait3A_577 = arith.constant 0 : i32
      %dma_wait3A_578 = arith.constant 0 : i32
      %dma_wait3A_579 = tpu.memref_slice %arg3[%dma_wait3A_577, %dma_wait3A_578] : memref<2097152x16xf32, #tpu.memory_space<hbm>> -> memref<2097152x16xf32, #tpu.memory_space<hbm>>
      tpu.wait_indirect_dma semaphore(%arg12 : memref<!tpu.dma_semaphore, #tpu.memory_space<semaphore_mem>>) src(%dma_wait3A_579 : memref<2097152x16xf32, #tpu.memory_space<hbm>>) dst(%dma_wait3A_573 : memref<128x16xf32, #tpu.memory_space<vmem>>)
      %dma_wait3A_580 = arith.constant 15 : i32
      %dma_wait3A_581 = arith.constant 3 : i32
      %dma_wait3A_582 = arith.constant 384 : i32
      %dma_wait3A_583 = arith.constant 0 : i32
      %dma_wait3A_584 = tpu.memref_slice %arg10[%dma_wait3A_581, %dma_wait3A_582, %dma_wait3A_583] : memref<8x512x16xf32, #tpu.memory_space<vmem>> -> memref<1x128x16xf32, #tpu.memory_space<vmem>>
      %dma_wait3A_585 = tpu.memref_squeeze %dma_wait3A_584 : memref<1x128x16xf32, #tpu.memory_space<vmem>> -> memref<128x16xf32, #tpu.memory_space<vmem>>
      %dma_wait3A_586 = arith.constant 0 : i32
      %dma_wait3A_587 = tpu.memref_slice %arg6[%dma_wait3A_580, %dma_wait3A_586] : memref<32x128xi32, #tpu.memory_space<vmem>> -> memref<1x128xi32, #tpu.memory_space<vmem>>
      %dma_wait3A_588 = tpu.memref_squeeze %dma_wait3A_587 : memref<1x128xi32, #tpu.memory_space<vmem>> -> memref<128xi32, #tpu.memory_space<vmem>>
      %dma_wait3A_589 = arith.constant 0 : i32
      %dma_wait3A_590 = arith.constant 0 : i32
      %dma_wait3A_591 = tpu.memref_slice %arg3[%dma_wait3A_589, %dma_wait3A_590] : memref<2097152x16xf32, #tpu.memory_space<hbm>> -> memref<2097152x16xf32, #tpu.memory_space<hbm>>
      tpu.wait_indirect_dma semaphore(%arg12 : memref<!tpu.dma_semaphore, #tpu.memory_space<semaphore_mem>>) src(%dma_wait3A_591 : memref<2097152x16xf32, #tpu.memory_space<hbm>>) dst(%dma_wait3A_585 : memref<128x16xf32, #tpu.memory_space<vmem>>)
      %dma_wait3A_592 = arith.constant 16 : i32
      %dma_wait3A_593 = arith.constant 4 : i32
      %dma_wait3A_594 = arith.constant 0 : i32
      %dma_wait3A_595 = arith.constant 0 : i32
      %dma_wait3A_596 = tpu.memref_slice %arg10[%dma_wait3A_593, %dma_wait3A_594, %dma_wait3A_595] : memref<8x512x16xf32, #tpu.memory_space<vmem>> -> memref<1x128x16xf32, #tpu.memory_space<vmem>>
      %dma_wait3A_597 = tpu.memref_squeeze %dma_wait3A_596 : memref<1x128x16xf32, #tpu.memory_space<vmem>> -> memref<128x16xf32, #tpu.memory_space<vmem>>
      %dma_wait3A_598 = arith.constant 0 : i32
      %dma_wait3A_599 = tpu.memref_slice %arg6[%dma_wait3A_592, %dma_wait3A_598] : memref<32x128xi32, #tpu.memory_space<vmem>> -> memref<1x128xi32, #tpu.memory_space<vmem>>
      %dma_wait3A_600 = tpu.memref_squeeze %dma_wait3A_599 : memref<1x128xi32, #tpu.memory_space<vmem>> -> memref<128xi32, #tpu.memory_space<vmem>>
      %dma_wait3A_601 = arith.constant 0 : i32
      %dma_wait3A_602 = arith.constant 0 : i32
      %dma_wait3A_603 = tpu.memref_slice %arg3[%dma_wait3A_601, %dma_wait3A_602] : memref<2097152x16xf32, #tpu.memory_space<hbm>> -> memref<2097152x16xf32, #tpu.memory_space<hbm>>
      tpu.wait_indirect_dma semaphore(%arg12 : memref<!tpu.dma_semaphore, #tpu.memory_space<semaphore_mem>>) src(%dma_wait3A_603 : memref<2097152x16xf32, #tpu.memory_space<hbm>>) dst(%dma_wait3A_597 : memref<128x16xf32, #tpu.memory_space<vmem>>)
      %dma_wait3A_604 = arith.constant 17 : i32
      %dma_wait3A_605 = arith.constant 4 : i32
      %dma_wait3A_606 = arith.constant 128 : i32
      %dma_wait3A_607 = arith.constant 0 : i32
      %dma_wait3A_608 = tpu.memref_slice %arg10[%dma_wait3A_605, %dma_wait3A_606, %dma_wait3A_607] : memref<8x512x16xf32, #tpu.memory_space<vmem>> -> memref<1x128x16xf32, #tpu.memory_space<vmem>>
      %dma_wait3A_609 = tpu.memref_squeeze %dma_wait3A_608 : memref<1x128x16xf32, #tpu.memory_space<vmem>> -> memref<128x16xf32, #tpu.memory_space<vmem>>
      %dma_wait3A_610 = arith.constant 0 : i32
      %dma_wait3A_611 = tpu.memref_slice %arg6[%dma_wait3A_604, %dma_wait3A_610] : memref<32x128xi32, #tpu.memory_space<vmem>> -> memref<1x128xi32, #tpu.memory_space<vmem>>
      %dma_wait3A_612 = tpu.memref_squeeze %dma_wait3A_611 : memref<1x128xi32, #tpu.memory_space<vmem>> -> memref<128xi32, #tpu.memory_space<vmem>>
      %dma_wait3A_613 = arith.constant 0 : i32
      %dma_wait3A_614 = arith.constant 0 : i32
      %dma_wait3A_615 = tpu.memref_slice %arg3[%dma_wait3A_613, %dma_wait3A_614] : memref<2097152x16xf32, #tpu.memory_space<hbm>> -> memref<2097152x16xf32, #tpu.memory_space<hbm>>
      tpu.wait_indirect_dma semaphore(%arg12 : memref<!tpu.dma_semaphore, #tpu.memory_space<semaphore_mem>>) src(%dma_wait3A_615 : memref<2097152x16xf32, #tpu.memory_space<hbm>>) dst(%dma_wait3A_609 : memref<128x16xf32, #tpu.memory_space<vmem>>)
      %dma_wait3A_616 = arith.constant 18 : i32
      %dma_wait3A_617 = arith.constant 4 : i32
      %dma_wait3A_618 = arith.constant 256 : i32
      %dma_wait3A_619 = arith.constant 0 : i32
      %dma_wait3A_620 = tpu.memref_slice %arg10[%dma_wait3A_617, %dma_wait3A_618, %dma_wait3A_619] : memref<8x512x16xf32, #tpu.memory_space<vmem>> -> memref<1x128x16xf32, #tpu.memory_space<vmem>>
      %dma_wait3A_621 = tpu.memref_squeeze %dma_wait3A_620 : memref<1x128x16xf32, #tpu.memory_space<vmem>> -> memref<128x16xf32, #tpu.memory_space<vmem>>
      %dma_wait3A_622 = arith.constant 0 : i32
      %dma_wait3A_623 = tpu.memref_slice %arg6[%dma_wait3A_616, %dma_wait3A_622] : memref<32x128xi32, #tpu.memory_space<vmem>> -> memref<1x128xi32, #tpu.memory_space<vmem>>
      %dma_wait3A_624 = tpu.memref_squeeze %dma_wait3A_623 : memref<1x128xi32, #tpu.memory_space<vmem>> -> memref<128xi32, #tpu.memory_space<vmem>>
      %dma_wait3A_625 = arith.constant 0 : i32
      %dma_wait3A_626 = arith.constant 0 : i32
      %dma_wait3A_627 = tpu.memref_slice %arg3[%dma_wait3A_625, %dma_wait3A_626] : memref<2097152x16xf32, #tpu.memory_space<hbm>> -> memref<2097152x16xf32, #tpu.memory_space<hbm>>
      tpu.wait_indirect_dma semaphore(%arg12 : memref<!tpu.dma_semaphore, #tpu.memory_space<semaphore_mem>>) src(%dma_wait3A_627 : memref<2097152x16xf32, #tpu.memory_space<hbm>>) dst(%dma_wait3A_621 : memref<128x16xf32, #tpu.memory_space<vmem>>)
      %dma_wait3A_628 = arith.constant 19 : i32
      %dma_wait3A_629 = arith.constant 4 : i32
      %dma_wait3A_630 = arith.constant 384 : i32
      %dma_wait3A_631 = arith.constant 0 : i32
      %dma_wait3A_632 = tpu.memref_slice %arg10[%dma_wait3A_629, %dma_wait3A_630, %dma_wait3A_631] : memref<8x512x16xf32, #tpu.memory_space<vmem>> -> memref<1x128x16xf32, #tpu.memory_space<vmem>>
      %dma_wait3A_633 = tpu.memref_squeeze %dma_wait3A_632 : memref<1x128x16xf32, #tpu.memory_space<vmem>> -> memref<128x16xf32, #tpu.memory_space<vmem>>
      %dma_wait3A_634 = arith.constant 0 : i32
      %dma_wait3A_635 = tpu.memref_slice %arg6[%dma_wait3A_628, %dma_wait3A_634] : memref<32x128xi32, #tpu.memory_space<vmem>> -> memref<1x128xi32, #tpu.memory_space<vmem>>
      %dma_wait3A_636 = tpu.memref_squeeze %dma_wait3A_635 : memref<1x128xi32, #tpu.memory_space<vmem>> -> memref<128xi32, #tpu.memory_space<vmem>>
      %dma_wait3A_637 = arith.constant 0 : i32
      %dma_wait3A_638 = arith.constant 0 : i32
      %dma_wait3A_639 = tpu.memref_slice %arg3[%dma_wait3A_637, %dma_wait3A_638] : memref<2097152x16xf32, #tpu.memory_space<hbm>> -> memref<2097152x16xf32, #tpu.memory_space<hbm>>
      tpu.wait_indirect_dma semaphore(%arg12 : memref<!tpu.dma_semaphore, #tpu.memory_space<semaphore_mem>>) src(%dma_wait3A_639 : memref<2097152x16xf32, #tpu.memory_space<hbm>>) dst(%dma_wait3A_633 : memref<128x16xf32, #tpu.memory_space<vmem>>)
      %dma_wait3A_640 = arith.constant 20 : i32
      %dma_wait3A_641 = arith.constant 5 : i32
      %dma_wait3A_642 = arith.constant 0 : i32
      %dma_wait3A_643 = arith.constant 0 : i32
      %dma_wait3A_644 = tpu.memref_slice %arg10[%dma_wait3A_641, %dma_wait3A_642, %dma_wait3A_643] : memref<8x512x16xf32, #tpu.memory_space<vmem>> -> memref<1x128x16xf32, #tpu.memory_space<vmem>>
      %dma_wait3A_645 = tpu.memref_squeeze %dma_wait3A_644 : memref<1x128x16xf32, #tpu.memory_space<vmem>> -> memref<128x16xf32, #tpu.memory_space<vmem>>
      %dma_wait3A_646 = arith.constant 0 : i32
      %dma_wait3A_647 = tpu.memref_slice %arg6[%dma_wait3A_640, %dma_wait3A_646] : memref<32x128xi32, #tpu.memory_space<vmem>> -> memref<1x128xi32, #tpu.memory_space<vmem>>
      %dma_wait3A_648 = tpu.memref_squeeze %dma_wait3A_647 : memref<1x128xi32, #tpu.memory_space<vmem>> -> memref<128xi32, #tpu.memory_space<vmem>>
      %dma_wait3A_649 = arith.constant 0 : i32
      %dma_wait3A_650 = arith.constant 0 : i32
      %dma_wait3A_651 = tpu.memref_slice %arg3[%dma_wait3A_649, %dma_wait3A_650] : memref<2097152x16xf32, #tpu.memory_space<hbm>> -> memref<2097152x16xf32, #tpu.memory_space<hbm>>
      tpu.wait_indirect_dma semaphore(%arg12 : memref<!tpu.dma_semaphore, #tpu.memory_space<semaphore_mem>>) src(%dma_wait3A_651 : memref<2097152x16xf32, #tpu.memory_space<hbm>>) dst(%dma_wait3A_645 : memref<128x16xf32, #tpu.memory_space<vmem>>)
      %dma_wait3A_652 = arith.constant 21 : i32
      %dma_wait3A_653 = arith.constant 5 : i32
      %dma_wait3A_654 = arith.constant 128 : i32
      %dma_wait3A_655 = arith.constant 0 : i32
      %dma_wait3A_656 = tpu.memref_slice %arg10[%dma_wait3A_653, %dma_wait3A_654, %dma_wait3A_655] : memref<8x512x16xf32, #tpu.memory_space<vmem>> -> memref<1x128x16xf32, #tpu.memory_space<vmem>>
      %dma_wait3A_657 = tpu.memref_squeeze %dma_wait3A_656 : memref<1x128x16xf32, #tpu.memory_space<vmem>> -> memref<128x16xf32, #tpu.memory_space<vmem>>
      %dma_wait3A_658 = arith.constant 0 : i32
      %dma_wait3A_659 = tpu.memref_slice %arg6[%dma_wait3A_652, %dma_wait3A_658] : memref<32x128xi32, #tpu.memory_space<vmem>> -> memref<1x128xi32, #tpu.memory_space<vmem>>
      %dma_wait3A_660 = tpu.memref_squeeze %dma_wait3A_659 : memref<1x128xi32, #tpu.memory_space<vmem>> -> memref<128xi32, #tpu.memory_space<vmem>>
      %dma_wait3A_661 = arith.constant 0 : i32
      %dma_wait3A_662 = arith.constant 0 : i32
      %dma_wait3A_663 = tpu.memref_slice %arg3[%dma_wait3A_661, %dma_wait3A_662] : memref<2097152x16xf32, #tpu.memory_space<hbm>> -> memref<2097152x16xf32, #tpu.memory_space<hbm>>
      tpu.wait_indirect_dma semaphore(%arg12 : memref<!tpu.dma_semaphore, #tpu.memory_space<semaphore_mem>>) src(%dma_wait3A_663 : memref<2097152x16xf32, #tpu.memory_space<hbm>>) dst(%dma_wait3A_657 : memref<128x16xf32, #tpu.memory_space<vmem>>)
      %dma_wait3A_664 = arith.constant 22 : i32
      %dma_wait3A_665 = arith.constant 5 : i32
      %dma_wait3A_666 = arith.constant 256 : i32
      %dma_wait3A_667 = arith.constant 0 : i32
      %dma_wait3A_668 = tpu.memref_slice %arg10[%dma_wait3A_665, %dma_wait3A_666, %dma_wait3A_667] : memref<8x512x16xf32, #tpu.memory_space<vmem>> -> memref<1x128x16xf32, #tpu.memory_space<vmem>>
      %dma_wait3A_669 = tpu.memref_squeeze %dma_wait3A_668 : memref<1x128x16xf32, #tpu.memory_space<vmem>> -> memref<128x16xf32, #tpu.memory_space<vmem>>
      %dma_wait3A_670 = arith.constant 0 : i32
      %dma_wait3A_671 = tpu.memref_slice %arg6[%dma_wait3A_664, %dma_wait3A_670] : memref<32x128xi32, #tpu.memory_space<vmem>> -> memref<1x128xi32, #tpu.memory_space<vmem>>
      %dma_wait3A_672 = tpu.memref_squeeze %dma_wait3A_671 : memref<1x128xi32, #tpu.memory_space<vmem>> -> memref<128xi32, #tpu.memory_space<vmem>>
      %dma_wait3A_673 = arith.constant 0 : i32
      %dma_wait3A_674 = arith.constant 0 : i32
      %dma_wait3A_675 = tpu.memref_slice %arg3[%dma_wait3A_673, %dma_wait3A_674] : memref<2097152x16xf32, #tpu.memory_space<hbm>> -> memref<2097152x16xf32, #tpu.memory_space<hbm>>
      tpu.wait_indirect_dma semaphore(%arg12 : memref<!tpu.dma_semaphore, #tpu.memory_space<semaphore_mem>>) src(%dma_wait3A_675 : memref<2097152x16xf32, #tpu.memory_space<hbm>>) dst(%dma_wait3A_669 : memref<128x16xf32, #tpu.memory_space<vmem>>)
      %dma_wait3A_676 = arith.constant 23 : i32
      %dma_wait3A_677 = arith.constant 5 : i32
      %dma_wait3A_678 = arith.constant 384 : i32
      %dma_wait3A_679 = arith.constant 0 : i32
      %dma_wait3A_680 = tpu.memref_slice %arg10[%dma_wait3A_677, %dma_wait3A_678, %dma_wait3A_679] : memref<8x512x16xf32, #tpu.memory_space<vmem>> -> memref<1x128x16xf32, #tpu.memory_space<vmem>>
      %dma_wait3A_681 = tpu.memref_squeeze %dma_wait3A_680 : memref<1x128x16xf32, #tpu.memory_space<vmem>> -> memref<128x16xf32, #tpu.memory_space<vmem>>
      %dma_wait3A_682 = arith.constant 0 : i32
      %dma_wait3A_683 = tpu.memref_slice %arg6[%dma_wait3A_676, %dma_wait3A_682] : memref<32x128xi32, #tpu.memory_space<vmem>> -> memref<1x128xi32, #tpu.memory_space<vmem>>
      %dma_wait3A_684 = tpu.memref_squeeze %dma_wait3A_683 : memref<1x128xi32, #tpu.memory_space<vmem>> -> memref<128xi32, #tpu.memory_space<vmem>>
      %dma_wait3A_685 = arith.constant 0 : i32
      %dma_wait3A_686 = arith.constant 0 : i32
      %dma_wait3A_687 = tpu.memref_slice %arg3[%dma_wait3A_685, %dma_wait3A_686] : memref<2097152x16xf32, #tpu.memory_space<hbm>> -> memref<2097152x16xf32, #tpu.memory_space<hbm>>
      tpu.wait_indirect_dma semaphore(%arg12 : memref<!tpu.dma_semaphore, #tpu.memory_space<semaphore_mem>>) src(%dma_wait3A_687 : memref<2097152x16xf32, #tpu.memory_space<hbm>>) dst(%dma_wait3A_681 : memref<128x16xf32, #tpu.memory_space<vmem>>)
      %dma_wait3A_688 = arith.constant 24 : i32
      %dma_wait3A_689 = arith.constant 6 : i32
      %dma_wait3A_690 = arith.constant 0 : i32
      %dma_wait3A_691 = arith.constant 0 : i32
      %dma_wait3A_692 = tpu.memref_slice %arg10[%dma_wait3A_689, %dma_wait3A_690, %dma_wait3A_691] : memref<8x512x16xf32, #tpu.memory_space<vmem>> -> memref<1x128x16xf32, #tpu.memory_space<vmem>>
      %dma_wait3A_693 = tpu.memref_squeeze %dma_wait3A_692 : memref<1x128x16xf32, #tpu.memory_space<vmem>> -> memref<128x16xf32, #tpu.memory_space<vmem>>
      %dma_wait3A_694 = arith.constant 0 : i32
      %dma_wait3A_695 = tpu.memref_slice %arg6[%dma_wait3A_688, %dma_wait3A_694] : memref<32x128xi32, #tpu.memory_space<vmem>> -> memref<1x128xi32, #tpu.memory_space<vmem>>
      %dma_wait3A_696 = tpu.memref_squeeze %dma_wait3A_695 : memref<1x128xi32, #tpu.memory_space<vmem>> -> memref<128xi32, #tpu.memory_space<vmem>>
      %dma_wait3A_697 = arith.constant 0 : i32
      %dma_wait3A_698 = arith.constant 0 : i32
      %dma_wait3A_699 = tpu.memref_slice %arg3[%dma_wait3A_697, %dma_wait3A_698] : memref<2097152x16xf32, #tpu.memory_space<hbm>> -> memref<2097152x16xf32, #tpu.memory_space<hbm>>
      tpu.wait_indirect_dma semaphore(%arg12 : memref<!tpu.dma_semaphore, #tpu.memory_space<semaphore_mem>>) src(%dma_wait3A_699 : memref<2097152x16xf32, #tpu.memory_space<hbm>>) dst(%dma_wait3A_693 : memref<128x16xf32, #tpu.memory_space<vmem>>)
      %dma_wait3A_700 = arith.constant 25 : i32
      %dma_wait3A_701 = arith.constant 6 : i32
      %dma_wait3A_702 = arith.constant 128 : i32
      %dma_wait3A_703 = arith.constant 0 : i32
      %dma_wait3A_704 = tpu.memref_slice %arg10[%dma_wait3A_701, %dma_wait3A_702, %dma_wait3A_703] : memref<8x512x16xf32, #tpu.memory_space<vmem>> -> memref<1x128x16xf32, #tpu.memory_space<vmem>>
      %dma_wait3A_705 = tpu.memref_squeeze %dma_wait3A_704 : memref<1x128x16xf32, #tpu.memory_space<vmem>> -> memref<128x16xf32, #tpu.memory_space<vmem>>
      %dma_wait3A_706 = arith.constant 0 : i32
      %dma_wait3A_707 = tpu.memref_slice %arg6[%dma_wait3A_700, %dma_wait3A_706] : memref<32x128xi32, #tpu.memory_space<vmem>> -> memref<1x128xi32, #tpu.memory_space<vmem>>
      %dma_wait3A_708 = tpu.memref_squeeze %dma_wait3A_707 : memref<1x128xi32, #tpu.memory_space<vmem>> -> memref<128xi32, #tpu.memory_space<vmem>>
      %dma_wait3A_709 = arith.constant 0 : i32
      %dma_wait3A_710 = arith.constant 0 : i32
      %dma_wait3A_711 = tpu.memref_slice %arg3[%dma_wait3A_709, %dma_wait3A_710] : memref<2097152x16xf32, #tpu.memory_space<hbm>> -> memref<2097152x16xf32, #tpu.memory_space<hbm>>
      tpu.wait_indirect_dma semaphore(%arg12 : memref<!tpu.dma_semaphore, #tpu.memory_space<semaphore_mem>>) src(%dma_wait3A_711 : memref<2097152x16xf32, #tpu.memory_space<hbm>>) dst(%dma_wait3A_705 : memref<128x16xf32, #tpu.memory_space<vmem>>)
      %dma_wait3A_712 = arith.constant 26 : i32
      %dma_wait3A_713 = arith.constant 6 : i32
      %dma_wait3A_714 = arith.constant 256 : i32
      %dma_wait3A_715 = arith.constant 0 : i32
      %dma_wait3A_716 = tpu.memref_slice %arg10[%dma_wait3A_713, %dma_wait3A_714, %dma_wait3A_715] : memref<8x512x16xf32, #tpu.memory_space<vmem>> -> memref<1x128x16xf32, #tpu.memory_space<vmem>>
      %dma_wait3A_717 = tpu.memref_squeeze %dma_wait3A_716 : memref<1x128x16xf32, #tpu.memory_space<vmem>> -> memref<128x16xf32, #tpu.memory_space<vmem>>
      %dma_wait3A_718 = arith.constant 0 : i32
      %dma_wait3A_719 = tpu.memref_slice %arg6[%dma_wait3A_712, %dma_wait3A_718] : memref<32x128xi32, #tpu.memory_space<vmem>> -> memref<1x128xi32, #tpu.memory_space<vmem>>
      %dma_wait3A_720 = tpu.memref_squeeze %dma_wait3A_719 : memref<1x128xi32, #tpu.memory_space<vmem>> -> memref<128xi32, #tpu.memory_space<vmem>>
      %dma_wait3A_721 = arith.constant 0 : i32
      %dma_wait3A_722 = arith.constant 0 : i32
      %dma_wait3A_723 = tpu.memref_slice %arg3[%dma_wait3A_721, %dma_wait3A_722] : memref<2097152x16xf32, #tpu.memory_space<hbm>> -> memref<2097152x16xf32, #tpu.memory_space<hbm>>
      tpu.wait_indirect_dma semaphore(%arg12 : memref<!tpu.dma_semaphore, #tpu.memory_space<semaphore_mem>>) src(%dma_wait3A_723 : memref<2097152x16xf32, #tpu.memory_space<hbm>>) dst(%dma_wait3A_717 : memref<128x16xf32, #tpu.memory_space<vmem>>)
      %dma_wait3A_724 = arith.constant 27 : i32
      %dma_wait3A_725 = arith.constant 6 : i32
      %dma_wait3A_726 = arith.constant 384 : i32
      %dma_wait3A_727 = arith.constant 0 : i32
      %dma_wait3A_728 = tpu.memref_slice %arg10[%dma_wait3A_725, %dma_wait3A_726, %dma_wait3A_727] : memref<8x512x16xf32, #tpu.memory_space<vmem>> -> memref<1x128x16xf32, #tpu.memory_space<vmem>>
      %dma_wait3A_729 = tpu.memref_squeeze %dma_wait3A_728 : memref<1x128x16xf32, #tpu.memory_space<vmem>> -> memref<128x16xf32, #tpu.memory_space<vmem>>
      %dma_wait3A_730 = arith.constant 0 : i32
      %dma_wait3A_731 = tpu.memref_slice %arg6[%dma_wait3A_724, %dma_wait3A_730] : memref<32x128xi32, #tpu.memory_space<vmem>> -> memref<1x128xi32, #tpu.memory_space<vmem>>
      %dma_wait3A_732 = tpu.memref_squeeze %dma_wait3A_731 : memref<1x128xi32, #tpu.memory_space<vmem>> -> memref<128xi32, #tpu.memory_space<vmem>>
      %dma_wait3A_733 = arith.constant 0 : i32
      %dma_wait3A_734 = arith.constant 0 : i32
      %dma_wait3A_735 = tpu.memref_slice %arg3[%dma_wait3A_733, %dma_wait3A_734] : memref<2097152x16xf32, #tpu.memory_space<hbm>> -> memref<2097152x16xf32, #tpu.memory_space<hbm>>
      tpu.wait_indirect_dma semaphore(%arg12 : memref<!tpu.dma_semaphore, #tpu.memory_space<semaphore_mem>>) src(%dma_wait3A_735 : memref<2097152x16xf32, #tpu.memory_space<hbm>>) dst(%dma_wait3A_729 : memref<128x16xf32, #tpu.memory_space<vmem>>)
      %dma_wait3A_736 = arith.constant 28 : i32
      %dma_wait3A_737 = arith.constant 7 : i32
      %dma_wait3A_738 = arith.constant 0 : i32
      %dma_wait3A_739 = arith.constant 0 : i32
      %dma_wait3A_740 = tpu.memref_slice %arg10[%dma_wait3A_737, %dma_wait3A_738, %dma_wait3A_739] : memref<8x512x16xf32, #tpu.memory_space<vmem>> -> memref<1x128x16xf32, #tpu.memory_space<vmem>>
      %dma_wait3A_741 = tpu.memref_squeeze %dma_wait3A_740 : memref<1x128x16xf32, #tpu.memory_space<vmem>> -> memref<128x16xf32, #tpu.memory_space<vmem>>
      %dma_wait3A_742 = arith.constant 0 : i32
      %dma_wait3A_743 = tpu.memref_slice %arg6[%dma_wait3A_736, %dma_wait3A_742] : memref<32x128xi32, #tpu.memory_space<vmem>> -> memref<1x128xi32, #tpu.memory_space<vmem>>
      %dma_wait3A_744 = tpu.memref_squeeze %dma_wait3A_743 : memref<1x128xi32, #tpu.memory_space<vmem>> -> memref<128xi32, #tpu.memory_space<vmem>>
      %dma_wait3A_745 = arith.constant 0 : i32
      %dma_wait3A_746 = arith.constant 0 : i32
      %dma_wait3A_747 = tpu.memref_slice %arg3[%dma_wait3A_745, %dma_wait3A_746] : memref<2097152x16xf32, #tpu.memory_space<hbm>> -> memref<2097152x16xf32, #tpu.memory_space<hbm>>
      tpu.wait_indirect_dma semaphore(%arg12 : memref<!tpu.dma_semaphore, #tpu.memory_space<semaphore_mem>>) src(%dma_wait3A_747 : memref<2097152x16xf32, #tpu.memory_space<hbm>>) dst(%dma_wait3A_741 : memref<128x16xf32, #tpu.memory_space<vmem>>)
      %dma_wait3A_748 = arith.constant 29 : i32
      %dma_wait3A_749 = arith.constant 7 : i32
      %dma_wait3A_750 = arith.constant 128 : i32
      %dma_wait3A_751 = arith.constant 0 : i32
      %dma_wait3A_752 = tpu.memref_slice %arg10[%dma_wait3A_749, %dma_wait3A_750, %dma_wait3A_751] : memref<8x512x16xf32, #tpu.memory_space<vmem>> -> memref<1x128x16xf32, #tpu.memory_space<vmem>>
      %dma_wait3A_753 = tpu.memref_squeeze %dma_wait3A_752 : memref<1x128x16xf32, #tpu.memory_space<vmem>> -> memref<128x16xf32, #tpu.memory_space<vmem>>
      %dma_wait3A_754 = arith.constant 0 : i32
      %dma_wait3A_755 = tpu.memref_slice %arg6[%dma_wait3A_748, %dma_wait3A_754] : memref<32x128xi32, #tpu.memory_space<vmem>> -> memref<1x128xi32, #tpu.memory_space<vmem>>
      %dma_wait3A_756 = tpu.memref_squeeze %dma_wait3A_755 : memref<1x128xi32, #tpu.memory_space<vmem>> -> memref<128xi32, #tpu.memory_space<vmem>>
      %dma_wait3A_757 = arith.constant 0 : i32
      %dma_wait3A_758 = arith.constant 0 : i32
      %dma_wait3A_759 = tpu.memref_slice %arg3[%dma_wait3A_757, %dma_wait3A_758] : memref<2097152x16xf32, #tpu.memory_space<hbm>> -> memref<2097152x16xf32, #tpu.memory_space<hbm>>
      tpu.wait_indirect_dma semaphore(%arg12 : memref<!tpu.dma_semaphore, #tpu.memory_space<semaphore_mem>>) src(%dma_wait3A_759 : memref<2097152x16xf32, #tpu.memory_space<hbm>>) dst(%dma_wait3A_753 : memref<128x16xf32, #tpu.memory_space<vmem>>)
      %dma_wait3A_760 = arith.constant 30 : i32
      %dma_wait3A_761 = arith.constant 7 : i32
      %dma_wait3A_762 = arith.constant 256 : i32
      %dma_wait3A_763 = arith.constant 0 : i32
      %dma_wait3A_764 = tpu.memref_slice %arg10[%dma_wait3A_761, %dma_wait3A_762, %dma_wait3A_763] : memref<8x512x16xf32, #tpu.memory_space<vmem>> -> memref<1x128x16xf32, #tpu.memory_space<vmem>>
      %dma_wait3A_765 = tpu.memref_squeeze %dma_wait3A_764 : memref<1x128x16xf32, #tpu.memory_space<vmem>> -> memref<128x16xf32, #tpu.memory_space<vmem>>
      %dma_wait3A_766 = arith.constant 0 : i32
      %dma_wait3A_767 = tpu.memref_slice %arg6[%dma_wait3A_760, %dma_wait3A_766] : memref<32x128xi32, #tpu.memory_space<vmem>> -> memref<1x128xi32, #tpu.memory_space<vmem>>
      %dma_wait3A_768 = tpu.memref_squeeze %dma_wait3A_767 : memref<1x128xi32, #tpu.memory_space<vmem>> -> memref<128xi32, #tpu.memory_space<vmem>>
      %dma_wait3A_769 = arith.constant 0 : i32
      %dma_wait3A_770 = arith.constant 0 : i32
      %dma_wait3A_771 = tpu.memref_slice %arg3[%dma_wait3A_769, %dma_wait3A_770] : memref<2097152x16xf32, #tpu.memory_space<hbm>> -> memref<2097152x16xf32, #tpu.memory_space<hbm>>
      tpu.wait_indirect_dma semaphore(%arg12 : memref<!tpu.dma_semaphore, #tpu.memory_space<semaphore_mem>>) src(%dma_wait3A_771 : memref<2097152x16xf32, #tpu.memory_space<hbm>>) dst(%dma_wait3A_765 : memref<128x16xf32, #tpu.memory_space<vmem>>)
      %dma_wait3A_772 = arith.constant 31 : i32
      %dma_wait3A_773 = arith.constant 7 : i32
      %dma_wait3A_774 = arith.constant 384 : i32
      %dma_wait3A_775 = arith.constant 0 : i32
      %dma_wait3A_776 = tpu.memref_slice %arg10[%dma_wait3A_773, %dma_wait3A_774, %dma_wait3A_775] : memref<8x512x16xf32, #tpu.memory_space<vmem>> -> memref<1x128x16xf32, #tpu.memory_space<vmem>>
      %dma_wait3A_777 = tpu.memref_squeeze %dma_wait3A_776 : memref<1x128x16xf32, #tpu.memory_space<vmem>> -> memref<128x16xf32, #tpu.memory_space<vmem>>
      %dma_wait3A_778 = arith.constant 0 : i32
      %dma_wait3A_779 = tpu.memref_slice %arg6[%dma_wait3A_772, %dma_wait3A_778] : memref<32x128xi32, #tpu.memory_space<vmem>> -> memref<1x128xi32, #tpu.memory_space<vmem>>
      %dma_wait3A_780 = tpu.memref_squeeze %dma_wait3A_779 : memref<1x128xi32, #tpu.memory_space<vmem>> -> memref<128xi32, #tpu.memory_space<vmem>>
      %dma_wait3A_781 = arith.constant 0 : i32
      %dma_wait3A_782 = arith.constant 0 : i32
      %dma_wait3A_783 = tpu.memref_slice %arg3[%dma_wait3A_781, %dma_wait3A_782] : memref<2097152x16xf32, #tpu.memory_space<hbm>> -> memref<2097152x16xf32, #tpu.memory_space<hbm>>
      tpu.wait_indirect_dma semaphore(%arg12 : memref<!tpu.dma_semaphore, #tpu.memory_space<semaphore_mem>>) src(%dma_wait3A_783 : memref<2097152x16xf32, #tpu.memory_space<hbm>>) dst(%dma_wait3A_777 : memref<128x16xf32, #tpu.memory_space<vmem>>)
      %scan3A_784 = arith.constant 0 : i32
      %scan3A_785 = arith.constant 32 : i32
      %scan3A_786 = arith.addi %scan3A_784, %scan3A_785 : i32
      %scan3A_787 = arith.constant 1 : i32
      scf.for %scan3A_789 = %scan3A_784 to %scan3A_786 step %scan3A_787  : i32 {
        %mul3A_790 = arith.constant 16 : i32
        %mul3A_791 = arith.muli %scan3A_789, %mul3A_790 : i32
        %get3A = arith.index_cast %mul3A_791 : i32 to index
        %get3A_792 = tpu.vector_load %arg7[%get3A] {strides = array<i32>} : memref<512xf32, #tpu.memory_space<vmem>>, vector<16xf32>,
        %mul3A_793 = arith.constant 16 : i32
        %mul3A_794 = arith.muli %scan3A_789, %mul3A_793 : i32
        %get3A_795 = arith.index_cast %mul3A_794 : i32 to index
        %get3A_796 = tpu.vector_load %arg8[%get3A_795] {strides = array<i32>} : memref<512xf32, #tpu.memory_space<vmem>>, vector<16xf32>,
        %mul3A_797 = arith.constant 16 : i32
        %mul3A_798 = arith.muli %scan3A_789, %mul3A_797 : i32
        %get3A_799 = arith.index_cast %mul3A_798 : i32 to index
        %get3A_800 = tpu.vector_load %arg9[%get3A_799] {strides = array<i32>} : memref<512xf32, #tpu.memory_space<vmem>>, vector<16xf32>,
        %mul3A_801 = arith.constant 16 : i32
        %mul3A_802 = arith.muli %scan3A_789, %mul3A_801 : i32
        %add3A_803 = arith.constant 0 : i32
        %add3A_804 = arith.addi %mul3A_802, %add3A_803 : i32
        %slice3A = vector.extract_strided_slice %get3A_792 {offsets = [0], sizes = [1], strides = [1]} : vector<16xf32> to vector<1xf32>
        %squeeze3A = vector.extract %slice3A[0] : f32 from vector<1xf32>
        %broadcast_in_dim3A = vector.broadcast %squeeze3A : f32 to vector<16xf32>
        %slice3A_805 = vector.extract_strided_slice %get3A_796 {offsets = [0], sizes = [1], strides = [1]} : vector<16xf32> to vector<1xf32>
        %squeeze3A_806 = vector.extract %slice3A_805[0] : f32 from vector<1xf32>
        %broadcast_in_dim3A_807 = vector.broadcast %squeeze3A_806 : f32 to vector<16xf32>
        %slice3A_808 = vector.extract_strided_slice %get3A_800 {offsets = [0], sizes = [1], strides = [1]} : vector<16xf32> to vector<1xf32>
        %squeeze3A_809 = vector.extract %slice3A_808[0] : f32 from vector<1xf32>
        %broadcast_in_dim3A_810 = vector.broadcast %squeeze3A_809 : f32 to vector<16xf32>
        %get3A_811 = arith.constant 0 : i32
        %get3A_812 = arith.index_cast %get3A_811 : i32 to index
        %get3A_813 = arith.index_cast %add3A_804 : i32 to index
        %get3A_814 = arith.constant 0 : index
        %get3A_815 = tpu.vector_load %arg10[%get3A_812, %get3A_813, %get3A_814] {strides = array<i32>} : memref<8x512x16xf32, #tpu.memory_space<vmem>>, vector<16xf32>,
        %get3A_816 = arith.constant 1 : i32
        %get3A_817 = arith.index_cast %get3A_816 : i32 to index
        %get3A_818 = arith.index_cast %add3A_804 : i32 to index
        %get3A_819 = arith.constant 0 : index
        %get3A_820 = tpu.vector_load %arg10[%get3A_817, %get3A_818, %get3A_819] {strides = array<i32>} : memref<8x512x16xf32, #tpu.memory_space<vmem>>, vector<16xf32>,
        %get3A_821 = arith.constant 2 : i32
        %get3A_822 = arith.index_cast %get3A_821 : i32 to index
        %get3A_823 = arith.index_cast %add3A_804 : i32 to index
        %get3A_824 = arith.constant 0 : index
        %get3A_825 = tpu.vector_load %arg10[%get3A_822, %get3A_823, %get3A_824] {strides = array<i32>} : memref<8x512x16xf32, #tpu.memory_space<vmem>>, vector<16xf32>,
        %get3A_826 = arith.constant 3 : i32
        %get3A_827 = arith.index_cast %get3A_826 : i32 to index
        %get3A_828 = arith.index_cast %add3A_804 : i32 to index
        %get3A_829 = arith.constant 0 : index
        %get3A_830 = tpu.vector_load %arg10[%get3A_827, %get3A_828, %get3A_829] {strides = array<i32>} : memref<8x512x16xf32, #tpu.memory_space<vmem>>, vector<16xf32>,
        %get3A_831 = arith.constant 4 : i32
        %get3A_832 = arith.index_cast %get3A_831 : i32 to index
        %get3A_833 = arith.index_cast %add3A_804 : i32 to index
        %get3A_834 = arith.constant 0 : index
        %get3A_835 = tpu.vector_load %arg10[%get3A_832, %get3A_833, %get3A_834] {strides = array<i32>} : memref<8x512x16xf32, #tpu.memory_space<vmem>>, vector<16xf32>,
        %get3A_836 = arith.constant 5 : i32
        %get3A_837 = arith.index_cast %get3A_836 : i32 to index
        %get3A_838 = arith.index_cast %add3A_804 : i32 to index
        %get3A_839 = arith.constant 0 : index
        %get3A_840 = tpu.vector_load %arg10[%get3A_837, %get3A_838, %get3A_839] {strides = array<i32>} : memref<8x512x16xf32, #tpu.memory_space<vmem>>, vector<16xf32>,
        %get3A_841 = arith.constant 6 : i32
        %get3A_842 = arith.index_cast %get3A_841 : i32 to index
        %get3A_843 = arith.index_cast %add3A_804 : i32 to index
        %get3A_844 = arith.constant 0 : index
        %get3A_845 = tpu.vector_load %arg10[%get3A_842, %get3A_843, %get3A_844] {strides = array<i32>} : memref<8x512x16xf32, #tpu.memory_space<vmem>>, vector<16xf32>,
        %get3A_846 = arith.constant 7 : i32
        %get3A_847 = arith.index_cast %get3A_846 : i32 to index
        %get3A_848 = arith.index_cast %add3A_804 : i32 to index
        %get3A_849 = arith.constant 0 : index
        %get3A_850 = tpu.vector_load %arg10[%get3A_847, %get3A_848, %get3A_849] {strides = array<i32>} : memref<8x512x16xf32, #tpu.memory_space<vmem>>, vector<16xf32>,
        %sub3A = arith.subf %get3A_820, %get3A_815 : vector<16xf32>
        %mul3A_851 = arith.mulf %broadcast_in_dim3A, %sub3A : vector<16xf32>
        %add3A_852 = arith.addf %get3A_815, %mul3A_851 : vector<16xf32>
        %sub3A_853 = arith.subf %get3A_830, %get3A_825 : vector<16xf32>
        %mul3A_854 = arith.mulf %broadcast_in_dim3A, %sub3A_853 : vector<16xf32>
        %add3A_855 = arith.addf %get3A_825, %mul3A_854 : vector<16xf32>
        %sub3A_856 = arith.subf %get3A_840, %get3A_835 : vector<16xf32>
        %mul3A_857 = arith.mulf %broadcast_in_dim3A, %sub3A_856 : vector<16xf32>
        %add3A_858 = arith.addf %get3A_835, %mul3A_857 : vector<16xf32>
        %sub3A_859 = arith.subf %get3A_850, %get3A_845 : vector<16xf32>
        %mul3A_860 = arith.mulf %broadcast_in_dim3A, %sub3A_859 : vector<16xf32>
        %add3A_861 = arith.addf %get3A_845, %mul3A_860 : vector<16xf32>
        %sub3A_862 = arith.subf %add3A_855, %add3A_852 : vector<16xf32>
        %mul3A_863 = arith.mulf %broadcast_in_dim3A_807, %sub3A_862 : vector<16xf32>
        %add3A_864 = arith.addf %add3A_852, %mul3A_863 : vector<16xf32>
        %sub3A_865 = arith.subf %add3A_861, %add3A_858 : vector<16xf32>
        %mul3A_866 = arith.mulf %broadcast_in_dim3A_807, %sub3A_865 : vector<16xf32>
        %add3A_867 = arith.addf %add3A_858, %mul3A_866 : vector<16xf32>
        %sub3A_868 = arith.subf %add3A_867, %add3A_864 : vector<16xf32>
        %mul3A_869 = arith.mulf %broadcast_in_dim3A_810, %sub3A_868 : vector<16xf32>
        %add3A_870 = arith.addf %add3A_864, %mul3A_869 : vector<16xf32>
        %swap3A = arith.index_cast %add3A_804 : i32 to index
        %swap3A_871 = arith.constant 0 : index
        %swap3A_872 = tpu.vector_load %arg11[%swap3A, %swap3A_871] {strides = array<i32>} : memref<512x16xf32, #tpu.memory_space<vmem>>, vector<16xf32>,
        tpu.vector_store %arg11[%swap3A, %swap3A_871], %add3A_870 {strides = array<i32>} : memref<512x16xf32, #tpu.memory_space<vmem>>, vector<16xf32>,
        %mul3A_873 = arith.constant 16 : i32
        %mul3A_874 = arith.muli %scan3A_789, %mul3A_873 : i32
        %add3A_875 = arith.constant 1 : i32
        %add3A_876 = arith.addi %mul3A_874, %add3A_875 : i32
        %slice3A_877 = vector.extract_strided_slice %get3A_792 {offsets = [1], sizes = [1], strides = [1]} : vector<16xf32> to vector<1xf32>
        %squeeze3A_878 = vector.extract %slice3A_877[0] : f32 from vector<1xf32>
        %broadcast_in_dim3A_879 = vector.broadcast %squeeze3A_878 : f32 to vector<16xf32>
        %slice3A_880 = vector.extract_strided_slice %get3A_796 {offsets = [1], sizes = [1], strides = [1]} : vector<16xf32> to vector<1xf32>
        %squeeze3A_881 = vector.extract %slice3A_880[0] : f32 from vector<1xf32>
        %broadcast_in_dim3A_882 = vector.broadcast %squeeze3A_881 : f32 to vector<16xf32>
        %slice3A_883 = vector.extract_strided_slice %get3A_800 {offsets = [1], sizes = [1], strides = [1]} : vector<16xf32> to vector<1xf32>
        %squeeze3A_884 = vector.extract %slice3A_883[0] : f32 from vector<1xf32>
        %broadcast_in_dim3A_885 = vector.broadcast %squeeze3A_884 : f32 to vector<16xf32>
        %get3A_886 = arith.constant 0 : i32
        %get3A_887 = arith.index_cast %get3A_886 : i32 to index
        %get3A_888 = arith.index_cast %add3A_876 : i32 to index
        %get3A_889 = arith.constant 0 : index
        %get3A_890 = tpu.vector_load %arg10[%get3A_887, %get3A_888, %get3A_889] {strides = array<i32>} : memref<8x512x16xf32, #tpu.memory_space<vmem>>, vector<16xf32>,
        %get3A_891 = arith.constant 1 : i32
        %get3A_892 = arith.index_cast %get3A_891 : i32 to index
        %get3A_893 = arith.index_cast %add3A_876 : i32 to index
        %get3A_894 = arith.constant 0 : index
        %get3A_895 = tpu.vector_load %arg10[%get3A_892, %get3A_893, %get3A_894] {strides = array<i32>} : memref<8x512x16xf32, #tpu.memory_space<vmem>>, vector<16xf32>,
        %get3A_896 = arith.constant 2 : i32
        %get3A_897 = arith.index_cast %get3A_896 : i32 to index
        %get3A_898 = arith.index_cast %add3A_876 : i32 to index
        %get3A_899 = arith.constant 0 : index
        %get3A_900 = tpu.vector_load %arg10[%get3A_897, %get3A_898, %get3A_899] {strides = array<i32>} : memref<8x512x16xf32, #tpu.memory_space<vmem>>, vector<16xf32>,
        %get3A_901 = arith.constant 3 : i32
        %get3A_902 = arith.index_cast %get3A_901 : i32 to index
        %get3A_903 = arith.index_cast %add3A_876 : i32 to index
        %get3A_904 = arith.constant 0 : index
        %get3A_905 = tpu.vector_load %arg10[%get3A_902, %get3A_903, %get3A_904] {strides = array<i32>} : memref<8x512x16xf32, #tpu.memory_space<vmem>>, vector<16xf32>,
        %get3A_906 = arith.constant 4 : i32
        %get3A_907 = arith.index_cast %get3A_906 : i32 to index
        %get3A_908 = arith.index_cast %add3A_876 : i32 to index
        %get3A_909 = arith.constant 0 : index
        %get3A_910 = tpu.vector_load %arg10[%get3A_907, %get3A_908, %get3A_909] {strides = array<i32>} : memref<8x512x16xf32, #tpu.memory_space<vmem>>, vector<16xf32>,
        %get3A_911 = arith.constant 5 : i32
        %get3A_912 = arith.index_cast %get3A_911 : i32 to index
        %get3A_913 = arith.index_cast %add3A_876 : i32 to index
        %get3A_914 = arith.constant 0 : index
        %get3A_915 = tpu.vector_load %arg10[%get3A_912, %get3A_913, %get3A_914] {strides = array<i32>} : memref<8x512x16xf32, #tpu.memory_space<vmem>>, vector<16xf32>,
        %get3A_916 = arith.constant 6 : i32
        %get3A_917 = arith.index_cast %get3A_916 : i32 to index
        %get3A_918 = arith.index_cast %add3A_876 : i32 to index
        %get3A_919 = arith.constant 0 : index
        %get3A_920 = tpu.vector_load %arg10[%get3A_917, %get3A_918, %get3A_919] {strides = array<i32>} : memref<8x512x16xf32, #tpu.memory_space<vmem>>, vector<16xf32>,
        %get3A_921 = arith.constant 7 : i32
        %get3A_922 = arith.index_cast %get3A_921 : i32 to index
        %get3A_923 = arith.index_cast %add3A_876 : i32 to index
        %get3A_924 = arith.constant 0 : index
        %get3A_925 = tpu.vector_load %arg10[%get3A_922, %get3A_923, %get3A_924] {strides = array<i32>} : memref<8x512x16xf32, #tpu.memory_space<vmem>>, vector<16xf32>,
        %sub3A_926 = arith.subf %get3A_895, %get3A_890 : vector<16xf32>
        %mul3A_927 = arith.mulf %broadcast_in_dim3A_879, %sub3A_926 : vector<16xf32>
        %add3A_928 = arith.addf %get3A_890, %mul3A_927 : vector<16xf32>
        %sub3A_929 = arith.subf %get3A_905, %get3A_900 : vector<16xf32>
        %mul3A_930 = arith.mulf %broadcast_in_dim3A_879, %sub3A_929 : vector<16xf32>
        %add3A_931 = arith.addf %get3A_900, %mul3A_930 : vector<16xf32>
        %sub3A_932 = arith.subf %get3A_915, %get3A_910 : vector<16xf32>
        %mul3A_933 = arith.mulf %broadcast_in_dim3A_879, %sub3A_932 : vector<16xf32>
        %add3A_934 = arith.addf %get3A_910, %mul3A_933 : vector<16xf32>
        %sub3A_935 = arith.subf %get3A_925, %get3A_920 : vector<16xf32>
        %mul3A_936 = arith.mulf %broadcast_in_dim3A_879, %sub3A_935 : vector<16xf32>
        %add3A_937 = arith.addf %get3A_920, %mul3A_936 : vector<16xf32>
        %sub3A_938 = arith.subf %add3A_931, %add3A_928 : vector<16xf32>
        %mul3A_939 = arith.mulf %broadcast_in_dim3A_882, %sub3A_938 : vector<16xf32>
        %add3A_940 = arith.addf %add3A_928, %mul3A_939 : vector<16xf32>
        %sub3A_941 = arith.subf %add3A_937, %add3A_934 : vector<16xf32>
        %mul3A_942 = arith.mulf %broadcast_in_dim3A_882, %sub3A_941 : vector<16xf32>
        %add3A_943 = arith.addf %add3A_934, %mul3A_942 : vector<16xf32>
        %sub3A_944 = arith.subf %add3A_943, %add3A_940 : vector<16xf32>
        %mul3A_945 = arith.mulf %broadcast_in_dim3A_885, %sub3A_944 : vector<16xf32>
        %add3A_946 = arith.addf %add3A_940, %mul3A_945 : vector<16xf32>
        %swap3A_947 = arith.index_cast %add3A_876 : i32 to index
        %swap3A_948 = arith.constant 0 : index
        %swap3A_949 = tpu.vector_load %arg11[%swap3A_947, %swap3A_948] {strides = array<i32>} : memref<512x16xf32, #tpu.memory_space<vmem>>, vector<16xf32>,
        tpu.vector_store %arg11[%swap3A_947, %swap3A_948], %add3A_946 {strides = array<i32>} : memref<512x16xf32, #tpu.memory_space<vmem>>, vector<16xf32>,
        %mul3A_950 = arith.constant 16 : i32
        %mul3A_951 = arith.muli %scan3A_789, %mul3A_950 : i32
        %add3A_952 = arith.constant 2 : i32
        %add3A_953 = arith.addi %mul3A_951, %add3A_952 : i32
        %slice3A_954 = vector.extract_strided_slice %get3A_792 {offsets = [2], sizes = [1], strides = [1]} : vector<16xf32> to vector<1xf32>
        %squeeze3A_955 = vector.extract %slice3A_954[0] : f32 from vector<1xf32>
        %broadcast_in_dim3A_956 = vector.broadcast %squeeze3A_955 : f32 to vector<16xf32>
        %slice3A_957 = vector.extract_strided_slice %get3A_796 {offsets = [2], sizes = [1], strides = [1]} : vector<16xf32> to vector<1xf32>
        %squeeze3A_958 = vector.extract %slice3A_957[0] : f32 from vector<1xf32>
        %broadcast_in_dim3A_959 = vector.broadcast %squeeze3A_958 : f32 to vector<16xf32>
        %slice3A_960 = vector.extract_strided_slice %get3A_800 {offsets = [2], sizes = [1], strides = [1]} : vector<16xf32> to vector<1xf32>
        %squeeze3A_961 = vector.extract %slice3A_960[0] : f32 from vector<1xf32>
        %broadcast_in_dim3A_962 = vector.broadcast %squeeze3A_961 : f32 to vector<16xf32>
        %get3A_963 = arith.constant 0 : i32
        %get3A_964 = arith.index_cast %get3A_963 : i32 to index
        %get3A_965 = arith.index_cast %add3A_953 : i32 to index
        %get3A_966 = arith.constant 0 : index
        %get3A_967 = tpu.vector_load %arg10[%get3A_964, %get3A_965, %get3A_966] {strides = array<i32>} : memref<8x512x16xf32, #tpu.memory_space<vmem>>, vector<16xf32>,
        %get3A_968 = arith.constant 1 : i32
        %get3A_969 = arith.index_cast %get3A_968 : i32 to index
        %get3A_970 = arith.index_cast %add3A_953 : i32 to index
        %get3A_971 = arith.constant 0 : index
        %get3A_972 = tpu.vector_load %arg10[%get3A_969, %get3A_970, %get3A_971] {strides = array<i32>} : memref<8x512x16xf32, #tpu.memory_space<vmem>>, vector<16xf32>,
        %get3A_973 = arith.constant 2 : i32
        %get3A_974 = arith.index_cast %get3A_973 : i32 to index
        %get3A_975 = arith.index_cast %add3A_953 : i32 to index
        %get3A_976 = arith.constant 0 : index
        %get3A_977 = tpu.vector_load %arg10[%get3A_974, %get3A_975, %get3A_976] {strides = array<i32>} : memref<8x512x16xf32, #tpu.memory_space<vmem>>, vector<16xf32>,
        %get3A_978 = arith.constant 3 : i32
        %get3A_979 = arith.index_cast %get3A_978 : i32 to index
        %get3A_980 = arith.index_cast %add3A_953 : i32 to index
        %get3A_981 = arith.constant 0 : index
        %get3A_982 = tpu.vector_load %arg10[%get3A_979, %get3A_980, %get3A_981] {strides = array<i32>} : memref<8x512x16xf32, #tpu.memory_space<vmem>>, vector<16xf32>,
        %get3A_983 = arith.constant 4 : i32
        %get3A_984 = arith.index_cast %get3A_983 : i32 to index
        %get3A_985 = arith.index_cast %add3A_953 : i32 to index
        %get3A_986 = arith.constant 0 : index
        %get3A_987 = tpu.vector_load %arg10[%get3A_984, %get3A_985, %get3A_986] {strides = array<i32>} : memref<8x512x16xf32, #tpu.memory_space<vmem>>, vector<16xf32>,
        %get3A_988 = arith.constant 5 : i32
        %get3A_989 = arith.index_cast %get3A_988 : i32 to index
        %get3A_990 = arith.index_cast %add3A_953 : i32 to index
        %get3A_991 = arith.constant 0 : index
        %get3A_992 = tpu.vector_load %arg10[%get3A_989, %get3A_990, %get3A_991] {strides = array<i32>} : memref<8x512x16xf32, #tpu.memory_space<vmem>>, vector<16xf32>,
        %get3A_993 = arith.constant 6 : i32
        %get3A_994 = arith.index_cast %get3A_993 : i32 to index
        %get3A_995 = arith.index_cast %add3A_953 : i32 to index
        %get3A_996 = arith.constant 0 : index
        %get3A_997 = tpu.vector_load %arg10[%get3A_994, %get3A_995, %get3A_996] {strides = array<i32>} : memref<8x512x16xf32, #tpu.memory_space<vmem>>, vector<16xf32>,
        %get3A_998 = arith.constant 7 : i32
        %get3A_999 = arith.index_cast %get3A_998 : i32 to index
        %get3A_1000 = arith.index_cast %add3A_953 : i32 to index
        %get3A_1001 = arith.constant 0 : index
        %get3A_1002 = tpu.vector_load %arg10[%get3A_999, %get3A_1000, %get3A_1001] {strides = array<i32>} : memref<8x512x16xf32, #tpu.memory_space<vmem>>, vector<16xf32>,
        %sub3A_1003 = arith.subf %get3A_972, %get3A_967 : vector<16xf32>
        %mul3A_1004 = arith.mulf %broadcast_in_dim3A_956, %sub3A_1003 : vector<16xf32>
        %add3A_1005 = arith.addf %get3A_967, %mul3A_1004 : vector<16xf32>
        %sub3A_1006 = arith.subf %get3A_982, %get3A_977 : vector<16xf32>
        %mul3A_1007 = arith.mulf %broadcast_in_dim3A_956, %sub3A_1006 : vector<16xf32>
        %add3A_1008 = arith.addf %get3A_977, %mul3A_1007 : vector<16xf32>
        %sub3A_1009 = arith.subf %get3A_992, %get3A_987 : vector<16xf32>
        %mul3A_1010 = arith.mulf %broadcast_in_dim3A_956, %sub3A_1009 : vector<16xf32>
        %add3A_1011 = arith.addf %get3A_987, %mul3A_1010 : vector<16xf32>
        %sub3A_1012 = arith.subf %get3A_1002, %get3A_997 : vector<16xf32>
        %mul3A_1013 = arith.mulf %broadcast_in_dim3A_956, %sub3A_1012 : vector<16xf32>
        %add3A_1014 = arith.addf %get3A_997, %mul3A_1013 : vector<16xf32>
        %sub3A_1015 = arith.subf %add3A_1008, %add3A_1005 : vector<16xf32>
        %mul3A_1016 = arith.mulf %broadcast_in_dim3A_959, %sub3A_1015 : vector<16xf32>
        %add3A_1017 = arith.addf %add3A_1005, %mul3A_1016 : vector<16xf32>
        %sub3A_1018 = arith.subf %add3A_1014, %add3A_1011 : vector<16xf32>
        %mul3A_1019 = arith.mulf %broadcast_in_dim3A_959, %sub3A_1018 : vector<16xf32>
        %add3A_1020 = arith.addf %add3A_1011, %mul3A_1019 : vector<16xf32>
        %sub3A_1021 = arith.subf %add3A_1020, %add3A_1017 : vector<16xf32>
        %mul3A_1022 = arith.mulf %broadcast_in_dim3A_962, %sub3A_1021 : vector<16xf32>
        %add3A_1023 = arith.addf %add3A_1017, %mul3A_1022 : vector<16xf32>
        %swap3A_1024 = arith.index_cast %add3A_953 : i32 to index
        %swap3A_1025 = arith.constant 0 : index
        %swap3A_1026 = tpu.vector_load %arg11[%swap3A_1024, %swap3A_1025] {strides = array<i32>} : memref<512x16xf32, #tpu.memory_space<vmem>>, vector<16xf32>,
        tpu.vector_store %arg11[%swap3A_1024, %swap3A_1025], %add3A_1023 {strides = array<i32>} : memref<512x16xf32, #tpu.memory_space<vmem>>, vector<16xf32>,
        %mul3A_1027 = arith.constant 16 : i32
        %mul3A_1028 = arith.muli %scan3A_789, %mul3A_1027 : i32
        %add3A_1029 = arith.constant 3 : i32
        %add3A_1030 = arith.addi %mul3A_1028, %add3A_1029 : i32
        %slice3A_1031 = vector.extract_strided_slice %get3A_792 {offsets = [3], sizes = [1], strides = [1]} : vector<16xf32> to vector<1xf32>
        %squeeze3A_1032 = vector.extract %slice3A_1031[0] : f32 from vector<1xf32>
        %broadcast_in_dim3A_1033 = vector.broadcast %squeeze3A_1032 : f32 to vector<16xf32>
        %slice3A_1034 = vector.extract_strided_slice %get3A_796 {offsets = [3], sizes = [1], strides = [1]} : vector<16xf32> to vector<1xf32>
        %squeeze3A_1035 = vector.extract %slice3A_1034[0] : f32 from vector<1xf32>
        %broadcast_in_dim3A_1036 = vector.broadcast %squeeze3A_1035 : f32 to vector<16xf32>
        %slice3A_1037 = vector.extract_strided_slice %get3A_800 {offsets = [3], sizes = [1], strides = [1]} : vector<16xf32> to vector<1xf32>
        %squeeze3A_1038 = vector.extract %slice3A_1037[0] : f32 from vector<1xf32>
        %broadcast_in_dim3A_1039 = vector.broadcast %squeeze3A_1038 : f32 to vector<16xf32>
        %get3A_1040 = arith.constant 0 : i32
        %get3A_1041 = arith.index_cast %get3A_1040 : i32 to index
        %get3A_1042 = arith.index_cast %add3A_1030 : i32 to index
        %get3A_1043 = arith.constant 0 : index
        %get3A_1044 = tpu.vector_load %arg10[%get3A_1041, %get3A_1042, %get3A_1043] {strides = array<i32>} : memref<8x512x16xf32, #tpu.memory_space<vmem>>, vector<16xf32>,
        %get3A_1045 = arith.constant 1 : i32
        %get3A_1046 = arith.index_cast %get3A_1045 : i32 to index
        %get3A_1047 = arith.index_cast %add3A_1030 : i32 to index
        %get3A_1048 = arith.constant 0 : index
        %get3A_1049 = tpu.vector_load %arg10[%get3A_1046, %get3A_1047, %get3A_1048] {strides = array<i32>} : memref<8x512x16xf32, #tpu.memory_space<vmem>>, vector<16xf32>,
        %get3A_1050 = arith.constant 2 : i32
        %get3A_1051 = arith.index_cast %get3A_1050 : i32 to index
        %get3A_1052 = arith.index_cast %add3A_1030 : i32 to index
        %get3A_1053 = arith.constant 0 : index
        %get3A_1054 = tpu.vector_load %arg10[%get3A_1051, %get3A_1052, %get3A_1053] {strides = array<i32>} : memref<8x512x16xf32, #tpu.memory_space<vmem>>, vector<16xf32>,
        %get3A_1055 = arith.constant 3 : i32
        %get3A_1056 = arith.index_cast %get3A_1055 : i32 to index
        %get3A_1057 = arith.index_cast %add3A_1030 : i32 to index
        %get3A_1058 = arith.constant 0 : index
        %get3A_1059 = tpu.vector_load %arg10[%get3A_1056, %get3A_1057, %get3A_1058] {strides = array<i32>} : memref<8x512x16xf32, #tpu.memory_space<vmem>>, vector<16xf32>,
        %get3A_1060 = arith.constant 4 : i32
        %get3A_1061 = arith.index_cast %get3A_1060 : i32 to index
        %get3A_1062 = arith.index_cast %add3A_1030 : i32 to index
        %get3A_1063 = arith.constant 0 : index
        %get3A_1064 = tpu.vector_load %arg10[%get3A_1061, %get3A_1062, %get3A_1063] {strides = array<i32>} : memref<8x512x16xf32, #tpu.memory_space<vmem>>, vector<16xf32>,
        %get3A_1065 = arith.constant 5 : i32
        %get3A_1066 = arith.index_cast %get3A_1065 : i32 to index
        %get3A_1067 = arith.index_cast %add3A_1030 : i32 to index
        %get3A_1068 = arith.constant 0 : index
        %get3A_1069 = tpu.vector_load %arg10[%get3A_1066, %get3A_1067, %get3A_1068] {strides = array<i32>} : memref<8x512x16xf32, #tpu.memory_space<vmem>>, vector<16xf32>,
        %get3A_1070 = arith.constant 6 : i32
        %get3A_1071 = arith.index_cast %get3A_1070 : i32 to index
        %get3A_1072 = arith.index_cast %add3A_1030 : i32 to index
        %get3A_1073 = arith.constant 0 : index
        %get3A_1074 = tpu.vector_load %arg10[%get3A_1071, %get3A_1072, %get3A_1073] {strides = array<i32>} : memref<8x512x16xf32, #tpu.memory_space<vmem>>, vector<16xf32>,
        %get3A_1075 = arith.constant 7 : i32
        %get3A_1076 = arith.index_cast %get3A_1075 : i32 to index
        %get3A_1077 = arith.index_cast %add3A_1030 : i32 to index
        %get3A_1078 = arith.constant 0 : index
        %get3A_1079 = tpu.vector_load %arg10[%get3A_1076, %get3A_1077, %get3A_1078] {strides = array<i32>} : memref<8x512x16xf32, #tpu.memory_space<vmem>>, vector<16xf32>,
        %sub3A_1080 = arith.subf %get3A_1049, %get3A_1044 : vector<16xf32>
        %mul3A_1081 = arith.mulf %broadcast_in_dim3A_1033, %sub3A_1080 : vector<16xf32>
        %add3A_1082 = arith.addf %get3A_1044, %mul3A_1081 : vector<16xf32>
        %sub3A_1083 = arith.subf %get3A_1059, %get3A_1054 : vector<16xf32>
        %mul3A_1084 = arith.mulf %broadcast_in_dim3A_1033, %sub3A_1083 : vector<16xf32>
        %add3A_1085 = arith.addf %get3A_1054, %mul3A_1084 : vector<16xf32>
        %sub3A_1086 = arith.subf %get3A_1069, %get3A_1064 : vector<16xf32>
        %mul3A_1087 = arith.mulf %broadcast_in_dim3A_1033, %sub3A_1086 : vector<16xf32>
        %add3A_1088 = arith.addf %get3A_1064, %mul3A_1087 : vector<16xf32>
        %sub3A_1089 = arith.subf %get3A_1079, %get3A_1074 : vector<16xf32>
        %mul3A_1090 = arith.mulf %broadcast_in_dim3A_1033, %sub3A_1089 : vector<16xf32>
        %add3A_1091 = arith.addf %get3A_1074, %mul3A_1090 : vector<16xf32>
        %sub3A_1092 = arith.subf %add3A_1085, %add3A_1082 : vector<16xf32>
        %mul3A_1093 = arith.mulf %broadcast_in_dim3A_1036, %sub3A_1092 : vector<16xf32>
        %add3A_1094 = arith.addf %add3A_1082, %mul3A_1093 : vector<16xf32>
        %sub3A_1095 = arith.subf %add3A_1091, %add3A_1088 : vector<16xf32>
        %mul3A_1096 = arith.mulf %broadcast_in_dim3A_1036, %sub3A_1095 : vector<16xf32>
        %add3A_1097 = arith.addf %add3A_1088, %mul3A_1096 : vector<16xf32>
        %sub3A_1098 = arith.subf %add3A_1097, %add3A_1094 : vector<16xf32>
        %mul3A_1099 = arith.mulf %broadcast_in_dim3A_1039, %sub3A_1098 : vector<16xf32>
        %add3A_1100 = arith.addf %add3A_1094, %mul3A_1099 : vector<16xf32>
        %swap3A_1101 = arith.index_cast %add3A_1030 : i32 to index
        %swap3A_1102 = arith.constant 0 : index
        %swap3A_1103 = tpu.vector_load %arg11[%swap3A_1101, %swap3A_1102] {strides = array<i32>} : memref<512x16xf32, #tpu.memory_space<vmem>>, vector<16xf32>,
        tpu.vector_store %arg11[%swap3A_1101, %swap3A_1102], %add3A_1100 {strides = array<i32>} : memref<512x16xf32, #tpu.memory_space<vmem>>, vector<16xf32>,
        %mul3A_1104 = arith.constant 16 : i32
        %mul3A_1105 = arith.muli %scan3A_789, %mul3A_1104 : i32
        %add3A_1106 = arith.constant 4 : i32
        %add3A_1107 = arith.addi %mul3A_1105, %add3A_1106 : i32
        %slice3A_1108 = vector.extract_strided_slice %get3A_792 {offsets = [4], sizes = [1], strides = [1]} : vector<16xf32> to vector<1xf32>
        %squeeze3A_1109 = vector.extract %slice3A_1108[0] : f32 from vector<1xf32>
        %broadcast_in_dim3A_1110 = vector.broadcast %squeeze3A_1109 : f32 to vector<16xf32>
        %slice3A_1111 = vector.extract_strided_slice %get3A_796 {offsets = [4], sizes = [1], strides = [1]} : vector<16xf32> to vector<1xf32>
        %squeeze3A_1112 = vector.extract %slice3A_1111[0] : f32 from vector<1xf32>
        %broadcast_in_dim3A_1113 = vector.broadcast %squeeze3A_1112 : f32 to vector<16xf32>
        %slice3A_1114 = vector.extract_strided_slice %get3A_800 {offsets = [4], sizes = [1], strides = [1]} : vector<16xf32> to vector<1xf32>
        %squeeze3A_1115 = vector.extract %slice3A_1114[0] : f32 from vector<1xf32>
        %broadcast_in_dim3A_1116 = vector.broadcast %squeeze3A_1115 : f32 to vector<16xf32>
        %get3A_1117 = arith.constant 0 : i32
        %get3A_1118 = arith.index_cast %get3A_1117 : i32 to index
        %get3A_1119 = arith.index_cast %add3A_1107 : i32 to index
        %get3A_1120 = arith.constant 0 : index
        %get3A_1121 = tpu.vector_load %arg10[%get3A_1118, %get3A_1119, %get3A_1120] {strides = array<i32>} : memref<8x512x16xf32, #tpu.memory_space<vmem>>, vector<16xf32>,
        %get3A_1122 = arith.constant 1 : i32
        %get3A_1123 = arith.index_cast %get3A_1122 : i32 to index
        %get3A_1124 = arith.index_cast %add3A_1107 : i32 to index
        %get3A_1125 = arith.constant 0 : index
        %get3A_1126 = tpu.vector_load %arg10[%get3A_1123, %get3A_1124, %get3A_1125] {strides = array<i32>} : memref<8x512x16xf32, #tpu.memory_space<vmem>>, vector<16xf32>,
        %get3A_1127 = arith.constant 2 : i32
        %get3A_1128 = arith.index_cast %get3A_1127 : i32 to index
        %get3A_1129 = arith.index_cast %add3A_1107 : i32 to index
        %get3A_1130 = arith.constant 0 : index
        %get3A_1131 = tpu.vector_load %arg10[%get3A_1128, %get3A_1129, %get3A_1130] {strides = array<i32>} : memref<8x512x16xf32, #tpu.memory_space<vmem>>, vector<16xf32>,
        %get3A_1132 = arith.constant 3 : i32
        %get3A_1133 = arith.index_cast %get3A_1132 : i32 to index
        %get3A_1134 = arith.index_cast %add3A_1107 : i32 to index
        %get3A_1135 = arith.constant 0 : index
        %get3A_1136 = tpu.vector_load %arg10[%get3A_1133, %get3A_1134, %get3A_1135] {strides = array<i32>} : memref<8x512x16xf32, #tpu.memory_space<vmem>>, vector<16xf32>,
        %get3A_1137 = arith.constant 4 : i32
        %get3A_1138 = arith.index_cast %get3A_1137 : i32 to index
        %get3A_1139 = arith.index_cast %add3A_1107 : i32 to index
        %get3A_1140 = arith.constant 0 : index
        %get3A_1141 = tpu.vector_load %arg10[%get3A_1138, %get3A_1139, %get3A_1140] {strides = array<i32>} : memref<8x512x16xf32, #tpu.memory_space<vmem>>, vector<16xf32>,
        %get3A_1142 = arith.constant 5 : i32
        %get3A_1143 = arith.index_cast %get3A_1142 : i32 to index
        %get3A_1144 = arith.index_cast %add3A_1107 : i32 to index
        %get3A_1145 = arith.constant 0 : index
        %get3A_1146 = tpu.vector_load %arg10[%get3A_1143, %get3A_1144, %get3A_1145] {strides = array<i32>} : memref<8x512x16xf32, #tpu.memory_space<vmem>>, vector<16xf32>,
        %get3A_1147 = arith.constant 6 : i32
        %get3A_1148 = arith.index_cast %get3A_1147 : i32 to index
        %get3A_1149 = arith.index_cast %add3A_1107 : i32 to index
        %get3A_1150 = arith.constant 0 : index
        %get3A_1151 = tpu.vector_load %arg10[%get3A_1148, %get3A_1149, %get3A_1150] {strides = array<i32>} : memref<8x512x16xf32, #tpu.memory_space<vmem>>, vector<16xf32>,
        %get3A_1152 = arith.constant 7 : i32
        %get3A_1153 = arith.index_cast %get3A_1152 : i32 to index
        %get3A_1154 = arith.index_cast %add3A_1107 : i32 to index
        %get3A_1155 = arith.constant 0 : index
        %get3A_1156 = tpu.vector_load %arg10[%get3A_1153, %get3A_1154, %get3A_1155] {strides = array<i32>} : memref<8x512x16xf32, #tpu.memory_space<vmem>>, vector<16xf32>,
        %sub3A_1157 = arith.subf %get3A_1126, %get3A_1121 : vector<16xf32>
        %mul3A_1158 = arith.mulf %broadcast_in_dim3A_1110, %sub3A_1157 : vector<16xf32>
        %add3A_1159 = arith.addf %get3A_1121, %mul3A_1158 : vector<16xf32>
        %sub3A_1160 = arith.subf %get3A_1136, %get3A_1131 : vector<16xf32>
        %mul3A_1161 = arith.mulf %broadcast_in_dim3A_1110, %sub3A_1160 : vector<16xf32>
        %add3A_1162 = arith.addf %get3A_1131, %mul3A_1161 : vector<16xf32>
        %sub3A_1163 = arith.subf %get3A_1146, %get3A_1141 : vector<16xf32>
        %mul3A_1164 = arith.mulf %broadcast_in_dim3A_1110, %sub3A_1163 : vector<16xf32>
        %add3A_1165 = arith.addf %get3A_1141, %mul3A_1164 : vector<16xf32>
        %sub3A_1166 = arith.subf %get3A_1156, %get3A_1151 : vector<16xf32>
        %mul3A_1167 = arith.mulf %broadcast_in_dim3A_1110, %sub3A_1166 : vector<16xf32>
        %add3A_1168 = arith.addf %get3A_1151, %mul3A_1167 : vector<16xf32>
        %sub3A_1169 = arith.subf %add3A_1162, %add3A_1159 : vector<16xf32>
        %mul3A_1170 = arith.mulf %broadcast_in_dim3A_1113, %sub3A_1169 : vector<16xf32>
        %add3A_1171 = arith.addf %add3A_1159, %mul3A_1170 : vector<16xf32>
        %sub3A_1172 = arith.subf %add3A_1168, %add3A_1165 : vector<16xf32>
        %mul3A_1173 = arith.mulf %broadcast_in_dim3A_1113, %sub3A_1172 : vector<16xf32>
        %add3A_1174 = arith.addf %add3A_1165, %mul3A_1173 : vector<16xf32>
        %sub3A_1175 = arith.subf %add3A_1174, %add3A_1171 : vector<16xf32>
        %mul3A_1176 = arith.mulf %broadcast_in_dim3A_1116, %sub3A_1175 : vector<16xf32>
        %add3A_1177 = arith.addf %add3A_1171, %mul3A_1176 : vector<16xf32>
        %swap3A_1178 = arith.index_cast %add3A_1107 : i32 to index
        %swap3A_1179 = arith.constant 0 : index
        %swap3A_1180 = tpu.vector_load %arg11[%swap3A_1178, %swap3A_1179] {strides = array<i32>} : memref<512x16xf32, #tpu.memory_space<vmem>>, vector<16xf32>,
        tpu.vector_store %arg11[%swap3A_1178, %swap3A_1179], %add3A_1177 {strides = array<i32>} : memref<512x16xf32, #tpu.memory_space<vmem>>, vector<16xf32>,
        %mul3A_1181 = arith.constant 16 : i32
        %mul3A_1182 = arith.muli %scan3A_789, %mul3A_1181 : i32
        %add3A_1183 = arith.constant 5 : i32
        %add3A_1184 = arith.addi %mul3A_1182, %add3A_1183 : i32
        %slice3A_1185 = vector.extract_strided_slice %get3A_792 {offsets = [5], sizes = [1], strides = [1]} : vector<16xf32> to vector<1xf32>
        %squeeze3A_1186 = vector.extract %slice3A_1185[0] : f32 from vector<1xf32>
        %broadcast_in_dim3A_1187 = vector.broadcast %squeeze3A_1186 : f32 to vector<16xf32>
        %slice3A_1188 = vector.extract_strided_slice %get3A_796 {offsets = [5], sizes = [1], strides = [1]} : vector<16xf32> to vector<1xf32>
        %squeeze3A_1189 = vector.extract %slice3A_1188[0] : f32 from vector<1xf32>
        %broadcast_in_dim3A_1190 = vector.broadcast %squeeze3A_1189 : f32 to vector<16xf32>
        %slice3A_1191 = vector.extract_strided_slice %get3A_800 {offsets = [5], sizes = [1], strides = [1]} : vector<16xf32> to vector<1xf32>
        %squeeze3A_1192 = vector.extract %slice3A_1191[0] : f32 from vector<1xf32>
        %broadcast_in_dim3A_1193 = vector.broadcast %squeeze3A_1192 : f32 to vector<16xf32>
        %get3A_1194 = arith.constant 0 : i32
        %get3A_1195 = arith.index_cast %get3A_1194 : i32 to index
        %get3A_1196 = arith.index_cast %add3A_1184 : i32 to index
        %get3A_1197 = arith.constant 0 : index
        %get3A_1198 = tpu.vector_load %arg10[%get3A_1195, %get3A_1196, %get3A_1197] {strides = array<i32>} : memref<8x512x16xf32, #tpu.memory_space<vmem>>, vector<16xf32>,
        %get3A_1199 = arith.constant 1 : i32
        %get3A_1200 = arith.index_cast %get3A_1199 : i32 to index
        %get3A_1201 = arith.index_cast %add3A_1184 : i32 to index
        %get3A_1202 = arith.constant 0 : index
        %get3A_1203 = tpu.vector_load %arg10[%get3A_1200, %get3A_1201, %get3A_1202] {strides = array<i32>} : memref<8x512x16xf32, #tpu.memory_space<vmem>>, vector<16xf32>,
        %get3A_1204 = arith.constant 2 : i32
        %get3A_1205 = arith.index_cast %get3A_1204 : i32 to index
        %get3A_1206 = arith.index_cast %add3A_1184 : i32 to index
        %get3A_1207 = arith.constant 0 : index
        %get3A_1208 = tpu.vector_load %arg10[%get3A_1205, %get3A_1206, %get3A_1207] {strides = array<i32>} : memref<8x512x16xf32, #tpu.memory_space<vmem>>, vector<16xf32>,
        %get3A_1209 = arith.constant 3 : i32
        %get3A_1210 = arith.index_cast %get3A_1209 : i32 to index
        %get3A_1211 = arith.index_cast %add3A_1184 : i32 to index
        %get3A_1212 = arith.constant 0 : index
        %get3A_1213 = tpu.vector_load %arg10[%get3A_1210, %get3A_1211, %get3A_1212] {strides = array<i32>} : memref<8x512x16xf32, #tpu.memory_space<vmem>>, vector<16xf32>,
        %get3A_1214 = arith.constant 4 : i32
        %get3A_1215 = arith.index_cast %get3A_1214 : i32 to index
        %get3A_1216 = arith.index_cast %add3A_1184 : i32 to index
        %get3A_1217 = arith.constant 0 : index
        %get3A_1218 = tpu.vector_load %arg10[%get3A_1215, %get3A_1216, %get3A_1217] {strides = array<i32>} : memref<8x512x16xf32, #tpu.memory_space<vmem>>, vector<16xf32>,
        %get3A_1219 = arith.constant 5 : i32
        %get3A_1220 = arith.index_cast %get3A_1219 : i32 to index
        %get3A_1221 = arith.index_cast %add3A_1184 : i32 to index
        %get3A_1222 = arith.constant 0 : index
        %get3A_1223 = tpu.vector_load %arg10[%get3A_1220, %get3A_1221, %get3A_1222] {strides = array<i32>} : memref<8x512x16xf32, #tpu.memory_space<vmem>>, vector<16xf32>,
        %get3A_1224 = arith.constant 6 : i32
        %get3A_1225 = arith.index_cast %get3A_1224 : i32 to index
        %get3A_1226 = arith.index_cast %add3A_1184 : i32 to index
        %get3A_1227 = arith.constant 0 : index
        %get3A_1228 = tpu.vector_load %arg10[%get3A_1225, %get3A_1226, %get3A_1227] {strides = array<i32>} : memref<8x512x16xf32, #tpu.memory_space<vmem>>, vector<16xf32>,
        %get3A_1229 = arith.constant 7 : i32
        %get3A_1230 = arith.index_cast %get3A_1229 : i32 to index
        %get3A_1231 = arith.index_cast %add3A_1184 : i32 to index
        %get3A_1232 = arith.constant 0 : index
        %get3A_1233 = tpu.vector_load %arg10[%get3A_1230, %get3A_1231, %get3A_1232] {strides = array<i32>} : memref<8x512x16xf32, #tpu.memory_space<vmem>>, vector<16xf32>,
        %sub3A_1234 = arith.subf %get3A_1203, %get3A_1198 : vector<16xf32>
        %mul3A_1235 = arith.mulf %broadcast_in_dim3A_1187, %sub3A_1234 : vector<16xf32>
        %add3A_1236 = arith.addf %get3A_1198, %mul3A_1235 : vector<16xf32>
        %sub3A_1237 = arith.subf %get3A_1213, %get3A_1208 : vector<16xf32>
        %mul3A_1238 = arith.mulf %broadcast_in_dim3A_1187, %sub3A_1237 : vector<16xf32>
        %add3A_1239 = arith.addf %get3A_1208, %mul3A_1238 : vector<16xf32>
        %sub3A_1240 = arith.subf %get3A_1223, %get3A_1218 : vector<16xf32>
        %mul3A_1241 = arith.mulf %broadcast_in_dim3A_1187, %sub3A_1240 : vector<16xf32>
        %add3A_1242 = arith.addf %get3A_1218, %mul3A_1241 : vector<16xf32>
        %sub3A_1243 = arith.subf %get3A_1233, %get3A_1228 : vector<16xf32>
        %mul3A_1244 = arith.mulf %broadcast_in_dim3A_1187, %sub3A_1243 : vector<16xf32>
        %add3A_1245 = arith.addf %get3A_1228, %mul3A_1244 : vector<16xf32>
        %sub3A_1246 = arith.subf %add3A_1239, %add3A_1236 : vector<16xf32>
        %mul3A_1247 = arith.mulf %broadcast_in_dim3A_1190, %sub3A_1246 : vector<16xf32>
        %add3A_1248 = arith.addf %add3A_1236, %mul3A_1247 : vector<16xf32>
        %sub3A_1249 = arith.subf %add3A_1245, %add3A_1242 : vector<16xf32>
        %mul3A_1250 = arith.mulf %broadcast_in_dim3A_1190, %sub3A_1249 : vector<16xf32>
        %add3A_1251 = arith.addf %add3A_1242, %mul3A_1250 : vector<16xf32>
        %sub3A_1252 = arith.subf %add3A_1251, %add3A_1248 : vector<16xf32>
        %mul3A_1253 = arith.mulf %broadcast_in_dim3A_1193, %sub3A_1252 : vector<16xf32>
        %add3A_1254 = arith.addf %add3A_1248, %mul3A_1253 : vector<16xf32>
        %swap3A_1255 = arith.index_cast %add3A_1184 : i32 to index
        %swap3A_1256 = arith.constant 0 : index
        %swap3A_1257 = tpu.vector_load %arg11[%swap3A_1255, %swap3A_1256] {strides = array<i32>} : memref<512x16xf32, #tpu.memory_space<vmem>>, vector<16xf32>,
        tpu.vector_store %arg11[%swap3A_1255, %swap3A_1256], %add3A_1254 {strides = array<i32>} : memref<512x16xf32, #tpu.memory_space<vmem>>, vector<16xf32>,
        %mul3A_1258 = arith.constant 16 : i32
        %mul3A_1259 = arith.muli %scan3A_789, %mul3A_1258 : i32
        %add3A_1260 = arith.constant 6 : i32
        %add3A_1261 = arith.addi %mul3A_1259, %add3A_1260 : i32
        %slice3A_1262 = vector.extract_strided_slice %get3A_792 {offsets = [6], sizes = [1], strides = [1]} : vector<16xf32> to vector<1xf32>
        %squeeze3A_1263 = vector.extract %slice3A_1262[0] : f32 from vector<1xf32>
        %broadcast_in_dim3A_1264 = vector.broadcast %squeeze3A_1263 : f32 to vector<16xf32>
        %slice3A_1265 = vector.extract_strided_slice %get3A_796 {offsets = [6], sizes = [1], strides = [1]} : vector<16xf32> to vector<1xf32>
        %squeeze3A_1266 = vector.extract %slice3A_1265[0] : f32 from vector<1xf32>
        %broadcast_in_dim3A_1267 = vector.broadcast %squeeze3A_1266 : f32 to vector<16xf32>
        %slice3A_1268 = vector.extract_strided_slice %get3A_800 {offsets = [6], sizes = [1], strides = [1]} : vector<16xf32> to vector<1xf32>
        %squeeze3A_1269 = vector.extract %slice3A_1268[0] : f32 from vector<1xf32>
        %broadcast_in_dim3A_1270 = vector.broadcast %squeeze3A_1269 : f32 to vector<16xf32>
        %get3A_1271 = arith.constant 0 : i32
        %get3A_1272 = arith.index_cast %get3A_1271 : i32 to index
        %get3A_1273 = arith.index_cast %add3A_1261 : i32 to index
        %get3A_1274 = arith.constant 0 : index
        %get3A_1275 = tpu.vector_load %arg10[%get3A_1272, %get3A_1273, %get3A_1274] {strides = array<i32>} : memref<8x512x16xf32, #tpu.memory_space<vmem>>, vector<16xf32>,
        %get3A_1276 = arith.constant 1 : i32
        %get3A_1277 = arith.index_cast %get3A_1276 : i32 to index
        %get3A_1278 = arith.index_cast %add3A_1261 : i32 to index
        %get3A_1279 = arith.constant 0 : index
        %get3A_1280 = tpu.vector_load %arg10[%get3A_1277, %get3A_1278, %get3A_1279] {strides = array<i32>} : memref<8x512x16xf32, #tpu.memory_space<vmem>>, vector<16xf32>,
        %get3A_1281 = arith.constant 2 : i32
        %get3A_1282 = arith.index_cast %get3A_1281 : i32 to index
        %get3A_1283 = arith.index_cast %add3A_1261 : i32 to index
        %get3A_1284 = arith.constant 0 : index
        %get3A_1285 = tpu.vector_load %arg10[%get3A_1282, %get3A_1283, %get3A_1284] {strides = array<i32>} : memref<8x512x16xf32, #tpu.memory_space<vmem>>, vector<16xf32>,
        %get3A_1286 = arith.constant 3 : i32
        %get3A_1287 = arith.index_cast %get3A_1286 : i32 to index
        %get3A_1288 = arith.index_cast %add3A_1261 : i32 to index
        %get3A_1289 = arith.constant 0 : index
        %get3A_1290 = tpu.vector_load %arg10[%get3A_1287, %get3A_1288, %get3A_1289] {strides = array<i32>} : memref<8x512x16xf32, #tpu.memory_space<vmem>>, vector<16xf32>,
        %get3A_1291 = arith.constant 4 : i32
        %get3A_1292 = arith.index_cast %get3A_1291 : i32 to index
        %get3A_1293 = arith.index_cast %add3A_1261 : i32 to index
        %get3A_1294 = arith.constant 0 : index
        %get3A_1295 = tpu.vector_load %arg10[%get3A_1292, %get3A_1293, %get3A_1294] {strides = array<i32>} : memref<8x512x16xf32, #tpu.memory_space<vmem>>, vector<16xf32>,
        %get3A_1296 = arith.constant 5 : i32
        %get3A_1297 = arith.index_cast %get3A_1296 : i32 to index
        %get3A_1298 = arith.index_cast %add3A_1261 : i32 to index
        %get3A_1299 = arith.constant 0 : index
        %get3A_1300 = tpu.vector_load %arg10[%get3A_1297, %get3A_1298, %get3A_1299] {strides = array<i32>} : memref<8x512x16xf32, #tpu.memory_space<vmem>>, vector<16xf32>,
        %get3A_1301 = arith.constant 6 : i32
        %get3A_1302 = arith.index_cast %get3A_1301 : i32 to index
        %get3A_1303 = arith.index_cast %add3A_1261 : i32 to index
        %get3A_1304 = arith.constant 0 : index
        %get3A_1305 = tpu.vector_load %arg10[%get3A_1302, %get3A_1303, %get3A_1304] {strides = array<i32>} : memref<8x512x16xf32, #tpu.memory_space<vmem>>, vector<16xf32>,
        %get3A_1306 = arith.constant 7 : i32
        %get3A_1307 = arith.index_cast %get3A_1306 : i32 to index
        %get3A_1308 = arith.index_cast %add3A_1261 : i32 to index
        %get3A_1309 = arith.constant 0 : index
        %get3A_1310 = tpu.vector_load %arg10[%get3A_1307, %get3A_1308, %get3A_1309] {strides = array<i32>} : memref<8x512x16xf32, #tpu.memory_space<vmem>>, vector<16xf32>,
        %sub3A_1311 = arith.subf %get3A_1280, %get3A_1275 : vector<16xf32>
        %mul3A_1312 = arith.mulf %broadcast_in_dim3A_1264, %sub3A_1311 : vector<16xf32>
        %add3A_1313 = arith.addf %get3A_1275, %mul3A_1312 : vector<16xf32>
        %sub3A_1314 = arith.subf %get3A_1290, %get3A_1285 : vector<16xf32>
        %mul3A_1315 = arith.mulf %broadcast_in_dim3A_1264, %sub3A_1314 : vector<16xf32>
        %add3A_1316 = arith.addf %get3A_1285, %mul3A_1315 : vector<16xf32>
        %sub3A_1317 = arith.subf %get3A_1300, %get3A_1295 : vector<16xf32>
        %mul3A_1318 = arith.mulf %broadcast_in_dim3A_1264, %sub3A_1317 : vector<16xf32>
        %add3A_1319 = arith.addf %get3A_1295, %mul3A_1318 : vector<16xf32>
        %sub3A_1320 = arith.subf %get3A_1310, %get3A_1305 : vector<16xf32>
        %mul3A_1321 = arith.mulf %broadcast_in_dim3A_1264, %sub3A_1320 : vector<16xf32>
        %add3A_1322 = arith.addf %get3A_1305, %mul3A_1321 : vector<16xf32>
        %sub3A_1323 = arith.subf %add3A_1316, %add3A_1313 : vector<16xf32>
        %mul3A_1324 = arith.mulf %broadcast_in_dim3A_1267, %sub3A_1323 : vector<16xf32>
        %add3A_1325 = arith.addf %add3A_1313, %mul3A_1324 : vector<16xf32>
        %sub3A_1326 = arith.subf %add3A_1322, %add3A_1319 : vector<16xf32>
        %mul3A_1327 = arith.mulf %broadcast_in_dim3A_1267, %sub3A_1326 : vector<16xf32>
        %add3A_1328 = arith.addf %add3A_1319, %mul3A_1327 : vector<16xf32>
        %sub3A_1329 = arith.subf %add3A_1328, %add3A_1325 : vector<16xf32>
        %mul3A_1330 = arith.mulf %broadcast_in_dim3A_1270, %sub3A_1329 : vector<16xf32>
        %add3A_1331 = arith.addf %add3A_1325, %mul3A_1330 : vector<16xf32>
        %swap3A_1332 = arith.index_cast %add3A_1261 : i32 to index
        %swap3A_1333 = arith.constant 0 : index
        %swap3A_1334 = tpu.vector_load %arg11[%swap3A_1332, %swap3A_1333] {strides = array<i32>} : memref<512x16xf32, #tpu.memory_space<vmem>>, vector<16xf32>,
        tpu.vector_store %arg11[%swap3A_1332, %swap3A_1333], %add3A_1331 {strides = array<i32>} : memref<512x16xf32, #tpu.memory_space<vmem>>, vector<16xf32>,
        %mul3A_1335 = arith.constant 16 : i32
        %mul3A_1336 = arith.muli %scan3A_789, %mul3A_1335 : i32
        %add3A_1337 = arith.constant 7 : i32
        %add3A_1338 = arith.addi %mul3A_1336, %add3A_1337 : i32
        %slice3A_1339 = vector.extract_strided_slice %get3A_792 {offsets = [7], sizes = [1], strides = [1]} : vector<16xf32> to vector<1xf32>
        %squeeze3A_1340 = vector.extract %slice3A_1339[0] : f32 from vector<1xf32>
        %broadcast_in_dim3A_1341 = vector.broadcast %squeeze3A_1340 : f32 to vector<16xf32>
        %slice3A_1342 = vector.extract_strided_slice %get3A_796 {offsets = [7], sizes = [1], strides = [1]} : vector<16xf32> to vector<1xf32>
        %squeeze3A_1343 = vector.extract %slice3A_1342[0] : f32 from vector<1xf32>
        %broadcast_in_dim3A_1344 = vector.broadcast %squeeze3A_1343 : f32 to vector<16xf32>
        %slice3A_1345 = vector.extract_strided_slice %get3A_800 {offsets = [7], sizes = [1], strides = [1]} : vector<16xf32> to vector<1xf32>
        %squeeze3A_1346 = vector.extract %slice3A_1345[0] : f32 from vector<1xf32>
        %broadcast_in_dim3A_1347 = vector.broadcast %squeeze3A_1346 : f32 to vector<16xf32>
        %get3A_1348 = arith.constant 0 : i32
        %get3A_1349 = arith.index_cast %get3A_1348 : i32 to index
        %get3A_1350 = arith.index_cast %add3A_1338 : i32 to index
        %get3A_1351 = arith.constant 0 : index
        %get3A_1352 = tpu.vector_load %arg10[%get3A_1349, %get3A_1350, %get3A_1351] {strides = array<i32>} : memref<8x512x16xf32, #tpu.memory_space<vmem>>, vector<16xf32>,
        %get3A_1353 = arith.constant 1 : i32
        %get3A_1354 = arith.index_cast %get3A_1353 : i32 to index
        %get3A_1355 = arith.index_cast %add3A_1338 : i32 to index
        %get3A_1356 = arith.constant 0 : index
        %get3A_1357 = tpu.vector_load %arg10[%get3A_1354, %get3A_1355, %get3A_1356] {strides = array<i32>} : memref<8x512x16xf32, #tpu.memory_space<vmem>>, vector<16xf32>,
        %get3A_1358 = arith.constant 2 : i32
        %get3A_1359 = arith.index_cast %get3A_1358 : i32 to index
        %get3A_1360 = arith.index_cast %add3A_1338 : i32 to index
        %get3A_1361 = arith.constant 0 : index
        %get3A_1362 = tpu.vector_load %arg10[%get3A_1359, %get3A_1360, %get3A_1361] {strides = array<i32>} : memref<8x512x16xf32, #tpu.memory_space<vmem>>, vector<16xf32>,
        %get3A_1363 = arith.constant 3 : i32
        %get3A_1364 = arith.index_cast %get3A_1363 : i32 to index
        %get3A_1365 = arith.index_cast %add3A_1338 : i32 to index
        %get3A_1366 = arith.constant 0 : index
        %get3A_1367 = tpu.vector_load %arg10[%get3A_1364, %get3A_1365, %get3A_1366] {strides = array<i32>} : memref<8x512x16xf32, #tpu.memory_space<vmem>>, vector<16xf32>,
        %get3A_1368 = arith.constant 4 : i32
        %get3A_1369 = arith.index_cast %get3A_1368 : i32 to index
        %get3A_1370 = arith.index_cast %add3A_1338 : i32 to index
        %get3A_1371 = arith.constant 0 : index
        %get3A_1372 = tpu.vector_load %arg10[%get3A_1369, %get3A_1370, %get3A_1371] {strides = array<i32>} : memref<8x512x16xf32, #tpu.memory_space<vmem>>, vector<16xf32>,
        %get3A_1373 = arith.constant 5 : i32
        %get3A_1374 = arith.index_cast %get3A_1373 : i32 to index
        %get3A_1375 = arith.index_cast %add3A_1338 : i32 to index
        %get3A_1376 = arith.constant 0 : index
        %get3A_1377 = tpu.vector_load %arg10[%get3A_1374, %get3A_1375, %get3A_1376] {strides = array<i32>} : memref<8x512x16xf32, #tpu.memory_space<vmem>>, vector<16xf32>,
        %get3A_1378 = arith.constant 6 : i32
        %get3A_1379 = arith.index_cast %get3A_1378 : i32 to index
        %get3A_1380 = arith.index_cast %add3A_1338 : i32 to index
        %get3A_1381 = arith.constant 0 : index
        %get3A_1382 = tpu.vector_load %arg10[%get3A_1379, %get3A_1380, %get3A_1381] {strides = array<i32>} : memref<8x512x16xf32, #tpu.memory_space<vmem>>, vector<16xf32>,
        %get3A_1383 = arith.constant 7 : i32
        %get3A_1384 = arith.index_cast %get3A_1383 : i32 to index
        %get3A_1385 = arith.index_cast %add3A_1338 : i32 to index
        %get3A_1386 = arith.constant 0 : index
        %get3A_1387 = tpu.vector_load %arg10[%get3A_1384, %get3A_1385, %get3A_1386] {strides = array<i32>} : memref<8x512x16xf32, #tpu.memory_space<vmem>>, vector<16xf32>,
        %sub3A_1388 = arith.subf %get3A_1357, %get3A_1352 : vector<16xf32>
        %mul3A_1389 = arith.mulf %broadcast_in_dim3A_1341, %sub3A_1388 : vector<16xf32>
        %add3A_1390 = arith.addf %get3A_1352, %mul3A_1389 : vector<16xf32>
        %sub3A_1391 = arith.subf %get3A_1367, %get3A_1362 : vector<16xf32>
        %mul3A_1392 = arith.mulf %broadcast_in_dim3A_1341, %sub3A_1391 : vector<16xf32>
        %add3A_1393 = arith.addf %get3A_1362, %mul3A_1392 : vector<16xf32>
        %sub3A_1394 = arith.subf %get3A_1377, %get3A_1372 : vector<16xf32>
        %mul3A_1395 = arith.mulf %broadcast_in_dim3A_1341, %sub3A_1394 : vector<16xf32>
        %add3A_1396 = arith.addf %get3A_1372, %mul3A_1395 : vector<16xf32>
        %sub3A_1397 = arith.subf %get3A_1387, %get3A_1382 : vector<16xf32>
        %mul3A_1398 = arith.mulf %broadcast_in_dim3A_1341, %sub3A_1397 : vector<16xf32>
        %add3A_1399 = arith.addf %get3A_1382, %mul3A_1398 : vector<16xf32>
        %sub3A_1400 = arith.subf %add3A_1393, %add3A_1390 : vector<16xf32>
        %mul3A_1401 = arith.mulf %broadcast_in_dim3A_1344, %sub3A_1400 : vector<16xf32>
        %add3A_1402 = arith.addf %add3A_1390, %mul3A_1401 : vector<16xf32>
        %sub3A_1403 = arith.subf %add3A_1399, %add3A_1396 : vector<16xf32>
        %mul3A_1404 = arith.mulf %broadcast_in_dim3A_1344, %sub3A_1403 : vector<16xf32>
        %add3A_1405 = arith.addf %add3A_1396, %mul3A_1404 : vector<16xf32>
        %sub3A_1406 = arith.subf %add3A_1405, %add3A_1402 : vector<16xf32>
        %mul3A_1407 = arith.mulf %broadcast_in_dim3A_1347, %sub3A_1406 : vector<16xf32>
        %add3A_1408 = arith.addf %add3A_1402, %mul3A_1407 : vector<16xf32>
        %swap3A_1409 = arith.index_cast %add3A_1338 : i32 to index
        %swap3A_1410 = arith.constant 0 : index
        %swap3A_1411 = tpu.vector_load %arg11[%swap3A_1409, %swap3A_1410] {strides = array<i32>} : memref<512x16xf32, #tpu.memory_space<vmem>>, vector<16xf32>,
        tpu.vector_store %arg11[%swap3A_1409, %swap3A_1410], %add3A_1408 {strides = array<i32>} : memref<512x16xf32, #tpu.memory_space<vmem>>, vector<16xf32>,
        %mul3A_1412 = arith.constant 16 : i32
        %mul3A_1413 = arith.muli %scan3A_789, %mul3A_1412 : i32
        %add3A_1414 = arith.constant 8 : i32
        %add3A_1415 = arith.addi %mul3A_1413, %add3A_1414 : i32
        %slice3A_1416 = vector.extract_strided_slice %get3A_792 {offsets = [8], sizes = [1], strides = [1]} : vector<16xf32> to vector<1xf32>
        %squeeze3A_1417 = vector.extract %slice3A_1416[0] : f32 from vector<1xf32>
        %broadcast_in_dim3A_1418 = vector.broadcast %squeeze3A_1417 : f32 to vector<16xf32>
        %slice3A_1419 = vector.extract_strided_slice %get3A_796 {offsets = [8], sizes = [1], strides = [1]} : vector<16xf32> to vector<1xf32>
        %squeeze3A_1420 = vector.extract %slice3A_1419[0] : f32 from vector<1xf32>
        %broadcast_in_dim3A_1421 = vector.broadcast %squeeze3A_1420 : f32 to vector<16xf32>
        %slice3A_1422 = vector.extract_strided_slice %get3A_800 {offsets = [8], sizes = [1], strides = [1]} : vector<16xf32> to vector<1xf32>
        %squeeze3A_1423 = vector.extract %slice3A_1422[0] : f32 from vector<1xf32>
        %broadcast_in_dim3A_1424 = vector.broadcast %squeeze3A_1423 : f32 to vector<16xf32>
        %get3A_1425 = arith.constant 0 : i32
        %get3A_1426 = arith.index_cast %get3A_1425 : i32 to index
        %get3A_1427 = arith.index_cast %add3A_1415 : i32 to index
        %get3A_1428 = arith.constant 0 : index
        %get3A_1429 = tpu.vector_load %arg10[%get3A_1426, %get3A_1427, %get3A_1428] {strides = array<i32>} : memref<8x512x16xf32, #tpu.memory_space<vmem>>, vector<16xf32>,
        %get3A_1430 = arith.constant 1 : i32
        %get3A_1431 = arith.index_cast %get3A_1430 : i32 to index
        %get3A_1432 = arith.index_cast %add3A_1415 : i32 to index
        %get3A_1433 = arith.constant 0 : index
        %get3A_1434 = tpu.vector_load %arg10[%get3A_1431, %get3A_1432, %get3A_1433] {strides = array<i32>} : memref<8x512x16xf32, #tpu.memory_space<vmem>>, vector<16xf32>,
        %get3A_1435 = arith.constant 2 : i32
        %get3A_1436 = arith.index_cast %get3A_1435 : i32 to index
        %get3A_1437 = arith.index_cast %add3A_1415 : i32 to index
        %get3A_1438 = arith.constant 0 : index
        %get3A_1439 = tpu.vector_load %arg10[%get3A_1436, %get3A_1437, %get3A_1438] {strides = array<i32>} : memref<8x512x16xf32, #tpu.memory_space<vmem>>, vector<16xf32>,
        %get3A_1440 = arith.constant 3 : i32
        %get3A_1441 = arith.index_cast %get3A_1440 : i32 to index
        %get3A_1442 = arith.index_cast %add3A_1415 : i32 to index
        %get3A_1443 = arith.constant 0 : index
        %get3A_1444 = tpu.vector_load %arg10[%get3A_1441, %get3A_1442, %get3A_1443] {strides = array<i32>} : memref<8x512x16xf32, #tpu.memory_space<vmem>>, vector<16xf32>,
        %get3A_1445 = arith.constant 4 : i32
        %get3A_1446 = arith.index_cast %get3A_1445 : i32 to index
        %get3A_1447 = arith.index_cast %add3A_1415 : i32 to index
        %get3A_1448 = arith.constant 0 : index
        %get3A_1449 = tpu.vector_load %arg10[%get3A_1446, %get3A_1447, %get3A_1448] {strides = array<i32>} : memref<8x512x16xf32, #tpu.memory_space<vmem>>, vector<16xf32>,
        %get3A_1450 = arith.constant 5 : i32
        %get3A_1451 = arith.index_cast %get3A_1450 : i32 to index
        %get3A_1452 = arith.index_cast %add3A_1415 : i32 to index
        %get3A_1453 = arith.constant 0 : index
        %get3A_1454 = tpu.vector_load %arg10[%get3A_1451, %get3A_1452, %get3A_1453] {strides = array<i32>} : memref<8x512x16xf32, #tpu.memory_space<vmem>>, vector<16xf32>,
        %get3A_1455 = arith.constant 6 : i32
        %get3A_1456 = arith.index_cast %get3A_1455 : i32 to index
        %get3A_1457 = arith.index_cast %add3A_1415 : i32 to index
        %get3A_1458 = arith.constant 0 : index
        %get3A_1459 = tpu.vector_load %arg10[%get3A_1456, %get3A_1457, %get3A_1458] {strides = array<i32>} : memref<8x512x16xf32, #tpu.memory_space<vmem>>, vector<16xf32>,
        %get3A_1460 = arith.constant 7 : i32
        %get3A_1461 = arith.index_cast %get3A_1460 : i32 to index
        %get3A_1462 = arith.index_cast %add3A_1415 : i32 to index
        %get3A_1463 = arith.constant 0 : index
        %get3A_1464 = tpu.vector_load %arg10[%get3A_1461, %get3A_1462, %get3A_1463] {strides = array<i32>} : memref<8x512x16xf32, #tpu.memory_space<vmem>>, vector<16xf32>,
        %sub3A_1465 = arith.subf %get3A_1434, %get3A_1429 : vector<16xf32>
        %mul3A_1466 = arith.mulf %broadcast_in_dim3A_1418, %sub3A_1465 : vector<16xf32>
        %add3A_1467 = arith.addf %get3A_1429, %mul3A_1466 : vector<16xf32>
        %sub3A_1468 = arith.subf %get3A_1444, %get3A_1439 : vector<16xf32>
        %mul3A_1469 = arith.mulf %broadcast_in_dim3A_1418, %sub3A_1468 : vector<16xf32>
        %add3A_1470 = arith.addf %get3A_1439, %mul3A_1469 : vector<16xf32>
        %sub3A_1471 = arith.subf %get3A_1454, %get3A_1449 : vector<16xf32>
        %mul3A_1472 = arith.mulf %broadcast_in_dim3A_1418, %sub3A_1471 : vector<16xf32>
        %add3A_1473 = arith.addf %get3A_1449, %mul3A_1472 : vector<16xf32>
        %sub3A_1474 = arith.subf %get3A_1464, %get3A_1459 : vector<16xf32>
        %mul3A_1475 = arith.mulf %broadcast_in_dim3A_1418, %sub3A_1474 : vector<16xf32>
        %add3A_1476 = arith.addf %get3A_1459, %mul3A_1475 : vector<16xf32>
        %sub3A_1477 = arith.subf %add3A_1470, %add3A_1467 : vector<16xf32>
        %mul3A_1478 = arith.mulf %broadcast_in_dim3A_1421, %sub3A_1477 : vector<16xf32>
        %add3A_1479 = arith.addf %add3A_1467, %mul3A_1478 : vector<16xf32>
        %sub3A_1480 = arith.subf %add3A_1476, %add3A_1473 : vector<16xf32>
        %mul3A_1481 = arith.mulf %broadcast_in_dim3A_1421, %sub3A_1480 : vector<16xf32>
        %add3A_1482 = arith.addf %add3A_1473, %mul3A_1481 : vector<16xf32>
        %sub3A_1483 = arith.subf %add3A_1482, %add3A_1479 : vector<16xf32>
        %mul3A_1484 = arith.mulf %broadcast_in_dim3A_1424, %sub3A_1483 : vector<16xf32>
        %add3A_1485 = arith.addf %add3A_1479, %mul3A_1484 : vector<16xf32>
        %swap3A_1486 = arith.index_cast %add3A_1415 : i32 to index
        %swap3A_1487 = arith.constant 0 : index
        %swap3A_1488 = tpu.vector_load %arg11[%swap3A_1486, %swap3A_1487] {strides = array<i32>} : memref<512x16xf32, #tpu.memory_space<vmem>>, vector<16xf32>,
        tpu.vector_store %arg11[%swap3A_1486, %swap3A_1487], %add3A_1485 {strides = array<i32>} : memref<512x16xf32, #tpu.memory_space<vmem>>, vector<16xf32>,
        %mul3A_1489 = arith.constant 16 : i32
        %mul3A_1490 = arith.muli %scan3A_789, %mul3A_1489 : i32
        %add3A_1491 = arith.constant 9 : i32
        %add3A_1492 = arith.addi %mul3A_1490, %add3A_1491 : i32
        %slice3A_1493 = vector.extract_strided_slice %get3A_792 {offsets = [9], sizes = [1], strides = [1]} : vector<16xf32> to vector<1xf32>
        %squeeze3A_1494 = vector.extract %slice3A_1493[0] : f32 from vector<1xf32>
        %broadcast_in_dim3A_1495 = vector.broadcast %squeeze3A_1494 : f32 to vector<16xf32>
        %slice3A_1496 = vector.extract_strided_slice %get3A_796 {offsets = [9], sizes = [1], strides = [1]} : vector<16xf32> to vector<1xf32>
        %squeeze3A_1497 = vector.extract %slice3A_1496[0] : f32 from vector<1xf32>
        %broadcast_in_dim3A_1498 = vector.broadcast %squeeze3A_1497 : f32 to vector<16xf32>
        %slice3A_1499 = vector.extract_strided_slice %get3A_800 {offsets = [9], sizes = [1], strides = [1]} : vector<16xf32> to vector<1xf32>
        %squeeze3A_1500 = vector.extract %slice3A_1499[0] : f32 from vector<1xf32>
        %broadcast_in_dim3A_1501 = vector.broadcast %squeeze3A_1500 : f32 to vector<16xf32>
        %get3A_1502 = arith.constant 0 : i32
        %get3A_1503 = arith.index_cast %get3A_1502 : i32 to index
        %get3A_1504 = arith.index_cast %add3A_1492 : i32 to index
        %get3A_1505 = arith.constant 0 : index
        %get3A_1506 = tpu.vector_load %arg10[%get3A_1503, %get3A_1504, %get3A_1505] {strides = array<i32>} : memref<8x512x16xf32, #tpu.memory_space<vmem>>, vector<16xf32>,
        %get3A_1507 = arith.constant 1 : i32
        %get3A_1508 = arith.index_cast %get3A_1507 : i32 to index
        %get3A_1509 = arith.index_cast %add3A_1492 : i32 to index
        %get3A_1510 = arith.constant 0 : index
        %get3A_1511 = tpu.vector_load %arg10[%get3A_1508, %get3A_1509, %get3A_1510] {strides = array<i32>} : memref<8x512x16xf32, #tpu.memory_space<vmem>>, vector<16xf32>,
        %get3A_1512 = arith.constant 2 : i32
        %get3A_1513 = arith.index_cast %get3A_1512 : i32 to index
        %get3A_1514 = arith.index_cast %add3A_1492 : i32 to index
        %get3A_1515 = arith.constant 0 : index
        %get3A_1516 = tpu.vector_load %arg10[%get3A_1513, %get3A_1514, %get3A_1515] {strides = array<i32>} : memref<8x512x16xf32, #tpu.memory_space<vmem>>, vector<16xf32>,
        %get3A_1517 = arith.constant 3 : i32
        %get3A_1518 = arith.index_cast %get3A_1517 : i32 to index
        %get3A_1519 = arith.index_cast %add3A_1492 : i32 to index
        %get3A_1520 = arith.constant 0 : index
        %get3A_1521 = tpu.vector_load %arg10[%get3A_1518, %get3A_1519, %get3A_1520] {strides = array<i32>} : memref<8x512x16xf32, #tpu.memory_space<vmem>>, vector<16xf32>,
        %get3A_1522 = arith.constant 4 : i32
        %get3A_1523 = arith.index_cast %get3A_1522 : i32 to index
        %get3A_1524 = arith.index_cast %add3A_1492 : i32 to index
        %get3A_1525 = arith.constant 0 : index
        %get3A_1526 = tpu.vector_load %arg10[%get3A_1523, %get3A_1524, %get3A_1525] {strides = array<i32>} : memref<8x512x16xf32, #tpu.memory_space<vmem>>, vector<16xf32>,
        %get3A_1527 = arith.constant 5 : i32
        %get3A_1528 = arith.index_cast %get3A_1527 : i32 to index
        %get3A_1529 = arith.index_cast %add3A_1492 : i32 to index
        %get3A_1530 = arith.constant 0 : index
        %get3A_1531 = tpu.vector_load %arg10[%get3A_1528, %get3A_1529, %get3A_1530] {strides = array<i32>} : memref<8x512x16xf32, #tpu.memory_space<vmem>>, vector<16xf32>,
        %get3A_1532 = arith.constant 6 : i32
        %get3A_1533 = arith.index_cast %get3A_1532 : i32 to index
        %get3A_1534 = arith.index_cast %add3A_1492 : i32 to index
        %get3A_1535 = arith.constant 0 : index
        %get3A_1536 = tpu.vector_load %arg10[%get3A_1533, %get3A_1534, %get3A_1535] {strides = array<i32>} : memref<8x512x16xf32, #tpu.memory_space<vmem>>, vector<16xf32>,
        %get3A_1537 = arith.constant 7 : i32
        %get3A_1538 = arith.index_cast %get3A_1537 : i32 to index
        %get3A_1539 = arith.index_cast %add3A_1492 : i32 to index
        %get3A_1540 = arith.constant 0 : index
        %get3A_1541 = tpu.vector_load %arg10[%get3A_1538, %get3A_1539, %get3A_1540] {strides = array<i32>} : memref<8x512x16xf32, #tpu.memory_space<vmem>>, vector<16xf32>,
        %sub3A_1542 = arith.subf %get3A_1511, %get3A_1506 : vector<16xf32>
        %mul3A_1543 = arith.mulf %broadcast_in_dim3A_1495, %sub3A_1542 : vector<16xf32>
        %add3A_1544 = arith.addf %get3A_1506, %mul3A_1543 : vector<16xf32>
        %sub3A_1545 = arith.subf %get3A_1521, %get3A_1516 : vector<16xf32>
        %mul3A_1546 = arith.mulf %broadcast_in_dim3A_1495, %sub3A_1545 : vector<16xf32>
        %add3A_1547 = arith.addf %get3A_1516, %mul3A_1546 : vector<16xf32>
        %sub3A_1548 = arith.subf %get3A_1531, %get3A_1526 : vector<16xf32>
        %mul3A_1549 = arith.mulf %broadcast_in_dim3A_1495, %sub3A_1548 : vector<16xf32>
        %add3A_1550 = arith.addf %get3A_1526, %mul3A_1549 : vector<16xf32>
        %sub3A_1551 = arith.subf %get3A_1541, %get3A_1536 : vector<16xf32>
        %mul3A_1552 = arith.mulf %broadcast_in_dim3A_1495, %sub3A_1551 : vector<16xf32>
        %add3A_1553 = arith.addf %get3A_1536, %mul3A_1552 : vector<16xf32>
        %sub3A_1554 = arith.subf %add3A_1547, %add3A_1544 : vector<16xf32>
        %mul3A_1555 = arith.mulf %broadcast_in_dim3A_1498, %sub3A_1554 : vector<16xf32>
        %add3A_1556 = arith.addf %add3A_1544, %mul3A_1555 : vector<16xf32>
        %sub3A_1557 = arith.subf %add3A_1553, %add3A_1550 : vector<16xf32>
        %mul3A_1558 = arith.mulf %broadcast_in_dim3A_1498, %sub3A_1557 : vector<16xf32>
        %add3A_1559 = arith.addf %add3A_1550, %mul3A_1558 : vector<16xf32>
        %sub3A_1560 = arith.subf %add3A_1559, %add3A_1556 : vector<16xf32>
        %mul3A_1561 = arith.mulf %broadcast_in_dim3A_1501, %sub3A_1560 : vector<16xf32>
        %add3A_1562 = arith.addf %add3A_1556, %mul3A_1561 : vector<16xf32>
        %swap3A_1563 = arith.index_cast %add3A_1492 : i32 to index
        %swap3A_1564 = arith.constant 0 : index
        %swap3A_1565 = tpu.vector_load %arg11[%swap3A_1563, %swap3A_1564] {strides = array<i32>} : memref<512x16xf32, #tpu.memory_space<vmem>>, vector<16xf32>,
        tpu.vector_store %arg11[%swap3A_1563, %swap3A_1564], %add3A_1562 {strides = array<i32>} : memref<512x16xf32, #tpu.memory_space<vmem>>, vector<16xf32>,
        %mul3A_1566 = arith.constant 16 : i32
        %mul3A_1567 = arith.muli %scan3A_789, %mul3A_1566 : i32
        %add3A_1568 = arith.constant 10 : i32
        %add3A_1569 = arith.addi %mul3A_1567, %add3A_1568 : i32
        %slice3A_1570 = vector.extract_strided_slice %get3A_792 {offsets = [10], sizes = [1], strides = [1]} : vector<16xf32> to vector<1xf32>
        %squeeze3A_1571 = vector.extract %slice3A_1570[0] : f32 from vector<1xf32>
        %broadcast_in_dim3A_1572 = vector.broadcast %squeeze3A_1571 : f32 to vector<16xf32>
        %slice3A_1573 = vector.extract_strided_slice %get3A_796 {offsets = [10], sizes = [1], strides = [1]} : vector<16xf32> to vector<1xf32>
        %squeeze3A_1574 = vector.extract %slice3A_1573[0] : f32 from vector<1xf32>
        %broadcast_in_dim3A_1575 = vector.broadcast %squeeze3A_1574 : f32 to vector<16xf32>
        %slice3A_1576 = vector.extract_strided_slice %get3A_800 {offsets = [10], sizes = [1], strides = [1]} : vector<16xf32> to vector<1xf32>
        %squeeze3A_1577 = vector.extract %slice3A_1576[0] : f32 from vector<1xf32>
        %broadcast_in_dim3A_1578 = vector.broadcast %squeeze3A_1577 : f32 to vector<16xf32>
        %get3A_1579 = arith.constant 0 : i32
        %get3A_1580 = arith.index_cast %get3A_1579 : i32 to index
        %get3A_1581 = arith.index_cast %add3A_1569 : i32 to index
        %get3A_1582 = arith.constant 0 : index
        %get3A_1583 = tpu.vector_load %arg10[%get3A_1580, %get3A_1581, %get3A_1582] {strides = array<i32>} : memref<8x512x16xf32, #tpu.memory_space<vmem>>, vector<16xf32>,
        %get3A_1584 = arith.constant 1 : i32
        %get3A_1585 = arith.index_cast %get3A_1584 : i32 to index
        %get3A_1586 = arith.index_cast %add3A_1569 : i32 to index
        %get3A_1587 = arith.constant 0 : index
        %get3A_1588 = tpu.vector_load %arg10[%get3A_1585, %get3A_1586, %get3A_1587] {strides = array<i32>} : memref<8x512x16xf32, #tpu.memory_space<vmem>>, vector<16xf32>,
        %get3A_1589 = arith.constant 2 : i32
        %get3A_1590 = arith.index_cast %get3A_1589 : i32 to index
        %get3A_1591 = arith.index_cast %add3A_1569 : i32 to index
        %get3A_1592 = arith.constant 0 : index
        %get3A_1593 = tpu.vector_load %arg10[%get3A_1590, %get3A_1591, %get3A_1592] {strides = array<i32>} : memref<8x512x16xf32, #tpu.memory_space<vmem>>, vector<16xf32>,
        %get3A_1594 = arith.constant 3 : i32
        %get3A_1595 = arith.index_cast %get3A_1594 : i32 to index
        %get3A_1596 = arith.index_cast %add3A_1569 : i32 to index
        %get3A_1597 = arith.constant 0 : index
        %get3A_1598 = tpu.vector_load %arg10[%get3A_1595, %get3A_1596, %get3A_1597] {strides = array<i32>} : memref<8x512x16xf32, #tpu.memory_space<vmem>>, vector<16xf32>,
        %get3A_1599 = arith.constant 4 : i32
        %get3A_1600 = arith.index_cast %get3A_1599 : i32 to index
        %get3A_1601 = arith.index_cast %add3A_1569 : i32 to index
        %get3A_1602 = arith.constant 0 : index
        %get3A_1603 = tpu.vector_load %arg10[%get3A_1600, %get3A_1601, %get3A_1602] {strides = array<i32>} : memref<8x512x16xf32, #tpu.memory_space<vmem>>, vector<16xf32>,
        %get3A_1604 = arith.constant 5 : i32
        %get3A_1605 = arith.index_cast %get3A_1604 : i32 to index
        %get3A_1606 = arith.index_cast %add3A_1569 : i32 to index
        %get3A_1607 = arith.constant 0 : index
        %get3A_1608 = tpu.vector_load %arg10[%get3A_1605, %get3A_1606, %get3A_1607] {strides = array<i32>} : memref<8x512x16xf32, #tpu.memory_space<vmem>>, vector<16xf32>,
        %get3A_1609 = arith.constant 6 : i32
        %get3A_1610 = arith.index_cast %get3A_1609 : i32 to index
        %get3A_1611 = arith.index_cast %add3A_1569 : i32 to index
        %get3A_1612 = arith.constant 0 : index
        %get3A_1613 = tpu.vector_load %arg10[%get3A_1610, %get3A_1611, %get3A_1612] {strides = array<i32>} : memref<8x512x16xf32, #tpu.memory_space<vmem>>, vector<16xf32>,
        %get3A_1614 = arith.constant 7 : i32
        %get3A_1615 = arith.index_cast %get3A_1614 : i32 to index
        %get3A_1616 = arith.index_cast %add3A_1569 : i32 to index
        %get3A_1617 = arith.constant 0 : index
        %get3A_1618 = tpu.vector_load %arg10[%get3A_1615, %get3A_1616, %get3A_1617] {strides = array<i32>} : memref<8x512x16xf32, #tpu.memory_space<vmem>>, vector<16xf32>,
        %sub3A_1619 = arith.subf %get3A_1588, %get3A_1583 : vector<16xf32>
        %mul3A_1620 = arith.mulf %broadcast_in_dim3A_1572, %sub3A_1619 : vector<16xf32>
        %add3A_1621 = arith.addf %get3A_1583, %mul3A_1620 : vector<16xf32>
        %sub3A_1622 = arith.subf %get3A_1598, %get3A_1593 : vector<16xf32>
        %mul3A_1623 = arith.mulf %broadcast_in_dim3A_1572, %sub3A_1622 : vector<16xf32>
        %add3A_1624 = arith.addf %get3A_1593, %mul3A_1623 : vector<16xf32>
        %sub3A_1625 = arith.subf %get3A_1608, %get3A_1603 : vector<16xf32>
        %mul3A_1626 = arith.mulf %broadcast_in_dim3A_1572, %sub3A_1625 : vector<16xf32>
        %add3A_1627 = arith.addf %get3A_1603, %mul3A_1626 : vector<16xf32>
        %sub3A_1628 = arith.subf %get3A_1618, %get3A_1613 : vector<16xf32>
        %mul3A_1629 = arith.mulf %broadcast_in_dim3A_1572, %sub3A_1628 : vector<16xf32>
        %add3A_1630 = arith.addf %get3A_1613, %mul3A_1629 : vector<16xf32>
        %sub3A_1631 = arith.subf %add3A_1624, %add3A_1621 : vector<16xf32>
        %mul3A_1632 = arith.mulf %broadcast_in_dim3A_1575, %sub3A_1631 : vector<16xf32>
        %add3A_1633 = arith.addf %add3A_1621, %mul3A_1632 : vector<16xf32>
        %sub3A_1634 = arith.subf %add3A_1630, %add3A_1627 : vector<16xf32>
        %mul3A_1635 = arith.mulf %broadcast_in_dim3A_1575, %sub3A_1634 : vector<16xf32>
        %add3A_1636 = arith.addf %add3A_1627, %mul3A_1635 : vector<16xf32>
        %sub3A_1637 = arith.subf %add3A_1636, %add3A_1633 : vector<16xf32>
        %mul3A_1638 = arith.mulf %broadcast_in_dim3A_1578, %sub3A_1637 : vector<16xf32>
        %add3A_1639 = arith.addf %add3A_1633, %mul3A_1638 : vector<16xf32>
        %swap3A_1640 = arith.index_cast %add3A_1569 : i32 to index
        %swap3A_1641 = arith.constant 0 : index
        %swap3A_1642 = tpu.vector_load %arg11[%swap3A_1640, %swap3A_1641] {strides = array<i32>} : memref<512x16xf32, #tpu.memory_space<vmem>>, vector<16xf32>,
        tpu.vector_store %arg11[%swap3A_1640, %swap3A_1641], %add3A_1639 {strides = array<i32>} : memref<512x16xf32, #tpu.memory_space<vmem>>, vector<16xf32>,
        %mul3A_1643 = arith.constant 16 : i32
        %mul3A_1644 = arith.muli %scan3A_789, %mul3A_1643 : i32
        %add3A_1645 = arith.constant 11 : i32
        %add3A_1646 = arith.addi %mul3A_1644, %add3A_1645 : i32
        %slice3A_1647 = vector.extract_strided_slice %get3A_792 {offsets = [11], sizes = [1], strides = [1]} : vector<16xf32> to vector<1xf32>
        %squeeze3A_1648 = vector.extract %slice3A_1647[0] : f32 from vector<1xf32>
        %broadcast_in_dim3A_1649 = vector.broadcast %squeeze3A_1648 : f32 to vector<16xf32>
        %slice3A_1650 = vector.extract_strided_slice %get3A_796 {offsets = [11], sizes = [1], strides = [1]} : vector<16xf32> to vector<1xf32>
        %squeeze3A_1651 = vector.extract %slice3A_1650[0] : f32 from vector<1xf32>
        %broadcast_in_dim3A_1652 = vector.broadcast %squeeze3A_1651 : f32 to vector<16xf32>
        %slice3A_1653 = vector.extract_strided_slice %get3A_800 {offsets = [11], sizes = [1], strides = [1]} : vector<16xf32> to vector<1xf32>
        %squeeze3A_1654 = vector.extract %slice3A_1653[0] : f32 from vector<1xf32>
        %broadcast_in_dim3A_1655 = vector.broadcast %squeeze3A_1654 : f32 to vector<16xf32>
        %get3A_1656 = arith.constant 0 : i32
        %get3A_1657 = arith.index_cast %get3A_1656 : i32 to index
        %get3A_1658 = arith.index_cast %add3A_1646 : i32 to index
        %get3A_1659 = arith.constant 0 : index
        %get3A_1660 = tpu.vector_load %arg10[%get3A_1657, %get3A_1658, %get3A_1659] {strides = array<i32>} : memref<8x512x16xf32, #tpu.memory_space<vmem>>, vector<16xf32>,
        %get3A_1661 = arith.constant 1 : i32
        %get3A_1662 = arith.index_cast %get3A_1661 : i32 to index
        %get3A_1663 = arith.index_cast %add3A_1646 : i32 to index
        %get3A_1664 = arith.constant 0 : index
        %get3A_1665 = tpu.vector_load %arg10[%get3A_1662, %get3A_1663, %get3A_1664] {strides = array<i32>} : memref<8x512x16xf32, #tpu.memory_space<vmem>>, vector<16xf32>,
        %get3A_1666 = arith.constant 2 : i32
        %get3A_1667 = arith.index_cast %get3A_1666 : i32 to index
        %get3A_1668 = arith.index_cast %add3A_1646 : i32 to index
        %get3A_1669 = arith.constant 0 : index
        %get3A_1670 = tpu.vector_load %arg10[%get3A_1667, %get3A_1668, %get3A_1669] {strides = array<i32>} : memref<8x512x16xf32, #tpu.memory_space<vmem>>, vector<16xf32>,
        %get3A_1671 = arith.constant 3 : i32
        %get3A_1672 = arith.index_cast %get3A_1671 : i32 to index
        %get3A_1673 = arith.index_cast %add3A_1646 : i32 to index
        %get3A_1674 = arith.constant 0 : index
        %get3A_1675 = tpu.vector_load %arg10[%get3A_1672, %get3A_1673, %get3A_1674] {strides = array<i32>} : memref<8x512x16xf32, #tpu.memory_space<vmem>>, vector<16xf32>,
        %get3A_1676 = arith.constant 4 : i32
        %get3A_1677 = arith.index_cast %get3A_1676 : i32 to index
        %get3A_1678 = arith.index_cast %add3A_1646 : i32 to index
        %get3A_1679 = arith.constant 0 : index
        %get3A_1680 = tpu.vector_load %arg10[%get3A_1677, %get3A_1678, %get3A_1679] {strides = array<i32>} : memref<8x512x16xf32, #tpu.memory_space<vmem>>, vector<16xf32>,
        %get3A_1681 = arith.constant 5 : i32
        %get3A_1682 = arith.index_cast %get3A_1681 : i32 to index
        %get3A_1683 = arith.index_cast %add3A_1646 : i32 to index
        %get3A_1684 = arith.constant 0 : index
        %get3A_1685 = tpu.vector_load %arg10[%get3A_1682, %get3A_1683, %get3A_1684] {strides = array<i32>} : memref<8x512x16xf32, #tpu.memory_space<vmem>>, vector<16xf32>,
        %get3A_1686 = arith.constant 6 : i32
        %get3A_1687 = arith.index_cast %get3A_1686 : i32 to index
        %get3A_1688 = arith.index_cast %add3A_1646 : i32 to index
        %get3A_1689 = arith.constant 0 : index
        %get3A_1690 = tpu.vector_load %arg10[%get3A_1687, %get3A_1688, %get3A_1689] {strides = array<i32>} : memref<8x512x16xf32, #tpu.memory_space<vmem>>, vector<16xf32>,
        %get3A_1691 = arith.constant 7 : i32
        %get3A_1692 = arith.index_cast %get3A_1691 : i32 to index
        %get3A_1693 = arith.index_cast %add3A_1646 : i32 to index
        %get3A_1694 = arith.constant 0 : index
        %get3A_1695 = tpu.vector_load %arg10[%get3A_1692, %get3A_1693, %get3A_1694] {strides = array<i32>} : memref<8x512x16xf32, #tpu.memory_space<vmem>>, vector<16xf32>,
        %sub3A_1696 = arith.subf %get3A_1665, %get3A_1660 : vector<16xf32>
        %mul3A_1697 = arith.mulf %broadcast_in_dim3A_1649, %sub3A_1696 : vector<16xf32>
        %add3A_1698 = arith.addf %get3A_1660, %mul3A_1697 : vector<16xf32>
        %sub3A_1699 = arith.subf %get3A_1675, %get3A_1670 : vector<16xf32>
        %mul3A_1700 = arith.mulf %broadcast_in_dim3A_1649, %sub3A_1699 : vector<16xf32>
        %add3A_1701 = arith.addf %get3A_1670, %mul3A_1700 : vector<16xf32>
        %sub3A_1702 = arith.subf %get3A_1685, %get3A_1680 : vector<16xf32>
        %mul3A_1703 = arith.mulf %broadcast_in_dim3A_1649, %sub3A_1702 : vector<16xf32>
        %add3A_1704 = arith.addf %get3A_1680, %mul3A_1703 : vector<16xf32>
        %sub3A_1705 = arith.subf %get3A_1695, %get3A_1690 : vector<16xf32>
        %mul3A_1706 = arith.mulf %broadcast_in_dim3A_1649, %sub3A_1705 : vector<16xf32>
        %add3A_1707 = arith.addf %get3A_1690, %mul3A_1706 : vector<16xf32>
        %sub3A_1708 = arith.subf %add3A_1701, %add3A_1698 : vector<16xf32>
        %mul3A_1709 = arith.mulf %broadcast_in_dim3A_1652, %sub3A_1708 : vector<16xf32>
        %add3A_1710 = arith.addf %add3A_1698, %mul3A_1709 : vector<16xf32>
        %sub3A_1711 = arith.subf %add3A_1707, %add3A_1704 : vector<16xf32>
        %mul3A_1712 = arith.mulf %broadcast_in_dim3A_1652, %sub3A_1711 : vector<16xf32>
        %add3A_1713 = arith.addf %add3A_1704, %mul3A_1712 : vector<16xf32>
        %sub3A_1714 = arith.subf %add3A_1713, %add3A_1710 : vector<16xf32>
        %mul3A_1715 = arith.mulf %broadcast_in_dim3A_1655, %sub3A_1714 : vector<16xf32>
        %add3A_1716 = arith.addf %add3A_1710, %mul3A_1715 : vector<16xf32>
        %swap3A_1717 = arith.index_cast %add3A_1646 : i32 to index
        %swap3A_1718 = arith.constant 0 : index
        %swap3A_1719 = tpu.vector_load %arg11[%swap3A_1717, %swap3A_1718] {strides = array<i32>} : memref<512x16xf32, #tpu.memory_space<vmem>>, vector<16xf32>,
        tpu.vector_store %arg11[%swap3A_1717, %swap3A_1718], %add3A_1716 {strides = array<i32>} : memref<512x16xf32, #tpu.memory_space<vmem>>, vector<16xf32>,
        %mul3A_1720 = arith.constant 16 : i32
        %mul3A_1721 = arith.muli %scan3A_789, %mul3A_1720 : i32
        %add3A_1722 = arith.constant 12 : i32
        %add3A_1723 = arith.addi %mul3A_1721, %add3A_1722 : i32
        %slice3A_1724 = vector.extract_strided_slice %get3A_792 {offsets = [12], sizes = [1], strides = [1]} : vector<16xf32> to vector<1xf32>
        %squeeze3A_1725 = vector.extract %slice3A_1724[0] : f32 from vector<1xf32>
        %broadcast_in_dim3A_1726 = vector.broadcast %squeeze3A_1725 : f32 to vector<16xf32>
        %slice3A_1727 = vector.extract_strided_slice %get3A_796 {offsets = [12], sizes = [1], strides = [1]} : vector<16xf32> to vector<1xf32>
        %squeeze3A_1728 = vector.extract %slice3A_1727[0] : f32 from vector<1xf32>
        %broadcast_in_dim3A_1729 = vector.broadcast %squeeze3A_1728 : f32 to vector<16xf32>
        %slice3A_1730 = vector.extract_strided_slice %get3A_800 {offsets = [12], sizes = [1], strides = [1]} : vector<16xf32> to vector<1xf32>
        %squeeze3A_1731 = vector.extract %slice3A_1730[0] : f32 from vector<1xf32>
        %broadcast_in_dim3A_1732 = vector.broadcast %squeeze3A_1731 : f32 to vector<16xf32>
        %get3A_1733 = arith.constant 0 : i32
        %get3A_1734 = arith.index_cast %get3A_1733 : i32 to index
        %get3A_1735 = arith.index_cast %add3A_1723 : i32 to index
        %get3A_1736 = arith.constant 0 : index
        %get3A_1737 = tpu.vector_load %arg10[%get3A_1734, %get3A_1735, %get3A_1736] {strides = array<i32>} : memref<8x512x16xf32, #tpu.memory_space<vmem>>, vector<16xf32>,
        %get3A_1738 = arith.constant 1 : i32
        %get3A_1739 = arith.index_cast %get3A_1738 : i32 to index
        %get3A_1740 = arith.index_cast %add3A_1723 : i32 to index
        %get3A_1741 = arith.constant 0 : index
        %get3A_1742 = tpu.vector_load %arg10[%get3A_1739, %get3A_1740, %get3A_1741] {strides = array<i32>} : memref<8x512x16xf32, #tpu.memory_space<vmem>>, vector<16xf32>,
        %get3A_1743 = arith.constant 2 : i32
        %get3A_1744 = arith.index_cast %get3A_1743 : i32 to index
        %get3A_1745 = arith.index_cast %add3A_1723 : i32 to index
        %get3A_1746 = arith.constant 0 : index
        %get3A_1747 = tpu.vector_load %arg10[%get3A_1744, %get3A_1745, %get3A_1746] {strides = array<i32>} : memref<8x512x16xf32, #tpu.memory_space<vmem>>, vector<16xf32>,
        %get3A_1748 = arith.constant 3 : i32
        %get3A_1749 = arith.index_cast %get3A_1748 : i32 to index
        %get3A_1750 = arith.index_cast %add3A_1723 : i32 to index
        %get3A_1751 = arith.constant 0 : index
        %get3A_1752 = tpu.vector_load %arg10[%get3A_1749, %get3A_1750, %get3A_1751] {strides = array<i32>} : memref<8x512x16xf32, #tpu.memory_space<vmem>>, vector<16xf32>,
        %get3A_1753 = arith.constant 4 : i32
        %get3A_1754 = arith.index_cast %get3A_1753 : i32 to index
        %get3A_1755 = arith.index_cast %add3A_1723 : i32 to index
        %get3A_1756 = arith.constant 0 : index
        %get3A_1757 = tpu.vector_load %arg10[%get3A_1754, %get3A_1755, %get3A_1756] {strides = array<i32>} : memref<8x512x16xf32, #tpu.memory_space<vmem>>, vector<16xf32>,
        %get3A_1758 = arith.constant 5 : i32
        %get3A_1759 = arith.index_cast %get3A_1758 : i32 to index
        %get3A_1760 = arith.index_cast %add3A_1723 : i32 to index
        %get3A_1761 = arith.constant 0 : index
        %get3A_1762 = tpu.vector_load %arg10[%get3A_1759, %get3A_1760, %get3A_1761] {strides = array<i32>} : memref<8x512x16xf32, #tpu.memory_space<vmem>>, vector<16xf32>,
        %get3A_1763 = arith.constant 6 : i32
        %get3A_1764 = arith.index_cast %get3A_1763 : i32 to index
        %get3A_1765 = arith.index_cast %add3A_1723 : i32 to index
        %get3A_1766 = arith.constant 0 : index
        %get3A_1767 = tpu.vector_load %arg10[%get3A_1764, %get3A_1765, %get3A_1766] {strides = array<i32>} : memref<8x512x16xf32, #tpu.memory_space<vmem>>, vector<16xf32>,
        %get3A_1768 = arith.constant 7 : i32
        %get3A_1769 = arith.index_cast %get3A_1768 : i32 to index
        %get3A_1770 = arith.index_cast %add3A_1723 : i32 to index
        %get3A_1771 = arith.constant 0 : index
        %get3A_1772 = tpu.vector_load %arg10[%get3A_1769, %get3A_1770, %get3A_1771] {strides = array<i32>} : memref<8x512x16xf32, #tpu.memory_space<vmem>>, vector<16xf32>,
        %sub3A_1773 = arith.subf %get3A_1742, %get3A_1737 : vector<16xf32>
        %mul3A_1774 = arith.mulf %broadcast_in_dim3A_1726, %sub3A_1773 : vector<16xf32>
        %add3A_1775 = arith.addf %get3A_1737, %mul3A_1774 : vector<16xf32>
        %sub3A_1776 = arith.subf %get3A_1752, %get3A_1747 : vector<16xf32>
        %mul3A_1777 = arith.mulf %broadcast_in_dim3A_1726, %sub3A_1776 : vector<16xf32>
        %add3A_1778 = arith.addf %get3A_1747, %mul3A_1777 : vector<16xf32>
        %sub3A_1779 = arith.subf %get3A_1762, %get3A_1757 : vector<16xf32>
        %mul3A_1780 = arith.mulf %broadcast_in_dim3A_1726, %sub3A_1779 : vector<16xf32>
        %add3A_1781 = arith.addf %get3A_1757, %mul3A_1780 : vector<16xf32>
        %sub3A_1782 = arith.subf %get3A_1772, %get3A_1767 : vector<16xf32>
        %mul3A_1783 = arith.mulf %broadcast_in_dim3A_1726, %sub3A_1782 : vector<16xf32>
        %add3A_1784 = arith.addf %get3A_1767, %mul3A_1783 : vector<16xf32>
        %sub3A_1785 = arith.subf %add3A_1778, %add3A_1775 : vector<16xf32>
        %mul3A_1786 = arith.mulf %broadcast_in_dim3A_1729, %sub3A_1785 : vector<16xf32>
        %add3A_1787 = arith.addf %add3A_1775, %mul3A_1786 : vector<16xf32>
        %sub3A_1788 = arith.subf %add3A_1784, %add3A_1781 : vector<16xf32>
        %mul3A_1789 = arith.mulf %broadcast_in_dim3A_1729, %sub3A_1788 : vector<16xf32>
        %add3A_1790 = arith.addf %add3A_1781, %mul3A_1789 : vector<16xf32>
        %sub3A_1791 = arith.subf %add3A_1790, %add3A_1787 : vector<16xf32>
        %mul3A_1792 = arith.mulf %broadcast_in_dim3A_1732, %sub3A_1791 : vector<16xf32>
        %add3A_1793 = arith.addf %add3A_1787, %mul3A_1792 : vector<16xf32>
        %swap3A_1794 = arith.index_cast %add3A_1723 : i32 to index
        %swap3A_1795 = arith.constant 0 : index
        %swap3A_1796 = tpu.vector_load %arg11[%swap3A_1794, %swap3A_1795] {strides = array<i32>} : memref<512x16xf32, #tpu.memory_space<vmem>>, vector<16xf32>,
        tpu.vector_store %arg11[%swap3A_1794, %swap3A_1795], %add3A_1793 {strides = array<i32>} : memref<512x16xf32, #tpu.memory_space<vmem>>, vector<16xf32>,
        %mul3A_1797 = arith.constant 16 : i32
        %mul3A_1798 = arith.muli %scan3A_789, %mul3A_1797 : i32
        %add3A_1799 = arith.constant 13 : i32
        %add3A_1800 = arith.addi %mul3A_1798, %add3A_1799 : i32
        %slice3A_1801 = vector.extract_strided_slice %get3A_792 {offsets = [13], sizes = [1], strides = [1]} : vector<16xf32> to vector<1xf32>
        %squeeze3A_1802 = vector.extract %slice3A_1801[0] : f32 from vector<1xf32>
        %broadcast_in_dim3A_1803 = vector.broadcast %squeeze3A_1802 : f32 to vector<16xf32>
        %slice3A_1804 = vector.extract_strided_slice %get3A_796 {offsets = [13], sizes = [1], strides = [1]} : vector<16xf32> to vector<1xf32>
        %squeeze3A_1805 = vector.extract %slice3A_1804[0] : f32 from vector<1xf32>
        %broadcast_in_dim3A_1806 = vector.broadcast %squeeze3A_1805 : f32 to vector<16xf32>
        %slice3A_1807 = vector.extract_strided_slice %get3A_800 {offsets = [13], sizes = [1], strides = [1]} : vector<16xf32> to vector<1xf32>
        %squeeze3A_1808 = vector.extract %slice3A_1807[0] : f32 from vector<1xf32>
        %broadcast_in_dim3A_1809 = vector.broadcast %squeeze3A_1808 : f32 to vector<16xf32>
        %get3A_1810 = arith.constant 0 : i32
        %get3A_1811 = arith.index_cast %get3A_1810 : i32 to index
        %get3A_1812 = arith.index_cast %add3A_1800 : i32 to index
        %get3A_1813 = arith.constant 0 : index
        %get3A_1814 = tpu.vector_load %arg10[%get3A_1811, %get3A_1812, %get3A_1813] {strides = array<i32>} : memref<8x512x16xf32, #tpu.memory_space<vmem>>, vector<16xf32>,
        %get3A_1815 = arith.constant 1 : i32
        %get3A_1816 = arith.index_cast %get3A_1815 : i32 to index
        %get3A_1817 = arith.index_cast %add3A_1800 : i32 to index
        %get3A_1818 = arith.constant 0 : index
        %get3A_1819 = tpu.vector_load %arg10[%get3A_1816, %get3A_1817, %get3A_1818] {strides = array<i32>} : memref<8x512x16xf32, #tpu.memory_space<vmem>>, vector<16xf32>,
        %get3A_1820 = arith.constant 2 : i32
        %get3A_1821 = arith.index_cast %get3A_1820 : i32 to index
        %get3A_1822 = arith.index_cast %add3A_1800 : i32 to index
        %get3A_1823 = arith.constant 0 : index
        %get3A_1824 = tpu.vector_load %arg10[%get3A_1821, %get3A_1822, %get3A_1823] {strides = array<i32>} : memref<8x512x16xf32, #tpu.memory_space<vmem>>, vector<16xf32>,
        %get3A_1825 = arith.constant 3 : i32
        %get3A_1826 = arith.index_cast %get3A_1825 : i32 to index
        %get3A_1827 = arith.index_cast %add3A_1800 : i32 to index
        %get3A_1828 = arith.constant 0 : index
        %get3A_1829 = tpu.vector_load %arg10[%get3A_1826, %get3A_1827, %get3A_1828] {strides = array<i32>} : memref<8x512x16xf32, #tpu.memory_space<vmem>>, vector<16xf32>,
        %get3A_1830 = arith.constant 4 : i32
        %get3A_1831 = arith.index_cast %get3A_1830 : i32 to index
        %get3A_1832 = arith.index_cast %add3A_1800 : i32 to index
        %get3A_1833 = arith.constant 0 : index
        %get3A_1834 = tpu.vector_load %arg10[%get3A_1831, %get3A_1832, %get3A_1833] {strides = array<i32>} : memref<8x512x16xf32, #tpu.memory_space<vmem>>, vector<16xf32>,
        %get3A_1835 = arith.constant 5 : i32
        %get3A_1836 = arith.index_cast %get3A_1835 : i32 to index
        %get3A_1837 = arith.index_cast %add3A_1800 : i32 to index
        %get3A_1838 = arith.constant 0 : index
        %get3A_1839 = tpu.vector_load %arg10[%get3A_1836, %get3A_1837, %get3A_1838] {strides = array<i32>} : memref<8x512x16xf32, #tpu.memory_space<vmem>>, vector<16xf32>,
        %get3A_1840 = arith.constant 6 : i32
        %get3A_1841 = arith.index_cast %get3A_1840 : i32 to index
        %get3A_1842 = arith.index_cast %add3A_1800 : i32 to index
        %get3A_1843 = arith.constant 0 : index
        %get3A_1844 = tpu.vector_load %arg10[%get3A_1841, %get3A_1842, %get3A_1843] {strides = array<i32>} : memref<8x512x16xf32, #tpu.memory_space<vmem>>, vector<16xf32>,
        %get3A_1845 = arith.constant 7 : i32
        %get3A_1846 = arith.index_cast %get3A_1845 : i32 to index
        %get3A_1847 = arith.index_cast %add3A_1800 : i32 to index
        %get3A_1848 = arith.constant 0 : index
        %get3A_1849 = tpu.vector_load %arg10[%get3A_1846, %get3A_1847, %get3A_1848] {strides = array<i32>} : memref<8x512x16xf32, #tpu.memory_space<vmem>>, vector<16xf32>,
        %sub3A_1850 = arith.subf %get3A_1819, %get3A_1814 : vector<16xf32>
        %mul3A_1851 = arith.mulf %broadcast_in_dim3A_1803, %sub3A_1850 : vector<16xf32>
        %add3A_1852 = arith.addf %get3A_1814, %mul3A_1851 : vector<16xf32>
        %sub3A_1853 = arith.subf %get3A_1829, %get3A_1824 : vector<16xf32>
        %mul3A_1854 = arith.mulf %broadcast_in_dim3A_1803, %sub3A_1853 : vector<16xf32>
        %add3A_1855 = arith.addf %get3A_1824, %mul3A_1854 : vector<16xf32>
        %sub3A_1856 = arith.subf %get3A_1839, %get3A_1834 : vector<16xf32>
        %mul3A_1857 = arith.mulf %broadcast_in_dim3A_1803, %sub3A_1856 : vector<16xf32>
        %add3A_1858 = arith.addf %get3A_1834, %mul3A_1857 : vector<16xf32>
        %sub3A_1859 = arith.subf %get3A_1849, %get3A_1844 : vector<16xf32>
        %mul3A_1860 = arith.mulf %broadcast_in_dim3A_1803, %sub3A_1859 : vector<16xf32>
        %add3A_1861 = arith.addf %get3A_1844, %mul3A_1860 : vector<16xf32>
        %sub3A_1862 = arith.subf %add3A_1855, %add3A_1852 : vector<16xf32>
        %mul3A_1863 = arith.mulf %broadcast_in_dim3A_1806, %sub3A_1862 : vector<16xf32>
        %add3A_1864 = arith.addf %add3A_1852, %mul3A_1863 : vector<16xf32>
        %sub3A_1865 = arith.subf %add3A_1861, %add3A_1858 : vector<16xf32>
        %mul3A_1866 = arith.mulf %broadcast_in_dim3A_1806, %sub3A_1865 : vector<16xf32>
        %add3A_1867 = arith.addf %add3A_1858, %mul3A_1866 : vector<16xf32>
        %sub3A_1868 = arith.subf %add3A_1867, %add3A_1864 : vector<16xf32>
        %mul3A_1869 = arith.mulf %broadcast_in_dim3A_1809, %sub3A_1868 : vector<16xf32>
        %add3A_1870 = arith.addf %add3A_1864, %mul3A_1869 : vector<16xf32>
        %swap3A_1871 = arith.index_cast %add3A_1800 : i32 to index
        %swap3A_1872 = arith.constant 0 : index
        %swap3A_1873 = tpu.vector_load %arg11[%swap3A_1871, %swap3A_1872] {strides = array<i32>} : memref<512x16xf32, #tpu.memory_space<vmem>>, vector<16xf32>,
        tpu.vector_store %arg11[%swap3A_1871, %swap3A_1872], %add3A_1870 {strides = array<i32>} : memref<512x16xf32, #tpu.memory_space<vmem>>, vector<16xf32>,
        %mul3A_1874 = arith.constant 16 : i32
        %mul3A_1875 = arith.muli %scan3A_789, %mul3A_1874 : i32
        %add3A_1876 = arith.constant 14 : i32
        %add3A_1877 = arith.addi %mul3A_1875, %add3A_1876 : i32
        %slice3A_1878 = vector.extract_strided_slice %get3A_792 {offsets = [14], sizes = [1], strides = [1]} : vector<16xf32> to vector<1xf32>
        %squeeze3A_1879 = vector.extract %slice3A_1878[0] : f32 from vector<1xf32>
        %broadcast_in_dim3A_1880 = vector.broadcast %squeeze3A_1879 : f32 to vector<16xf32>
        %slice3A_1881 = vector.extract_strided_slice %get3A_796 {offsets = [14], sizes = [1], strides = [1]} : vector<16xf32> to vector<1xf32>
        %squeeze3A_1882 = vector.extract %slice3A_1881[0] : f32 from vector<1xf32>
        %broadcast_in_dim3A_1883 = vector.broadcast %squeeze3A_1882 : f32 to vector<16xf32>
        %slice3A_1884 = vector.extract_strided_slice %get3A_800 {offsets = [14], sizes = [1], strides = [1]} : vector<16xf32> to vector<1xf32>
        %squeeze3A_1885 = vector.extract %slice3A_1884[0] : f32 from vector<1xf32>
        %broadcast_in_dim3A_1886 = vector.broadcast %squeeze3A_1885 : f32 to vector<16xf32>
        %get3A_1887 = arith.constant 0 : i32
        %get3A_1888 = arith.index_cast %get3A_1887 : i32 to index
        %get3A_1889 = arith.index_cast %add3A_1877 : i32 to index
        %get3A_1890 = arith.constant 0 : index
        %get3A_1891 = tpu.vector_load %arg10[%get3A_1888, %get3A_1889, %get3A_1890] {strides = array<i32>} : memref<8x512x16xf32, #tpu.memory_space<vmem>>, vector<16xf32>,
        %get3A_1892 = arith.constant 1 : i32
        %get3A_1893 = arith.index_cast %get3A_1892 : i32 to index
        %get3A_1894 = arith.index_cast %add3A_1877 : i32 to index
        %get3A_1895 = arith.constant 0 : index
        %get3A_1896 = tpu.vector_load %arg10[%get3A_1893, %get3A_1894, %get3A_1895] {strides = array<i32>} : memref<8x512x16xf32, #tpu.memory_space<vmem>>, vector<16xf32>,
        %get3A_1897 = arith.constant 2 : i32
        %get3A_1898 = arith.index_cast %get3A_1897 : i32 to index
        %get3A_1899 = arith.index_cast %add3A_1877 : i32 to index
        %get3A_1900 = arith.constant 0 : index
        %get3A_1901 = tpu.vector_load %arg10[%get3A_1898, %get3A_1899, %get3A_1900] {strides = array<i32>} : memref<8x512x16xf32, #tpu.memory_space<vmem>>, vector<16xf32>,
        %get3A_1902 = arith.constant 3 : i32
        %get3A_1903 = arith.index_cast %get3A_1902 : i32 to index
        %get3A_1904 = arith.index_cast %add3A_1877 : i32 to index
        %get3A_1905 = arith.constant 0 : index
        %get3A_1906 = tpu.vector_load %arg10[%get3A_1903, %get3A_1904, %get3A_1905] {strides = array<i32>} : memref<8x512x16xf32, #tpu.memory_space<vmem>>, vector<16xf32>,
        %get3A_1907 = arith.constant 4 : i32
        %get3A_1908 = arith.index_cast %get3A_1907 : i32 to index
        %get3A_1909 = arith.index_cast %add3A_1877 : i32 to index
        %get3A_1910 = arith.constant 0 : index
        %get3A_1911 = tpu.vector_load %arg10[%get3A_1908, %get3A_1909, %get3A_1910] {strides = array<i32>} : memref<8x512x16xf32, #tpu.memory_space<vmem>>, vector<16xf32>,
        %get3A_1912 = arith.constant 5 : i32
        %get3A_1913 = arith.index_cast %get3A_1912 : i32 to index
        %get3A_1914 = arith.index_cast %add3A_1877 : i32 to index
        %get3A_1915 = arith.constant 0 : index
        %get3A_1916 = tpu.vector_load %arg10[%get3A_1913, %get3A_1914, %get3A_1915] {strides = array<i32>} : memref<8x512x16xf32, #tpu.memory_space<vmem>>, vector<16xf32>,
        %get3A_1917 = arith.constant 6 : i32
        %get3A_1918 = arith.index_cast %get3A_1917 : i32 to index
        %get3A_1919 = arith.index_cast %add3A_1877 : i32 to index
        %get3A_1920 = arith.constant 0 : index
        %get3A_1921 = tpu.vector_load %arg10[%get3A_1918, %get3A_1919, %get3A_1920] {strides = array<i32>} : memref<8x512x16xf32, #tpu.memory_space<vmem>>, vector<16xf32>,
        %get3A_1922 = arith.constant 7 : i32
        %get3A_1923 = arith.index_cast %get3A_1922 : i32 to index
        %get3A_1924 = arith.index_cast %add3A_1877 : i32 to index
        %get3A_1925 = arith.constant 0 : index
        %get3A_1926 = tpu.vector_load %arg10[%get3A_1923, %get3A_1924, %get3A_1925] {strides = array<i32>} : memref<8x512x16xf32, #tpu.memory_space<vmem>>, vector<16xf32>,
        %sub3A_1927 = arith.subf %get3A_1896, %get3A_1891 : vector<16xf32>
        %mul3A_1928 = arith.mulf %broadcast_in_dim3A_1880, %sub3A_1927 : vector<16xf32>
        %add3A_1929 = arith.addf %get3A_1891, %mul3A_1928 : vector<16xf32>
        %sub3A_1930 = arith.subf %get3A_1906, %get3A_1901 : vector<16xf32>
        %mul3A_1931 = arith.mulf %broadcast_in_dim3A_1880, %sub3A_1930 : vector<16xf32>
        %add3A_1932 = arith.addf %get3A_1901, %mul3A_1931 : vector<16xf32>
        %sub3A_1933 = arith.subf %get3A_1916, %get3A_1911 : vector<16xf32>
        %mul3A_1934 = arith.mulf %broadcast_in_dim3A_1880, %sub3A_1933 : vector<16xf32>
        %add3A_1935 = arith.addf %get3A_1911, %mul3A_1934 : vector<16xf32>
        %sub3A_1936 = arith.subf %get3A_1926, %get3A_1921 : vector<16xf32>
        %mul3A_1937 = arith.mulf %broadcast_in_dim3A_1880, %sub3A_1936 : vector<16xf32>
        %add3A_1938 = arith.addf %get3A_1921, %mul3A_1937 : vector<16xf32>
        %sub3A_1939 = arith.subf %add3A_1932, %add3A_1929 : vector<16xf32>
        %mul3A_1940 = arith.mulf %broadcast_in_dim3A_1883, %sub3A_1939 : vector<16xf32>
        %add3A_1941 = arith.addf %add3A_1929, %mul3A_1940 : vector<16xf32>
        %sub3A_1942 = arith.subf %add3A_1938, %add3A_1935 : vector<16xf32>
        %mul3A_1943 = arith.mulf %broadcast_in_dim3A_1883, %sub3A_1942 : vector<16xf32>
        %add3A_1944 = arith.addf %add3A_1935, %mul3A_1943 : vector<16xf32>
        %sub3A_1945 = arith.subf %add3A_1944, %add3A_1941 : vector<16xf32>
        %mul3A_1946 = arith.mulf %broadcast_in_dim3A_1886, %sub3A_1945 : vector<16xf32>
        %add3A_1947 = arith.addf %add3A_1941, %mul3A_1946 : vector<16xf32>
        %swap3A_1948 = arith.index_cast %add3A_1877 : i32 to index
        %swap3A_1949 = arith.constant 0 : index
        %swap3A_1950 = tpu.vector_load %arg11[%swap3A_1948, %swap3A_1949] {strides = array<i32>} : memref<512x16xf32, #tpu.memory_space<vmem>>, vector<16xf32>,
        tpu.vector_store %arg11[%swap3A_1948, %swap3A_1949], %add3A_1947 {strides = array<i32>} : memref<512x16xf32, #tpu.memory_space<vmem>>, vector<16xf32>,
        %mul3A_1951 = arith.constant 16 : i32
        %mul3A_1952 = arith.muli %scan3A_789, %mul3A_1951 : i32
        %add3A_1953 = arith.constant 15 : i32
        %add3A_1954 = arith.addi %mul3A_1952, %add3A_1953 : i32
        %slice3A_1955 = vector.extract_strided_slice %get3A_792 {offsets = [15], sizes = [1], strides = [1]} : vector<16xf32> to vector<1xf32>
        %squeeze3A_1956 = vector.extract %slice3A_1955[0] : f32 from vector<1xf32>
        %broadcast_in_dim3A_1957 = vector.broadcast %squeeze3A_1956 : f32 to vector<16xf32>
        %slice3A_1958 = vector.extract_strided_slice %get3A_796 {offsets = [15], sizes = [1], strides = [1]} : vector<16xf32> to vector<1xf32>
        %squeeze3A_1959 = vector.extract %slice3A_1958[0] : f32 from vector<1xf32>
        %broadcast_in_dim3A_1960 = vector.broadcast %squeeze3A_1959 : f32 to vector<16xf32>
        %slice3A_1961 = vector.extract_strided_slice %get3A_800 {offsets = [15], sizes = [1], strides = [1]} : vector<16xf32> to vector<1xf32>
        %squeeze3A_1962 = vector.extract %slice3A_1961[0] : f32 from vector<1xf32>
        %broadcast_in_dim3A_1963 = vector.broadcast %squeeze3A_1962 : f32 to vector<16xf32>
        %get3A_1964 = arith.constant 0 : i32
        %get3A_1965 = arith.index_cast %get3A_1964 : i32 to index
        %get3A_1966 = arith.index_cast %add3A_1954 : i32 to index
        %get3A_1967 = arith.constant 0 : index
        %get3A_1968 = tpu.vector_load %arg10[%get3A_1965, %get3A_1966, %get3A_1967] {strides = array<i32>} : memref<8x512x16xf32, #tpu.memory_space<vmem>>, vector<16xf32>,
        %get3A_1969 = arith.constant 1 : i32
        %get3A_1970 = arith.index_cast %get3A_1969 : i32 to index
        %get3A_1971 = arith.index_cast %add3A_1954 : i32 to index
        %get3A_1972 = arith.constant 0 : index
        %get3A_1973 = tpu.vector_load %arg10[%get3A_1970, %get3A_1971, %get3A_1972] {strides = array<i32>} : memref<8x512x16xf32, #tpu.memory_space<vmem>>, vector<16xf32>,
        %get3A_1974 = arith.constant 2 : i32
        %get3A_1975 = arith.index_cast %get3A_1974 : i32 to index
        %get3A_1976 = arith.index_cast %add3A_1954 : i32 to index
        %get3A_1977 = arith.constant 0 : index
        %get3A_1978 = tpu.vector_load %arg10[%get3A_1975, %get3A_1976, %get3A_1977] {strides = array<i32>} : memref<8x512x16xf32, #tpu.memory_space<vmem>>, vector<16xf32>,
        %get3A_1979 = arith.constant 3 : i32
        %get3A_1980 = arith.index_cast %get3A_1979 : i32 to index
        %get3A_1981 = arith.index_cast %add3A_1954 : i32 to index
        %get3A_1982 = arith.constant 0 : index
        %get3A_1983 = tpu.vector_load %arg10[%get3A_1980, %get3A_1981, %get3A_1982] {strides = array<i32>} : memref<8x512x16xf32, #tpu.memory_space<vmem>>, vector<16xf32>,
        %get3A_1984 = arith.constant 4 : i32
        %get3A_1985 = arith.index_cast %get3A_1984 : i32 to index
        %get3A_1986 = arith.index_cast %add3A_1954 : i32 to index
        %get3A_1987 = arith.constant 0 : index
        %get3A_1988 = tpu.vector_load %arg10[%get3A_1985, %get3A_1986, %get3A_1987] {strides = array<i32>} : memref<8x512x16xf32, #tpu.memory_space<vmem>>, vector<16xf32>,
        %get3A_1989 = arith.constant 5 : i32
        %get3A_1990 = arith.index_cast %get3A_1989 : i32 to index
        %get3A_1991 = arith.index_cast %add3A_1954 : i32 to index
        %get3A_1992 = arith.constant 0 : index
        %get3A_1993 = tpu.vector_load %arg10[%get3A_1990, %get3A_1991, %get3A_1992] {strides = array<i32>} : memref<8x512x16xf32, #tpu.memory_space<vmem>>, vector<16xf32>,
        %get3A_1994 = arith.constant 6 : i32
        %get3A_1995 = arith.index_cast %get3A_1994 : i32 to index
        %get3A_1996 = arith.index_cast %add3A_1954 : i32 to index
        %get3A_1997 = arith.constant 0 : index
        %get3A_1998 = tpu.vector_load %arg10[%get3A_1995, %get3A_1996, %get3A_1997] {strides = array<i32>} : memref<8x512x16xf32, #tpu.memory_space<vmem>>, vector<16xf32>,
        %get3A_1999 = arith.constant 7 : i32
        %get3A_2000 = arith.index_cast %get3A_1999 : i32 to index
        %get3A_2001 = arith.index_cast %add3A_1954 : i32 to index
        %get3A_2002 = arith.constant 0 : index
        %get3A_2003 = tpu.vector_load %arg10[%get3A_2000, %get3A_2001, %get3A_2002] {strides = array<i32>} : memref<8x512x16xf32, #tpu.memory_space<vmem>>, vector<16xf32>,
        %sub3A_2004 = arith.subf %get3A_1973, %get3A_1968 : vector<16xf32>
        %mul3A_2005 = arith.mulf %broadcast_in_dim3A_1957, %sub3A_2004 : vector<16xf32>
        %add3A_2006 = arith.addf %get3A_1968, %mul3A_2005 : vector<16xf32>
        %sub3A_2007 = arith.subf %get3A_1983, %get3A_1978 : vector<16xf32>
        %mul3A_2008 = arith.mulf %broadcast_in_dim3A_1957, %sub3A_2007 : vector<16xf32>
        %add3A_2009 = arith.addf %get3A_1978, %mul3A_2008 : vector<16xf32>
        %sub3A_2010 = arith.subf %get3A_1993, %get3A_1988 : vector<16xf32>
        %mul3A_2011 = arith.mulf %broadcast_in_dim3A_1957, %sub3A_2010 : vector<16xf32>
        %add3A_2012 = arith.addf %get3A_1988, %mul3A_2011 : vector<16xf32>
        %sub3A_2013 = arith.subf %get3A_2003, %get3A_1998 : vector<16xf32>
        %mul3A_2014 = arith.mulf %broadcast_in_dim3A_1957, %sub3A_2013 : vector<16xf32>
        %add3A_2015 = arith.addf %get3A_1998, %mul3A_2014 : vector<16xf32>
        %sub3A_2016 = arith.subf %add3A_2009, %add3A_2006 : vector<16xf32>
        %mul3A_2017 = arith.mulf %broadcast_in_dim3A_1960, %sub3A_2016 : vector<16xf32>
        %add3A_2018 = arith.addf %add3A_2006, %mul3A_2017 : vector<16xf32>
        %sub3A_2019 = arith.subf %add3A_2015, %add3A_2012 : vector<16xf32>
        %mul3A_2020 = arith.mulf %broadcast_in_dim3A_1960, %sub3A_2019 : vector<16xf32>
        %add3A_2021 = arith.addf %add3A_2012, %mul3A_2020 : vector<16xf32>
        %sub3A_2022 = arith.subf %add3A_2021, %add3A_2018 : vector<16xf32>
        %mul3A_2023 = arith.mulf %broadcast_in_dim3A_1963, %sub3A_2022 : vector<16xf32>
        %add3A_2024 = arith.addf %add3A_2018, %mul3A_2023 : vector<16xf32>
        %swap3A_2025 = arith.index_cast %add3A_1954 : i32 to index
        %swap3A_2026 = arith.constant 0 : index
        %swap3A_2027 = tpu.vector_load %arg11[%swap3A_2025, %swap3A_2026] {strides = array<i32>} : memref<512x16xf32, #tpu.memory_space<vmem>>, vector<16xf32>,
        tpu.vector_store %arg11[%swap3A_2025, %swap3A_2026], %add3A_2024 {strides = array<i32>} : memref<512x16xf32, #tpu.memory_space<vmem>>, vector<16xf32>,
      }
      %scan3A_788 = arith.constant 32 : i32
      "tpu.region"() ({
        %run_scoped3A = tpu.sem_alloc : memref<!tpu.dma_semaphore, #tpu.memory_space<semaphore_mem>>
        %dma_start3A_789 = arith.constant 0 : i32
        %dma_start3A_790 = tpu.memref_slice %arg4[%add3A_10, %dma_start3A_789] : memref<1048576x16xf32, #tpu.memory_space<hbm>> -> memref<512x16xf32, #tpu.memory_space<hbm>>
        %dma_start3A_791 = arith.constant 0 : i32
        %dma_start3A_792 = tpu.memref_slice %arg4[%add3A_10, %dma_start3A_791] : memref<1048576x16xf32, #tpu.memory_space<hbm>> -> memref<512x16xf32, #tpu.memory_space<hbm>>
        tpu.enqueue_dma source(%arg11 : memref<512x16xf32, #tpu.memory_space<vmem>>) target(%dma_start3A_792 : memref<512x16xf32, #tpu.memory_space<hbm>>) target_semaphore(%run_scoped3A : memref<!tpu.dma_semaphore, #tpu.memory_space<semaphore_mem>>)
        %dma_wait3A_793 = arith.constant 0 : i32
        %dma_wait3A_794 = tpu.memref_slice %arg4[%add3A_10, %dma_wait3A_793] : memref<1048576x16xf32, #tpu.memory_space<hbm>> -> memref<512x16xf32, #tpu.memory_space<hbm>>
        %dma_wait3A_795 = arith.constant 0 : i32
        %dma_wait3A_796 = tpu.memref_slice %arg4[%add3A_10, %dma_wait3A_795] : memref<1048576x16xf32, #tpu.memory_space<hbm>> -> memref<512x16xf32, #tpu.memory_space<hbm>>
        tpu.wait_dma2 semaphore(%run_scoped3A : memref<!tpu.dma_semaphore, #tpu.memory_space<semaphore_mem>>) src(%arg11 : memref<512x16xf32, #tpu.memory_space<vmem>>) dst(%dma_wait3A_796 : memref<512x16xf32, #tpu.memory_space<hbm>>)
        tpu.yield
      }) : () -> ()
    }
    %scan3A_6 = arith.constant 64 : i32
    return
  }
}

#map = affine_map<(d0, d1) -> (0)>
#map1 = affine_map<(d0, d1) -> (0, 0)>
module attributes {stable_mosaic.version = 14 : i64} {
  func.func @_sc_transpose(%arg0: i32, %arg1: i32, %arg2: memref<33554432xf32, #tpu.memory_space<hbm>>, %arg3: memref<2097152x16xf32, #tpu.memory_space<hbm>>, %arg4: memref<32768xf32, #tpu.memory_space<vmem>>, %arg5: memref<2048x16xf32, #tpu.memory_space<vmem>>, %arg6: memref<!tpu.dma_semaphore, #tpu.memory_space<semaphore_mem>>) attributes {dimension_semantics = [#tpu.dimension_semantics<core_parallel>, #tpu.dimension_semantics<subcore_parallel>], iteration_bounds = array<i64: 2, 16>, scalar_prefetch = 0 : i64, scratch_operands = 3 : i64, tpu.core_type = #tpu.core_type<sc_vector_subcore>, window_params = [{transform_indices = #map}, {transform_indices = #map1}]} {
    %mul3A = arith.constant 2 : i32
    %mul3A_0 = arith.muli %arg1, %mul3A : i32
    %add3A = arith.addi %mul3A_0, %arg0 : i32
    %mul3A_1 = arith.constant 65536 : i32
    %mul3A_2 = arith.muli %add3A, %mul3A_1 : i32
    %scan3A = arith.constant 0 : i32
    %scan3A_3 = arith.constant 32 : i32
    %scan3A_4 = arith.addi %scan3A, %scan3A_3 : i32
    %scan3A_5 = arith.constant 1 : i32
    scf.for %scan3A_7 = %scan3A to %scan3A_4 step %scan3A_5  : i32 {
      %mul3A_8 = arith.constant 2048 : i32
      %mul3A_9 = arith.muli %scan3A_7, %mul3A_8 : i32
      %add3A_10 = arith.addi %mul3A_2, %mul3A_9 : i32
      %add3A_11 = arith.constant 0 : i32
      %add3A_12 = arith.addi %add3A_11, %add3A_10 : i32
      %dma_start3A = arith.constant 0 : i32
      %dma_start3A_13 = tpu.memref_slice %arg4[%dma_start3A] : memref<32768xf32, #tpu.memory_space<vmem>> -> memref<2048xf32, #tpu.memory_space<vmem>>
      %dma_start3A_14 = tpu.memref_slice %arg2[%add3A_12] : memref<33554432xf32, #tpu.memory_space<hbm>> -> memref<2048xf32, #tpu.memory_space<hbm>>
      %dma_start3A_15 = arith.constant 0 : i32
      %dma_start3A_16 = tpu.memref_slice %arg4[%dma_start3A_15] : memref<32768xf32, #tpu.memory_space<vmem>> -> memref<2048xf32, #tpu.memory_space<vmem>>
      %dma_start3A_17 = tpu.memref_slice %arg2[%add3A_12] : memref<33554432xf32, #tpu.memory_space<hbm>> -> memref<2048xf32, #tpu.memory_space<hbm>>
      tpu.enqueue_dma source(%dma_start3A_17 : memref<2048xf32, #tpu.memory_space<hbm>>) target(%dma_start3A_16 : memref<2048xf32, #tpu.memory_space<vmem>>) target_semaphore(%arg6 : memref<!tpu.dma_semaphore, #tpu.memory_space<semaphore_mem>>)
      %add3A_18 = arith.constant 2097152 : i32
      %add3A_19 = arith.addi %add3A_18, %add3A_10 : i32
      %dma_start3A_20 = arith.constant 2048 : i32
      %dma_start3A_21 = tpu.memref_slice %arg4[%dma_start3A_20] : memref<32768xf32, #tpu.memory_space<vmem>> -> memref<2048xf32, #tpu.memory_space<vmem>>
      %dma_start3A_22 = tpu.memref_slice %arg2[%add3A_19] : memref<33554432xf32, #tpu.memory_space<hbm>> -> memref<2048xf32, #tpu.memory_space<hbm>>
      %dma_start3A_23 = arith.constant 2048 : i32
      %dma_start3A_24 = tpu.memref_slice %arg4[%dma_start3A_23] : memref<32768xf32, #tpu.memory_space<vmem>> -> memref<2048xf32, #tpu.memory_space<vmem>>
      %dma_start3A_25 = tpu.memref_slice %arg2[%add3A_19] : memref<33554432xf32, #tpu.memory_space<hbm>> -> memref<2048xf32, #tpu.memory_space<hbm>>
      tpu.enqueue_dma source(%dma_start3A_25 : memref<2048xf32, #tpu.memory_space<hbm>>) target(%dma_start3A_24 : memref<2048xf32, #tpu.memory_space<vmem>>) target_semaphore(%arg6 : memref<!tpu.dma_semaphore, #tpu.memory_space<semaphore_mem>>)
      %add3A_26 = arith.constant 4194304 : i32
      %add3A_27 = arith.addi %add3A_26, %add3A_10 : i32
      %dma_start3A_28 = arith.constant 4096 : i32
      %dma_start3A_29 = tpu.memref_slice %arg4[%dma_start3A_28] : memref<32768xf32, #tpu.memory_space<vmem>> -> memref<2048xf32, #tpu.memory_space<vmem>>
      %dma_start3A_30 = tpu.memref_slice %arg2[%add3A_27] : memref<33554432xf32, #tpu.memory_space<hbm>> -> memref<2048xf32, #tpu.memory_space<hbm>>
      %dma_start3A_31 = arith.constant 4096 : i32
      %dma_start3A_32 = tpu.memref_slice %arg4[%dma_start3A_31] : memref<32768xf32, #tpu.memory_space<vmem>> -> memref<2048xf32, #tpu.memory_space<vmem>>
      %dma_start3A_33 = tpu.memref_slice %arg2[%add3A_27] : memref<33554432xf32, #tpu.memory_space<hbm>> -> memref<2048xf32, #tpu.memory_space<hbm>>
      tpu.enqueue_dma source(%dma_start3A_33 : memref<2048xf32, #tpu.memory_space<hbm>>) target(%dma_start3A_32 : memref<2048xf32, #tpu.memory_space<vmem>>) target_semaphore(%arg6 : memref<!tpu.dma_semaphore, #tpu.memory_space<semaphore_mem>>)
      %add3A_34 = arith.constant 6291456 : i32
      %add3A_35 = arith.addi %add3A_34, %add3A_10 : i32
      %dma_start3A_36 = arith.constant 6144 : i32
      %dma_start3A_37 = tpu.memref_slice %arg4[%dma_start3A_36] : memref<32768xf32, #tpu.memory_space<vmem>> -> memref<2048xf32, #tpu.memory_space<vmem>>
      %dma_start3A_38 = tpu.memref_slice %arg2[%add3A_35] : memref<33554432xf32, #tpu.memory_space<hbm>> -> memref<2048xf32, #tpu.memory_space<hbm>>
      %dma_start3A_39 = arith.constant 6144 : i32
      %dma_start3A_40 = tpu.memref_slice %arg4[%dma_start3A_39] : memref<32768xf32, #tpu.memory_space<vmem>> -> memref<2048xf32, #tpu.memory_space<vmem>>
      %dma_start3A_41 = tpu.memref_slice %arg2[%add3A_35] : memref<33554432xf32, #tpu.memory_space<hbm>> -> memref<2048xf32, #tpu.memory_space<hbm>>
      tpu.enqueue_dma source(%dma_start3A_41 : memref<2048xf32, #tpu.memory_space<hbm>>) target(%dma_start3A_40 : memref<2048xf32, #tpu.memory_space<vmem>>) target_semaphore(%arg6 : memref<!tpu.dma_semaphore, #tpu.memory_space<semaphore_mem>>)
      %add3A_42 = arith.constant 8388608 : i32
      %add3A_43 = arith.addi %add3A_42, %add3A_10 : i32
      %dma_start3A_44 = arith.constant 8192 : i32
      %dma_start3A_45 = tpu.memref_slice %arg4[%dma_start3A_44] : memref<32768xf32, #tpu.memory_space<vmem>> -> memref<2048xf32, #tpu.memory_space<vmem>>
      %dma_start3A_46 = tpu.memref_slice %arg2[%add3A_43] : memref<33554432xf32, #tpu.memory_space<hbm>> -> memref<2048xf32, #tpu.memory_space<hbm>>
      %dma_start3A_47 = arith.constant 8192 : i32
      %dma_start3A_48 = tpu.memref_slice %arg4[%dma_start3A_47] : memref<32768xf32, #tpu.memory_space<vmem>> -> memref<2048xf32, #tpu.memory_space<vmem>>
      %dma_start3A_49 = tpu.memref_slice %arg2[%add3A_43] : memref<33554432xf32, #tpu.memory_space<hbm>> -> memref<2048xf32, #tpu.memory_space<hbm>>
      tpu.enqueue_dma source(%dma_start3A_49 : memref<2048xf32, #tpu.memory_space<hbm>>) target(%dma_start3A_48 : memref<2048xf32, #tpu.memory_space<vmem>>) target_semaphore(%arg6 : memref<!tpu.dma_semaphore, #tpu.memory_space<semaphore_mem>>)
      %add3A_50 = arith.constant 10485760 : i32
      %add3A_51 = arith.addi %add3A_50, %add3A_10 : i32
      %dma_start3A_52 = arith.constant 10240 : i32
      %dma_start3A_53 = tpu.memref_slice %arg4[%dma_start3A_52] : memref<32768xf32, #tpu.memory_space<vmem>> -> memref<2048xf32, #tpu.memory_space<vmem>>
      %dma_start3A_54 = tpu.memref_slice %arg2[%add3A_51] : memref<33554432xf32, #tpu.memory_space<hbm>> -> memref<2048xf32, #tpu.memory_space<hbm>>
      %dma_start3A_55 = arith.constant 10240 : i32
      %dma_start3A_56 = tpu.memref_slice %arg4[%dma_start3A_55] : memref<32768xf32, #tpu.memory_space<vmem>> -> memref<2048xf32, #tpu.memory_space<vmem>>
      %dma_start3A_57 = tpu.memref_slice %arg2[%add3A_51] : memref<33554432xf32, #tpu.memory_space<hbm>> -> memref<2048xf32, #tpu.memory_space<hbm>>
      tpu.enqueue_dma source(%dma_start3A_57 : memref<2048xf32, #tpu.memory_space<hbm>>) target(%dma_start3A_56 : memref<2048xf32, #tpu.memory_space<vmem>>) target_semaphore(%arg6 : memref<!tpu.dma_semaphore, #tpu.memory_space<semaphore_mem>>)
      %add3A_58 = arith.constant 12582912 : i32
      %add3A_59 = arith.addi %add3A_58, %add3A_10 : i32
      %dma_start3A_60 = arith.constant 12288 : i32
      %dma_start3A_61 = tpu.memref_slice %arg4[%dma_start3A_60] : memref<32768xf32, #tpu.memory_space<vmem>> -> memref<2048xf32, #tpu.memory_space<vmem>>
      %dma_start3A_62 = tpu.memref_slice %arg2[%add3A_59] : memref<33554432xf32, #tpu.memory_space<hbm>> -> memref<2048xf32, #tpu.memory_space<hbm>>
      %dma_start3A_63 = arith.constant 12288 : i32
      %dma_start3A_64 = tpu.memref_slice %arg4[%dma_start3A_63] : memref<32768xf32, #tpu.memory_space<vmem>> -> memref<2048xf32, #tpu.memory_space<vmem>>
      %dma_start3A_65 = tpu.memref_slice %arg2[%add3A_59] : memref<33554432xf32, #tpu.memory_space<hbm>> -> memref<2048xf32, #tpu.memory_space<hbm>>
      tpu.enqueue_dma source(%dma_start3A_65 : memref<2048xf32, #tpu.memory_space<hbm>>) target(%dma_start3A_64 : memref<2048xf32, #tpu.memory_space<vmem>>) target_semaphore(%arg6 : memref<!tpu.dma_semaphore, #tpu.memory_space<semaphore_mem>>)
      %add3A_66 = arith.constant 14680064 : i32
      %add3A_67 = arith.addi %add3A_66, %add3A_10 : i32
      %dma_start3A_68 = arith.constant 14336 : i32
      %dma_start3A_69 = tpu.memref_slice %arg4[%dma_start3A_68] : memref<32768xf32, #tpu.memory_space<vmem>> -> memref<2048xf32, #tpu.memory_space<vmem>>
      %dma_start3A_70 = tpu.memref_slice %arg2[%add3A_67] : memref<33554432xf32, #tpu.memory_space<hbm>> -> memref<2048xf32, #tpu.memory_space<hbm>>
      %dma_start3A_71 = arith.constant 14336 : i32
      %dma_start3A_72 = tpu.memref_slice %arg4[%dma_start3A_71] : memref<32768xf32, #tpu.memory_space<vmem>> -> memref<2048xf32, #tpu.memory_space<vmem>>
      %dma_start3A_73 = tpu.memref_slice %arg2[%add3A_67] : memref<33554432xf32, #tpu.memory_space<hbm>> -> memref<2048xf32, #tpu.memory_space<hbm>>
      tpu.enqueue_dma source(%dma_start3A_73 : memref<2048xf32, #tpu.memory_space<hbm>>) target(%dma_start3A_72 : memref<2048xf32, #tpu.memory_space<vmem>>) target_semaphore(%arg6 : memref<!tpu.dma_semaphore, #tpu.memory_space<semaphore_mem>>)
      %add3A_74 = arith.constant 16777216 : i32
      %add3A_75 = arith.addi %add3A_74, %add3A_10 : i32
      %dma_start3A_76 = arith.constant 16384 : i32
      %dma_start3A_77 = tpu.memref_slice %arg4[%dma_start3A_76] : memref<32768xf32, #tpu.memory_space<vmem>> -> memref<2048xf32, #tpu.memory_space<vmem>>
      %dma_start3A_78 = tpu.memref_slice %arg2[%add3A_75] : memref<33554432xf32, #tpu.memory_space<hbm>> -> memref<2048xf32, #tpu.memory_space<hbm>>
      %dma_start3A_79 = arith.constant 16384 : i32
      %dma_start3A_80 = tpu.memref_slice %arg4[%dma_start3A_79] : memref<32768xf32, #tpu.memory_space<vmem>> -> memref<2048xf32, #tpu.memory_space<vmem>>
      %dma_start3A_81 = tpu.memref_slice %arg2[%add3A_75] : memref<33554432xf32, #tpu.memory_space<hbm>> -> memref<2048xf32, #tpu.memory_space<hbm>>
      tpu.enqueue_dma source(%dma_start3A_81 : memref<2048xf32, #tpu.memory_space<hbm>>) target(%dma_start3A_80 : memref<2048xf32, #tpu.memory_space<vmem>>) target_semaphore(%arg6 : memref<!tpu.dma_semaphore, #tpu.memory_space<semaphore_mem>>)
      %add3A_82 = arith.constant 18874368 : i32
      %add3A_83 = arith.addi %add3A_82, %add3A_10 : i32
      %dma_start3A_84 = arith.constant 18432 : i32
      %dma_start3A_85 = tpu.memref_slice %arg4[%dma_start3A_84] : memref<32768xf32, #tpu.memory_space<vmem>> -> memref<2048xf32, #tpu.memory_space<vmem>>
      %dma_start3A_86 = tpu.memref_slice %arg2[%add3A_83] : memref<33554432xf32, #tpu.memory_space<hbm>> -> memref<2048xf32, #tpu.memory_space<hbm>>
      %dma_start3A_87 = arith.constant 18432 : i32
      %dma_start3A_88 = tpu.memref_slice %arg4[%dma_start3A_87] : memref<32768xf32, #tpu.memory_space<vmem>> -> memref<2048xf32, #tpu.memory_space<vmem>>
      %dma_start3A_89 = tpu.memref_slice %arg2[%add3A_83] : memref<33554432xf32, #tpu.memory_space<hbm>> -> memref<2048xf32, #tpu.memory_space<hbm>>
      tpu.enqueue_dma source(%dma_start3A_89 : memref<2048xf32, #tpu.memory_space<hbm>>) target(%dma_start3A_88 : memref<2048xf32, #tpu.memory_space<vmem>>) target_semaphore(%arg6 : memref<!tpu.dma_semaphore, #tpu.memory_space<semaphore_mem>>)
      %add3A_90 = arith.constant 20971520 : i32
      %add3A_91 = arith.addi %add3A_90, %add3A_10 : i32
      %dma_start3A_92 = arith.constant 20480 : i32
      %dma_start3A_93 = tpu.memref_slice %arg4[%dma_start3A_92] : memref<32768xf32, #tpu.memory_space<vmem>> -> memref<2048xf32, #tpu.memory_space<vmem>>
      %dma_start3A_94 = tpu.memref_slice %arg2[%add3A_91] : memref<33554432xf32, #tpu.memory_space<hbm>> -> memref<2048xf32, #tpu.memory_space<hbm>>
      %dma_start3A_95 = arith.constant 20480 : i32
      %dma_start3A_96 = tpu.memref_slice %arg4[%dma_start3A_95] : memref<32768xf32, #tpu.memory_space<vmem>> -> memref<2048xf32, #tpu.memory_space<vmem>>
      %dma_start3A_97 = tpu.memref_slice %arg2[%add3A_91] : memref<33554432xf32, #tpu.memory_space<hbm>> -> memref<2048xf32, #tpu.memory_space<hbm>>
      tpu.enqueue_dma source(%dma_start3A_97 : memref<2048xf32, #tpu.memory_space<hbm>>) target(%dma_start3A_96 : memref<2048xf32, #tpu.memory_space<vmem>>) target_semaphore(%arg6 : memref<!tpu.dma_semaphore, #tpu.memory_space<semaphore_mem>>)
      %add3A_98 = arith.constant 23068672 : i32
      %add3A_99 = arith.addi %add3A_98, %add3A_10 : i32
      %dma_start3A_100 = arith.constant 22528 : i32
      %dma_start3A_101 = tpu.memref_slice %arg4[%dma_start3A_100] : memref<32768xf32, #tpu.memory_space<vmem>> -> memref<2048xf32, #tpu.memory_space<vmem>>
      %dma_start3A_102 = tpu.memref_slice %arg2[%add3A_99] : memref<33554432xf32, #tpu.memory_space<hbm>> -> memref<2048xf32, #tpu.memory_space<hbm>>
      %dma_start3A_103 = arith.constant 22528 : i32
      %dma_start3A_104 = tpu.memref_slice %arg4[%dma_start3A_103] : memref<32768xf32, #tpu.memory_space<vmem>> -> memref<2048xf32, #tpu.memory_space<vmem>>
      %dma_start3A_105 = tpu.memref_slice %arg2[%add3A_99] : memref<33554432xf32, #tpu.memory_space<hbm>> -> memref<2048xf32, #tpu.memory_space<hbm>>
      tpu.enqueue_dma source(%dma_start3A_105 : memref<2048xf32, #tpu.memory_space<hbm>>) target(%dma_start3A_104 : memref<2048xf32, #tpu.memory_space<vmem>>) target_semaphore(%arg6 : memref<!tpu.dma_semaphore, #tpu.memory_space<semaphore_mem>>)
      %add3A_106 = arith.constant 25165824 : i32
      %add3A_107 = arith.addi %add3A_106, %add3A_10 : i32
      %dma_start3A_108 = arith.constant 24576 : i32
      %dma_start3A_109 = tpu.memref_slice %arg4[%dma_start3A_108] : memref<32768xf32, #tpu.memory_space<vmem>> -> memref<2048xf32, #tpu.memory_space<vmem>>
      %dma_start3A_110 = tpu.memref_slice %arg2[%add3A_107] : memref<33554432xf32, #tpu.memory_space<hbm>> -> memref<2048xf32, #tpu.memory_space<hbm>>
      %dma_start3A_111 = arith.constant 24576 : i32
      %dma_start3A_112 = tpu.memref_slice %arg4[%dma_start3A_111] : memref<32768xf32, #tpu.memory_space<vmem>> -> memref<2048xf32, #tpu.memory_space<vmem>>
      %dma_start3A_113 = tpu.memref_slice %arg2[%add3A_107] : memref<33554432xf32, #tpu.memory_space<hbm>> -> memref<2048xf32, #tpu.memory_space<hbm>>
      tpu.enqueue_dma source(%dma_start3A_113 : memref<2048xf32, #tpu.memory_space<hbm>>) target(%dma_start3A_112 : memref<2048xf32, #tpu.memory_space<vmem>>) target_semaphore(%arg6 : memref<!tpu.dma_semaphore, #tpu.memory_space<semaphore_mem>>)
      %add3A_114 = arith.constant 27262976 : i32
      %add3A_115 = arith.addi %add3A_114, %add3A_10 : i32
      %dma_start3A_116 = arith.constant 26624 : i32
      %dma_start3A_117 = tpu.memref_slice %arg4[%dma_start3A_116] : memref<32768xf32, #tpu.memory_space<vmem>> -> memref<2048xf32, #tpu.memory_space<vmem>>
      %dma_start3A_118 = tpu.memref_slice %arg2[%add3A_115] : memref<33554432xf32, #tpu.memory_space<hbm>> -> memref<2048xf32, #tpu.memory_space<hbm>>
      %dma_start3A_119 = arith.constant 26624 : i32
      %dma_start3A_120 = tpu.memref_slice %arg4[%dma_start3A_119] : memref<32768xf32, #tpu.memory_space<vmem>> -> memref<2048xf32, #tpu.memory_space<vmem>>
      %dma_start3A_121 = tpu.memref_slice %arg2[%add3A_115] : memref<33554432xf32, #tpu.memory_space<hbm>> -> memref<2048xf32, #tpu.memory_space<hbm>>
      tpu.enqueue_dma source(%dma_start3A_121 : memref<2048xf32, #tpu.memory_space<hbm>>) target(%dma_start3A_120 : memref<2048xf32, #tpu.memory_space<vmem>>) target_semaphore(%arg6 : memref<!tpu.dma_semaphore, #tpu.memory_space<semaphore_mem>>)
      %add3A_122 = arith.constant 29360128 : i32
      %add3A_123 = arith.addi %add3A_122, %add3A_10 : i32
      %dma_start3A_124 = arith.constant 28672 : i32
      %dma_start3A_125 = tpu.memref_slice %arg4[%dma_start3A_124] : memref<32768xf32, #tpu.memory_space<vmem>> -> memref<2048xf32, #tpu.memory_space<vmem>>
      %dma_start3A_126 = tpu.memref_slice %arg2[%add3A_123] : memref<33554432xf32, #tpu.memory_space<hbm>> -> memref<2048xf32, #tpu.memory_space<hbm>>
      %dma_start3A_127 = arith.constant 28672 : i32
      %dma_start3A_128 = tpu.memref_slice %arg4[%dma_start3A_127] : memref<32768xf32, #tpu.memory_space<vmem>> -> memref<2048xf32, #tpu.memory_space<vmem>>
      %dma_start3A_129 = tpu.memref_slice %arg2[%add3A_123] : memref<33554432xf32, #tpu.memory_space<hbm>> -> memref<2048xf32, #tpu.memory_space<hbm>>
      tpu.enqueue_dma source(%dma_start3A_129 : memref<2048xf32, #tpu.memory_space<hbm>>) target(%dma_start3A_128 : memref<2048xf32, #tpu.memory_space<vmem>>) target_semaphore(%arg6 : memref<!tpu.dma_semaphore, #tpu.memory_space<semaphore_mem>>)
      %add3A_130 = arith.constant 31457280 : i32
      %add3A_131 = arith.addi %add3A_130, %add3A_10 : i32
      %dma_start3A_132 = arith.constant 30720 : i32
      %dma_start3A_133 = tpu.memref_slice %arg4[%dma_start3A_132] : memref<32768xf32, #tpu.memory_space<vmem>> -> memref<2048xf32, #tpu.memory_space<vmem>>
      %dma_start3A_134 = tpu.memref_slice %arg2[%add3A_131] : memref<33554432xf32, #tpu.memory_space<hbm>> -> memref<2048xf32, #tpu.memory_space<hbm>>
      %dma_start3A_135 = arith.constant 30720 : i32
      %dma_start3A_136 = tpu.memref_slice %arg4[%dma_start3A_135] : memref<32768xf32, #tpu.memory_space<vmem>> -> memref<2048xf32, #tpu.memory_space<vmem>>
      %dma_start3A_137 = tpu.memref_slice %arg2[%add3A_131] : memref<33554432xf32, #tpu.memory_space<hbm>> -> memref<2048xf32, #tpu.memory_space<hbm>>
      tpu.enqueue_dma source(%dma_start3A_137 : memref<2048xf32, #tpu.memory_space<hbm>>) target(%dma_start3A_136 : memref<2048xf32, #tpu.memory_space<vmem>>) target_semaphore(%arg6 : memref<!tpu.dma_semaphore, #tpu.memory_space<semaphore_mem>>)
      %dma_wait3A = arith.constant 0 : i32
      %dma_wait3A_138 = tpu.memref_slice %arg4[%dma_wait3A] : memref<32768xf32, #tpu.memory_space<vmem>> -> memref<2048xf32, #tpu.memory_space<vmem>>
      %dma_wait3A_139 = tpu.memref_slice %arg2[%add3A_12] : memref<33554432xf32, #tpu.memory_space<hbm>> -> memref<2048xf32, #tpu.memory_space<hbm>>
      %dma_wait3A_140 = arith.constant 0 : i32
      %dma_wait3A_141 = tpu.memref_slice %arg4[%dma_wait3A_140] : memref<32768xf32, #tpu.memory_space<vmem>> -> memref<2048xf32, #tpu.memory_space<vmem>>
      %dma_wait3A_142 = tpu.memref_slice %arg2[%add3A_12] : memref<33554432xf32, #tpu.memory_space<hbm>> -> memref<2048xf32, #tpu.memory_space<hbm>>
      tpu.wait_dma2 semaphore(%arg6 : memref<!tpu.dma_semaphore, #tpu.memory_space<semaphore_mem>>) src(%dma_wait3A_142 : memref<2048xf32, #tpu.memory_space<hbm>>) dst(%dma_wait3A_141 : memref<2048xf32, #tpu.memory_space<vmem>>)
      %dma_wait3A_143 = arith.constant 2048 : i32
      %dma_wait3A_144 = tpu.memref_slice %arg4[%dma_wait3A_143] : memref<32768xf32, #tpu.memory_space<vmem>> -> memref<2048xf32, #tpu.memory_space<vmem>>
      %dma_wait3A_145 = tpu.memref_slice %arg2[%add3A_19] : memref<33554432xf32, #tpu.memory_space<hbm>> -> memref<2048xf32, #tpu.memory_space<hbm>>
      %dma_wait3A_146 = arith.constant 2048 : i32
      %dma_wait3A_147 = tpu.memref_slice %arg4[%dma_wait3A_146] : memref<32768xf32, #tpu.memory_space<vmem>> -> memref<2048xf32, #tpu.memory_space<vmem>>
      %dma_wait3A_148 = tpu.memref_slice %arg2[%add3A_19] : memref<33554432xf32, #tpu.memory_space<hbm>> -> memref<2048xf32, #tpu.memory_space<hbm>>
      tpu.wait_dma2 semaphore(%arg6 : memref<!tpu.dma_semaphore, #tpu.memory_space<semaphore_mem>>) src(%dma_wait3A_148 : memref<2048xf32, #tpu.memory_space<hbm>>) dst(%dma_wait3A_147 : memref<2048xf32, #tpu.memory_space<vmem>>)
      %dma_wait3A_149 = arith.constant 4096 : i32
      %dma_wait3A_150 = tpu.memref_slice %arg4[%dma_wait3A_149] : memref<32768xf32, #tpu.memory_space<vmem>> -> memref<2048xf32, #tpu.memory_space<vmem>>
      %dma_wait3A_151 = tpu.memref_slice %arg2[%add3A_27] : memref<33554432xf32, #tpu.memory_space<hbm>> -> memref<2048xf32, #tpu.memory_space<hbm>>
      %dma_wait3A_152 = arith.constant 4096 : i32
      %dma_wait3A_153 = tpu.memref_slice %arg4[%dma_wait3A_152] : memref<32768xf32, #tpu.memory_space<vmem>> -> memref<2048xf32, #tpu.memory_space<vmem>>
      %dma_wait3A_154 = tpu.memref_slice %arg2[%add3A_27] : memref<33554432xf32, #tpu.memory_space<hbm>> -> memref<2048xf32, #tpu.memory_space<hbm>>
      tpu.wait_dma2 semaphore(%arg6 : memref<!tpu.dma_semaphore, #tpu.memory_space<semaphore_mem>>) src(%dma_wait3A_154 : memref<2048xf32, #tpu.memory_space<hbm>>) dst(%dma_wait3A_153 : memref<2048xf32, #tpu.memory_space<vmem>>)
      %dma_wait3A_155 = arith.constant 6144 : i32
      %dma_wait3A_156 = tpu.memref_slice %arg4[%dma_wait3A_155] : memref<32768xf32, #tpu.memory_space<vmem>> -> memref<2048xf32, #tpu.memory_space<vmem>>
      %dma_wait3A_157 = tpu.memref_slice %arg2[%add3A_35] : memref<33554432xf32, #tpu.memory_space<hbm>> -> memref<2048xf32, #tpu.memory_space<hbm>>
      %dma_wait3A_158 = arith.constant 6144 : i32
      %dma_wait3A_159 = tpu.memref_slice %arg4[%dma_wait3A_158] : memref<32768xf32, #tpu.memory_space<vmem>> -> memref<2048xf32, #tpu.memory_space<vmem>>
      %dma_wait3A_160 = tpu.memref_slice %arg2[%add3A_35] : memref<33554432xf32, #tpu.memory_space<hbm>> -> memref<2048xf32, #tpu.memory_space<hbm>>
      tpu.wait_dma2 semaphore(%arg6 : memref<!tpu.dma_semaphore, #tpu.memory_space<semaphore_mem>>) src(%dma_wait3A_160 : memref<2048xf32, #tpu.memory_space<hbm>>) dst(%dma_wait3A_159 : memref<2048xf32, #tpu.memory_space<vmem>>)
      %dma_wait3A_161 = arith.constant 8192 : i32
      %dma_wait3A_162 = tpu.memref_slice %arg4[%dma_wait3A_161] : memref<32768xf32, #tpu.memory_space<vmem>> -> memref<2048xf32, #tpu.memory_space<vmem>>
      %dma_wait3A_163 = tpu.memref_slice %arg2[%add3A_43] : memref<33554432xf32, #tpu.memory_space<hbm>> -> memref<2048xf32, #tpu.memory_space<hbm>>
      %dma_wait3A_164 = arith.constant 8192 : i32
      %dma_wait3A_165 = tpu.memref_slice %arg4[%dma_wait3A_164] : memref<32768xf32, #tpu.memory_space<vmem>> -> memref<2048xf32, #tpu.memory_space<vmem>>
      %dma_wait3A_166 = tpu.memref_slice %arg2[%add3A_43] : memref<33554432xf32, #tpu.memory_space<hbm>> -> memref<2048xf32, #tpu.memory_space<hbm>>
      tpu.wait_dma2 semaphore(%arg6 : memref<!tpu.dma_semaphore, #tpu.memory_space<semaphore_mem>>) src(%dma_wait3A_166 : memref<2048xf32, #tpu.memory_space<hbm>>) dst(%dma_wait3A_165 : memref<2048xf32, #tpu.memory_space<vmem>>)
      %dma_wait3A_167 = arith.constant 10240 : i32
      %dma_wait3A_168 = tpu.memref_slice %arg4[%dma_wait3A_167] : memref<32768xf32, #tpu.memory_space<vmem>> -> memref<2048xf32, #tpu.memory_space<vmem>>
      %dma_wait3A_169 = tpu.memref_slice %arg2[%add3A_51] : memref<33554432xf32, #tpu.memory_space<hbm>> -> memref<2048xf32, #tpu.memory_space<hbm>>
      %dma_wait3A_170 = arith.constant 10240 : i32
      %dma_wait3A_171 = tpu.memref_slice %arg4[%dma_wait3A_170] : memref<32768xf32, #tpu.memory_space<vmem>> -> memref<2048xf32, #tpu.memory_space<vmem>>
      %dma_wait3A_172 = tpu.memref_slice %arg2[%add3A_51] : memref<33554432xf32, #tpu.memory_space<hbm>> -> memref<2048xf32, #tpu.memory_space<hbm>>
      tpu.wait_dma2 semaphore(%arg6 : memref<!tpu.dma_semaphore, #tpu.memory_space<semaphore_mem>>) src(%dma_wait3A_172 : memref<2048xf32, #tpu.memory_space<hbm>>) dst(%dma_wait3A_171 : memref<2048xf32, #tpu.memory_space<vmem>>)
      %dma_wait3A_173 = arith.constant 12288 : i32
      %dma_wait3A_174 = tpu.memref_slice %arg4[%dma_wait3A_173] : memref<32768xf32, #tpu.memory_space<vmem>> -> memref<2048xf32, #tpu.memory_space<vmem>>
      %dma_wait3A_175 = tpu.memref_slice %arg2[%add3A_59] : memref<33554432xf32, #tpu.memory_space<hbm>> -> memref<2048xf32, #tpu.memory_space<hbm>>
      %dma_wait3A_176 = arith.constant 12288 : i32
      %dma_wait3A_177 = tpu.memref_slice %arg4[%dma_wait3A_176] : memref<32768xf32, #tpu.memory_space<vmem>> -> memref<2048xf32, #tpu.memory_space<vmem>>
      %dma_wait3A_178 = tpu.memref_slice %arg2[%add3A_59] : memref<33554432xf32, #tpu.memory_space<hbm>> -> memref<2048xf32, #tpu.memory_space<hbm>>
      tpu.wait_dma2 semaphore(%arg6 : memref<!tpu.dma_semaphore, #tpu.memory_space<semaphore_mem>>) src(%dma_wait3A_178 : memref<2048xf32, #tpu.memory_space<hbm>>) dst(%dma_wait3A_177 : memref<2048xf32, #tpu.memory_space<vmem>>)
      %dma_wait3A_179 = arith.constant 14336 : i32
      %dma_wait3A_180 = tpu.memref_slice %arg4[%dma_wait3A_179] : memref<32768xf32, #tpu.memory_space<vmem>> -> memref<2048xf32, #tpu.memory_space<vmem>>
      %dma_wait3A_181 = tpu.memref_slice %arg2[%add3A_67] : memref<33554432xf32, #tpu.memory_space<hbm>> -> memref<2048xf32, #tpu.memory_space<hbm>>
      %dma_wait3A_182 = arith.constant 14336 : i32
      %dma_wait3A_183 = tpu.memref_slice %arg4[%dma_wait3A_182] : memref<32768xf32, #tpu.memory_space<vmem>> -> memref<2048xf32, #tpu.memory_space<vmem>>
      %dma_wait3A_184 = tpu.memref_slice %arg2[%add3A_67] : memref<33554432xf32, #tpu.memory_space<hbm>> -> memref<2048xf32, #tpu.memory_space<hbm>>
      tpu.wait_dma2 semaphore(%arg6 : memref<!tpu.dma_semaphore, #tpu.memory_space<semaphore_mem>>) src(%dma_wait3A_184 : memref<2048xf32, #tpu.memory_space<hbm>>) dst(%dma_wait3A_183 : memref<2048xf32, #tpu.memory_space<vmem>>)
      %dma_wait3A_185 = arith.constant 16384 : i32
      %dma_wait3A_186 = tpu.memref_slice %arg4[%dma_wait3A_185] : memref<32768xf32, #tpu.memory_space<vmem>> -> memref<2048xf32, #tpu.memory_space<vmem>>
      %dma_wait3A_187 = tpu.memref_slice %arg2[%add3A_75] : memref<33554432xf32, #tpu.memory_space<hbm>> -> memref<2048xf32, #tpu.memory_space<hbm>>
      %dma_wait3A_188 = arith.constant 16384 : i32
      %dma_wait3A_189 = tpu.memref_slice %arg4[%dma_wait3A_188] : memref<32768xf32, #tpu.memory_space<vmem>> -> memref<2048xf32, #tpu.memory_space<vmem>>
      %dma_wait3A_190 = tpu.memref_slice %arg2[%add3A_75] : memref<33554432xf32, #tpu.memory_space<hbm>> -> memref<2048xf32, #tpu.memory_space<hbm>>
      tpu.wait_dma2 semaphore(%arg6 : memref<!tpu.dma_semaphore, #tpu.memory_space<semaphore_mem>>) src(%dma_wait3A_190 : memref<2048xf32, #tpu.memory_space<hbm>>) dst(%dma_wait3A_189 : memref<2048xf32, #tpu.memory_space<vmem>>)
      %dma_wait3A_191 = arith.constant 18432 : i32
      %dma_wait3A_192 = tpu.memref_slice %arg4[%dma_wait3A_191] : memref<32768xf32, #tpu.memory_space<vmem>> -> memref<2048xf32, #tpu.memory_space<vmem>>
      %dma_wait3A_193 = tpu.memref_slice %arg2[%add3A_83] : memref<33554432xf32, #tpu.memory_space<hbm>> -> memref<2048xf32, #tpu.memory_space<hbm>>
      %dma_wait3A_194 = arith.constant 18432 : i32
      %dma_wait3A_195 = tpu.memref_slice %arg4[%dma_wait3A_194] : memref<32768xf32, #tpu.memory_space<vmem>> -> memref<2048xf32, #tpu.memory_space<vmem>>
      %dma_wait3A_196 = tpu.memref_slice %arg2[%add3A_83] : memref<33554432xf32, #tpu.memory_space<hbm>> -> memref<2048xf32, #tpu.memory_space<hbm>>
      tpu.wait_dma2 semaphore(%arg6 : memref<!tpu.dma_semaphore, #tpu.memory_space<semaphore_mem>>) src(%dma_wait3A_196 : memref<2048xf32, #tpu.memory_space<hbm>>) dst(%dma_wait3A_195 : memref<2048xf32, #tpu.memory_space<vmem>>)
      %dma_wait3A_197 = arith.constant 20480 : i32
      %dma_wait3A_198 = tpu.memref_slice %arg4[%dma_wait3A_197] : memref<32768xf32, #tpu.memory_space<vmem>> -> memref<2048xf32, #tpu.memory_space<vmem>>
      %dma_wait3A_199 = tpu.memref_slice %arg2[%add3A_91] : memref<33554432xf32, #tpu.memory_space<hbm>> -> memref<2048xf32, #tpu.memory_space<hbm>>
      %dma_wait3A_200 = arith.constant 20480 : i32
      %dma_wait3A_201 = tpu.memref_slice %arg4[%dma_wait3A_200] : memref<32768xf32, #tpu.memory_space<vmem>> -> memref<2048xf32, #tpu.memory_space<vmem>>
      %dma_wait3A_202 = tpu.memref_slice %arg2[%add3A_91] : memref<33554432xf32, #tpu.memory_space<hbm>> -> memref<2048xf32, #tpu.memory_space<hbm>>
      tpu.wait_dma2 semaphore(%arg6 : memref<!tpu.dma_semaphore, #tpu.memory_space<semaphore_mem>>) src(%dma_wait3A_202 : memref<2048xf32, #tpu.memory_space<hbm>>) dst(%dma_wait3A_201 : memref<2048xf32, #tpu.memory_space<vmem>>)
      %dma_wait3A_203 = arith.constant 22528 : i32
      %dma_wait3A_204 = tpu.memref_slice %arg4[%dma_wait3A_203] : memref<32768xf32, #tpu.memory_space<vmem>> -> memref<2048xf32, #tpu.memory_space<vmem>>
      %dma_wait3A_205 = tpu.memref_slice %arg2[%add3A_99] : memref<33554432xf32, #tpu.memory_space<hbm>> -> memref<2048xf32, #tpu.memory_space<hbm>>
      %dma_wait3A_206 = arith.constant 22528 : i32
      %dma_wait3A_207 = tpu.memref_slice %arg4[%dma_wait3A_206] : memref<32768xf32, #tpu.memory_space<vmem>> -> memref<2048xf32, #tpu.memory_space<vmem>>
      %dma_wait3A_208 = tpu.memref_slice %arg2[%add3A_99] : memref<33554432xf32, #tpu.memory_space<hbm>> -> memref<2048xf32, #tpu.memory_space<hbm>>
      tpu.wait_dma2 semaphore(%arg6 : memref<!tpu.dma_semaphore, #tpu.memory_space<semaphore_mem>>) src(%dma_wait3A_208 : memref<2048xf32, #tpu.memory_space<hbm>>) dst(%dma_wait3A_207 : memref<2048xf32, #tpu.memory_space<vmem>>)
      %dma_wait3A_209 = arith.constant 24576 : i32
      %dma_wait3A_210 = tpu.memref_slice %arg4[%dma_wait3A_209] : memref<32768xf32, #tpu.memory_space<vmem>> -> memref<2048xf32, #tpu.memory_space<vmem>>
      %dma_wait3A_211 = tpu.memref_slice %arg2[%add3A_107] : memref<33554432xf32, #tpu.memory_space<hbm>> -> memref<2048xf32, #tpu.memory_space<hbm>>
      %dma_wait3A_212 = arith.constant 24576 : i32
      %dma_wait3A_213 = tpu.memref_slice %arg4[%dma_wait3A_212] : memref<32768xf32, #tpu.memory_space<vmem>> -> memref<2048xf32, #tpu.memory_space<vmem>>
      %dma_wait3A_214 = tpu.memref_slice %arg2[%add3A_107] : memref<33554432xf32, #tpu.memory_space<hbm>> -> memref<2048xf32, #tpu.memory_space<hbm>>
      tpu.wait_dma2 semaphore(%arg6 : memref<!tpu.dma_semaphore, #tpu.memory_space<semaphore_mem>>) src(%dma_wait3A_214 : memref<2048xf32, #tpu.memory_space<hbm>>) dst(%dma_wait3A_213 : memref<2048xf32, #tpu.memory_space<vmem>>)
      %dma_wait3A_215 = arith.constant 26624 : i32
      %dma_wait3A_216 = tpu.memref_slice %arg4[%dma_wait3A_215] : memref<32768xf32, #tpu.memory_space<vmem>> -> memref<2048xf32, #tpu.memory_space<vmem>>
      %dma_wait3A_217 = tpu.memref_slice %arg2[%add3A_115] : memref<33554432xf32, #tpu.memory_space<hbm>> -> memref<2048xf32, #tpu.memory_space<hbm>>
      %dma_wait3A_218 = arith.constant 26624 : i32
      %dma_wait3A_219 = tpu.memref_slice %arg4[%dma_wait3A_218] : memref<32768xf32, #tpu.memory_space<vmem>> -> memref<2048xf32, #tpu.memory_space<vmem>>
      %dma_wait3A_220 = tpu.memref_slice %arg2[%add3A_115] : memref<33554432xf32, #tpu.memory_space<hbm>> -> memref<2048xf32, #tpu.memory_space<hbm>>
      tpu.wait_dma2 semaphore(%arg6 : memref<!tpu.dma_semaphore, #tpu.memory_space<semaphore_mem>>) src(%dma_wait3A_220 : memref<2048xf32, #tpu.memory_space<hbm>>) dst(%dma_wait3A_219 : memref<2048xf32, #tpu.memory_space<vmem>>)
      %dma_wait3A_221 = arith.constant 28672 : i32
      %dma_wait3A_222 = tpu.memref_slice %arg4[%dma_wait3A_221] : memref<32768xf32, #tpu.memory_space<vmem>> -> memref<2048xf32, #tpu.memory_space<vmem>>
      %dma_wait3A_223 = tpu.memref_slice %arg2[%add3A_123] : memref<33554432xf32, #tpu.memory_space<hbm>> -> memref<2048xf32, #tpu.memory_space<hbm>>
      %dma_wait3A_224 = arith.constant 28672 : i32
      %dma_wait3A_225 = tpu.memref_slice %arg4[%dma_wait3A_224] : memref<32768xf32, #tpu.memory_space<vmem>> -> memref<2048xf32, #tpu.memory_space<vmem>>
      %dma_wait3A_226 = tpu.memref_slice %arg2[%add3A_123] : memref<33554432xf32, #tpu.memory_space<hbm>> -> memref<2048xf32, #tpu.memory_space<hbm>>
      tpu.wait_dma2 semaphore(%arg6 : memref<!tpu.dma_semaphore, #tpu.memory_space<semaphore_mem>>) src(%dma_wait3A_226 : memref<2048xf32, #tpu.memory_space<hbm>>) dst(%dma_wait3A_225 : memref<2048xf32, #tpu.memory_space<vmem>>)
      %dma_wait3A_227 = arith.constant 30720 : i32
      %dma_wait3A_228 = tpu.memref_slice %arg4[%dma_wait3A_227] : memref<32768xf32, #tpu.memory_space<vmem>> -> memref<2048xf32, #tpu.memory_space<vmem>>
      %dma_wait3A_229 = tpu.memref_slice %arg2[%add3A_131] : memref<33554432xf32, #tpu.memory_space<hbm>> -> memref<2048xf32, #tpu.memory_space<hbm>>
      %dma_wait3A_230 = arith.constant 30720 : i32
      %dma_wait3A_231 = tpu.memref_slice %arg4[%dma_wait3A_230] : memref<32768xf32, #tpu.memory_space<vmem>> -> memref<2048xf32, #tpu.memory_space<vmem>>
      %dma_wait3A_232 = tpu.memref_slice %arg2[%add3A_131] : memref<33554432xf32, #tpu.memory_space<hbm>> -> memref<2048xf32, #tpu.memory_space<hbm>>
      tpu.wait_dma2 semaphore(%arg6 : memref<!tpu.dma_semaphore, #tpu.memory_space<semaphore_mem>>) src(%dma_wait3A_232 : memref<2048xf32, #tpu.memory_space<hbm>>) dst(%dma_wait3A_231 : memref<2048xf32, #tpu.memory_space<vmem>>)
      %iota3A = tpu.iota {dimensions = array<i32: 0>} : vector<16xi32>
      %mul3A_233 = arith.constant 2048 : i32
      %mul3A_234 = vector.broadcast %mul3A_233 : i32 to vector<16xi32>
      %mul3A_235 = arith.muli %iota3A, %mul3A_234 : vector<16xi32>
      %scan3A_236 = arith.constant 0 : i32
      %scan3A_237 = arith.constant 128 : i32
      %scan3A_238 = arith.addi %scan3A_236, %scan3A_237 : i32
      %scan3A_239 = arith.constant 1 : i32
      scf.for %scan3A_241 = %scan3A_236 to %scan3A_238 step %scan3A_239  : i32 {
        %mul3A_242 = arith.constant 16 : i32
        %mul3A_243 = arith.muli %scan3A_241, %mul3A_242 : i32
        %add3A_244 = arith.constant 0 : i32
        %add3A_245 = arith.addi %mul3A_243, %add3A_244 : i32
        %add3A_246 = vector.broadcast %add3A_245 : i32 to vector<16xi32>
        %add3A_247 = arith.addi %mul3A_235, %add3A_246 : vector<16xi32>
        %gather3A = tpu.vector_load_idx %arg4[%add3A_247] : memref<32768xf32, #tpu.memory_space<vmem>>[vector<16xi32>], vector<16xf32>,
        %swap3A = arith.index_cast %add3A_245 : i32 to index
        %swap3A_248 = arith.constant 0 : index
        %swap3A_249 = tpu.vector_load %arg5[%swap3A, %swap3A_248] {strides = array<i32>} : memref<2048x16xf32, #tpu.memory_space<vmem>>, vector<16xf32>,
        tpu.vector_store %arg5[%swap3A, %swap3A_248], %gather3A {strides = array<i32>} : memref<2048x16xf32, #tpu.memory_space<vmem>>, vector<16xf32>,
        %mul3A_250 = arith.constant 16 : i32
        %mul3A_251 = arith.muli %scan3A_241, %mul3A_250 : i32
        %add3A_252 = arith.constant 1 : i32
        %add3A_253 = arith.addi %mul3A_251, %add3A_252 : i32
        %add3A_254 = vector.broadcast %add3A_253 : i32 to vector<16xi32>
        %add3A_255 = arith.addi %mul3A_235, %add3A_254 : vector<16xi32>
        %gather3A_256 = tpu.vector_load_idx %arg4[%add3A_255] : memref<32768xf32, #tpu.memory_space<vmem>>[vector<16xi32>], vector<16xf32>,
        %swap3A_257 = arith.index_cast %add3A_253 : i32 to index
        %swap3A_258 = arith.constant 0 : index
        %swap3A_259 = tpu.vector_load %arg5[%swap3A_257, %swap3A_258] {strides = array<i32>} : memref<2048x16xf32, #tpu.memory_space<vmem>>, vector<16xf32>,
        tpu.vector_store %arg5[%swap3A_257, %swap3A_258], %gather3A_256 {strides = array<i32>} : memref<2048x16xf32, #tpu.memory_space<vmem>>, vector<16xf32>,
        %mul3A_260 = arith.constant 16 : i32
        %mul3A_261 = arith.muli %scan3A_241, %mul3A_260 : i32
        %add3A_262 = arith.constant 2 : i32
        %add3A_263 = arith.addi %mul3A_261, %add3A_262 : i32
        %add3A_264 = vector.broadcast %add3A_263 : i32 to vector<16xi32>
        %add3A_265 = arith.addi %mul3A_235, %add3A_264 : vector<16xi32>
        %gather3A_266 = tpu.vector_load_idx %arg4[%add3A_265] : memref<32768xf32, #tpu.memory_space<vmem>>[vector<16xi32>], vector<16xf32>,
        %swap3A_267 = arith.index_cast %add3A_263 : i32 to index
        %swap3A_268 = arith.constant 0 : index
        %swap3A_269 = tpu.vector_load %arg5[%swap3A_267, %swap3A_268] {strides = array<i32>} : memref<2048x16xf32, #tpu.memory_space<vmem>>, vector<16xf32>,
        tpu.vector_store %arg5[%swap3A_267, %swap3A_268], %gather3A_266 {strides = array<i32>} : memref<2048x16xf32, #tpu.memory_space<vmem>>, vector<16xf32>,
        %mul3A_270 = arith.constant 16 : i32
        %mul3A_271 = arith.muli %scan3A_241, %mul3A_270 : i32
        %add3A_272 = arith.constant 3 : i32
        %add3A_273 = arith.addi %mul3A_271, %add3A_272 : i32
        %add3A_274 = vector.broadcast %add3A_273 : i32 to vector<16xi32>
        %add3A_275 = arith.addi %mul3A_235, %add3A_274 : vector<16xi32>
        %gather3A_276 = tpu.vector_load_idx %arg4[%add3A_275] : memref<32768xf32, #tpu.memory_space<vmem>>[vector<16xi32>], vector<16xf32>,
        %swap3A_277 = arith.index_cast %add3A_273 : i32 to index
        %swap3A_278 = arith.constant 0 : index
        %swap3A_279 = tpu.vector_load %arg5[%swap3A_277, %swap3A_278] {strides = array<i32>} : memref<2048x16xf32, #tpu.memory_space<vmem>>, vector<16xf32>,
        tpu.vector_store %arg5[%swap3A_277, %swap3A_278], %gather3A_276 {strides = array<i32>} : memref<2048x16xf32, #tpu.memory_space<vmem>>, vector<16xf32>,
        %mul3A_280 = arith.constant 16 : i32
        %mul3A_281 = arith.muli %scan3A_241, %mul3A_280 : i32
        %add3A_282 = arith.constant 4 : i32
        %add3A_283 = arith.addi %mul3A_281, %add3A_282 : i32
        %add3A_284 = vector.broadcast %add3A_283 : i32 to vector<16xi32>
        %add3A_285 = arith.addi %mul3A_235, %add3A_284 : vector<16xi32>
        %gather3A_286 = tpu.vector_load_idx %arg4[%add3A_285] : memref<32768xf32, #tpu.memory_space<vmem>>[vector<16xi32>], vector<16xf32>,
        %swap3A_287 = arith.index_cast %add3A_283 : i32 to index
        %swap3A_288 = arith.constant 0 : index
        %swap3A_289 = tpu.vector_load %arg5[%swap3A_287, %swap3A_288] {strides = array<i32>} : memref<2048x16xf32, #tpu.memory_space<vmem>>, vector<16xf32>,
        tpu.vector_store %arg5[%swap3A_287, %swap3A_288], %gather3A_286 {strides = array<i32>} : memref<2048x16xf32, #tpu.memory_space<vmem>>, vector<16xf32>,
        %mul3A_290 = arith.constant 16 : i32
        %mul3A_291 = arith.muli %scan3A_241, %mul3A_290 : i32
        %add3A_292 = arith.constant 5 : i32
        %add3A_293 = arith.addi %mul3A_291, %add3A_292 : i32
        %add3A_294 = vector.broadcast %add3A_293 : i32 to vector<16xi32>
        %add3A_295 = arith.addi %mul3A_235, %add3A_294 : vector<16xi32>
        %gather3A_296 = tpu.vector_load_idx %arg4[%add3A_295] : memref<32768xf32, #tpu.memory_space<vmem>>[vector<16xi32>], vector<16xf32>,
        %swap3A_297 = arith.index_cast %add3A_293 : i32 to index
        %swap3A_298 = arith.constant 0 : index
        %swap3A_299 = tpu.vector_load %arg5[%swap3A_297, %swap3A_298] {strides = array<i32>} : memref<2048x16xf32, #tpu.memory_space<vmem>>, vector<16xf32>,
        tpu.vector_store %arg5[%swap3A_297, %swap3A_298], %gather3A_296 {strides = array<i32>} : memref<2048x16xf32, #tpu.memory_space<vmem>>, vector<16xf32>,
        %mul3A_300 = arith.constant 16 : i32
        %mul3A_301 = arith.muli %scan3A_241, %mul3A_300 : i32
        %add3A_302 = arith.constant 6 : i32
        %add3A_303 = arith.addi %mul3A_301, %add3A_302 : i32
        %add3A_304 = vector.broadcast %add3A_303 : i32 to vector<16xi32>
        %add3A_305 = arith.addi %mul3A_235, %add3A_304 : vector<16xi32>
        %gather3A_306 = tpu.vector_load_idx %arg4[%add3A_305] : memref<32768xf32, #tpu.memory_space<vmem>>[vector<16xi32>], vector<16xf32>,
        %swap3A_307 = arith.index_cast %add3A_303 : i32 to index
        %swap3A_308 = arith.constant 0 : index
        %swap3A_309 = tpu.vector_load %arg5[%swap3A_307, %swap3A_308] {strides = array<i32>} : memref<2048x16xf32, #tpu.memory_space<vmem>>, vector<16xf32>,
        tpu.vector_store %arg5[%swap3A_307, %swap3A_308], %gather3A_306 {strides = array<i32>} : memref<2048x16xf32, #tpu.memory_space<vmem>>, vector<16xf32>,
        %mul3A_310 = arith.constant 16 : i32
        %mul3A_311 = arith.muli %scan3A_241, %mul3A_310 : i32
        %add3A_312 = arith.constant 7 : i32
        %add3A_313 = arith.addi %mul3A_311, %add3A_312 : i32
        %add3A_314 = vector.broadcast %add3A_313 : i32 to vector<16xi32>
        %add3A_315 = arith.addi %mul3A_235, %add3A_314 : vector<16xi32>
        %gather3A_316 = tpu.vector_load_idx %arg4[%add3A_315] : memref<32768xf32, #tpu.memory_space<vmem>>[vector<16xi32>], vector<16xf32>,
        %swap3A_317 = arith.index_cast %add3A_313 : i32 to index
        %swap3A_318 = arith.constant 0 : index
        %swap3A_319 = tpu.vector_load %arg5[%swap3A_317, %swap3A_318] {strides = array<i32>} : memref<2048x16xf32, #tpu.memory_space<vmem>>, vector<16xf32>,
        tpu.vector_store %arg5[%swap3A_317, %swap3A_318], %gather3A_316 {strides = array<i32>} : memref<2048x16xf32, #tpu.memory_space<vmem>>, vector<16xf32>,
        %mul3A_320 = arith.constant 16 : i32
        %mul3A_321 = arith.muli %scan3A_241, %mul3A_320 : i32
        %add3A_322 = arith.constant 8 : i32
        %add3A_323 = arith.addi %mul3A_321, %add3A_322 : i32
        %add3A_324 = vector.broadcast %add3A_323 : i32 to vector<16xi32>
        %add3A_325 = arith.addi %mul3A_235, %add3A_324 : vector<16xi32>
        %gather3A_326 = tpu.vector_load_idx %arg4[%add3A_325] : memref<32768xf32, #tpu.memory_space<vmem>>[vector<16xi32>], vector<16xf32>,
        %swap3A_327 = arith.index_cast %add3A_323 : i32 to index
        %swap3A_328 = arith.constant 0 : index
        %swap3A_329 = tpu.vector_load %arg5[%swap3A_327, %swap3A_328] {strides = array<i32>} : memref<2048x16xf32, #tpu.memory_space<vmem>>, vector<16xf32>,
        tpu.vector_store %arg5[%swap3A_327, %swap3A_328], %gather3A_326 {strides = array<i32>} : memref<2048x16xf32, #tpu.memory_space<vmem>>, vector<16xf32>,
        %mul3A_330 = arith.constant 16 : i32
        %mul3A_331 = arith.muli %scan3A_241, %mul3A_330 : i32
        %add3A_332 = arith.constant 9 : i32
        %add3A_333 = arith.addi %mul3A_331, %add3A_332 : i32
        %add3A_334 = vector.broadcast %add3A_333 : i32 to vector<16xi32>
        %add3A_335 = arith.addi %mul3A_235, %add3A_334 : vector<16xi32>
        %gather3A_336 = tpu.vector_load_idx %arg4[%add3A_335] : memref<32768xf32, #tpu.memory_space<vmem>>[vector<16xi32>], vector<16xf32>,
        %swap3A_337 = arith.index_cast %add3A_333 : i32 to index
        %swap3A_338 = arith.constant 0 : index
        %swap3A_339 = tpu.vector_load %arg5[%swap3A_337, %swap3A_338] {strides = array<i32>} : memref<2048x16xf32, #tpu.memory_space<vmem>>, vector<16xf32>,
        tpu.vector_store %arg5[%swap3A_337, %swap3A_338], %gather3A_336 {strides = array<i32>} : memref<2048x16xf32, #tpu.memory_space<vmem>>, vector<16xf32>,
        %mul3A_340 = arith.constant 16 : i32
        %mul3A_341 = arith.muli %scan3A_241, %mul3A_340 : i32
        %add3A_342 = arith.constant 10 : i32
        %add3A_343 = arith.addi %mul3A_341, %add3A_342 : i32
        %add3A_344 = vector.broadcast %add3A_343 : i32 to vector<16xi32>
        %add3A_345 = arith.addi %mul3A_235, %add3A_344 : vector<16xi32>
        %gather3A_346 = tpu.vector_load_idx %arg4[%add3A_345] : memref<32768xf32, #tpu.memory_space<vmem>>[vector<16xi32>], vector<16xf32>,
        %swap3A_347 = arith.index_cast %add3A_343 : i32 to index
        %swap3A_348 = arith.constant 0 : index
        %swap3A_349 = tpu.vector_load %arg5[%swap3A_347, %swap3A_348] {strides = array<i32>} : memref<2048x16xf32, #tpu.memory_space<vmem>>, vector<16xf32>,
        tpu.vector_store %arg5[%swap3A_347, %swap3A_348], %gather3A_346 {strides = array<i32>} : memref<2048x16xf32, #tpu.memory_space<vmem>>, vector<16xf32>,
        %mul3A_350 = arith.constant 16 : i32
        %mul3A_351 = arith.muli %scan3A_241, %mul3A_350 : i32
        %add3A_352 = arith.constant 11 : i32
        %add3A_353 = arith.addi %mul3A_351, %add3A_352 : i32
        %add3A_354 = vector.broadcast %add3A_353 : i32 to vector<16xi32>
        %add3A_355 = arith.addi %mul3A_235, %add3A_354 : vector<16xi32>
        %gather3A_356 = tpu.vector_load_idx %arg4[%add3A_355] : memref<32768xf32, #tpu.memory_space<vmem>>[vector<16xi32>], vector<16xf32>,
        %swap3A_357 = arith.index_cast %add3A_353 : i32 to index
        %swap3A_358 = arith.constant 0 : index
        %swap3A_359 = tpu.vector_load %arg5[%swap3A_357, %swap3A_358] {strides = array<i32>} : memref<2048x16xf32, #tpu.memory_space<vmem>>, vector<16xf32>,
        tpu.vector_store %arg5[%swap3A_357, %swap3A_358], %gather3A_356 {strides = array<i32>} : memref<2048x16xf32, #tpu.memory_space<vmem>>, vector<16xf32>,
        %mul3A_360 = arith.constant 16 : i32
        %mul3A_361 = arith.muli %scan3A_241, %mul3A_360 : i32
        %add3A_362 = arith.constant 12 : i32
        %add3A_363 = arith.addi %mul3A_361, %add3A_362 : i32
        %add3A_364 = vector.broadcast %add3A_363 : i32 to vector<16xi32>
        %add3A_365 = arith.addi %mul3A_235, %add3A_364 : vector<16xi32>
        %gather3A_366 = tpu.vector_load_idx %arg4[%add3A_365] : memref<32768xf32, #tpu.memory_space<vmem>>[vector<16xi32>], vector<16xf32>,
        %swap3A_367 = arith.index_cast %add3A_363 : i32 to index
        %swap3A_368 = arith.constant 0 : index
        %swap3A_369 = tpu.vector_load %arg5[%swap3A_367, %swap3A_368] {strides = array<i32>} : memref<2048x16xf32, #tpu.memory_space<vmem>>, vector<16xf32>,
        tpu.vector_store %arg5[%swap3A_367, %swap3A_368], %gather3A_366 {strides = array<i32>} : memref<2048x16xf32, #tpu.memory_space<vmem>>, vector<16xf32>,
        %mul3A_370 = arith.constant 16 : i32
        %mul3A_371 = arith.muli %scan3A_241, %mul3A_370 : i32
        %add3A_372 = arith.constant 13 : i32
        %add3A_373 = arith.addi %mul3A_371, %add3A_372 : i32
        %add3A_374 = vector.broadcast %add3A_373 : i32 to vector<16xi32>
        %add3A_375 = arith.addi %mul3A_235, %add3A_374 : vector<16xi32>
        %gather3A_376 = tpu.vector_load_idx %arg4[%add3A_375] : memref<32768xf32, #tpu.memory_space<vmem>>[vector<16xi32>], vector<16xf32>,
        %swap3A_377 = arith.index_cast %add3A_373 : i32 to index
        %swap3A_378 = arith.constant 0 : index
        %swap3A_379 = tpu.vector_load %arg5[%swap3A_377, %swap3A_378] {strides = array<i32>} : memref<2048x16xf32, #tpu.memory_space<vmem>>, vector<16xf32>,
        tpu.vector_store %arg5[%swap3A_377, %swap3A_378], %gather3A_376 {strides = array<i32>} : memref<2048x16xf32, #tpu.memory_space<vmem>>, vector<16xf32>,
        %mul3A_380 = arith.constant 16 : i32
        %mul3A_381 = arith.muli %scan3A_241, %mul3A_380 : i32
        %add3A_382 = arith.constant 14 : i32
        %add3A_383 = arith.addi %mul3A_381, %add3A_382 : i32
        %add3A_384 = vector.broadcast %add3A_383 : i32 to vector<16xi32>
        %add3A_385 = arith.addi %mul3A_235, %add3A_384 : vector<16xi32>
        %gather3A_386 = tpu.vector_load_idx %arg4[%add3A_385] : memref<32768xf32, #tpu.memory_space<vmem>>[vector<16xi32>], vector<16xf32>,
        %swap3A_387 = arith.index_cast %add3A_383 : i32 to index
        %swap3A_388 = arith.constant 0 : index
        %swap3A_389 = tpu.vector_load %arg5[%swap3A_387, %swap3A_388] {strides = array<i32>} : memref<2048x16xf32, #tpu.memory_space<vmem>>, vector<16xf32>,
        tpu.vector_store %arg5[%swap3A_387, %swap3A_388], %gather3A_386 {strides = array<i32>} : memref<2048x16xf32, #tpu.memory_space<vmem>>, vector<16xf32>,
        %mul3A_390 = arith.constant 16 : i32
        %mul3A_391 = arith.muli %scan3A_241, %mul3A_390 : i32
        %add3A_392 = arith.constant 15 : i32
        %add3A_393 = arith.addi %mul3A_391, %add3A_392 : i32
        %add3A_394 = vector.broadcast %add3A_393 : i32 to vector<16xi32>
        %add3A_395 = arith.addi %mul3A_235, %add3A_394 : vector<16xi32>
        %gather3A_396 = tpu.vector_load_idx %arg4[%add3A_395] : memref<32768xf32, #tpu.memory_space<vmem>>[vector<16xi32>], vector<16xf32>,
        %swap3A_397 = arith.index_cast %add3A_393 : i32 to index
        %swap3A_398 = arith.constant 0 : index
        %swap3A_399 = tpu.vector_load %arg5[%swap3A_397, %swap3A_398] {strides = array<i32>} : memref<2048x16xf32, #tpu.memory_space<vmem>>, vector<16xf32>,
        tpu.vector_store %arg5[%swap3A_397, %swap3A_398], %gather3A_396 {strides = array<i32>} : memref<2048x16xf32, #tpu.memory_space<vmem>>, vector<16xf32>,
      }
      %scan3A_240 = arith.constant 128 : i32
      "tpu.region"() ({
        %run_scoped3A = tpu.sem_alloc : memref<!tpu.dma_semaphore, #tpu.memory_space<semaphore_mem>>
        %dma_start3A_241 = arith.constant 0 : i32
        %dma_start3A_242 = tpu.memref_slice %arg3[%add3A_10, %dma_start3A_241] : memref<2097152x16xf32, #tpu.memory_space<hbm>> -> memref<2048x16xf32, #tpu.memory_space<hbm>>
        %dma_start3A_243 = arith.constant 0 : i32
        %dma_start3A_244 = tpu.memref_slice %arg3[%add3A_10, %dma_start3A_243] : memref<2097152x16xf32, #tpu.memory_space<hbm>> -> memref<2048x16xf32, #tpu.memory_space<hbm>>
        tpu.enqueue_dma source(%arg5 : memref<2048x16xf32, #tpu.memory_space<vmem>>) target(%dma_start3A_244 : memref<2048x16xf32, #tpu.memory_space<hbm>>) target_semaphore(%run_scoped3A : memref<!tpu.dma_semaphore, #tpu.memory_space<semaphore_mem>>)
        %dma_wait3A_245 = arith.constant 0 : i32
        %dma_wait3A_246 = tpu.memref_slice %arg3[%add3A_10, %dma_wait3A_245] : memref<2097152x16xf32, #tpu.memory_space<hbm>> -> memref<2048x16xf32, #tpu.memory_space<hbm>>
        %dma_wait3A_247 = arith.constant 0 : i32
        %dma_wait3A_248 = tpu.memref_slice %arg3[%add3A_10, %dma_wait3A_247] : memref<2097152x16xf32, #tpu.memory_space<hbm>> -> memref<2048x16xf32, #tpu.memory_space<hbm>>
        tpu.wait_dma2 semaphore(%run_scoped3A : memref<!tpu.dma_semaphore, #tpu.memory_space<semaphore_mem>>) src(%arg5 : memref<2048x16xf32, #tpu.memory_space<vmem>>) dst(%dma_wait3A_248 : memref<2048x16xf32, #tpu.memory_space<hbm>>)
        tpu.yield
      }) : () -> ()
    }
    %scan3A_6 = arith.constant 32 : i32
    return
  }
}

</mosaic_0001>

<sc_bundles>
// kernel: kernel.4.cloned.1.call-start
scs
__scs_entry_jumppad:
0x0: {  	(pc) =	sbr.rel $0x88, $3  }
0x1: {  	(tag) =	ssettag $0x0;
	lr =	simm.s32 $0x1  }
0x2: {  	[smem:$0x3F9F] =	sst lr;
	_ =	strace $0xD0000000  }
0x3: {  	_ = 	snop  }
0x4: {  	_ = 	snop  }
0x5: {  	_ = 	snop  }
0x6: {  	_ = 	snop  }
0x7: {  	_ = 	snop  }
__scs_overlays_trampoline_lowered:
0x8: {  	[smem:$0x3FAE] =	sst s0  }
0x9: {  	[smem:$0x3FAF] =	sst s1  }
0xa: {  	[smem:$0x3FB0] =	sst s2  }
0xb: {  	[smem:$0x3FB1] =	sst s3  }
0xc: {  	[smem:$0x3FB2] =	sst s4  }
0xd: {  	[smem:$0x3FB3] =	sst s5  }
0xe: {  	[smem:$0x3FB4] =	sst s6  }
0xf: {  	[smem:$0x3FB5] =	sst s7  }
0x10: {  	[smem:$0x3FB6] =	sst s8  }
0x11: {  	[smem:$0x3FB7] =	sst s9;
	s0 =	simm.s32 @!p0 $0x0  }
0x12: {  	s1 =	sld [smem:$0x3F9D];
	s0 =	simm.s32 @p0 $0x1  }
0x13: {  	[smem:$0x3FB8] =	sst s0;
	s0 =	simm.s32 @!p1 $0x0  }
0x14: {  	s2 =	sld [smem:$0x3F9C];
	s0 =	simm.s32 @p1 $0x1  }
0x15: {  	[smem:$0x3FB9] =	sst s0;
	s0 =	simm.s32 @!p2 $0x0  }
0x16: {  	s3 =	sld [smem:$0x3FDB];
	s0 =	simm.s32 @p2 $0x1  }
0x17: {  	s4 =	simm.s32 $0x1BF5;
	[smem:$0x3FBB] =	sst s0  }
0x18: {  	s0 =	sld [smem:$0x3F9E];
	_ =	swait.ge [sflag:s4], $0x0  }
0x19: {  	s7 =	sld [smem:$0x3F9F]  }
0x1a: {  	s8 =	sadd.s32 $0xFFFFE003, lr  }
0x1b: {  	s9 =	sadd.s32 $0xFFFFFEF7, lr;
	s5 =	simm.s32 $0xFFFFFFFF;
	p2 =	slt.u32 s8, $0xFFFFF086  }
0x1c: {  	p1 =	slt.u32 s9, $0xF7A;
	s5 =	simm.s32 @!p2 $0x0  }
0x1d: {  	s5 =	simm.s32 @p1 $0x1;
	p0 =	seq.s32 s7, s2  }
0x1e: {  	s7 =	smul.u32 @!p0 $0xF7A, s2;
	p2 =	seq.s32 @!p0 s5, $0x0  }
0x1f: {  	s9 =	smul.u32 $0xF7A, s1;
	s8 =	simm.s32 @!p0 $0x1BF5;
	p2 =	por !p2, p0  }
0x20: {  	[sflag:s8] =	ssyncset.s32 @!p0 $0xFFFFF086;
	s6 =	sadd.s32 @!p0 s3, s7;
	s7 =	simm.s32 @!p0 $0x108  }
0x21: {  	s3 =	sadd.s32 s3, s9;
	s6 =	sadd.s32 @!p0 $0x88, s6;
	s7 =	simm.s32 @p2 $0x1082  }
0x22: {  	[simem:s7], [sflag:s8] =	dma.local @!p0 [hbm:s6], $0xF7A  }
0x23: {  	s9 =	sor.u32 $0xD0000000, s2;
	s6 =	simm.s32 $0x108;
	_ =	swait.ge @!p0 [sflag:s8], $0x0  }
0x24: {  	s3 =	sadd.s32 $0x88, s3;
	s6 =	simm.s32 @!p1 $0x1082;
	[sflag:s4] =	ssyncset.s32 $0xFFFFF086  }
0x25: {  	[simem:s6], [sflag:s4] =	dma.local [hbm:s3], $0xF7A  }
0x26: {  	[smem:$0x3F9F] =	sst s1;
	(tag) =	ssettag s2;
	_ =	strace s9  }
0x27: {  	s1 =	sld [smem:$0x3FAF]  }
0x28: {  	s2 =	sld [smem:$0x3FB0]  }
0x29: {  	s4 =	sld [smem:$0x3FB2]  }
0x2a: {  	p0 =	seq.s32 s5, $0x0;
	s5 =	sld [smem:$0x3FB3]  }
0x2b: {  	s6 =	sld [smem:$0x3FB4]  }
0x2c: {  	s7 =	sld [smem:$0x3FB5]  }
0x2d: {  	s3 =	simm.s32 $0x108;
	s8 =	sld [smem:$0x3FB6]  }
0x2e: {  	s3 =	simm.s32 @!p0 $0x1082;
	s9 =	sld [smem:$0x3FB7]  }
0x2f: {  	lr =	sadd.s32 s0, s3;
	s0 =	sld [smem:$0x3FAE]  }
0x30: {  	s3 =	sld [smem:$0x3FB1]  }
0x31: {  	[smem:$0x3FBA] =	sst s10  }
0x32: {  	s10 =	sld [smem:$0x3FB8];
	_ =	sdelay $0x3  }
0x33: {  	p0 =	seq.s32 s10, $0x1;
	s10 =	sld [smem:$0x3FBA];
	_ =	sdelay $0x3  }
0x34: {  	[smem:$0x3FBA] =	sst s10  }
0x35: {  	s10 =	sld [smem:$0x3FB9];
	_ =	sdelay $0x3  }
0x36: {  	p1 =	seq.s32 s10, $0x1;
	s10 =	sld [smem:$0x3FBA];
	_ =	sdelay $0x3  }
0x37: {  	[smem:$0x3FBA] =	sst s10  }
0x38: {  	s10 =	sld [smem:$0x3FBB]  }
0x39: {  	_ = 	snop;
	(pc) =	sbr.ind lr, $3  }
0x3a: {  	_ = 	snop  }
0x3b: {  	_ = 	snop  }
0x3c: {  	p2 =	seq.s32 s10, $0x1;
	s10 =	sld [smem:$0x3FBA]  }
0x3d: {  	_ =	shalt  }
0x3e: {  	_ =	shalt  }
0x3f: {  	_ =	shalt  }
0x40: {  	_ =	shalt  }
0x41: {  	_ =	shalt  }
0x42: {  	_ =	shalt  }
0x43: {  	_ =	shalt  }
0x44: {  	_ =	shalt  }
0x45: {  	_ =	shalt  }
0x46: {  	_ =	shalt  }
0x47: {  	_ =	shalt  }
0x48: {  	_ =	shalt  }
0x49: {  	_ =	shalt  }
0x4a: {  	_ =	shalt  }
0x4b: {  	_ =	shalt  }
0x4c: {  	_ =	shalt  }
0x4d: {  	_ =	shalt  }
0x4e: {  	_ =	shalt  }
0x4f: {  	_ =	shalt  }
0x50: {  	_ =	shalt  }
0x51: {  	_ =	shalt  }
0x52: {  	_ =	shalt  }
0x53: {  	_ =	shalt  }
0x54: {  	_ =	shalt  }
0x55: {  	_ =	shalt  }
0x56: {  	_ =	shalt  }
0x57: {  	_ =	shalt  }
0x58: {  	_ =	shalt  }
0x59: {  	_ =	shalt  }
0x5a: {  	_ =	shalt  }
0x5b: {  	_ =	shalt  }
0x5c: {  	_ =	shalt  }
0x5d: {  	_ =	shalt  }
0x5e: {  	_ =	shalt  }
0x5f: {  	_ =	shalt  }
0x60: {  	_ =	shalt  }
0x61: {  	_ =	shalt  }
0x62: {  	_ =	shalt  }
0x63: {  	_ =	shalt  }
0x64: {  	_ =	shalt  }
0x65: {  	_ =	shalt  }
0x66: {  	_ =	shalt  }
0x67: {  	_ =	shalt  }
0x68: {  	_ =	shalt  }
0x69: {  	_ =	shalt  }
0x6a: {  	_ =	shalt  }
0x6b: {  	_ =	shalt  }
0x6c: {  	_ =	shalt  }
0x6d: {  	_ =	shalt  }
0x6e: {  	_ =	shalt  }
0x6f: {  	_ =	shalt  }
0x70: {  	_ =	shalt  }
0x71: {  	_ =	shalt  }
0x72: {  	_ =	shalt  }
0x73: {  	_ =	shalt  }
0x74: {  	_ =	shalt  }
0x75: {  	_ =	shalt  }
0x76: {  	_ =	shalt  }
0x77: {  	_ =	shalt  }
0x78: {  	_ =	shalt  }
0x79: {  	_ =	shalt  }
0x7a: {  	_ =	shalt  }
0x7b: {  	_ =	shalt  }
0x7c: {  	_ =	shalt  }
0x7d: {  	_ =	shalt  }
0x7e: {  	_ =	shalt  }
0x7f: {  	_ =	shalt  }
0x80: {  	_ =	shalt  }
0x81: {  	_ =	shalt  }
0x82: {  	_ =	shalt  }
0x83: {  	_ =	shalt  }
0x84: {  	_ =	shalt  }
0x85: {  	_ =	shalt  }
0x86: {  	_ =	shalt  }
0x87: {  	_ =	shalt  }
.Lfunc_end0:
.L_simem_size_0:
called_computation.1_lowered:
.L_overlay_start_0:
0x88: {  	s2 =	sld [smem:$0x3FD9]  }
0x89: {  	s3 =	sld [smem:$0x3FFE];
	_ =	sdelay $0x1  }
0x8a: {  	s1 =	srdreg.scid  }
0x8b: {  	s0 =	sand.u32 $0x1, s1  }
0x8c: {  	s17 =	sshll.u32 s0, $0xA;
	s2 =	sadd.s32 s3, s2  }
0x8d: {  	s2 =	sadd.s32 s2, s17  }
0x8e: {  	[smem:$0x3FC6] =	sst s2  }
0x8f: {  	_ = 	snop  }
0x90: {  	s2 =	sld [smem:$0x3FC8];
	(tm) =	ssettm $0x1  }
0x91: {  	s18 =	sld [smem:$0x3FFB];
	_ =	sdelay $0x3  }
0x92: {  	_ =	strace s18  }
0x93: {  	s3 =	sld [smem:$0x3FFC];
	_ =	sdelay $0x3  }
0x94: {  	_ =	strace s3  }
0x95: {  	s3 =	sld [smem:$0x3FFD];
	_ =	sdelay $0x3  }
0x96: {  	_ =	strace s3  }
0x97: {  	_ =	strace $0x8FFFFFFF  }
0x98: {  	s19 =	sld [smem:$0x3FDB];
	_ =	sdelay $0x1  }
0x99: {  	s4 =	simm.s32 $_scs_section_size  }
0x9a: {  	s5 =	simm.s32 $_size__tile_overlayer_lowered;
	s6 =	simm.s32 $_tile_overlayer_lowered  }
0x9b: {  	s22 =	simm.s32 $0x1BFF;
	s21 =	sshll.u32 s6, $0x1;
	s3 =	sadd.s32 s4, s19  }
0x9c: {  	s7 =	simm.s32 $0x0;
	s20 =	sshll.u32 s5, $0x1;
	s5 =	sadd.s32 s21, s3  }
0x9d: {  	[timem:s7], [sflag:s22] =	dma.local [hbm:s5], s20  }
0x9e: {  	_ =	swait.ge [sflag:s22], s20  }
0x9f: {  	s4 =	ssub.s32 $0x0, s20;
	[sflag:s22] =	ssyncset.done $0x0  }
0xa0: {  	[sflag:s22] =	ssyncadd.s32 s4;
	_ =	sdelay $0x1  }
0xa1: {  	s23 =	simm.s32 $0x1B8B  }
0xa2: {  	_ =	swait.ge [sflag:s23], $0x1  }
0xa3: {  	[sflag:s23] =	ssyncset.done $0x0  }
0xa4: {  	s25 =	simm.s32 $0x1B8E;
	s24 =	sld [smem:$0x3FFE];
	[sflag:s23] =	ssyncadd.s32 $0xFFFFFFFF  }
0xa5: {  	s26 =	simm.s32 $execute0_lowered;
	[smem:$0x3FD2] =	sst s25  }
0xa6: {  	s5 =	sshll.u32 s26, $0x1;
	_ =	strace $0x80000046;
	[dreg:$0x1] =	wrdreg $0xFFFFFFFF  }
0xa7: {  	s28 =	simm.s32 $_size_execute0_lowered;
	s3 =	sadd.s32 s3, s5;
	[dreg:$0x0] =	wrdreg $0x0  }
0xa8: {  	s5 =	sshll.u32 s28, $0x1;
	[dreg:$0x2] =	wrdreg s3  }
0xa9: {  	[dreg:$0x3] =	wrdreg s5  }
0xaa: {  	[dreg:$0x4] =	wrdreg $0xC0  }
0xab: {  	_ =	task [dreg:s7], $0x5FFFF  }
0xac: {  	[dreg:$0x1] =	wrdreg $0xFFFFFFFF  }
0xad: {  	[dreg:$0x0] =	wrdreg $0x60  }
0xae: {  	[dreg:$0x2] =	wrdreg s2  }
0xaf: {  	[dreg:$0x3] =	wrdreg s24  }
0xb0: {  	[dreg:$0x4] =	wrdreg $0x9  }
0xb1: {  	_ =	task.clear_ibuf [dreg:s7], $0x5FFFF;
	_ =	strace $0x90000046  }
0xb2: {  	s29 =	simm.s32 $0x9;
	_ =	strace $0x80000048  }
0xb3: {  	_ =	swait.ge [sflag:s29], $0x1  }
0xb4: {  	[sflag:s29] =	ssyncadd.s32 $0xFFFFFFFF  }
0xb5: {  	_ =	strace $0x90000048  }
0xb6: {  	_ =	sfence  }
0xb7: {  	s30 =	sld [smem:$0x0];
	_ =	sdelay $0x2  }
0xb8: {  	s31 =	sshll.u32 s1, $0xD;
	s1 =	sshrl.u32 s1, $0x2  }
0xb9: {  	s3 =	sand.u32 $0x4000, s31;
	s1 =	sadd.s32 s1, s30  }
0xba: {  	s0 =	sor.u32 s3, s0;
	s1 =	sshll.u32 s1, $0x11  }
0xbb: {  	s0 =	sor.u32 s1, s0  }
0xbc: {  	s0 =	sadd.s32 $0x8F2B, s0  }
0xbd: {  	[sflag:s0] =	ssyncadd.remote.s32 $0x1  }
0xbe: {  	_ =	sfence.sel $0xFFFF  }
0xbf: {  	[dreg:$0x0] =	wrdreg $0xFFFFFFFF;
	(pc) =	sbr.abs _section_cstart, $3  }
0xc0: {  	[dreg:$0x1] =	wrdreg $0xFFFFFFFF  }
0xc1: {  	_ =	task.clear_ibuf [dreg:s7], $0x2FFFF;
	_ =	strace $0x9FFFFFFF  }
0xc2: {  	(tm) =	ssettm $0x7FFFFFFF  }
0xc3: {  	_ =	shalt  }
tec
execute0_lowered:
.L_overlay_start_1:
0x0: {  	(tag) =	ssettag $0x1  }
0x1: {  	s20 =	rddreg [dreg:$0x0]  }
0x2: {  	s0 =	rddreg [dreg:$0x1];
	s2 =	simm.s32 $0x0;
	s1 =	srdreg.scid  }
0x3: {  	s5 =	stileid.u32;
	s21 =	simm.s32 $0x6000;
	s22 =	simm.s32 $0x7000  }
0x4: {  	s23 =	simm.s32 $0x7800;
	s24 =	simm.s32 $0x1;
	s25 =	simm.s32 $0x8000  }
0x5: {  	s26 =	simm.s32 $0x2;
	[smem:$0x7FF] =	sst s2;
	s1 =	sand.u32 $0x1, s1  }
0x6: {  	s4 =	sadd.s32 $0xE00, s0;
	s31 =	sshll.u32 s5, $0x11;
	s6 =	sadd.s32 $0x40000, s20  }
0x7: {  	s7 =	sadd.s32 $0x80000, s20;
	s8 =	sadd.s32 $0xC0000, s20;
	s9 =	sadd.s32 $0x100000, s20  }
0x8: {  	s10 =	sadd.s32 $0x140000, s20;
	s11 =	sadd.s32 $0x180000, s20;
	s12 =	sadd.s32 $0x1C0000, s20  }
0x9: {  	s13 =	sadd.s32 $0x200000, s20;
	s14 =	sadd.s32 $0x240000, s20;
	s15 =	sadd.s32 $0x280000, s20  }
0xa: {  	s16 =	sadd.s32 $0x2C0000, s20;
	s17 =	sadd.s32 $0x300000, s20;
	s3 =	ssub.s32 $0x2, s1  }
0xb: {  	s18 =	sadd.s32 $0x340000, s20;
	s19 =	sadd.s32 $0x380000, s20;
	s30 =	sshrl.u32 s3, $0x1  }
0xc: {  	v0 =	vlaneseq.u32;
	s20 =	sadd.s32 $0x3C0000, s20;
	s1 =	sshll.u32 s1, $0x10;
	s0 =	ssub.s32 s3, s30  }
0xd: {  	v0 =	vmul.u32 $0x800, v0;
	_ =	strace $0x80000047;
	s5 =	sor.u32 s1, s31;
	s0 =	smax.u32 s0, $0x1  }
0xe: {  	s1 =	simm.s32 $0x6800;
	s3 =	simm.s32 $0x0;
	[dreg:$0x3] =	wrdreg s0  }
.LBB2_1:
0xf: {  	[dreg:$0x4] =	wrdreg s3;
	s28 =	simm.s32 $0x0  }
.LBB2_2:
0x10: {  	s0 =	sshll.u32 s28, $0xB  }
0x11: {  	s29 =	sadd.s32 s5, s0  }
0x12: {  	s3 =	rddreg [dreg:$0x0];
	s0 =	sshrl.u32 s29, $0x3  }
0x13: {  	s3 =	sadd.s32 s3, s0  }
0x14: {  	[tilespmem:s2], [sflag:$0x1] =	stream.linear.gather [hbm4b:s3+s2], $0x800, $0x38;
	[tilespmem:$0x10000] =	vst v63  }
0x15: {  	s30 =	simm.s32 $0x800;
	s3 =	sadd.s32 s0, s6  }
0x16: {  	[tilespmem:s30], [sflag:$0x1] =	stream.linear.gather [hbm4b:s3+s2], $0x800, $0x38;
	[tilespmem:$0x10000] =	vst v63  }
0x17: {  	s3 =	sadd.s32 s0, s7;
	s30 =	simm.s32 $0x1000  }
0x18: {  	[tilespmem:s30], [sflag:$0x1] =	stream.linear.gather [hbm4b:s3+s2], $0x800, $0x38;
	[tilespmem:$0x10000] =	vst v63  }
0x19: {  	s3 =	sadd.s32 s0, s8;
	s30 =	simm.s32 $0x1800  }
0x1a: {  	[tilespmem:s30], [sflag:$0x1] =	stream.linear.gather [hbm4b:s3+s2], $0x800, $0x38;
	[tilespmem:$0x10000] =	vst v63  }
0x1b: {  	s3 =	sadd.s32 s0, s9;
	s30 =	simm.s32 $0x2000  }
0x1c: {  	[tilespmem:s30], [sflag:$0x1] =	stream.linear.gather [hbm4b:s3+s2], $0x800, $0x38;
	[tilespmem:$0x10000] =	vst v63  }
0x1d: {  	s3 =	sadd.s32 s0, s10;
	s30 =	simm.s32 $0x2800  }
0x1e: {  	[tilespmem:s30], [sflag:$0x1] =	stream.linear.gather [hbm4b:s3+s2], $0x800, $0x38;
	[tilespmem:$0x10000] =	vst v63  }
0x1f: {  	s3 =	sadd.s32 s0, s11;
	s30 =	simm.s32 $0x3000  }
0x20: {  	[tilespmem:s30], [sflag:$0x1] =	stream.linear.gather [hbm4b:s3+s2], $0x800, $0x38;
	[tilespmem:$0x10000] =	vst v63  }
0x21: {  	s3 =	sadd.s32 s0, s12;
	s30 =	simm.s32 $0x3800  }
0x22: {  	[tilespmem:s30], [sflag:$0x1] =	stream.linear.gather [hbm4b:s3+s2], $0x800, $0x38;
	[tilespmem:$0x10000] =	vst v63  }
0x23: {  	s3 =	sadd.s32 s0, s13;
	s30 =	simm.s32 $0x4000  }
0x24: {  	[tilespmem:s30], [sflag:$0x1] =	stream.linear.gather [hbm4b:s3+s2], $0x800, $0x38;
	[tilespmem:$0x10000] =	vst v63  }
0x25: {  	s3 =	sadd.s32 s0, s14;
	s30 =	simm.s32 $0x4800  }
0x26: {  	[tilespmem:s30], [sflag:$0x1] =	stream.linear.gather [hbm4b:s3+s2], $0x800, $0x38;
	[tilespmem:$0x10000] =	vst v63  }
0x27: {  	s3 =	sadd.s32 s0, s15;
	s30 =	simm.s32 $0x5000  }
0x28: {  	[tilespmem:s30], [sflag:$0x1] =	stream.linear.gather [hbm4b:s3+s2], $0x800, $0x38;
	[tilespmem:$0x10000] =	vst v63  }
0x29: {  	s3 =	sadd.s32 s0, s16;
	s30 =	simm.s32 $0x5800  }
0x2a: {  	[tilespmem:s30], [sflag:$0x1] =	stream.linear.gather [hbm4b:s3+s2], $0x800, $0x38;
	[tilespmem:$0x10000] =	vst v63  }
0x2b: {  	s3 =	sadd.s32 s0, s17  }
0x2c: {  	[tilespmem:s21], [sflag:$0x1] =	stream.linear.gather [hbm4b:s3+s2], $0x800, $0x38;
	[tilespmem:$0x10000] =	vst v63  }
0x2d: {  	s3 =	sadd.s32 s0, s18  }
0x2e: {  	[tilespmem:s1], [sflag:$0x1] =	stream.linear.gather [hbm4b:s3+s2], $0x800, $0x38;
	[tilespmem:$0x10000] =	vst v63  }
0x2f: {  	s3 =	sadd.s32 s0, s19  }
0x30: {  	[tilespmem:s22], [sflag:$0x1] =	stream.linear.gather [hbm4b:s3+s2], $0x800, $0x38;
	[tilespmem:$0x10000] =	vst v63  }
0x31: {  	s0 =	sadd.s32 s0, s20  }
0x32: {  	[tilespmem:s23], [sflag:$0x1] =	stream.linear.gather [hbm4b:s0+s2], $0x800, $0x38;
	[tilespmem:$0x10000] =	vst v63  }
0x33: {  	_ =	swait.ge [sflag:s24], $0x800  }
0x34: {  	[sflag:s24] =	ssyncset.done $0x0  }
0x35: {  	[sflag:s24] =	ssyncadd.s32 $0xFFFFF800  }
0x36: {  	_ =	swait.ge [sflag:s24], $0x800  }
0x37: {  	[sflag:s24] =	ssyncset.done $0x0  }
0x38: {  	[sflag:s24] =	ssyncadd.s32 $0xFFFFF800  }
0x39: {  	_ =	swait.ge [sflag:s24], $0x800  }
0x3a: {  	[sflag:s24] =	ssyncset.done $0x0  }
0x3b: {  	[sflag:s24] =	ssyncadd.s32 $0xFFFFF800  }
0x3c: {  	_ =	swait.ge [sflag:s24], $0x800  }
0x3d: {  	[sflag:s24] =	ssyncset.done $0x0  }
0x3e: {  	[sflag:s24] =	ssyncadd.s32 $0xFFFFF800  }
0x3f: {  	_ =	swait.ge [sflag:s24], $0x800  }
0x40: {  	[sflag:s24] =	ssyncset.done $0x0  }
0x41: {  	[sflag:s24] =	ssyncadd.s32 $0xFFFFF800  }
0x42: {  	_ =	swait.ge [sflag:s24], $0x800  }
0x43: {  	[sflag:s24] =	ssyncset.done $0x0  }
0x44: {  	[sflag:s24] =	ssyncadd.s32 $0xFFFFF800  }
0x45: {  	_ =	swait.ge [sflag:s24], $0x800  }
0x46: {  	[sflag:s24] =	ssyncset.done $0x0  }
0x47: {  	[sflag:s24] =	ssyncadd.s32 $0xFFFFF800  }
0x48: {  	_ =	swait.ge [sflag:s24], $0x800  }
0x49: {  	[sflag:s24] =	ssyncset.done $0x0  }
0x4a: {  	[sflag:s24] =	ssyncadd.s32 $0xFFFFF800  }
0x4b: {  	_ =	swait.ge [sflag:s24], $0x800  }
0x4c: {  	[sflag:s24] =	ssyncset.done $0x0  }
0x4d: {  	[sflag:s24] =	ssyncadd.s32 $0xFFFFF800  }
0x4e: {  	_ =	swait.ge [sflag:s24], $0x800  }
0x4f: {  	[sflag:s24] =	ssyncset.done $0x0  }
0x50: {  	[sflag:s24] =	ssyncadd.s32 $0xFFFFF800  }
0x51: {  	_ =	swait.ge [sflag:s24], $0x800  }
0x52: {  	[sflag:s24] =	ssyncset.done $0x0  }
0x53: {  	[sflag:s24] =	ssyncadd.s32 $0xFFFFF800  }
0x54: {  	_ =	swait.ge [sflag:s24], $0x800  }
0x55: {  	[sflag:s24] =	ssyncset.done $0x0  }
0x56: {  	[sflag:s24] =	ssyncadd.s32 $0xFFFFF800  }
0x57: {  	_ =	swait.ge [sflag:s24], $0x800  }
0x58: {  	[sflag:s24] =	ssyncset.done $0x0  }
0x59: {  	[sflag:s24] =	ssyncadd.s32 $0xFFFFF800  }
0x5a: {  	_ =	swait.ge [sflag:s24], $0x800  }
0x5b: {  	[sflag:s24] =	ssyncset.done $0x0  }
0x5c: {  	[sflag:s24] =	ssyncadd.s32 $0xFFFFF800  }
0x5d: {  	s3 =	simm.s32 $0x0;
	_ =	swait.ge [sflag:s24], $0x800  }
0x5e: {  	v1 =	vor.u32 s3, v0;
	[sflag:s24] =	ssyncset.done $0x0  }
0x5f: {  	[sflag:s24] =	ssyncadd.s32 $0xFFFFF800  }
0x60: {  	_ =	swait.ge [sflag:s24], $0x800  }
0x61: {  	[sflag:s24] =	ssyncset.done $0x0  }
0x62: {  	[sflag:s24] =	ssyncadd.s32 $0xFFFFF800  }
0x63: {  	s3 =	simm.s32 $0x1;
	v1 =	vld.idx.msk [tilespmem:v1+s2+$0x0], $0xffff  }
0x64: {  	v2 =	vor.u32 s3, v0;
	_ =	sdelay $0x2  }
0x65: {  	s30 =	simm.s32 $0x8080  }
0x66: {  	[tilespmem:s30+$0xFFFFFF80] =	vst v1  }
0x67: {  	s3 =	simm.s32 $0x2;
	v1 =	vld.idx.msk [tilespmem:v2+s2+$0x0], $0xffff  }
0x68: {  	v2 =	vor.u32 s3, v0;
	_ =	sdelay $0x3  }
0x69: {  	[tilespmem:s30+$0xFFFFFF90] =	vst v1  }
0x6a: {  	s3 =	simm.s32 $0x3;
	v1 =	vld.idx.msk [tilespmem:v2+s2+$0x0], $0xffff  }
0x6b: {  	v2 =	vor.u32 s3, v0;
	_ =	sdelay $0x3  }
0x6c: {  	[tilespmem:s30+$0xFFFFFFA0] =	vst v1  }
0x6d: {  	s3 =	simm.s32 $0x4;
	v1 =	vld.idx.msk [tilespmem:v2+s2+$0x0], $0xffff  }
0x6e: {  	v2 =	vor.u32 s3, v0;
	_ =	sdelay $0x3  }
0x6f: {  	[tilespmem:s30+$0xFFFFFFB0] =	vst v1  }
0x70: {  	s3 =	simm.s32 $0x5;
	v1 =	vld.idx.msk [tilespmem:v2+s2+$0x0], $0xffff  }
0x71: {  	v2 =	vor.u32 s3, v0;
	_ =	sdelay $0x3  }
0x72: {  	[tilespmem:s30+$0xFFFFFFC0] =	vst v1  }
0x73: {  	s3 =	simm.s32 $0x6;
	v1 =	vld.idx.msk [tilespmem:v2+s2+$0x0], $0xffff  }
0x74: {  	v2 =	vor.u32 s3, v0;
	_ =	sdelay $0x3  }
0x75: {  	[tilespmem:s30+$0xFFFFFFD0] =	vst v1  }
0x76: {  	s3 =	simm.s32 $0x7;
	v1 =	vld.idx.msk [tilespmem:v2+s2+$0x0], $0xffff  }
0x77: {  	v2 =	vor.u32 s3, v0;
	_ =	sdelay $0x3  }
0x78: {  	[tilespmem:s30+$0xFFFFFFE0] =	vst v1  }
0x79: {  	s3 =	simm.s32 $0x8;
	v1 =	vld.idx.msk [tilespmem:v2+s2+$0x0], $0xffff  }
0x7a: {  	v2 =	vor.u32 s3, v0;
	_ =	sdelay $0x3  }
0x7b: {  	[tilespmem:s30+$0xFFFFFFF0] =	vst v1  }
0x7c: {  	s3 =	simm.s32 $0x9;
	v1 =	vld.idx.msk [tilespmem:v2+s2+$0x0], $0xffff  }
0x7d: {  	v2 =	vor.u32 s3, v0;
	_ =	sdelay $0x3  }
0x7e: {  	[tilespmem:s30+$0x0] =	vst v1  }
0x7f: {  	s3 =	simm.s32 $0xA;
	v1 =	vld.idx.msk [tilespmem:v2+s2+$0x0], $0xffff  }
0x80: {  	v2 =	vor.u32 s3, v0;
	_ =	sdelay $0x3  }
0x81: {  	[tilespmem:s30+$0x10] =	vst v1  }
0x82: {  	s3 =	simm.s32 $0xB;
	v1 =	vld.idx.msk [tilespmem:v2+s2+$0x0], $0xffff  }
0x83: {  	v2 =	vor.u32 s3, v0;
	_ =	sdelay $0x3  }
0x84: {  	[tilespmem:s30+$0x20] =	vst v1  }
0x85: {  	s3 =	simm.s32 $0xC;
	v1 =	vld.idx.msk [tilespmem:v2+s2+$0x0], $0xffff  }
0x86: {  	v2 =	vor.u32 s3, v0;
	_ =	sdelay $0x3  }
0x87: {  	[tilespmem:s30+$0x30] =	vst v1  }
0x88: {  	s3 =	simm.s32 $0xD;
	v1 =	vld.idx.msk [tilespmem:v2+s2+$0x0], $0xffff  }
0x89: {  	v2 =	vor.u32 s3, v0;
	_ =	sdelay $0x3  }
0x8a: {  	[tilespmem:s30+$0x40] =	vst v1  }
0x8b: {  	s3 =	simm.s32 $0xE;
	v1 =	vld.idx.msk [tilespmem:v2+s2+$0x0], $0xffff  }
0x8c: {  	v2 =	vor.u32 s3, v0;
	_ =	sdelay $0x3  }
0x8d: {  	[tilespmem:s30+$0x50] =	vst v1  }
0x8e: {  	s3 =	simm.s32 $0xF;
	v1 =	vld.idx.msk [tilespmem:v2+s2+$0x0], $0xffff  }
0x8f: {  	v2 =	vor.u32 s3, v0;
	_ =	sdelay $0x3  }
0x90: {  	[tilespmem:s30+$0x60] =	vst v1  }
0x91: {  	s31 =	simm.s32 $0x1F;
	s0 =	simm.s32 $0x2F;
	s3 =	simm.s32 $0x10;
	v1 =	vld.idx.msk [tilespmem:v2+s2+$0x0], $0xffff  }
.LBB2_3:
0x92: {  	p0 =	sne.s32 s0, $0x7FF;
	v2 =	vor.u32 s3, v0;
	_ =	sdelay $0x3  }
0x93: {  	[tilespmem:s30+$0x70] =	vst v1  }
0x94: {  	v1 =	vld.idx.msk [tilespmem:v2+s2+$0x0], $0xffff  }
0x95: {  	s3 =	sadd.s32 $0xFFFFFFF2, s31  }
0x96: {  	v2 =	vor.u32 s3, v0;
	_ =	sdelay $0x2  }
0x97: {  	s30 =	sadd.s32 $0x100, s30  }
0x98: {  	[tilespmem:s30+$0xFFFFFF80] =	vst v1  }
0x99: {  	v1 =	vld.idx.msk [tilespmem:v2+s2+$0x0], $0xffff  }
0x9a: {  	s3 =	sadd.s32 $0xFFFFFFF3, s31  }
0x9b: {  	v2 =	vor.u32 s3, v0;
	_ =	sdelay $0x3  }
0x9c: {  	[tilespmem:s30+$0xFFFFFF90] =	vst v1  }
0x9d: {  	v1 =	vld.idx.msk [tilespmem:v2+s2+$0x0], $0xffff  }
0x9e: {  	s3 =	sadd.s32 $0xFFFFFFF4, s31  }
0x9f: {  	v2 =	vor.u32 s3, v0;
	_ =	sdelay $0x3  }
0xa0: {  	[tilespmem:s30+$0xFFFFFFA0] =	vst v1  }
0xa1: {  	v1 =	vld.idx.msk [tilespmem:v2+s2+$0x0], $0xffff  }
0xa2: {  	s3 =	sadd.s32 $0xFFFFFFF5, s31  }
0xa3: {  	v2 =	vor.u32 s3, v0;
	_ =	sdelay $0x3  }
0xa4: {  	[tilespmem:s30+$0xFFFFFFB0] =	vst v1  }
0xa5: {  	v1 =	vld.idx.msk [tilespmem:v2+s2+$0x0], $0xffff  }
0xa6: {  	s3 =	sadd.s32 $0xFFFFFFF6, s31  }
0xa7: {  	v2 =	vor.u32 s3, v0;
	_ =	sdelay $0x3  }
0xa8: {  	[tilespmem:s30+$0xFFFFFFC0] =	vst v1  }
0xa9: {  	v1 =	vld.idx.msk [tilespmem:v2+s2+$0x0], $0xffff  }
0xaa: {  	s3 =	sadd.s32 $0xFFFFFFF7, s31  }
0xab: {  	v2 =	vor.u32 s3, v0;
	_ =	sdelay $0x3  }
0xac: {  	[tilespmem:s30+$0xFFFFFFD0] =	vst v1  }
0xad: {  	v1 =	vld.idx.msk [tilespmem:v2+s2+$0x0], $0xffff  }
0xae: {  	s3 =	sadd.s32 $0xFFFFFFF8, s31  }
0xaf: {  	v2 =	vor.u32 s3, v0;
	_ =	sdelay $0x3  }
0xb0: {  	[tilespmem:s30+$0xFFFFFFE0] =	vst v1  }
0xb1: {  	v1 =	vld.idx.msk [tilespmem:v2+s2+$0x0], $0xffff  }
0xb2: {  	s3 =	sadd.s32 $0xFFFFFFF9, s31  }
0xb3: {  	v2 =	vor.u32 s3, v0;
	_ =	sdelay $0x3  }
0xb4: {  	[tilespmem:s30+$0xFFFFFFF0] =	vst v1  }
0xb5: {  	v1 =	vld.idx.msk [tilespmem:v2+s2+$0x0], $0xffff  }
0xb6: {  	s3 =	sadd.s32 $0xFFFFFFFA, s31  }
0xb7: {  	v2 =	vor.u32 s3, v0;
	_ =	sdelay $0x3  }
0xb8: {  	[tilespmem:s30+$0x0] =	vst v1  }
0xb9: {  	v1 =	vld.idx.msk [tilespmem:v2+s2+$0x0], $0xffff  }
0xba: {  	s3 =	sadd.s32 $0xFFFFFFFB, s31  }
0xbb: {  	v2 =	vor.u32 s3, v0;
	_ =	sdelay $0x3  }
0xbc: {  	[tilespmem:s30+$0x10] =	vst v1  }
0xbd: {  	v1 =	vld.idx.msk [tilespmem:v2+s2+$0x0], $0xffff  }
0xbe: {  	s3 =	sadd.s32 $0xFFFFFFFC, s31  }
0xbf: {  	v2 =	vor.u32 s3, v0;
	_ =	sdelay $0x3  }
0xc0: {  	[tilespmem:s30+$0x20] =	vst v1  }
0xc1: {  	v1 =	vld.idx.msk [tilespmem:v2+s2+$0x0], $0xffff  }
0xc2: {  	s3 =	sadd.s32 $0xFFFFFFFD, s31  }
0xc3: {  	v2 =	vor.u32 s3, v0;
	_ =	sdelay $0x3  }
0xc4: {  	[tilespmem:s30+$0x30] =	vst v1  }
0xc5: {  	v1 =	vld.idx.msk [tilespmem:v2+s2+$0x0], $0xffff  }
0xc6: {  	s3 =	sadd.s32 $0xFFFFFFFE, s31  }
0xc7: {  	v2 =	vor.u32 s3, v0;
	_ =	sdelay $0x3  }
0xc8: {  	[tilespmem:s30+$0x40] =	vst v1  }
0xc9: {  	v1 =	vld.idx.msk [tilespmem:v2+s2+$0x0], $0xffff  }
0xca: {  	s3 =	sadd.s32 $0xFFFFFFFF, s31  }
0xcb: {  	v2 =	vor.u32 s3, v0;
	_ =	sdelay $0x3  }
0xcc: {  	[tilespmem:s30+$0x50] =	vst v1  }
0xcd: {  	v1 =	vld.idx.msk [tilespmem:v2+s2+$0x0], $0xffff;
	_ =	sdelay $0x1  }
0xce: {  	v2 =	vor.u32 s31, v0;
	s31 =	smov.u32 s0;
	_ =	sdelay $0x1  }
.Ltmp0:
0xcf: {  	(pc) =	sbr.rel @p0 .LBB2_3-.Ltmp0, $4  }
0xd0: {  	_ = 	snop  }
0xd1: {  	[tilespmem:s30+$0x60] =	vst v1  }
0xd2: {  	v1 =	vld.idx.msk [tilespmem:v2+s2+$0x0], $0xffff  }
0xd3: {  	s0 =	sadd.s32 $0x10, s0;
	s3 =	sadd.s32 $0xFFFFFFF1, s31  }
0xd4: {  	v2 =	vor.u32 s3, v0;
	_ =	sdelay $0x3  }
0xd5: {  	[tilespmem:s30+$0x70] =	vst v1  }
0xd6: {  	s0 =	sadd.s32 $0xFFFFFFF2, s31;
	v1 =	vld.idx.msk [tilespmem:v2+s2+$0x0], $0xffff  }
0xd7: {  	v2 =	vor.u32 s0, v0;
	_ =	sdelay $0x2  }
0xd8: {  	s0 =	sadd.s32 $0x100, s30  }
0xd9: {  	[tilespmem:s0+$0xFFFFFF80] =	vst v1  }
0xda: {  	s30 =	sadd.s32 $0xFFFFFFF3, s31;
	v1 =	vld.idx.msk [tilespmem:v2+s2+$0x0], $0xffff  }
0xdb: {  	v2 =	vor.u32 s30, v0;
	_ =	sdelay $0x3  }
0xdc: {  	[tilespmem:s0+$0xFFFFFF90] =	vst v1  }
0xdd: {  	s30 =	sadd.s32 $0xFFFFFFF4, s31;
	v1 =	vld.idx.msk [tilespmem:v2+s2+$0x0], $0xffff  }
0xde: {  	v2 =	vor.u32 s30, v0;
	_ =	sdelay $0x3  }
0xdf: {  	[tilespmem:s0+$0xFFFFFFA0] =	vst v1  }
0xe0: {  	s30 =	sadd.s32 $0xFFFFFFF5, s31;
	v1 =	vld.idx.msk [tilespmem:v2+s2+$0x0], $0xffff  }
0xe1: {  	v2 =	vor.u32 s30, v0;
	_ =	sdelay $0x3  }
0xe2: {  	[tilespmem:s0+$0xFFFFFFB0] =	vst v1  }
0xe3: {  	s30 =	sadd.s32 $0xFFFFFFF6, s31;
	v1 =	vld.idx.msk [tilespmem:v2+s2+$0x0], $0xffff  }
0xe4: {  	v2 =	vor.u32 s30, v0;
	_ =	sdelay $0x3  }
0xe5: {  	[tilespmem:s0+$0xFFFFFFC0] =	vst v1  }
0xe6: {  	s30 =	sadd.s32 $0xFFFFFFF7, s31;
	v1 =	vld.idx.msk [tilespmem:v2+s2+$0x0], $0xffff  }
0xe7: {  	v2 =	vor.u32 s30, v0;
	_ =	sdelay $0x3  }
0xe8: {  	[tilespmem:s0+$0xFFFFFFD0] =	vst v1  }
0xe9: {  	s30 =	sadd.s32 $0xFFFFFFF8, s31;
	v1 =	vld.idx.msk [tilespmem:v2+s2+$0x0], $0xffff  }
0xea: {  	v2 =	vor.u32 s30, v0;
	_ =	sdelay $0x3  }
0xeb: {  	[tilespmem:s0+$0xFFFFFFE0] =	vst v1  }
0xec: {  	s30 =	sadd.s32 $0xFFFFFFF9, s31;
	v1 =	vld.idx.msk [tilespmem:v2+s2+$0x0], $0xffff  }
0xed: {  	v2 =	vor.u32 s30, v0;
	_ =	sdelay $0x3  }
0xee: {  	[tilespmem:s0+$0xFFFFFFF0] =	vst v1  }
0xef: {  	s30 =	sadd.s32 $0xFFFFFFFA, s31;
	v1 =	vld.idx.msk [tilespmem:v2+s2+$0x0], $0xffff  }
0xf0: {  	v2 =	vor.u32 s30, v0;
	_ =	sdelay $0x3  }
0xf1: {  	[tilespmem:s0+$0x0] =	vst v1  }
0xf2: {  	s30 =	sadd.s32 $0xFFFFFFFB, s31;
	v1 =	vld.idx.msk [tilespmem:v2+s2+$0x0], $0xffff  }
0xf3: {  	v2 =	vor.u32 s30, v0;
	_ =	sdelay $0x3  }
0xf4: {  	[tilespmem:s0+$0x10] =	vst v1  }
0xf5: {  	s30 =	sadd.s32 $0xFFFFFFFC, s31;
	v1 =	vld.idx.msk [tilespmem:v2+s2+$0x0], $0xffff  }
0xf6: {  	v2 =	vor.u32 s30, v0;
	_ =	sdelay $0x3  }
0xf7: {  	[tilespmem:s0+$0x20] =	vst v1  }
0xf8: {  	s30 =	sadd.s32 $0xFFFFFFFD, s31;
	v1 =	vld.idx.msk [tilespmem:v2+s2+$0x0], $0xffff  }
0xf9: {  	v2 =	vor.u32 s30, v0;
	_ =	sdelay $0x3  }
0xfa: {  	[tilespmem:s0+$0x30] =	vst v1  }
0xfb: {  	s30 =	sadd.s32 $0xFFFFFFFE, s31;
	v1 =	vld.idx.msk [tilespmem:v2+s2+$0x0], $0xffff  }
0xfc: {  	v2 =	vor.u32 s30, v0;
	_ =	sdelay $0x3  }
0xfd: {  	[tilespmem:s0+$0x40] =	vst v1  }
0xfe: {  	s30 =	sadd.s32 $0xFFFFFFFF, s31;
	v1 =	vld.idx.msk [tilespmem:v2+s2+$0x0], $0xffff  }
0xff: {  	v2 =	vor.u32 s30, v0;
	_ =	sdelay $0x3  }
0x100: {  	[tilespmem:s0+$0x50] =	vst v1  }
0x101: {  	v1 =	vld.idx.msk [tilespmem:v2+s2+$0x0], $0xffff  }
0x102: {  	v2 =	vor.u32 s31, v0;
	_ =	sdelay $0x3  }
0x103: {  	[tilespmem:s0+$0x60] =	vst v1  }
0x104: {  	v1 =	vld.idx.msk [tilespmem:v2+s2+$0x0], $0xffff;
	_ =	sdelay $0x2  }
0x105: {  	s28 =	sadd.s32 $0x1, s28  }
0x106: {  	p0 =	sne.s32 s28, $0x20;
	s30 =	sshll.u32 s29, $0x1  }
.Ltmp1:
0x107: {  	s31 =	sadd.s32 s4, s30;
	[tilespmem:s0+$0x70] =	vst v1;
	(pc) =	sbr.rel @p0 .LBB2_2-.Ltmp1, $4  }
0x108: {  	[hbm4b:s31+s2] =	stream.linear.scatter [tilespmem:s25], [sflag:$0x2], $0x8000, $0x38;
	[tilespmem:$0x10000] =	vst v63  }
0x109: {  	_ =	swait.ge [sflag:s26], $0x8000  }
0x10a: {  	[sflag:s26] =	ssyncset.done $0x0  }
0x10b: {  	[sflag:s26] =	ssyncadd.s32 $0xFFFF8000  }
0x10c: {  	s3 =	rddreg [dreg:$0x4]  }
0x10d: {  	s0 =	rddreg [dreg:$0x3];
	s3 =	sadd.s32 $0x1, s3  }
0x10e: {  	p0 =	sne.s32 s3, s0  }
.Ltmp2:
0x10f: {  	_ = 	snop;
	(pc) =	sbr.rel @p0 .LBB2_1-.Ltmp2, $1  }
0x110: {  	_ =	sdelay $0x3  }
0x111: {  	_ =	sfence.sel $0x180000  }
0x112: {  	[bflag:$0x0] =	sbarrier.arrive $0xFFFF  }
0x113: {  	_ =	strace $0x90000047  }
0x114: {  	s0 =	stileid.u32;
	[bflag:$0x2] =	sbarrier.arrive $0xFFFF  }
0x115: {  	p0 =	sne.s32 s0, $0x0;
	s0 =	rddreg [dreg:$0x2]  }
0x116: {  	s0 =	sadd.s32 @!p0 $0x100000, s0  }
0x117: {  	[sflag:s0] =	ssyncadd.tile.s32 @!p0 $0x1;
	_ =	shalt  }
.Lfunc_end2:
_tile_overlayer_lowered:
.L_overlay_start_2:
0x118: {  	(tag) =	ssettag $0x2  }
0x119: {  	s0 =	rddreg [dreg:$0x0];
	s2 =	stileid.u32  }
0x11a: {  	s1 =	rddreg [dreg:$0x1];
	p0 =	sne.s32 s2, $0x0  }
0x11b: {  	s3 =	rddreg [dreg:$0x2];
	[bflag:$0x3] =	sbarrier.arrive $0xFFFF;
	s2 =	simm.s32 @!p0 $0x1C02  }
0x11c: {  	[timem:s3], [sflag:s2] =	dma.local @!p0 [hbm:s0], s1  }
0x11d: {  	s0 =	simm.s32 @!p0 $0x2  }
0x11e: {  	_ =	swait.ge @!p0 [sflag:s0], s1  }
0x11f: {  	s1 =	ssub.s32 @!p0 $0x0, s1;
	[sflag:s0] =	ssyncset.done @!p0 $0x0  }
0x120: {  	[sflag:s0] =	ssyncadd.s32 @!p0 s1  }
0x121: {  	[bflag:$0x3] =	sbarrier.arrive $0xFFFF  }
0x122: {  	_ =	shalt  }

// kernel: kernel.7.cloned.1.call-start
scs
__scs_entry_jumppad:
0x0: {  	(pc) =	sbr.rel $0x88, $3  }
0x1: {  	(tag) =	ssettag $0x0;
	lr =	simm.s32 $0x1  }
0x2: {  	[smem:$0x3F9F] =	sst lr;
	_ =	strace $0xD0000000  }
0x3: {  	_ = 	snop  }
0x4: {  	_ = 	snop  }
0x5: {  	_ = 	snop  }
0x6: {  	_ = 	snop  }
0x7: {  	_ = 	snop  }
__scs_overlays_trampoline_lowered:
0x8: {  	[smem:$0x3FAE] =	sst s0  }
0x9: {  	[smem:$0x3FAF] =	sst s1  }
0xa: {  	[smem:$0x3FB0] =	sst s2  }
0xb: {  	[smem:$0x3FB1] =	sst s3  }
0xc: {  	[smem:$0x3FB2] =	sst s4  }
0xd: {  	[smem:$0x3FB3] =	sst s5  }
0xe: {  	[smem:$0x3FB4] =	sst s6  }
0xf: {  	[smem:$0x3FB5] =	sst s7  }
0x10: {  	[smem:$0x3FB6] =	sst s8  }
0x11: {  	[smem:$0x3FB7] =	sst s9;
	s0 =	simm.s32 @!p0 $0x0  }
0x12: {  	s1 =	sld [smem:$0x3F9D];
	s0 =	simm.s32 @p0 $0x1  }
0x13: {  	[smem:$0x3FB8] =	sst s0;
	s0 =	simm.s32 @!p1 $0x0  }
0x14: {  	s2 =	sld [smem:$0x3F9C];
	s0 =	simm.s32 @p1 $0x1  }
0x15: {  	[smem:$0x3FB9] =	sst s0;
	s0 =	simm.s32 @!p2 $0x0  }
0x16: {  	s3 =	sld [smem:$0x3FDB];
	s0 =	simm.s32 @p2 $0x1  }
0x17: {  	s4 =	simm.s32 $0x1BF5;
	[smem:$0x3FBB] =	sst s0  }
0x18: {  	s0 =	sld [smem:$0x3F9E];
	_ =	swait.ge [sflag:s4], $0x0  }
0x19: {  	s7 =	sld [smem:$0x3F9F]  }
0x1a: {  	s8 =	sadd.s32 $0xFFFFE003, lr  }
0x1b: {  	s9 =	sadd.s32 $0xFFFFFEF7, lr;
	s5 =	simm.s32 $0xFFFFFFFF;
	p2 =	slt.u32 s8, $0xFFFFF086  }
0x1c: {  	p1 =	slt.u32 s9, $0xF7A;
	s5 =	simm.s32 @!p2 $0x0  }
0x1d: {  	s5 =	simm.s32 @p1 $0x1;
	p0 =	seq.s32 s7, s2  }
0x1e: {  	s7 =	smul.u32 @!p0 $0xF7A, s2;
	p2 =	seq.s32 @!p0 s5, $0x0  }
0x1f: {  	s9 =	smul.u32 $0xF7A, s1;
	s8 =	simm.s32 @!p0 $0x1BF5;
	p2 =	por !p2, p0  }
0x20: {  	[sflag:s8] =	ssyncset.s32 @!p0 $0xFFFFF086;
	s6 =	sadd.s32 @!p0 s3, s7;
	s7 =	simm.s32 @!p0 $0x108  }
0x21: {  	s3 =	sadd.s32 s3, s9;
	s6 =	sadd.s32 @!p0 $0x88, s6;
	s7 =	simm.s32 @p2 $0x1082  }
0x22: {  	[simem:s7], [sflag:s8] =	dma.local @!p0 [hbm:s6], $0xF7A  }
0x23: {  	s9 =	sor.u32 $0xD0000000, s2;
	s6 =	simm.s32 $0x108;
	_ =	swait.ge @!p0 [sflag:s8], $0x0  }
0x24: {  	s3 =	sadd.s32 $0x88, s3;
	s6 =	simm.s32 @!p1 $0x1082;
	[sflag:s4] =	ssyncset.s32 $0xFFFFF086  }
0x25: {  	[simem:s6], [sflag:s4] =	dma.local [hbm:s3], $0xF7A  }
0x26: {  	[smem:$0x3F9F] =	sst s1;
	(tag) =	ssettag s2;
	_ =	strace s9  }
0x27: {  	s1 =	sld [smem:$0x3FAF]  }
0x28: {  	s2 =	sld [smem:$0x3FB0]  }
0x29: {  	s4 =	sld [smem:$0x3FB2]  }
0x2a: {  	p0 =	seq.s32 s5, $0x0;
	s5 =	sld [smem:$0x3FB3]  }
0x2b: {  	s6 =	sld [smem:$0x3FB4]  }
0x2c: {  	s7 =	sld [smem:$0x3FB5]  }
0x2d: {  	s3 =	simm.s32 $0x108;
	s8 =	sld [smem:$0x3FB6]  }
0x2e: {  	s3 =	simm.s32 @!p0 $0x1082;
	s9 =	sld [smem:$0x3FB7]  }
0x2f: {  	lr =	sadd.s32 s0, s3;
	s0 =	sld [smem:$0x3FAE]  }
0x30: {  	s3 =	sld [smem:$0x3FB1]  }
0x31: {  	[smem:$0x3FBA] =	sst s10  }
0x32: {  	s10 =	sld [smem:$0x3FB8];
	_ =	sdelay $0x3  }
0x33: {  	p0 =	seq.s32 s10, $0x1;
	s10 =	sld [smem:$0x3FBA];
	_ =	sdelay $0x3  }
0x34: {  	[smem:$0x3FBA] =	sst s10  }
0x35: {  	s10 =	sld [smem:$0x3FB9];
	_ =	sdelay $0x3  }
0x36: {  	p1 =	seq.s32 s10, $0x1;
	s10 =	sld [smem:$0x3FBA];
	_ =	sdelay $0x3  }
0x37: {  	[smem:$0x3FBA] =	sst s10  }
0x38: {  	s10 =	sld [smem:$0x3FBB]  }
0x39: {  	_ = 	snop;
	(pc) =	sbr.ind lr, $3  }
0x3a: {  	_ = 	snop  }
0x3b: {  	_ = 	snop  }
0x3c: {  	p2 =	seq.s32 s10, $0x1;
	s10 =	sld [smem:$0x3FBA]  }
0x3d: {  	_ =	shalt  }
0x3e: {  	_ =	shalt  }
0x3f: {  	_ =	shalt  }
0x40: {  	_ =	shalt  }
0x41: {  	_ =	shalt  }
0x42: {  	_ =	shalt  }
0x43: {  	_ =	shalt  }
0x44: {  	_ =	shalt  }
0x45: {  	_ =	shalt  }
0x46: {  	_ =	shalt  }
0x47: {  	_ =	shalt  }
0x48: {  	_ =	shalt  }
0x49: {  	_ =	shalt  }
0x4a: {  	_ =	shalt  }
0x4b: {  	_ =	shalt  }
0x4c: {  	_ =	shalt  }
0x4d: {  	_ =	shalt  }
0x4e: {  	_ =	shalt  }
0x4f: {  	_ =	shalt  }
0x50: {  	_ =	shalt  }
0x51: {  	_ =	shalt  }
0x52: {  	_ =	shalt  }
0x53: {  	_ =	shalt  }
0x54: {  	_ =	shalt  }
0x55: {  	_ =	shalt  }
0x56: {  	_ =	shalt  }
0x57: {  	_ =	shalt  }
0x58: {  	_ =	shalt  }
0x59: {  	_ =	shalt  }
0x5a: {  	_ =	shalt  }
0x5b: {  	_ =	shalt  }
0x5c: {  	_ =	shalt  }
0x5d: {  	_ =	shalt  }
0x5e: {  	_ =	shalt  }
0x5f: {  	_ =	shalt  }
0x60: {  	_ =	shalt  }
0x61: {  	_ =	shalt  }
0x62: {  	_ =	shalt  }
0x63: {  	_ =	shalt  }
0x64: {  	_ =	shalt  }
0x65: {  	_ =	shalt  }
0x66: {  	_ =	shalt  }
0x67: {  	_ =	shalt  }
0x68: {  	_ =	shalt  }
0x69: {  	_ =	shalt  }
0x6a: {  	_ =	shalt  }
0x6b: {  	_ =	shalt  }
0x6c: {  	_ =	shalt  }
0x6d: {  	_ =	shalt  }
0x6e: {  	_ =	shalt  }
0x6f: {  	_ =	shalt  }
0x70: {  	_ =	shalt  }
0x71: {  	_ =	shalt  }
0x72: {  	_ =	shalt  }
0x73: {  	_ =	shalt  }
0x74: {  	_ =	shalt  }
0x75: {  	_ =	shalt  }
0x76: {  	_ =	shalt  }
0x77: {  	_ =	shalt  }
0x78: {  	_ =	shalt  }
0x79: {  	_ =	shalt  }
0x7a: {  	_ =	shalt  }
0x7b: {  	_ =	shalt  }
0x7c: {  	_ =	shalt  }
0x7d: {  	_ =	shalt  }
0x7e: {  	_ =	shalt  }
0x7f: {  	_ =	shalt  }
0x80: {  	_ =	shalt  }
0x81: {  	_ =	shalt  }
0x82: {  	_ =	shalt  }
0x83: {  	_ =	shalt  }
0x84: {  	_ =	shalt  }
0x85: {  	_ =	shalt  }
0x86: {  	_ =	shalt  }
0x87: {  	_ =	shalt  }
.Lfunc_end0:
.L_simem_size_0:
called_computation.2_lowered:
.L_overlay_start_0:
0x88: {  	s2 =	sld [smem:$0x3FD9]  }
0x89: {  	s3 =	sld [smem:$0x3FFE];
	_ =	sdelay $0x1  }
0x8a: {  	s1 =	srdreg.scid  }
0x8b: {  	s0 =	sand.u32 $0x1, s1  }
0x8c: {  	s17 =	sshll.u32 s0, $0xA;
	s2 =	sadd.s32 s3, s2  }
0x8d: {  	s2 =	sadd.s32 s2, s17  }
0x8e: {  	[smem:$0x3FC6] =	sst s2  }
0x8f: {  	_ = 	snop  }
0x90: {  	s2 =	sld [smem:$0x3FD0];
	(tm) =	ssettm $0x1  }
0x91: {  	s18 =	sld [smem:$0x3FFB];
	_ =	sdelay $0x3  }
0x92: {  	_ =	strace s18  }
0x93: {  	s3 =	sld [smem:$0x3FFC];
	_ =	sdelay $0x3  }
0x94: {  	_ =	strace s3  }
0x95: {  	s3 =	sld [smem:$0x3FFD];
	_ =	sdelay $0x3  }
0x96: {  	_ =	strace s3  }
0x97: {  	_ =	strace $0x8FFFFFFF  }
0x98: {  	s19 =	sld [smem:$0x3FDB];
	_ =	sdelay $0x1  }
0x99: {  	s4 =	simm.s32 $_scs_section_size  }
0x9a: {  	s5 =	simm.s32 $_size__tile_overlayer_lowered;
	s6 =	simm.s32 $_tile_overlayer_lowered  }
0x9b: {  	s22 =	simm.s32 $0x1BFF;
	s21 =	sshll.u32 s6, $0x1;
	s3 =	sadd.s32 s4, s19  }
0x9c: {  	s7 =	simm.s32 $0x0;
	s20 =	sshll.u32 s5, $0x1;
	s5 =	sadd.s32 s21, s3  }
0x9d: {  	[timem:s7], [sflag:s22] =	dma.local [hbm:s5], s20  }
0x9e: {  	_ =	swait.ge [sflag:s22], s20  }
0x9f: {  	s4 =	ssub.s32 $0x0, s20;
	[sflag:s22] =	ssyncset.done $0x0  }
0xa0: {  	[sflag:s22] =	ssyncadd.s32 s4;
	_ =	sdelay $0x1  }
0xa1: {  	s23 =	simm.s32 $0x1B8B  }
0xa2: {  	_ =	swait.ge [sflag:s23], $0x1  }
0xa3: {  	[sflag:s23] =	ssyncset.done $0x0  }
0xa4: {  	s25 =	simm.s32 $0x1B8E;
	s24 =	sld [smem:$0x3FFE];
	[sflag:s23] =	ssyncadd.s32 $0xFFFFFFFF  }
0xa5: {  	s26 =	simm.s32 $execute0_lowered;
	[smem:$0x3FD2] =	sst s25  }
0xa6: {  	s5 =	sshll.u32 s26, $0x1;
	_ =	strace $0x80000049;
	[dreg:$0x1] =	wrdreg $0xFFFFFFFF  }
0xa7: {  	s28 =	simm.s32 $_size_execute0_lowered;
	s3 =	sadd.s32 s3, s5;
	[dreg:$0x0] =	wrdreg $0x0  }
0xa8: {  	s5 =	sshll.u32 s28, $0x1;
	[dreg:$0x2] =	wrdreg s3  }
0xa9: {  	[dreg:$0x3] =	wrdreg s5  }
0xaa: {  	[dreg:$0x4] =	wrdreg $0xC0  }
0xab: {  	_ =	task [dreg:s7], $0x5FFFF  }
0xac: {  	[dreg:$0x1] =	wrdreg $0xFFFFFFFF  }
0xad: {  	[dreg:$0x0] =	wrdreg $0x60  }
0xae: {  	[dreg:$0x2] =	wrdreg s24  }
0xaf: {  	[dreg:$0x3] =	wrdreg s2  }
0xb0: {  	[dreg:$0x4] =	wrdreg $0x9  }
0xb1: {  	_ =	task.clear_ibuf [dreg:s7], $0x5FFFF;
	_ =	strace $0x90000049  }
0xb2: {  	s29 =	simm.s32 $0x9;
	_ =	strace $0x8000004B  }
0xb3: {  	_ =	swait.ge [sflag:s29], $0x1  }
0xb4: {  	[sflag:s29] =	ssyncadd.s32 $0xFFFFFFFF  }
0xb5: {  	_ =	strace $0x9000004B  }
0xb6: {  	_ =	sfence  }
0xb7: {  	s30 =	sld [smem:$0x0];
	_ =	sdelay $0x2  }
0xb8: {  	s31 =	sshll.u32 s1, $0xD;
	s1 =	sshrl.u32 s1, $0x2  }
0xb9: {  	s3 =	sand.u32 $0x4000, s31;
	s1 =	sadd.s32 s1, s30  }
0xba: {  	s0 =	sor.u32 s3, s0;
	s1 =	sshll.u32 s1, $0x11  }
0xbb: {  	s0 =	sor.u32 s1, s0  }
0xbc: {  	s0 =	sadd.s32 $0x8F2B, s0  }
0xbd: {  	[sflag:s0] =	ssyncadd.remote.s32 $0x1  }
0xbe: {  	_ =	sfence.sel $0xFFFF  }
0xbf: {  	[dreg:$0x0] =	wrdreg $0xFFFFFFFF;
	(pc) =	sbr.abs _section_cstart, $3  }
0xc0: {  	[dreg:$0x1] =	wrdreg $0xFFFFFFFF  }
0xc1: {  	_ =	task.clear_ibuf [dreg:s7], $0x2FFFF;
	_ =	strace $0x9FFFFFFF  }
0xc2: {  	(tm) =	ssettm $0x7FFFFFFF  }
0xc3: {  	_ =	shalt  }
tec
execute0_lowered:
.L_overlay_start_1:
0x0: {  	(tag) =	ssettag $0x1  }
0x1: {  	s0 =	rddreg [dreg:$0x0];
	s2 =	simm.s32 $0x0  }
0x2: {  	s1 =	srdreg.scid;
	s6 =	stileid.u32;
	s8 =	simm.s32 $0x2  }
0x3: {  	s9 =	simm.s32 $0x80;
	s11 =	simm.s32 $0xE400;
	s12 =	simm.s32 $0x1300  }
0x4: {  	s13 =	simm.s32 $0xEC00;
	s14 =	simm.s32 $0x1380;
	s15 =	simm.s32 $0xF400  }
0x5: {  	s16 =	simm.s32 $0x1400;
	s17 =	simm.s32 $0xFC00;
	s18 =	simm.s32 $0x1480  }
0x6: {  	s19 =	simm.s32 $0x10400;
	s20 =	simm.s32 $0x1500;
	s21 =	simm.s32 $0x10C00  }
0x7: {  	s22 =	simm.s32 $0x1580;
	s23 =	simm.s32 $0x11400;
	s1 =	sand.u32 $0x1, s1  }
0x8: {  	v1 =	vimm.s32 $0x52741630;
	v0 =	vlaneseq.u32;
	v2 =	vimm.s32 $0x63052741;
	s24 =	simm.s32 $0x1;
	s25 =	simm.s32 $0x11C00;
	s3 =	ssub.s32 $0x2, s1  }
0x9: {  	v3 =	vimm.s32 $0x74163052;
	[smem:$0x7FF] =	sst s2;
	s4 =	sadd.s32 $0x1400E00, s0;
	v0 =	vmul.u32 $0x3, v0;
	v1 =	vunpack.c.l.s4.s8 v1;
	s5 =	sshrl.u32 s3, $0x1  }
0xa: {  	s6 =	sshll.u32 s6, $0x10;
	v4 =	vunpack.c.l.s4.s8 v2;
	v5 =	vunpack.c.l.s4.s8 v3;
	s1 =	sshll.u32 s1, $0xF;
	s3 =	ssub.s32 s3, s5  }
0xb: {  	_ =	strace $0x8000004A;
	s6 =	sor.u32 s1, s6;
	v1 =	vunpack.c.0.s8.s32 v1;
	v2 =	vadd.s32 $0x1, v0;
	s31 =	smax.u32 s3, $0x1  }
0xc: {  	v3 =	vunpack.c.0.s8.s32 v4;
	v4 =	vadd.s32 $0x2, v0;
	v5 =	vunpack.c.0.s8.s32 v5;
	s1 =	simm.s32 $0x0;
	s5 =	sadd.s32 $0xE00, s0;
	[dreg:$0x3] =	wrdreg s31  }
.LBB2_1:
0xd: {  	[dreg:$0x4] =	wrdreg s1;
	s26 =	simm.s32 $0x0  }
.LBB2_2:
0xe: {  	s0 =	simm.s32 $0x0  }
0xf: {  	v6 =	vmov s0  }
0x10: {  	v6 =	vmul.u32 $0x3, v6  }
0x11: {  	s1 =	sshll.u32 s26, $0x9  }
0x12: {  	s28 =	sadd.s32 s6, s1;
	v6 =	vbroadcast v6, $0x0  }
0x13: {  	s1 =	smul.u32 $0x3, s28  }
0x14: {  	v7 =	vadd.s32 v2, v6  }
0x15: {  	s1 =	sshrl.u32 s1, $0x3;
	v8 =	vadd.s32 v4, v6;
	v7 =	vand.u32 $0xFFFFFFF8, v7  }
0x16: {  	s1 =	sadd.s32 s4, s1;
	v6 =	vadd.s32 v0, v6;
	v8 =	vand.u32 $0xFFFFFFF8, v8;
	v7 =	vor.u32 v3, v7  }
0x17: {  	[tilespmem:s0], [sflag:$0x2] =	stream.linear.gather [hbm4b:s1+s0], $0x600, $0x38;
	v6 =	vand.u32 $0xFFFFFFF8, v6;
	v8 =	vor.u32 v5, v8;
	[tilespmem:$0x13C00] =	vst v63  }
0x18: {  	_ =	swait.ge [sflag:s8], $0x600;
	v6 =	vor.u32 v1, v6  }
0x19: {  	[sflag:s8] =	ssyncset.done $0x0  }
0x1a: {  	[sflag:s8] =	ssyncadd.s32 $0xFFFFFA00  }
0x1b: {  	v7 =	vld.idx.msk [tilespmem:v7+s2+$0x0], $0xffff  }
0x1c: {  	v8 =	vld.idx.msk [tilespmem:v8+s2+$0x0], $0xffff  }
0x1d: {  	v6 =	vld.idx.msk [tilespmem:v6+s2+$0x0], $0xffff;
	_ =	sdelay $0x3  }
0x1e: {  	v7 =	vadd.f32 $1.000000000e+00, v7  }
0x1f: {  	v8 =	vadd.f32 $1.000000000e+00, v8;
	v6 =	vadd.f32 $1.000000000e+00, v6  }
0x20: {  	s29 =	simm.s32 $0x10;
	v7 =	vmul.f32 $5.000000000e-01, v7  }
0x21: {  	v10 =	vmov s29;
	v8 =	vmul.f32 $5.000000000e-01, v8;
	v6 =	vmul.f32 $5.000000000e-01, v6  }
0x22: {  	v10 =	vmul.u32 $0x3, v10;
	v7 =	vmul.f32 $1.270000000e+02, v7  }
0x23: {  	v8 =	vmul.f32 $1.270000000e+02, v8;
	v6 =	vmul.f32 $1.270000000e+02, v6  }
0x24: {  	v10 =	vbroadcast v10, $0x0;
	v9 =	vtrunc.f32 v7  }
0x25: {  	v11 =	vtrunc.f32 v8;
	v12 =	vtrunc.f32 v6  }
0x26: {  	v9 =	vcvt.f32.s32 v9;
	v11 =	vcvt.f32.s32 v11  }
0x27: {  	v61 =	vadd.s32 v0, v10;
	v12 =	vcvt.f32.s32 v12  }
0x28: {  	vm0 =	vlt.s32 v9, $0x7F;
	vm1 =	vlt.s32 v9, $0x7E;
	vm13 =	vlt.s32 v11, $0x7F  }
0x29: {  	vm2 =	vlt.s32 v11, $0x7E;
	vm14 =	vlt.s32 v12, $0x7F;
	vm15 =	vlt.s32 v12, $0x7E  }
0x2a: {  	v13 =	vnsel vm0, $0x7F, v9;
	v14 =	vnsel vm13, $0x7F, v11;
	v11 =	vnsel vm2, $0x7E, v11  }
0x2b: {  	v9 =	vnsel vm1, $0x7E, v9;
	v58 =	vnsel vm14, $0x7F, v12;
	v12 =	vnsel vm15, $0x7E, v12  }
0x2c: {  	s10 =	simm.s32 $0x0;
	v15 =	vshll.u32 v13, $0x7;
	v16 =	vshll.u32 v14, $0xE;
	v11 =	vsub.s32 v11, v14  }
0x2d: {  	s0 =	sand.u32 $0x70, s0;
	s1 =	sand.u32 $0x180, s10;
	v9 =	vsub.s32 v9, v13;
	v12 =	vadd.s32 $0x1, v12;
	v15 =	vadd.s32 v15, v16  }
0x2e: {  	s0 =	sor.u32 s0, s1;
	v9 =	vadd.s32 $0x1, v9;
	v11 =	vadd.s32 $0x1, v11;
	v17 =	vadd.s32 v58, v15  }
0x2f: {  	v19 =	vsub.s32 v12, v58;
	v9 =	vshll.u32 v9, $0x7;
	v12 =	vadd.s32 v12, v15;
	[tilespmem:s0+$0x600] =	vst v17  }
0x30: {  	v16 =	vcvt.s32.f32 v58;
	v11 =	vshll.u32 v11, $0xE;
	v18 =	vadd.s32 v9, v17;
	[tilespmem:s0+$0x800] =	vst v12  }
0x31: {  	v62 =	vadd.s32 v2, v10;
	v10 =	vadd.s32 v4, v10;
	v11 =	vadd.s32 v11, v17;
	[tilespmem:s0+$0xA00] =	vst v18  }
0x32: {  	v63 =	vand.u32 $0xFFFFFFF8, v61;
	v16 =	vsub.f32 v6, v16;
	v59 =	vadd.s32 v19, v18;
	[tilespmem:s0+$0xE00] =	vst v11  }
0x33: {  	v6 =	vand.u32 $0xFFFFFFF8, v10;
	v10 =	vcvt.s32.f32 v14;
	v9 =	vadd.s32 v9, v11;
	[tilespmem:s0+$0xC00] =	vst v59  }
0x34: {  	v13 =	vcvt.s32.f32 v13;
	v12 =	vand.u32 $0xFFFFFFF8, v62;
	[tilespmem:s0+$0x1200] =	vst v9;
	v9 =	vadd.s32 v19, v9  }
0x35: {  	v60 =	vadd.s32 v19, v11;
	[tilespmem:s0+$0x1400] =	vst v9;
	v9 =	vsub.f32 v8, v10;
	v8 =	vor.u32 v1, v63  }
0x36: {  	s1 =	simm.s32 $0x0;
	v11 =	vsub.f32 v7, v13;
	v7 =	vor.u32 v3, v12;
	[tilespmem:s0+$0x1000] =	vst v60  }
0x37: {  	s3 =	simm.s32 $0x20;
	v6 =	vor.u32 v5, v6;
	[tilespmem:s1+$0x1600] =	vst v16  }
0x38: {  	s30 =	simm.s32 $0x40;
	s31 =	simm.s32 $0xC0;
	s0 =	simm.s32 $0x80;
	v10 =	vmov s3;
	[tilespmem:s1+$0x1800] =	vst v11  }
.LBB2_3:
0x39: {  	p0 =	sne.s32 s31, $0x7C0;
	v10 =	vmul.u32 $0x3, v10;
	[tilespmem:s1+$0x1A00] =	vst v9;
	s7 =	smov.u32 s31;
	s31 =	sadd.s32 $0x40, s31  }
0x3a: {  	v8 =	vld.idx.msk [tilespmem:v8+s2+$0x0], $0xffff  }
0x3b: {  	v9 =	vbroadcast v10, $0x0;
	v10 =	vld.idx.msk [tilespmem:v7+s2+$0x0], $0xffff  }
0x3c: {  	v11 =	vld.idx.msk [tilespmem:v6+s2+$0x0], $0xffff  }
0x3d: {  	v6 =	vadd.s32 v0, v9;
	v7 =	vadd.s32 v2, v9;
	v9 =	vadd.s32 v4, v9  }
0x3e: {  	v12 =	vand.u32 $0xFFFFFFF8, v6;
	v6 =	vand.u32 $0xFFFFFFF8, v7;
	v9 =	vand.u32 $0xFFFFFFF8, v9  }
0x3f: {  	v7 =	vor.u32 v3, v6;
	v6 =	vor.u32 v5, v9;
	_ =	sdelay $0x1  }
0x40: {  	v9 =	vadd.f32 $1.000000000e+00, v10  }
0x41: {  	v8 =	vadd.f32 $1.000000000e+00, v8;
	v10 =	vadd.f32 $1.000000000e+00, v11  }
0x42: {  	v9 =	vmul.f32 $5.000000000e-01, v9  }
0x43: {  	v10 =	vmul.f32 $5.000000000e-01, v10  }
0x44: {  	v8 =	vmul.f32 $5.000000000e-01, v8;
	v9 =	vmul.f32 $1.270000000e+02, v9  }
0x45: {  	v10 =	vmul.f32 $1.270000000e+02, v10  }
0x46: {  	v8 =	vmul.f32 $1.270000000e+02, v8;
	v11 =	vtrunc.f32 v9  }
0x47: {  	v11 =	vcvt.f32.s32 v11;
	v13 =	vtrunc.f32 v10  }
0x48: {  	v14 =	vtrunc.f32 v8;
	v13 =	vcvt.f32.s32 v13  }
0x49: {  	v14 =	vcvt.f32.s32 v14;
	vm0 =	vlt.s32 v11, $0x7F;
	vm1 =	vlt.s32 v11, $0x7E  }
0x4a: {  	v15 =	vnsel vm0, $0x7F, v11;
	vm0 =	vlt.s32 v13, $0x7F;
	vm2 =	vlt.s32 v13, $0x7E  }
0x4b: {  	v16 =	vnsel vm0, $0x7F, v13;
	v13 =	vnsel vm2, $0x7E, v13;
	v17 =	vshll.u32 v15, $0x7  }
0x4c: {  	vm0 =	vlt.s32 v14, $0x7F;
	v13 =	vsub.s32 v13, v16;
	v18 =	vshll.u32 v16, $0xE  }
0x4d: {  	s1 =	sshrl.u32 s30, $0x2;
	v11 =	vnsel vm1, $0x7E, v11;
	v13 =	vadd.s32 $0x1, v13;
	v17 =	vadd.s32 v17, v18  }
0x4e: {  	s10 =	sand.u32 $0x70, s29;
	s29 =	smov.u32 s3;
	s1 =	sand.u32 $0x180, s1;
	v11 =	vsub.s32 v11, v15;
	v18 =	vnsel vm0, $0x7F, v14;
	v13 =	vshll.u32 v13, $0xE  }
0x4f: {  	s1 =	sor.u32 s10, s1;
	v11 =	vadd.s32 $0x1, v11;
	vm0 =	vlt.s32 v14, $0x7E;
	v19 =	vadd.s32 v18, v17  }
0x50: {  	v11 =	vshll.u32 v11, $0x7;
	v20 =	vcvt.s32.f32 v18;
	v14 =	vnsel vm0, $0x7E, v14;
	[tilespmem:s1+$0x600] =	vst v19  }
0x51: {  	v14 =	vadd.s32 $0x1, v14;
	v21 =	vadd.s32 v11, v19;
	v13 =	vadd.s32 v13, v19  }
0x52: {  	v18 =	vsub.s32 v14, v18;
	v14 =	vadd.s32 v14, v17;
	v11 =	vadd.s32 v11, v13;
	[tilespmem:s1+$0xA00] =	vst v21  }
0x53: {  	v17 =	vadd.s32 v18, v21;
	v19 =	vadd.s32 v18, v13;
	v18 =	vadd.s32 v18, v11;
	[tilespmem:s1+$0x800] =	vst v14  }
0x54: {  	v14 =	vsub.f32 v8, v20;
	v8 =	vcvt.s32.f32 v15;
	v15 =	vcvt.s32.f32 v16;
	[tilespmem:s1+$0xC00] =	vst v17  }
0x55: {  	[tilespmem:s1+$0x1000] =	vst v19  }
.Ltmp0:
0x56: {  	v16 =	vsub.f32 v9, v8;
	v9 =	vsub.f32 v10, v15;
	[tilespmem:s1+$0x1200] =	vst v11;
	(pc) =	sbr.rel @p0 .LBB2_3-.Ltmp0, $4  }
0x57: {  	v8 =	vor.u32 v1, v12;
	[tilespmem:s1+$0xE00] =	vst v13  }
0x58: {  	[tilespmem:s1+$0x1400] =	vst v18;
	s1 =	sshra.s32 s30, $0x2;
	s30 =	smov.u32 s0;
	s0 =	smov.u32 s7  }
0x59: {  	s3 =	sadd.s32 $0x10, s3;
	[tilespmem:s1+$0x1600] =	vst v14  }
0x5a: {  	v10 =	vmov s3;
	[tilespmem:s1+$0x1800] =	vst v16  }
0x5b: {  	_ =	sdelay $0x2  }
0x5c: {  	[tilespmem:s1+$0x1A00] =	vst v9  }
0x5d: {  	v7 =	vld.idx.msk [tilespmem:v7+s2+$0x0], $0xffff  }
0x5e: {  	v6 =	vld.idx.msk [tilespmem:v6+s2+$0x0], $0xffff  }
0x5f: {  	v8 =	vld.idx.msk [tilespmem:v8+s2+$0x0], $0xffff;
	_ =	sdelay $0x3  }
0x60: {  	v7 =	vadd.f32 $1.000000000e+00, v7  }
0x61: {  	v6 =	vadd.f32 $1.000000000e+00, v6;
	v8 =	vadd.f32 $1.000000000e+00, v8  }
0x62: {  	v7 =	vmul.f32 $5.000000000e-01, v7  }
0x63: {  	v6 =	vmul.f32 $5.000000000e-01, v6;
	v8 =	vmul.f32 $5.000000000e-01, v8  }
0x64: {  	v7 =	vmul.f32 $1.270000000e+02, v7  }
0x65: {  	v6 =	vmul.f32 $1.270000000e+02, v6;
	v8 =	vmul.f32 $1.270000000e+02, v8  }
0x66: {  	v40 =	vtrunc.f32 v7  }
0x67: {  	v39 =	vmul.u32 $0x3, v10;
	v11 =	vtrunc.f32 v6;
	v12 =	vtrunc.f32 v8  }
0x68: {  	v10 =	vcvt.f32.s32 v40;
	v11 =	vcvt.f32.s32 v11  }
0x69: {  	v9 =	vbroadcast v39, $0x0;
	v12 =	vcvt.f32.s32 v12  }
0x6a: {  	vm0 =	vlt.s32 v10, $0x7F;
	vm1 =	vlt.s32 v10, $0x7E;
	vm7 =	vlt.s32 v11, $0x7F  }
0x6b: {  	vm2 =	vlt.s32 v11, $0x7E;
	vm8 =	vlt.s32 v12, $0x7F;
	vm9 =	vlt.s32 v12, $0x7E  }
0x6c: {  	v13 =	vnsel vm0, $0x7F, v10;
	v14 =	vnsel vm7, $0x7F, v11;
	v11 =	vnsel vm2, $0x7E, v11  }
0x6d: {  	v10 =	vnsel vm1, $0x7E, v10;
	v41 =	vnsel vm8, $0x7F, v12;
	v12 =	vnsel vm9, $0x7E, v12  }
0x6e: {  	s10 =	sshrl.u32 s30, $0x2;
	v15 =	vshll.u32 v13, $0x7;
	v16 =	vshll.u32 v14, $0xE;
	v11 =	vsub.s32 v11, v14  }
0x6f: {  	s7 =	sand.u32 $0x70, s29;
	s1 =	sand.u32 $0x180, s10;
	v10 =	vsub.s32 v10, v13;
	v12 =	vadd.s32 $0x1, v12;
	v15 =	vadd.s32 v15, v16  }
0x70: {  	s1 =	sor.u32 s7, s1;
	v10 =	vadd.s32 $0x1, v10;
	v11 =	vadd.s32 $0x1, v11;
	v17 =	vadd.s32 v41, v15  }
0x71: {  	v19 =	vsub.s32 v12, v41;
	v10 =	vshll.u32 v10, $0x7;
	v12 =	vadd.s32 v12, v15;
	[tilespmem:s1+$0x600] =	vst v17  }
0x72: {  	v42 =	vadd.s32 v0, v9;
	v11 =	vshll.u32 v11, $0xE;
	v18 =	vadd.s32 v10, v17;
	[tilespmem:s1+$0x800] =	vst v12  }
0x73: {  	v44 =	vadd.s32 v2, v9;
	v9 =	vadd.s32 v4, v9;
	v11 =	vadd.s32 v11, v17;
	[tilespmem:s1+$0xA00] =	vst v18  }
0x74: {  	v9 =	vand.u32 $0xFFFFFFF8, v9;
	v43 =	vadd.s32 v19, v18;
	[tilespmem:s1+$0xE00] =	vst v11  }
0x75: {  	v46 =	vand.u32 $0xFFFFFFF8, v42;
	v16 =	vcvt.s32.f32 v41;
	v45 =	vadd.s32 v19, v11;
	[tilespmem:s1+$0xC00] =	vst v43  }
0x76: {  	v9 =	vor.u32 v5, v9;
	v13 =	vcvt.s32.f32 v13;
	v10 =	vadd.s32 v10, v11;
	[tilespmem:s1+$0x1000] =	vst v45  }
0x77: {  	v14 =	vcvt.s32.f32 v14;
	v8 =	vsub.f32 v8, v16;
	[tilespmem:s1+$0x1200] =	vst v10;
	v10 =	vadd.s32 v19, v10  }
0x78: {  	s10 =	sshra.s32 s30, $0x2;
	v47 =	vor.u32 v1, v46;
	v7 =	vsub.f32 v7, v13;
	v12 =	vand.u32 $0xFFFFFFF8, v44;
	[tilespmem:s1+$0x1400] =	vst v10  }
0x79: {  	v6 =	vsub.f32 v6, v14;
	v12 =	vor.u32 v3, v12;
	[tilespmem:s10+$0x1600] =	vst v8  }
0x7a: {  	[tilespmem:s10+$0x1800] =	vst v7  }
0x7b: {  	[tilespmem:s10+$0x1A00] =	vst v6  }
0x7c: {  	v7 =	vld.idx.msk [tilespmem:v9+s2+$0x0], $0xffff  }
0x7d: {  	v8 =	vld.idx.msk [tilespmem:v47+s2+$0x0], $0xffff  }
0x7e: {  	v6 =	vld.idx.msk [tilespmem:v12+s2+$0x0], $0xffff;
	_ =	sdelay $0x3  }
0x7f: {  	v7 =	vadd.f32 $1.000000000e+00, v7  }
0x80: {  	v8 =	vadd.f32 $1.000000000e+00, v8;
	v6 =	vadd.f32 $1.000000000e+00, v6  }
0x81: {  	v7 =	vmul.f32 $5.000000000e-01, v7  }
0x82: {  	v8 =	vmul.f32 $5.000000000e-01, v8;
	v6 =	vmul.f32 $5.000000000e-01, v6  }
0x83: {  	v7 =	vmul.f32 $1.270000000e+02, v7  }
0x84: {  	v8 =	vmul.f32 $1.270000000e+02, v8;
	v6 =	vmul.f32 $1.270000000e+02, v6  }
0x85: {  	v49 =	vtrunc.f32 v7  }
0x86: {  	v50 =	vtrunc.f32 v8;
	v48 =	vtrunc.f32 v6  }
0x87: {  	v10 =	vcvt.f32.s32 v49;
	v11 =	vcvt.f32.s32 v50  }
0x88: {  	v9 =	vcvt.f32.s32 v48  }
0x89: {  	vm12 =	vlt.s32 v10, $0x7F;
	vm13 =	vlt.s32 v10, $0x7E;
	vm14 =	vlt.s32 v11, $0x7F  }
0x8a: {  	vm15 =	vlt.s32 v11, $0x7E;
	vm10 =	vlt.s32 v9, $0x7F;
	vm11 =	vlt.s32 v9, $0x7E  }
0x8b: {  	v52 =	vnsel vm12, $0x7F, v10;
	v10 =	vnsel vm13, $0x7E, v10;
	v55 =	vnsel vm14, $0x7F, v11  }
0x8c: {  	v11 =	vnsel vm15, $0x7E, v11;
	v51 =	vnsel vm10, $0x7F, v9;
	v54 =	vshll.u32 v52, $0xE  }
0x8d: {  	s7 =	sshrl.u32 s0, $0x2;
	v9 =	vnsel vm11, $0x7E, v9;
	v10 =	vsub.s32 v10, v52;
	v53 =	vshll.u32 v51, $0x7  }
0x8e: {  	s3 =	sand.u32 $0x70, s3;
	s1 =	sand.u32 $0x180, s7;
	v11 =	vadd.s32 $0x1, v11;
	v9 =	vsub.s32 v9, v51;
	v14 =	vadd.s32 v53, v54  }
0x8f: {  	s1 =	sor.u32 s3, s1;
	v10 =	vadd.s32 $0x1, v10;
	v9 =	vadd.s32 $0x1, v9;
	v56 =	vadd.s32 v55, v14  }
0x90: {  	v58 =	vsub.s32 v11, v55;
	v9 =	vshll.u32 v9, $0x7;
	v11 =	vadd.s32 v11, v14;
	[tilespmem:s1+$0x600] =	vst v56  }
0x91: {  	v10 =	vshll.u32 v10, $0xE;
	v57 =	vadd.s32 v9, v56;
	[tilespmem:s1+$0x800] =	vst v11  }
0x92: {  	v10 =	vadd.s32 v10, v56;
	[tilespmem:s1+$0xA00] =	vst v57  }
0x93: {  	v59 =	vadd.s32 v58, v57;
	[tilespmem:s1+$0xE00] =	vst v10  }
0x94: {  	v61 =	vcvt.s32.f32 v55;
	v60 =	vadd.s32 v58, v10;
	[tilespmem:s1+$0xC00] =	vst v59  }
0x95: {  	v62 =	vcvt.s32.f32 v51;
	v9 =	vadd.s32 v9, v10;
	[tilespmem:s1+$0x1000] =	vst v60  }
0x96: {  	v63 =	vcvt.s32.f32 v52;
	v8 =	vsub.f32 v8, v61;
	[tilespmem:s1+$0x1200] =	vst v9;
	v9 =	vadd.s32 v58, v9  }
0x97: {  	s10 =	sshra.s32 s0, $0x2;
	v6 =	vsub.f32 v6, v62;
	[tilespmem:s1+$0x1400] =	vst v9  }
0x98: {  	v7 =	vsub.f32 v7, v63;
	[tilespmem:s10+$0x1600] =	vst v8  }
0x99: {  	[tilespmem:s10+$0x1800] =	vst v6  }
0x9a: {  	s3 =	simm.s32 $0x1C00;
	s1 =	simm.s32 $0x600;
	[tilespmem:s10+$0x1A00] =	vst v7  }
0x9b: {  	[tilespmem:s3], [sflag:$0x1] =	stream.indirect.gather [hbm4b:s5+s9], $0x10, s1, s9, $0xb8;
	[tilespmem:$0x13C00] =	vst v63  }
0x9c: {  	s7 =	simm.s32 $0x680;
	s10 =	simm.s32 $0x2400  }
0x9d: {  	[tilespmem:s10], [sflag:$0x1] =	stream.indirect.gather [hbm4b:s5+s9], $0x10, s7, s9, $0xb8;
	[tilespmem:$0x13C00] =	vst v63  }
0x9e: {  	s1 =	simm.s32 $0x700;
	s3 =	simm.s32 $0x2C00  }
0x9f: {  	[tilespmem:s3], [sflag:$0x1] =	stream.indirect.gather [hbm4b:s5+s9], $0x10, s1, s9, $0xb8;
	[tilespmem:$0x13C00] =	vst v63  }
0xa0: {  	s7 =	simm.s32 $0x780;
	s10 =	simm.s32 $0x3400  }
0xa1: {  	[tilespmem:s10], [sflag:$0x1] =	stream.indirect.gather [hbm4b:s5+s9], $0x10, s7, s9, $0xb8;
	[tilespmem:$0x13C00] =	vst v63  }
0xa2: {  	s1 =	simm.s32 $0x800;
	s3 =	simm.s32 $0x3C00  }
0xa3: {  	[tilespmem:s3], [sflag:$0x1] =	stream.indirect.gather [hbm4b:s5+s9], $0x10, s1, s9, $0xb8;
	[tilespmem:$0x13C00] =	vst v63  }
0xa4: {  	s7 =	simm.s32 $0x880;
	s10 =	simm.s32 $0x4400  }
0xa5: {  	[tilespmem:s10], [sflag:$0x1] =	stream.indirect.gather [hbm4b:s5+s9], $0x10, s7, s9, $0xb8;
	[tilespmem:$0x13C00] =	vst v63  }
0xa6: {  	s1 =	simm.s32 $0x900;
	s3 =	simm.s32 $0x4C00  }
0xa7: {  	[tilespmem:s3], [sflag:$0x1] =	stream.indirect.gather [hbm4b:s5+s9], $0x10, s1, s9, $0xb8;
	[tilespmem:$0x13C00] =	vst v63  }
0xa8: {  	s7 =	simm.s32 $0x980;
	s10 =	simm.s32 $0x5400  }
0xa9: {  	[tilespmem:s10], [sflag:$0x1] =	stream.indirect.gather [hbm4b:s5+s9], $0x10, s7, s9, $0xb8;
	[tilespmem:$0x13C00] =	vst v63  }
0xaa: {  	s1 =	simm.s32 $0xA00;
	s3 =	simm.s32 $0x5C00  }
0xab: {  	[tilespmem:s3], [sflag:$0x1] =	stream.indirect.gather [hbm4b:s5+s9], $0x10, s1, s9, $0xb8;
	[tilespmem:$0x13C00] =	vst v63  }
0xac: {  	s7 =	simm.s32 $0xA80;
	s10 =	simm.s32 $0x6400  }
0xad: {  	[tilespmem:s10], [sflag:$0x1] =	stream.indirect.gather [hbm4b:s5+s9], $0x10, s7, s9, $0xb8;
	[tilespmem:$0x13C00] =	vst v63  }
0xae: {  	s1 =	simm.s32 $0xB00;
	s3 =	simm.s32 $0x6C00  }
0xaf: {  	[tilespmem:s3], [sflag:$0x1] =	stream.indirect.gather [hbm4b:s5+s9], $0x10, s1, s9, $0xb8;
	[tilespmem:$0x13C00] =	vst v63  }
0xb0: {  	s7 =	simm.s32 $0xB80;
	s10 =	simm.s32 $0x7400  }
0xb1: {  	[tilespmem:s10], [sflag:$0x1] =	stream.indirect.gather [hbm4b:s5+s9], $0x10, s7, s9, $0xb8;
	[tilespmem:$0x13C00] =	vst v63  }
0xb2: {  	s1 =	simm.s32 $0xC00;
	s3 =	simm.s32 $0x7C00  }
0xb3: {  	[tilespmem:s3], [sflag:$0x1] =	stream.indirect.gather [hbm4b:s5+s9], $0x10, s1, s9, $0xb8;
	[tilespmem:$0x13C00] =	vst v63  }
0xb4: {  	s7 =	simm.s32 $0xC80;
	s10 =	simm.s32 $0x8400  }
0xb5: {  	[tilespmem:s10], [sflag:$0x1] =	stream.indirect.gather [hbm4b:s5+s9], $0x10, s7, s9, $0xb8;
	[tilespmem:$0x13C00] =	vst v63  }
0xb6: {  	s1 =	simm.s32 $0xD00;
	s3 =	simm.s32 $0x8C00  }
0xb7: {  	[tilespmem:s3], [sflag:$0x1] =	stream.indirect.gather [hbm4b:s5+s9], $0x10, s1, s9, $0xb8;
	[tilespmem:$0x13C00] =	vst v63  }
0xb8: {  	s7 =	simm.s32 $0xD80;
	s10 =	simm.s32 $0x9400  }
0xb9: {  	[tilespmem:s10], [sflag:$0x1] =	stream.indirect.gather [hbm4b:s5+s9], $0x10, s7, s9, $0xb8;
	[tilespmem:$0x13C00] =	vst v63  }
0xba: {  	s1 =	simm.s32 $0xE00;
	s3 =	simm.s32 $0x9C00  }
0xbb: {  	[tilespmem:s3], [sflag:$0x1] =	stream.indirect.gather [hbm4b:s5+s9], $0x10, s1, s9, $0xb8;
	[tilespmem:$0x13C00] =	vst v63  }
0xbc: {  	s7 =	simm.s32 $0xE80;
	s10 =	simm.s32 $0xA400  }
0xbd: {  	[tilespmem:s10], [sflag:$0x1] =	stream.indirect.gather [hbm4b:s5+s9], $0x10, s7, s9, $0xb8;
	[tilespmem:$0x13C00] =	vst v63  }
0xbe: {  	s1 =	simm.s32 $0xF00;
	s3 =	simm.s32 $0xAC00  }
0xbf: {  	[tilespmem:s3], [sflag:$0x1] =	stream.indirect.gather [hbm4b:s5+s9], $0x10, s1, s9, $0xb8;
	[tilespmem:$0x13C00] =	vst v63  }
0xc0: {  	s7 =	simm.s32 $0xF80;
	s10 =	simm.s32 $0xB400  }
0xc1: {  	[tilespmem:s10], [sflag:$0x1] =	stream.indirect.gather [hbm4b:s5+s9], $0x10, s7, s9, $0xb8;
	[tilespmem:$0x13C00] =	vst v63  }
0xc2: {  	s1 =	simm.s32 $0x1000;
	s3 =	simm.s32 $0xBC00  }
0xc3: {  	[tilespmem:s3], [sflag:$0x1] =	stream.indirect.gather [hbm4b:s5+s9], $0x10, s1, s9, $0xb8;
	[tilespmem:$0x13C00] =	vst v63  }
0xc4: {  	s7 =	simm.s32 $0x1080;
	s10 =	simm.s32 $0xC400  }
0xc5: {  	[tilespmem:s10], [sflag:$0x1] =	stream.indirect.gather [hbm4b:s5+s9], $0x10, s7, s9, $0xb8;
	[tilespmem:$0x13C00] =	vst v63  }
0xc6: {  	s1 =	simm.s32 $0x1100;
	s3 =	simm.s32 $0xCC00  }
0xc7: {  	[tilespmem:s3], [sflag:$0x1] =	stream.indirect.gather [hbm4b:s5+s9], $0x10, s1, s9, $0xb8;
	[tilespmem:$0x13C00] =	vst v63  }
0xc8: {  	s7 =	simm.s32 $0x1180;
	s10 =	simm.s32 $0xD400  }
0xc9: {  	[tilespmem:s10], [sflag:$0x1] =	stream.indirect.gather [hbm4b:s5+s9], $0x10, s7, s9, $0xb8;
	[tilespmem:$0x13C00] =	vst v63  }
0xca: {  	s3 =	simm.s32 $0x1200;
	s7 =	simm.s32 $0xDC00  }
0xcb: {  	[tilespmem:s7], [sflag:$0x1] =	stream.indirect.gather [hbm4b:s5+s9], $0x10, s3, s9, $0xb8;
	[tilespmem:$0x13C00] =	vst v63  }
0xcc: {  	s10 =	simm.s32 $0x1280  }
0xcd: {  	[tilespmem:s11], [sflag:$0x1] =	stream.indirect.gather [hbm4b:s5+s9], $0x10, s10, s9, $0xb8;
	[tilespmem:$0x13C00] =	vst v63  }
0xce: {  	_ = 	snop  }
0xcf: {  	[tilespmem:s13], [sflag:$0x1] =	stream.indirect.gather [hbm4b:s5+s9], $0x10, s12, s9, $0xb8;
	[tilespmem:$0x13C00] =	vst v63  }
0xd0: {  	_ = 	snop  }
0xd1: {  	[tilespmem:s15], [sflag:$0x1] =	stream.indirect.gather [hbm4b:s5+s9], $0x10, s14, s9, $0xb8;
	[tilespmem:$0x13C00] =	vst v63  }
0xd2: {  	_ = 	snop  }
0xd3: {  	[tilespmem:s17], [sflag:$0x1] =	stream.indirect.gather [hbm4b:s5+s9], $0x10, s16, s9, $0xb8;
	[tilespmem:$0x13C00] =	vst v63  }
0xd4: {  	_ = 	snop  }
0xd5: {  	[tilespmem:s19], [sflag:$0x1] =	stream.indirect.gather [hbm4b:s5+s9], $0x10, s18, s9, $0xb8;
	[tilespmem:$0x13C00] =	vst v63  }
0xd6: {  	_ = 	snop  }
0xd7: {  	[tilespmem:s21], [sflag:$0x1] =	stream.indirect.gather [hbm4b:s5+s9], $0x10, s20, s9, $0xb8;
	[tilespmem:$0x13C00] =	vst v63  }
0xd8: {  	_ = 	snop  }
0xd9: {  	[tilespmem:s23], [sflag:$0x1] =	stream.indirect.gather [hbm4b:s5+s9], $0x10, s22, s9, $0xb8;
	[tilespmem:$0x13C00] =	vst v63  }
0xda: {  	_ =	swait.ge [sflag:s24], $0x800  }
0xdb: {  	[sflag:s24] =	ssyncset.done $0x0  }
0xdc: {  	[sflag:s24] =	ssyncadd.s32 $0xFFFFF800  }
0xdd: {  	_ =	swait.ge [sflag:s24], $0x800  }
0xde: {  	[sflag:s24] =	ssyncset.done $0x0  }
0xdf: {  	[sflag:s24] =	ssyncadd.s32 $0xFFFFF800  }
0xe0: {  	_ =	swait.ge [sflag:s24], $0x800  }
0xe1: {  	[sflag:s24] =	ssyncset.done $0x0  }
0xe2: {  	[sflag:s24] =	ssyncadd.s32 $0xFFFFF800  }
0xe3: {  	_ =	swait.ge [sflag:s24], $0x800  }
0xe4: {  	[sflag:s24] =	ssyncset.done $0x0  }
0xe5: {  	[sflag:s24] =	ssyncadd.s32 $0xFFFFF800  }
0xe6: {  	_ =	swait.ge [sflag:s24], $0x800  }
0xe7: {  	[sflag:s24] =	ssyncset.done $0x0  }
0xe8: {  	[sflag:s24] =	ssyncadd.s32 $0xFFFFF800  }
0xe9: {  	_ =	swait.ge [sflag:s24], $0x800  }
0xea: {  	[sflag:s24] =	ssyncset.done $0x0  }
0xeb: {  	[sflag:s24] =	ssyncadd.s32 $0xFFFFF800  }
0xec: {  	_ =	swait.ge [sflag:s24], $0x800  }
0xed: {  	[sflag:s24] =	ssyncset.done $0x0  }
0xee: {  	[sflag:s24] =	ssyncadd.s32 $0xFFFFF800  }
0xef: {  	_ =	swait.ge [sflag:s24], $0x800  }
0xf0: {  	[sflag:s24] =	ssyncset.done $0x0  }
0xf1: {  	[sflag:s24] =	ssyncadd.s32 $0xFFFFF800  }
0xf2: {  	_ =	swait.ge [sflag:s24], $0x800  }
0xf3: {  	[sflag:s24] =	ssyncset.done $0x0  }
0xf4: {  	[sflag:s24] =	ssyncadd.s32 $0xFFFFF800  }
0xf5: {  	_ =	swait.ge [sflag:s24], $0x800  }
0xf6: {  	[sflag:s24] =	ssyncset.done $0x0  }
0xf7: {  	[sflag:s24] =	ssyncadd.s32 $0xFFFFF800  }
0xf8: {  	_ =	swait.ge [sflag:s24], $0x800  }
0xf9: {  	[sflag:s24] =	ssyncset.done $0x0  }
0xfa: {  	[sflag:s24] =	ssyncadd.s32 $0xFFFFF800  }
0xfb: {  	_ =	swait.ge [sflag:s24], $0x800  }
0xfc: {  	[sflag:s24] =	ssyncset.done $0x0  }
0xfd: {  	[sflag:s24] =	ssyncadd.s32 $0xFFFFF800  }
0xfe: {  	_ =	swait.ge [sflag:s24], $0x800  }
0xff: {  	[sflag:s24] =	ssyncset.done $0x0  }
0x100: {  	[sflag:s24] =	ssyncadd.s32 $0xFFFFF800  }
0x101: {  	_ =	swait.ge [sflag:s24], $0x800  }
0x102: {  	[sflag:s24] =	ssyncset.done $0x0  }
0x103: {  	[sflag:s24] =	ssyncadd.s32 $0xFFFFF800  }
0x104: {  	_ =	swait.ge [sflag:s24], $0x800  }
0x105: {  	[sflag:s24] =	ssyncset.done $0x0  }
0x106: {  	[sflag:s24] =	ssyncadd.s32 $0xFFFFF800  }
0x107: {  	_ =	swait.ge [sflag:s24], $0x800  }
0x108: {  	[sflag:s24] =	ssyncset.done $0x0  }
0x109: {  	[sflag:s24] =	ssyncadd.s32 $0xFFFFF800  }
0x10a: {  	_ =	swait.ge [sflag:s24], $0x800  }
0x10b: {  	[sflag:s24] =	ssyncset.done $0x0  }
0x10c: {  	[sflag:s24] =	ssyncadd.s32 $0xFFFFF800  }
0x10d: {  	_ =	swait.ge [sflag:s24], $0x800  }
0x10e: {  	[sflag:s24] =	ssyncset.done $0x0  }
0x10f: {  	[sflag:s24] =	ssyncadd.s32 $0xFFFFF800  }
0x110: {  	_ =	swait.ge [sflag:s24], $0x800  }
0x111: {  	[sflag:s24] =	ssyncset.done $0x0  }
0x112: {  	[sflag:s24] =	ssyncadd.s32 $0xFFFFF800  }
0x113: {  	_ =	swait.ge [sflag:s24], $0x800  }
0x114: {  	[sflag:s24] =	ssyncset.done $0x0  }
0x115: {  	[sflag:s24] =	ssyncadd.s32 $0xFFFFF800  }
0x116: {  	_ =	swait.ge [sflag:s24], $0x800  }
0x117: {  	[sflag:s24] =	ssyncset.done $0x0  }
0x118: {  	[sflag:s24] =	ssyncadd.s32 $0xFFFFF800  }
0x119: {  	_ =	swait.ge [sflag:s24], $0x800  }
0x11a: {  	[sflag:s24] =	ssyncset.done $0x0  }
0x11b: {  	[sflag:s24] =	ssyncadd.s32 $0xFFFFF800  }
0x11c: {  	_ =	swait.ge [sflag:s24], $0x800  }
0x11d: {  	[sflag:s24] =	ssyncset.done $0x0  }
0x11e: {  	[sflag:s24] =	ssyncadd.s32 $0xFFFFF800  }
0x11f: {  	_ =	swait.ge [sflag:s24], $0x800  }
0x120: {  	[sflag:s24] =	ssyncset.done $0x0  }
0x121: {  	[sflag:s24] =	ssyncadd.s32 $0xFFFFF800  }
0x122: {  	_ =	swait.ge [sflag:s24], $0x800  }
0x123: {  	[sflag:s24] =	ssyncset.done $0x0  }
0x124: {  	[sflag:s24] =	ssyncadd.s32 $0xFFFFF800  }
0x125: {  	_ =	swait.ge [sflag:s24], $0x800  }
0x126: {  	[sflag:s24] =	ssyncset.done $0x0  }
0x127: {  	[sflag:s24] =	ssyncadd.s32 $0xFFFFF800  }
0x128: {  	_ =	swait.ge [sflag:s24], $0x800  }
0x129: {  	[sflag:s24] =	ssyncset.done $0x0  }
0x12a: {  	[sflag:s24] =	ssyncadd.s32 $0xFFFFF800  }
0x12b: {  	_ =	swait.ge [sflag:s24], $0x800  }
0x12c: {  	[sflag:s24] =	ssyncset.done $0x0  }
0x12d: {  	[sflag:s24] =	ssyncadd.s32 $0xFFFFF800  }
0x12e: {  	_ =	swait.ge [sflag:s24], $0x800  }
0x12f: {  	[sflag:s24] =	ssyncset.done $0x0  }
0x130: {  	[sflag:s24] =	ssyncadd.s32 $0xFFFFF800  }
0x131: {  	_ =	swait.ge [sflag:s24], $0x800  }
0x132: {  	[sflag:s24] =	ssyncset.done $0x0  }
0x133: {  	[sflag:s24] =	ssyncadd.s32 $0xFFFFF800  }
0x134: {  	_ =	swait.ge [sflag:s24], $0x800  }
0x135: {  	[sflag:s24] =	ssyncset.done $0x0  }
0x136: {  	[sflag:s24] =	ssyncadd.s32 $0xFFFFF800  }
0x137: {  	_ =	swait.ge [sflag:s24], $0x800  }
0x138: {  	s29 =	simm.s32 $0x0;
	s31 =	simm.s32 $0x1800;
	[sflag:s24] =	ssyncset.done $0x0  }
0x139: {  	s30 =	simm.s32 $0x1A00;
	s0 =	simm.s32 $0x1600;
	[sflag:s24] =	ssyncadd.s32 $0xFFFFF800  }
.LBB2_5:
0x13a: {  	v8 =	vld [tilespmem:s0+$0x0]  }
0x13b: {  	v7 =	vld [tilespmem:s31+$0x0]  }
0x13c: {  	v6 =	vld [tilespmem:s30+$0x0];
	s3 =	sshra.s32 s29, $0x2  }
0x13d: {  	v9 =	vld [tilespmem:s3+$0x1C00]  }
0x13e: {  	v10 =	vld [tilespmem:s3+$0x3C00]  }
0x13f: {  	v11 =	vld [tilespmem:s3+$0x5C00]  }
0x140: {  	v12 =	vld [tilespmem:s3+$0x7C00]  }
0x141: {  	v13 =	vld [tilespmem:s3+$0x9C00]  }
0x142: {  	v14 =	vld [tilespmem:s3+$0xBC00]  }
0x143: {  	v15 =	vld [tilespmem:s3+$0xDC00]  }
0x144: {  	v16 =	vld [tilespmem:s3+$0xFC00]  }
0x145: {  	v17 =	vld [tilespmem:s3+$0x1C10]  }
0x146: {  	v18 =	vld [tilespmem:s3+$0x3C10]  }
0x147: {  	v19 =	vld [tilespmem:s3+$0x5C10]  }
0x148: {  	v20 =	vld [tilespmem:s3+$0x7C10]  }
0x149: {  	v22 =	vld [tilespmem:s3+$0x9C10]  }
0x14a: {  	v23 =	vld [tilespmem:s3+$0xBC10]  }
0x14b: {  	v24 =	vld [tilespmem:s3+$0xDC10]  }
0x14c: {  	v55 =	vld [tilespmem:s3+$0xFC10]  }
0x14d: {  	v57 =	vld [tilespmem:s3+$0x1C20]  }
0x14e: {  	v62 =	vld [tilespmem:s3+$0x5C20]  }
0x14f: {  	v25 =	vld [tilespmem:s3+$0x7C20]  }
0x150: {  	v26 =	vld [tilespmem:s3+$0x9C20]  }
0x151: {  	v27 =	vld [tilespmem:s3+$0xBC20]  }
0x152: {  	v38 =	vld [tilespmem:s3+$0x1C30]  }
0x153: {  	v50 =	vld [tilespmem:s3+$0x3C30];
	v21 =	vbroadcast v8, $0x0;
	v61 =	vbroadcast v7, $0x0;
	v10 =	vsub.f32 v10, v9  }
0x154: {  	v30 =	vld [tilespmem:s3+$0x5C30];
	v63 =	vbroadcast v8, $0x1;
	v12 =	vsub.f32 v12, v11;
	v14 =	vsub.f32 v14, v13  }
0x155: {  	v52 =	vld [tilespmem:s3+$0x7C30];
	v37 =	vbroadcast v6, $0x0;
	v16 =	vsub.f32 v16, v15;
	v18 =	vsub.f32 v18, v17  }
0x156: {  	v60 =	vld [tilespmem:s3+$0x3C20];
	v29 =	vbroadcast v8, $0x2;
	v20 =	vsub.f32 v20, v19;
	v36 =	vsub.f32 v23, v22  }
0x157: {  	v28 =	vld [tilespmem:s3+$0xDC20];
	v44 =	vbroadcast v8, $0x3;
	v49 =	vsub.f32 v55, v24;
	v25 =	vsub.f32 v25, v62  }
0x158: {  	v34 =	vld [tilespmem:s3+$0xFC20];
	v51 =	vsub.f32 v27, v26;
	v10 =	vmul.f32 v10, v21;
	v12 =	vmul.f32 v12, v21  }
0x159: {  	v54 =	vld [tilespmem:s3+$0x9C30];
	v45 =	vsub.f32 v50, v38;
	v14 =	vmul.f32 v14, v21;
	v16 =	vmul.f32 v16, v21  }
0x15a: {  	v40 =	vld [tilespmem:s3+$0x7C40];
	v46 =	vsub.f32 v52, v30;
	v33 =	vmul.f32 v18, v63;
	v35 =	vmul.f32 v20, v63  }
0x15b: {  	v41 =	vld [tilespmem:s3+$0x9C40];
	v48 =	vmul.f32 v36, v63;
	v9 =	vadd.f32 v10, v9;
	v56 =	vadd.f32 v12, v11  }
0x15c: {  	v47 =	vld [tilespmem:s3+$0xDC40];
	v20 =	vmul.f32 v51, v29;
	v58 =	vadd.f32 v14, v13;
	v59 =	vadd.f32 v16, v15  }
0x15d: {  	v55 =	vld [tilespmem:s3+$0xBC30];
	v21 =	vmul.f32 v46, v44;
	v12 =	vadd.f32 v33, v17;
	v18 =	vadd.f32 v35, v19  }
0x15e: {  	v31 =	vld [tilespmem:s3+$0x1C50];
	v53 =	vmul.f32 v25, v29;
	v14 =	vsub.f32 v60, v57;
	v19 =	vadd.f32 v48, v22  }
0x15f: {  	v27 =	vld [tilespmem:s3+$0x5C60];
	v15 =	vmul.f32 v49, v63;
	v20 =	vadd.f32 v20, v26;
	v50 =	vadd.f32 v21, v30  }
0x160: {  	v52 =	vbroadcast v6, $0x2;
	v51 =	vld [tilespmem:s3+$0x5C50];
	v10 =	vsub.f32 v56, v9;
	v13 =	vsub.f32 v59, v58  }
0x161: {  	v25 =	vld [tilespmem:s3+$0x1C60];
	v14 =	vmul.f32 v14, v29;
	v15 =	vadd.f32 v15, v24;
	v56 =	vadd.f32 v53, v62  }
0x162: {  	v60 =	vld [tilespmem:s3+$0x1C40];
	v59 =	vbroadcast v7, $0x1;
	v18 =	vsub.f32 v18, v12;
	v24 =	vsub.f32 v55, v54  }
0x163: {  	v63 =	vld [tilespmem:s3+$0x5C40];
	v10 =	vmul.f32 v10, v61;
	v13 =	vmul.f32 v13, v61;
	v11 =	vadd.f32 v14, v57  }
0x164: {  	v62 =	vld [tilespmem:s3+$0x3C40];
	v15 =	vsub.f32 v15, v19;
	v61 =	vbroadcast v7, $0x2;
	v18 =	vmul.f32 v18, v59  }
0x165: {  	v48 =	vld [tilespmem:s3+$0xFC40];
	v24 =	vmul.f32 v24, v44;
	v9 =	vadd.f32 v10, v9;
	v32 =	vadd.f32 v13, v58  }
0x166: {  	v57 =	vld [tilespmem:s3+$0xDC30];
	v13 =	vsub.f32 v34, v28;
	v14 =	vsub.f32 v56, v11;
	v15 =	vmul.f32 v15, v59  }
0x167: {  	v58 =	vld [tilespmem:s3+$0xFC30];
	v12 =	vadd.f32 v18, v12;
	v24 =	vadd.f32 v24, v54;
	v54 =	vbroadcast v8, $0x4  }
0x168: {  	v34 =	vbroadcast v7, $0x3;
	v56 =	vld [tilespmem:s3+$0x3C60];
	v10 =	vsub.f32 v32, v9;
	v13 =	vmul.f32 v13, v29  }
0x169: {  	v33 =	vld [tilespmem:s3+$0x9C50];
	v39 =	vmul.f32 v14, v61;
	v15 =	vadd.f32 v15, v19;
	v29 =	vsub.f32 v62, v60  }
0x16a: {  	v35 =	vld [tilespmem:s3+$0xBC50];
	v32 =	vbroadcast v6, $0x1;
	v14 =	vsub.f32 v40, v63;
	v10 =	vmul.f32 v10, v37  }
0x16b: {  	v59 =	vld [tilespmem:s3+$0x7C60];
	v13 =	vadd.f32 v13, v28;
	v15 =	vsub.f32 v15, v12;
	v29 =	vmul.f32 v29, v54  }
0x16c: {  	v49 =	vld [tilespmem:s3+$0x3C50];
	v14 =	vmul.f32 v14, v54;
	v28 =	vsub.f32 v48, v47;
	v22 =	vsub.f32 v58, v57  }
0x16d: {  	v36 =	vld [tilespmem:s3+$0xDC50];
	v58 =	vbroadcast v8, $0x5;
	v18 =	vsub.f32 v56, v25;
	v13 =	vsub.f32 v13, v20  }
0x16e: {  	v53 =	vld [tilespmem:s3+$0x7C50];
	v56 =	vbroadcast v6, $0x5;
	v9 =	vadd.f32 v10, v9;
	v10 =	vadd.f32 v39, v11  }
0x16f: {  	v37 =	vld [tilespmem:s3+$0xFC50];
	v26 =	vadd.f32 v29, v60;
	v14 =	vadd.f32 v14, v63;
	v55 =	vmul.f32 v28, v54  }
0x170: {  	v43 =	vld [tilespmem:s3+$0xBC40];
	v60 =	vsub.f32 v35, v33;
	v15 =	vmul.f32 v15, v32;
	v29 =	vsub.f32 v59, v27  }
0x171: {  	v19 =	vmul.f32 v22, v44;
	v22 =	vsub.f32 v49, v31;
	v49 =	vbroadcast v7, $0x5  }
0x172: {  	v48 =	vld [tilespmem:s3+$0x3C70];
	v13 =	vmul.f32 v13, v61;
	v23 =	vadd.f32 v55, v47;
	v14 =	vsub.f32 v14, v26  }
0x173: {  	v63 =	vld [tilespmem:s3+$0xDC60];
	v62 =	vmul.f32 v60, v58;
	v16 =	vadd.f32 v19, v57;
	v57 =	vbroadcast v7, $0x4  }
0x174: {  	v35 =	vld [tilespmem:s3+$0x1C80];
	v19 =	vsub.f32 v53, v51;
	v61 =	vsub.f32 v37, v36;
	v22 =	vmul.f32 v22, v58  }
0x175: {  	v32 =	vld [tilespmem:s3+$0x1CB0];
	v42 =	vadd.f32 v13, v20;
	v20 =	vmul.f32 v45, v44;
	v13 =	vsub.f32 v43, v41  }
0x176: {  	v55 =	vld [tilespmem:s3+$0xFC70];
	v45 =	vadd.f32 v62, v33;
	v16 =	vsub.f32 v16, v24;
	v14 =	vmul.f32 v14, v57  }
0x177: {  	v60 =	vld [tilespmem:s3+$0x5C80];
	v19 =	vmul.f32 v19, v58;
	v28 =	vmul.f32 v61, v58;
	v22 =	vadd.f32 v22, v31  }
0x178: {  	v44 =	vld [tilespmem:s3+$0xFC60];
	v11 =	vsub.f32 v42, v10;
	v17 =	vadd.f32 v20, v38;
	v13 =	vmul.f32 v13, v54  }
0x179: {  	v37 =	vld [tilespmem:s3+$0x9C60];
	v54 =	vbroadcast v8, $0x6;
	v19 =	vadd.f32 v19, v51;
	v46 =	vadd.f32 v28, v36  }
0x17a: {  	v43 =	vld [tilespmem:s3+$0xDC70];
	v16 =	vmul.f32 v16, v34;
	v14 =	vadd.f32 v14, v26;
	v20 =	vsub.f32 v50, v17  }
0x17b: {  	v58 =	vld [tilespmem:s3+$0x3C80];
	v13 =	vadd.f32 v13, v41;
	v30 =	vmul.f32 v11, v52;
	v11 =	vadd.f32 v15, v12  }
0x17c: {  	v62 =	vld [tilespmem:s3+$0x7C80];
	v18 =	vmul.f32 v18, v54;
	v16 =	vadd.f32 v16, v24;
	v19 =	vsub.f32 v19, v22  }
0x17d: {  	v38 =	vld [tilespmem:s3+$0xBC60];
	v29 =	vmul.f32 v29, v54;
	v24 =	vsub.f32 v46, v45;
	v21 =	vsub.f32 v44, v63  }
0x17e: {  	v53 =	vld [tilespmem:s3+$0x7C70];
	v51 =	vbroadcast v6, $0x3;
	v23 =	vsub.f32 v23, v13;
	v10 =	vadd.f32 v30, v10  }
0x17f: {  	v28 =	vld [tilespmem:s3+$0x1C70];
	v52 =	vbroadcast v6, $0x4;
	v18 =	vadd.f32 v18, v25;
	v61 =	vadd.f32 v29, v27  }
0x180: {  	v50 =	vld [tilespmem:s3+$0x5C70];
	v20 =	vmul.f32 v20, v34;
	v30 =	vsub.f32 v55, v43;
	v36 =	vsub.f32 v58, v35  }
0x181: {  	v41 =	vld [tilespmem:s3+$0xBC70];
	v27 =	vsub.f32 v62, v60;
	v19 =	vmul.f32 v19, v49;
	v21 =	vmul.f32 v21, v54  }
0x182: {  	v44 =	vld [tilespmem:s3+$0xBC80];
	v17 =	vadd.f32 v20, v17;
	v20 =	vmul.f32 v23, v57;
	v57 =	vsub.f32 v38, v37  }
0x183: {  	v46 =	vld [tilespmem:s3+$0xDC80];
	v62 =	vbroadcast v7, $0x8;
	v25 =	vsub.f32 v61, v18;
	v19 =	vadd.f32 v19, v22  }
0x184: {  	v21 =	vadd.f32 v21, v63;
	v63 =	vld [tilespmem:s3+$0x9C80];
	v47 =	vadd.f32 v20, v13;
	v13 =	vmul.f32 v24, v49  }
0x185: {  	v33 =	vsub.f32 v53, v50;
	v53 =	vbroadcast v6, $0x6;
	v16 =	vsub.f32 v16, v17;
	v24 =	vld [tilespmem:s3+$0x9C70]  }
0x186: {  	v59 =	vmul.f32 v57, v54;
	v20 =	vsub.f32 v48, v28;
	v48 =	vld [tilespmem:s3+$0xFC80];
	v13 =	vadd.f32 v13, v45  }
0x187: {  	v55 =	vld [tilespmem:s3+$0xBC90];
	v54 =	vbroadcast v7, $0x7;
	v39 =	vsub.f32 v47, v14;
	v40 =	vmul.f32 v16, v51  }
0x188: {  	v58 =	vld [tilespmem:s3+$0x3CA0];
	v45 =	vbroadcast v7, $0x6;
	v47 =	vbroadcast v8, $0x7;
	v13 =	vsub.f32 v13, v19  }
0x189: {  	v38 =	vld [tilespmem:s3+$0xDC90];
	v42 =	vmul.f32 v39, v52;
	v12 =	vadd.f32 v40, v17;
	v17 =	vadd.f32 v59, v37  }
0x18a: {  	v61 =	vld [tilespmem:s3+$0x7CA0];
	v25 =	vmul.f32 v25, v45;
	v20 =	vmul.f32 v20, v47;
	v16 =	vsub.f32 v44, v63  }
0x18b: {  	v49 =	vld [tilespmem:s3+$0x3C90];
	v33 =	vmul.f32 v33, v47;
	v15 =	vsub.f32 v41, v24;
	v34 =	vsub.f32 v48, v46  }
0x18c: {  	v51 =	vmul.f32 v30, v47;
	v40 =	vld [tilespmem:s3+$0x1CA0];
	v14 =	vadd.f32 v42, v14;
	v21 =	vsub.f32 v21, v17  }
0x18d: {  	v52 =	vld [tilespmem:s3+$0x7C90];
	v13 =	vmul.f32 v13, v56;
	v18 =	vadd.f32 v25, v18;
	v20 =	vadd.f32 v20, v28  }
0x18e: {  	v39 =	vld [tilespmem:s3+$0xFC90];
	v50 =	vadd.f32 v33, v50;
	v22 =	vadd.f32 v51, v43;
	v56 =	vbroadcast v8, $0x8  }
0x18f: {  	v28 =	vld [tilespmem:s3+$0x3CB0];
	v15 =	vmul.f32 v15, v47;
	v13 =	vadd.f32 v13, v19;
	v19 =	vmul.f32 v21, v45  }
0x190: {  	v44 =	vld [tilespmem:s3+$0xBCA0];
	v25 =	vsub.f32 v50, v20;
	v36 =	vmul.f32 v36, v56;
	v27 =	vmul.f32 v27, v56  }
0x191: {  	v21 =	vld [tilespmem:s3+$0x1C90];
	v16 =	vmul.f32 v16, v56;
	v15 =	vadd.f32 v15, v24;
	v33 =	vsub.f32 v58, v40  }
0x192: {  	v41 =	vbroadcast v7, $0xA;
	v24 =	vld [tilespmem:s3+$0x9C90];
	v17 =	vadd.f32 v19, v17;
	v59 =	vadd.f32 v36, v35  }
0x193: {  	v58 =	vld [tilespmem:s3+$0xBCB0];
	v25 =	vmul.f32 v25, v54;
	v23 =	vadd.f32 v27, v60;
	v16 =	vadd.f32 v16, v63  }
0x194: {  	v57 =	vmul.f32 v34, v56;
	v19 =	vld [tilespmem:s3+$0x5C90];
	v22 =	vsub.f32 v22, v15;
	v28 =	vsub.f32 v28, v32  }
0x195: {  	v42 =	vbroadcast v8, $0x9;
	v60 =	vld [tilespmem:s3+$0x5CA0];
	v17 =	vsub.f32 v17, v18;
	v20 =	vadd.f32 v25, v20  }
0x196: {  	v50 =	vbroadcast v6, $0x7;
	v63 =	vld [tilespmem:s3+$0x9CA0];
	v25 =	vadd.f32 v57, v46;
	v23 =	vsub.f32 v23, v59  }
0x197: {  	v36 =	vld [tilespmem:s3+$0x9CB0];
	v22 =	vmul.f32 v22, v54;
	v43 =	vsub.f32 v49, v21;
	v54 =	vbroadcast v8, $0xA  }
0x198: {  	v17 =	vmul.f32 v17, v53;
	v25 =	vsub.f32 v25, v16;
	v26 =	vsub.f32 v55, v24  }
0x199: {  	v45 =	vmul.f32 v23, v62;
	v53 =	vsub.f32 v39, v38;
	v22 =	vadd.f32 v22, v15  }
0x19a: {  	v47 =	vld [tilespmem:s3+$0xDCA0];
	v46 =	vsub.f32 v52, v19;
	v48 =	vmul.f32 v43, v42;
	v29 =	vsub.f32 v61, v60  }
0x19b: {  	v49 =	vld [tilespmem:s3+$0xFCA0];
	v56 =	vsub.f32 v44, v63;
	v57 =	vmul.f32 v33, v54;
	v61 =	vbroadcast v6, $0x8  }
0x19c: {  	v55 =	vld [tilespmem:s3+$0x7CB0];
	v33 =	vsub.f32 v58, v36;
	v43 =	vbroadcast v6, $0xA;
	v15 =	vadd.f32 v17, v18  }
0x19d: {  	v39 =	vld [tilespmem:s3+$0x1CD0];
	v25 =	vmul.f32 v25, v62;
	v17 =	vadd.f32 v45, v59;
	v52 =	vmul.f32 v26, v42  }
0x19e: {  	v26 =	vld [tilespmem:s3+$0x5CB0];
	v62 =	vbroadcast v7, $0x9;
	v22 =	vsub.f32 v22, v20;
	v18 =	vmul.f32 v46, v42  }
0x19f: {  	v59 =	vld [tilespmem:s3+$0xDCB0];
	v21 =	vadd.f32 v48, v21;
	v29 =	vmul.f32 v29, v54;
	v25 =	vadd.f32 v25, v16  }
0x1a0: {  	v45 =	vld [tilespmem:s3+$0x3CC0];
	v34 =	vmul.f32 v56, v54;
	v30 =	vsub.f32 v49, v47;
	v51 =	vadd.f32 v18, v19  }
0x1a1: {  	v48 =	vld [tilespmem:s3+$0x9CC0];
	v19 =	vmul.f32 v53, v42;
	v18 =	vadd.f32 v52, v24;
	v24 =	vadd.f32 v57, v40  }
0x1a2: {  	v56 =	vld [tilespmem:s3+$0x3CD0];
	v22 =	vmul.f32 v22, v50;
	v27 =	vadd.f32 v29, v60;
	v31 =	vadd.f32 v34, v63  }
0x1a3: {  	v60 =	vld [tilespmem:s3+$0xFCB0];
	v52 =	vbroadcast v8, $0xB;
	v25 =	vsub.f32 v25, v17;
	v19 =	vadd.f32 v19, v38  }
0x1a4: {  	v42 =	vld [tilespmem:s3+$0x5CC0];
	v30 =	vmul.f32 v30, v54;
	v63 =	vsub.f32 v51, v21;
	v27 =	vsub.f32 v27, v24  }
0x1a5: {  	v54 =	vld [tilespmem:s3+$0xFCC0];
	v16 =	vadd.f32 v22, v20;
	v53 =	vsub.f32 v55, v26;
	v55 =	vbroadcast v6, $0x9  }
0x1a6: {  	v51 =	vld [tilespmem:s3+$0xDCC0];
	v28 =	vmul.f32 v28, v52;
	v33 =	vmul.f32 v33, v52;
	v23 =	vadd.f32 v30, v47  }
0x1a7: {  	v30 =	vld [tilespmem:s3+$0x1CC0];
	v50 =	vmul.f32 v25, v61;
	v61 =	vbroadcast v7, $0xB;
	v19 =	vsub.f32 v19, v18  }
0x1a8: {  	v47 =	vld [tilespmem:s3+$0x7CC0];
	v46 =	vmul.f32 v63, v62;
	v28 =	vadd.f32 v28, v32;
	v58 =	vadd.f32 v33, v36  }
0x1a9: {  	v49 =	vld [tilespmem:s3+$0xBCC0];
	v27 =	vmul.f32 v27, v41;
	v23 =	vsub.f32 v23, v31;
	v29 =	vsub.f32 v60, v59  }
0x1aa: {  	v37 =	vld [tilespmem:s3+$0xDCD0];
	v17 =	vadd.f32 v50, v17;
	v19 =	vmul.f32 v19, v62;
	v20 =	vadd.f32 v46, v21  }
0x1ab: {  	v57 =	vld [tilespmem:s3+$0x7CD0];
	v24 =	vadd.f32 v27, v24;
	v62 =	vbroadcast v8, $0xC;
	v35 =	vsub.f32 v54, v51  }
0x1ac: {  	v34 =	vld [tilespmem:s3+$0x9CE0];
	v23 =	vmul.f32 v23, v41;
	v41 =	vsub.f32 v56, v39;
	v18 =	vadd.f32 v19, v18  }
0x1ad: {  	v33 =	vld [tilespmem:s3+$0x9CD0];
	v27 =	vmul.f32 v29, v52;
	v40 =	vsub.f32 v45, v30;
	v22 =	vsub.f32 v47, v42  }
0x1ae: {  	v63 =	vld [tilespmem:s3+$0xFCD0];
	v19 =	vsub.f32 v49, v48;
	v47 =	vbroadcast v6, $0xB;
	v23 =	vadd.f32 v23, v31  }
0x1af: {  	v29 =	vld [tilespmem:s3+$0x5CD0];
	v31 =	vmul.f32 v53, v52;
	v27 =	vadd.f32 v27, v59;
	v45 =	vmul.f32 v35, v62  }
0x1b0: {  	v60 =	vld [tilespmem:s3+$0xBCD0];
	v52 =	vbroadcast v8, $0xD;
	v18 =	vsub.f32 v18, v20;
	v40 =	vmul.f32 v40, v62  }
0x1b1: {  	v49 =	vld [tilespmem:s3+$0xBCE0];
	v22 =	vmul.f32 v22, v62;
	v23 =	vsub.f32 v23, v24;
	v26 =	vadd.f32 v31, v26  }
0x1b2: {  	v44 =	vld [tilespmem:s3+$0x3CE0];
	v19 =	vmul.f32 v19, v62;
	v27 =	vsub.f32 v27, v58;
	v25 =	vadd.f32 v45, v51  }
0x1b3: {  	v36 =	vld [tilespmem:s3+$0x1CE0];
	v18 =	vmul.f32 v18, v55;
	v30 =	vadd.f32 v40, v30;
	v22 =	vadd.f32 v22, v42  }
0x1b4: {  	v46 =	vld [tilespmem:s3+$0x7CE0];
	v19 =	vadd.f32 v19, v48;
	v48 =	vbroadcast v7, $0xC;
	v31 =	vsub.f32 v57, v29  }
0x1b5: {  	v21 =	vld [tilespmem:s3+$0xDCE0];
	v57 =	vsub.f32 v63, v37;
	v59 =	vmul.f32 v23, v43;
	v26 =	vsub.f32 v26, v28  }
0x1b6: {  	v54 =	vld [tilespmem:s3+$0x3CF0];
	v27 =	vmul.f32 v27, v61;
	v23 =	vsub.f32 v60, v33;
	v32 =	vsub.f32 v49, v34  }
0x1b7: {  	v56 =	vld [tilespmem:s3+$0x5CF0];
	v60 =	vbroadcast v8, $0xE;
	v22 =	vsub.f32 v22, v30;
	v18 =	vadd.f32 v18, v20  }
0x1b8: {  	v53 =	vld [tilespmem:s3+$0x1CF0];
	v25 =	vsub.f32 v25, v19;
	v31 =	vmul.f32 v31, v52;
	v26 =	vmul.f32 v26, v61  }
0x1b9: {  	v51 =	vld [tilespmem:s3+$0xFCE0];
	v27 =	vadd.f32 v27, v58;
	v20 =	vadd.f32 v59, v24;
	v23 =	vmul.f32 v23, v52  }
0x1ba: {  	v58 =	vld [tilespmem:s3+$0x7CF0];
	v61 =	vsub.f32 v44, v36;
	v32 =	vmul.f32 v32, v60;
	v22 =	vmul.f32 v22, v48  }
0x1bb: {  	v63 =	vld [tilespmem:s3+$0xDCF0];
	v25 =	vmul.f32 v25, v48;
	v29 =	vadd.f32 v31, v29;
	v26 =	vadd.f32 v26, v28  }
0x1bc: {  	v55 =	vmul.f32 v41, v52;
	v48 =	vld [tilespmem:s3+$0xFCF0];
	v23 =	vadd.f32 v23, v33;
	v32 =	vadd.f32 v32, v34  }
0x1bd: {  	v28 =	vld [tilespmem:s3+$0x5CE0];
	v22 =	vadd.f32 v22, v30;
	v19 =	vadd.f32 v25, v19;
	v25 =	vmul.f32 v57, v52  }
0x1be: {  	v62 =	vld [tilespmem:s3+$0xBCF0];
	v8 =	vbroadcast v8, $0xF;
	v30 =	vadd.f32 v55, v39;
	v27 =	vsub.f32 v27, v26  }
0x1bf: {  	v59 =	vld [tilespmem:s3+$0x9CF0];
	v52 =	vbroadcast v7, $0xD;
	v25 =	vadd.f32 v25, v37;
	v49 =	vsub.f32 v58, v56  }
0x1c0: {  	v29 =	vsub.f32 v29, v30;
	v50 =	vmul.f32 v27, v47;
	v27 =	vsub.f32 v51, v21  }
0x1c1: {  	v47 =	vmul.f32 v61, v60;
	v51 =	vsub.f32 v48, v63;
	v61 =	vsub.f32 v19, v22  }
0x1c2: {  	v35 =	vsub.f32 v46, v28;
	v34 =	vmul.f32 v49, v8;
	v25 =	vsub.f32 v25, v23  }
0x1c3: {  	v24 =	vadd.f32 v50, v26;
	v26 =	vsub.f32 v54, v53;
	v27 =	vmul.f32 v27, v60  }
0x1c4: {  	v33 =	vadd.f32 v47, v36;
	v50 =	vsub.f32 v62, v59;
	v35 =	vmul.f32 v35, v60  }
0x1c5: {  	v34 =	vadd.f32 v34, v56;
	v26 =	vmul.f32 v26, v8;
	v21 =	vadd.f32 v27, v21  }
0x1c6: {  	v28 =	vadd.f32 v35, v28;
	v35 =	vmul.f32 v50, v8;
	v8 =	vmul.f32 v51, v8  }
0x1c7: {  	[tilespmem:s3+$0x11C00] =	vst v9;
	v54 =	vbroadcast v7, $0xE;
	v26 =	vadd.f32 v26, v53;
	v21 =	vsub.f32 v21, v32  }
0x1c8: {  	[tilespmem:s3+$0x11C10] =	vst v11;
	v7 =	vbroadcast v7, $0xF;
	v31 =	vadd.f32 v35, v59;
	v8 =	vadd.f32 v8, v63  }
0x1c9: {  	[tilespmem:s3+$0x11C20] =	vst v10;
	v55 =	vmul.f32 v25, v52;
	v53 =	vmul.f32 v29, v52;
	v28 =	vsub.f32 v28, v33  }
0x1ca: {  	[tilespmem:s3+$0x11C30] =	vst v12;
	v56 =	vsub.f32 v34, v26;
	v11 =	vmul.f32 v21, v54;
	v8 =	vsub.f32 v8, v31  }
0x1cb: {  	[tilespmem:s3+$0x11C40] =	vst v14;
	v10 =	vadd.f32 v55, v23;
	v9 =	vadd.f32 v53, v30;
	v57 =	vmul.f32 v28, v54  }
0x1cc: {  	[tilespmem:s3+$0x11C50] =	vst v13;
	v58 =	vmul.f32 v56, v7;
	v11 =	vadd.f32 v11, v32;
	v7 =	vmul.f32 v8, v7  }
0x1cd: {  	[tilespmem:s3+$0x11C60] =	vst v15;
	v60 =	vbroadcast v6, $0xC;
	v10 =	vsub.f32 v10, v9;
	v12 =	vadd.f32 v57, v33  }
0x1ce: {  	[tilespmem:s3+$0x11C70] =	vst v16;
	v62 =	vbroadcast v6, $0xD;
	v59 =	vadd.f32 v58, v26;
	v7 =	vadd.f32 v7, v31  }
0x1cf: {  	[tilespmem:s3+$0x11C80] =	vst v17;
	v13 =	vmul.f32 v61, v60;
	v63 =	vbroadcast v6, $0xE;
	v11 =	vsub.f32 v11, v12  }
0x1d0: {  	[tilespmem:s3+$0x11C90] =	vst v18;
	v6 =	vbroadcast v6, $0xF;
	v10 =	vmul.f32 v10, v62;
	v7 =	vsub.f32 v7, v59  }
0x1d1: {  	p0 =	sne.s32 s29, $0x7C00;
	[tilespmem:s3+$0x11CA0] =	vst v20;
	v13 =	vadd.f32 v13, v22;
	v11 =	vmul.f32 v11, v63  }
.Ltmp1:
0x1d2: {  	[tilespmem:s3+$0x11CB0] =	vst v24;
	v9 =	vadd.f32 v10, v9;
	v6 =	vmul.f32 v7, v6;
	(pc) =	sbr.rel @p0 .LBB2_5-.Ltmp1, $4  }
0x1d3: {  	[tilespmem:s3+$0x11CC0] =	vst v13;
	v7 =	vadd.f32 v11, v12  }
0x1d4: {  	[tilespmem:s3+$0x11CD0] =	vst v9;
	v6 =	vadd.f32 v6, v59  }
0x1d5: {  	s30 =	sadd.s32 $0x10, s30;
	[tilespmem:s3+$0x11CE0] =	vst v7  }
0x1d6: {  	s31 =	sadd.s32 $0x10, s31;
	s0 =	sadd.s32 $0x10, s0;
	s29 =	sadd.s32 $0x400, s29;
	[tilespmem:s3+$0x11CF0] =	vst v6  }
0x1d7: {  	s26 =	sadd.s32 $0x1, s26  }
0x1d8: {  	s0 =	sshll.u32 s28, $0x1;
	s1 =	rddreg [dreg:$0x1];
	p0 =	sne.s32 s26, $0x40  }
.Ltmp2:
0x1d9: {  	s0 =	sadd.s32 s1, s0;
	(pc) =	sbr.rel @p0 .LBB2_2-.Ltmp2, $4  }
0x1da: {  	[hbm4b:s0+s2] =	stream.linear.scatter [tilespmem:s25], [sflag:$0x2], $0x2000, $0x38;
	[tilespmem:$0x13C00] =	vst v63  }
0x1db: {  	_ =	swait.ge [sflag:s8], $0x2000  }
0x1dc: {  	[sflag:s8] =	ssyncset.done $0x0  }
0x1dd: {  	[sflag:s8] =	ssyncadd.s32 $0xFFFFE000  }
0x1de: {  	s1 =	rddreg [dreg:$0x4]  }
0x1df: {  	s0 =	rddreg [dreg:$0x3];
	s1 =	sadd.s32 $0x1, s1  }
0x1e0: {  	p0 =	sne.s32 s1, s0  }
.Ltmp3:
0x1e1: {  	_ = 	snop;
	(pc) =	sbr.rel @p0 .LBB2_1-.Ltmp3, $1  }
0x1e2: {  	_ =	sdelay $0x3  }
0x1e3: {  	_ =	sfence.sel $0x180000  }
0x1e4: {  	[bflag:$0x0] =	sbarrier.arrive $0xFFFF  }
0x1e5: {  	_ =	strace $0x9000004A  }
0x1e6: {  	s0 =	stileid.u32;
	[bflag:$0x2] =	sbarrier.arrive $0xFFFF  }
0x1e7: {  	p0 =	sne.s32 s0, $0x0;
	s0 =	rddreg [dreg:$0x2]  }
0x1e8: {  	s0 =	sadd.s32 @!p0 $0x100000, s0  }
0x1e9: {  	[sflag:s0] =	ssyncadd.tile.s32 @!p0 $0x1;
	_ =	shalt  }
.Lfunc_end2:
_tile_overlayer_lowered:
.L_overlay_start_2:
0x1ea: {  	(tag) =	ssettag $0x2  }
0x1eb: {  	s0 =	rddreg [dreg:$0x0];
	s2 =	stileid.u32  }
0x1ec: {  	s1 =	rddreg [dreg:$0x1];
	p0 =	sne.s32 s2, $0x0  }
0x1ed: {  	s3 =	rddreg [dreg:$0x2];
	[bflag:$0x3] =	sbarrier.arrive $0xFFFF;
	s2 =	simm.s32 @!p0 $0x1C02  }
0x1ee: {  	[timem:s3], [sflag:s2] =	dma.local @!p0 [hbm:s0], s1  }
0x1ef: {  	s0 =	simm.s32 @!p0 $0x2  }
0x1f0: {  	_ =	swait.ge @!p0 [sflag:s0], s1  }
0x1f1: {  	s1 =	ssub.s32 @!p0 $0x0, s1;
	[sflag:s0] =	ssyncset.done @!p0 $0x0  }
0x1f2: {  	[sflag:s0] =	ssyncadd.s32 @!p0 s1  }
0x1f3: {  	[bflag:$0x3] =	sbarrier.arrive $0xFFFF  }
0x1f4: {  	_ =	shalt  }

// kernel: sparse-core-data-format-call.cloned.1.call-start
scs
called_computation_lowered:
.L_overlay_start_0:
0x0: {  	s2 =	sld [smem:$0x3FD9]  }
0x1: {  	s3 =	sld [smem:$0x3FFE];
	_ =	sdelay $0x1  }
0x2: {  	s1 =	srdreg.scid  }
0x3: {  	s0 =	sand.u32 $0x1, s1  }
0x4: {  	s18 =	sshll.u32 s0, $0xA;
	s2 =	sadd.s32 s3, s2  }
0x5: {  	s2 =	sadd.s32 s2, s18  }
0x6: {  	[smem:$0x3FC6] =	sst s2  }
0x7: {  	_ = 	snop  }
0x8: {  	s2 =	sld [smem:$0x3FD0];
	(tm) =	ssettm $0x1  }
0x9: {  	s19 =	sld [smem:$0x3FFB];
	_ =	sdelay $0x3  }
0xa: {  	_ =	strace s19  }
0xb: {  	s3 =	sld [smem:$0x3FFC];
	_ =	sdelay $0x3  }
0xc: {  	_ =	strace s3  }
0xd: {  	s3 =	sld [smem:$0x3FFD];
	_ =	sdelay $0x3  }
0xe: {  	_ =	strace s3  }
0xf: {  	_ =	strace $0x8FFFFFFF  }
0x10: {  	s20 =	sld [smem:$0x3FDB];
	_ =	sdelay $0x1  }
0x11: {  	s4 =	simm.s32 $_scs_section_size  }
0x12: {  	s5 =	simm.s32 $_size__tile_overlayer_lowered;
	s6 =	simm.s32 $_tile_overlayer_lowered  }
0x13: {  	s23 =	simm.s32 $0x1BFF;
	s22 =	sshll.u32 s6, $0x1;
	s3 =	sadd.s32 s4, s20  }
0x14: {  	s7 =	simm.s32 $0x0;
	s21 =	sshll.u32 s5, $0x1;
	s5 =	sadd.s32 s22, s3  }
0x15: {  	[timem:s7], [sflag:s23] =	dma.local [hbm:s5], s21  }
0x16: {  	_ =	swait.ge [sflag:s23], s21  }
0x17: {  	s4 =	ssub.s32 $0x0, s21;
	[sflag:s23] =	ssyncset.done $0x0  }
0x18: {  	[sflag:s23] =	ssyncadd.s32 s4;
	_ =	sdelay $0x1  }
0x19: {  	s24 =	simm.s32 $0x1B8B  }
0x1a: {  	_ =	swait.ge [sflag:s24], $0x1  }
0x1b: {  	[sflag:s24] =	ssyncset.done $0x0  }
0x1c: {  	s26 =	simm.s32 $0x1B8E;
	s25 =	sld [smem:$0x3FFE];
	[sflag:s24] =	ssyncadd.s32 $0xFFFFFFFF  }
0x1d: {  	s27 =	simm.s32 $execute0_lowered;
	[smem:$0x3FD2] =	sst s26  }
0x1e: {  	s5 =	sshll.u32 s27, $0x1;
	_ =	strace $0x8000004C;
	[dreg:$0x1] =	wrdreg $0xFFFFFFFF  }
0x1f: {  	s28 =	simm.s32 $_size_execute0_lowered;
	s3 =	sadd.s32 s3, s5;
	[dreg:$0x0] =	wrdreg $0x0  }
0x20: {  	s5 =	sshll.u32 s28, $0x1;
	[dreg:$0x2] =	wrdreg s3  }
0x21: {  	[dreg:$0x3] =	wrdreg s5  }
0x22: {  	[dreg:$0x4] =	wrdreg $0xC0  }
0x23: {  	_ =	task [dreg:s7], $0x5FFFF  }
0x24: {  	[dreg:$0x1] =	wrdreg $0xFFFFFFFF  }
0x25: {  	[dreg:$0x0] =	wrdreg $0x60  }
0x26: {  	[dreg:$0x2] =	wrdreg s25  }
0x27: {  	[dreg:$0x3] =	wrdreg s2  }
0x28: {  	[dreg:$0x4] =	wrdreg $0x9  }
0x29: {  	_ =	task.clear_ibuf [dreg:s7], $0x5FFFF;
	_ =	strace $0x9000004C  }
0x2a: {  	s29 =	simm.s32 $0x9;
	_ =	strace $0x8000004E  }
0x2b: {  	_ =	swait.ge [sflag:s29], $0x1  }
0x2c: {  	[sflag:s29] =	ssyncadd.s32 $0xFFFFFFFF  }
0x2d: {  	_ =	strace $0x9000004E  }
0x2e: {  	_ =	sfence  }
0x2f: {  	s30 =	sld [smem:$0x0];
	_ =	sdelay $0x2  }
0x30: {  	s31 =	sshll.u32 s1, $0xD;
	s1 =	sshrl.u32 s1, $0x2  }
0x31: {  	s3 =	sand.u32 $0x4000, s31;
	s1 =	sadd.s32 s1, s30  }
0x32: {  	s0 =	sor.u32 s3, s0;
	s1 =	sshll.u32 s1, $0x11  }
0x33: {  	s0 =	sor.u32 s1, s0  }
0x34: {  	s0 =	sadd.s32 $0x8F2B, s0  }
0x35: {  	[sflag:s0] =	ssyncadd.remote.s32 $0x1  }
0x36: {  	_ =	sfence.sel $0xFFFF  }
0x37: {  	[dreg:$0x0] =	wrdreg $0xFFFFFFFF;
	(pc) =	sbr.abs _section_cstart, $3  }
0x38: {  	[dreg:$0x1] =	wrdreg $0xFFFFFFFF  }
0x39: {  	_ =	task.clear_ibuf [dreg:s7], $0x2FFFF;
	_ =	strace $0x9FFFFFFF  }
0x3a: {  	(tm) =	ssettm $0x7FFFFFFF  }
0x3b: {  	_ =	shalt  }
tec
execute0_lowered:
.L_overlay_start_1:
0x0: {  	(tag) =	ssettag $0x1  }
0x1: {  	s0 =	srdreg.scid  }
0x2: {  	s1 =	sshll.u32 s0, $0x4  }
0x3: {  	s4 =	rddreg [dreg:$0x0];
	s0 =	stileid.u32;
	s1 =	sand.u32 $0x10, s1  }
0x4: {  	s2 =	rddreg [dreg:$0x1];
	s7 =	simm.s32 $0x1;
	s1 =	sor.u32 s0, s1  }
0x5: {  	s8 =	simm.s32 $0x2;
	s11 =	simm.s32 $0x0;
	s3 =	sshll.u32 s1, $0x7  }
0x6: {  	s10 =	simm.s32 $0x0;
	s4 =	sadd.s32 $0xE00, s4;
	s6 =	ssub.s32 $0x100000, s3  }
.Ltmp0:
0x7: {  	s1 =	rddreg [dreg:$0x2];
	s5 =	sand.u32 $0xF80, s6;
	(pc) =	sbr.rel .LBB1_1-.Ltmp0, $4  }
0x8: {  	_ =	strace $0x8000004D;
	s9 =	smov.u32 s3;
	p0 =	sne.s32 s5, $0x0  }
0x9: {  	s6 =	sshrl.u32 s6, $0xC;
	s5 =	simm.s32 $0x1;
	s7 =	simm.s32 @!p0 $0x0  }
0xa: {  	[sflag:s5] =	ssyncpa.u1 $0x0;
	p0 =	por $0x0, $0x0;
	s6 =	sadd.s32 s7, s6  }
0xb: {  	[sflag:s8] =	ssyncpa.u1 $0x0;
	s8 =	simm.s32 $0x800000;
	s7 =	sadd.s32 $0x1, s6  }
.LBB1_4:
0xc: {  	[tilespmem:s12+$0xFFFFFFFC ss:$0x81] =	vst.msk $0xffff, v2;
	s14 =	sshll.u32 s11, $0x3  }
0xd: {  	[tilespmem:s12+$0xFFFFFFFD ss:$0x81] =	vst.msk $0xffff, v3;
	s15 =	sand.u32 $0x78, s11;
	s14 =	sand.u32 $0xFFC00, s14  }
0xe: {  	[tilespmem:s12+$0xFFFFFFFE ss:$0x81] =	vst.msk $0xffff, v1;
	s29 =	sand.u32 $0x1E0000, s11;
	s30 =	sand.u32 $0x7, s11;
	s14 =	sor.u32 s15, s14  }
0xf: {  	[tilespmem:s12+$0xFFFFFFFF ss:$0x81] =	vst.msk $0xffff, v4;
	s11 =	sshll.u32 s30, $0x12;
	s15 =	sadd.s32 s2, s29;
	s14 =	sshrl.u32 s14, $0x3  }
0x10: {  	[tilespmem:s12+$0xFFFFFFF9 ss:$0x81] =	vst.msk $0xffff, v0;
	s11 =	sor.u32 $0x400, s11;
	s31 =	sadd.s32 s14, s15  }
0x11: {  	[hbm4b:s31+s11] =	stream.strided.scatter [tilespmem:s13], [sflag:$0x2], $0x800, s8, s11, $0x20;
	[tilespmem:$0x2020] =	vst v63  }
.LBB1_5:
0x12: {  	s13 =	sadd.s32 $0x1000, s9  }
0x13: {  	p2 =	sgt.s32 s13, $0xFFFFF  }
0x14: {  	s13 =	smov.u32 @p2 s3;
	p2 =	sne.s32 s10, s7  }
.Ltmp1:
0x15: {  	p1 =	slt.u32 s10, $0x2;
	(pc) =	sbr.rel @!p2 .LBB1_6-.Ltmp1, $4  }
0x16: {  	s12 =	simm.s32 @!p1 $0x2  }
0x17: {  	s14 =	sadd.s32 $0x1, s10;
	_ =	swait.ge @!p1 [sflag:s12], $0x800  }
0x18: {  	s11 =	smov.u32 s9;
	p0 =	por !p0, !p0;
	[sflag:s12] =	ssyncset.done @!p1 $0x0  }
0x19: {  	s10 =	smov.u32 s14;
	s9 =	smov.u32 s13;
	[sflag:s12] =	ssyncadd.s32 @!p1 $0xFFFFF800  }
.LBB1_1:
0x1a: {  	p1 =	sge.u32 s10, s6  }
0x1b: {  	s31 =	sadd.s32 $0xFFFFFFFF, s10;
	s12 =	sxor.u32 @!p1 $0xFFFFFFFF, s10;
	s13 =	sshll.u32 @!p1 s9, $0x4  }
0x1c: {  	s14 =	simm.s32 @!p1 $0x10;
	s12 =	sshll.u32 @!p1 s12, $0xB;
	s13 =	sand.u32 @!p1 $0xFFFFF0, s13  }
0x1d: {  	s15 =	simm.s32 @!p1 $0x80;
	s12 =	sand.u32 @!p1 $0x800, s12;
	s13 =	sadd.s32 @!p1 s4, s13  }
0x1e: {  	[tilespmem:s12], [sflag:$0x1] =	stream.strided.gather @!p1 [hbm4b:s13+s14], $0x800, s15, s14, $0x38;
	[tilespmem:$0x2020] =	vst v63  }
0x1f: {  	p1 =	sge.u32 s31, s6  }
.Ltmp2:
0x20: {  	_ = 	snop;
	(pc) =	sbr.rel @p1 .LBB1_5-.Ltmp2, $1  }
0x21: {  	_ =	sdelay $0x3  }
0x22: {  	s12 =	simm.s32 $0x1  }
0x23: {  	_ =	swait.ge [sflag:s5], $0x800;
	s12 =	simm.s32 @!p0 $0x0  }
0x24: {  	[sflag:s5] =	ssyncset.done $0x0;
	s13 =	sshll.u32 s12, $0xB  }
0x25: {  	[sflag:s5] =	ssyncadd.s32 $0xFFFFF800;
	s15 =	sor.u32 $0x40, s13  }
0x26: {  	v0 =	vld [tilespmem:s15+$0x30]  }
0x27: {  	s12 =	smul.u32 $0x2040, s12;
	v4 =	vld [tilespmem:s15+$0xFFFFFFD0]  }
0x28: {  	v5 =	vld [tilespmem:s15+$0xFFFFFFE0]  }
0x29: {  	s31 =	sand.u32 $0x1, s10;
	s12 =	sshrl.u32 s12, $0x2;
	v2 =	vld [tilespmem:s15+$0xFFFFFFF0]  }
0x2a: {  	s13 =	smul.u32 $0x2040, s31;
	v3 =	vld [tilespmem:s15+$0x0];
	s12 =	sor.u32 $0x1007, s12  }
0x2b: {  	v1 =	vld [tilespmem:s15+$0x10];
	[tilespmem:s12+$0x0 ss:$0x81] =	vst.msk $0xffff, v0  }
0x2c: {  	s13 =	sshrl.u32 s13, $0x2;
	[tilespmem:s12+$0xFFFFFFFA ss:$0x81] =	vst.msk $0xffff, v4;
	v4 =	vld [tilespmem:s15+$0x20]  }
0x2d: {  	s14 =	simm.s32 $0x0;
	s13 =	sor.u32 $0x1000, s13;
	v0 =	vld [tilespmem:s15+$0xFFFFFFC0];
	[tilespmem:s12+$0xFFFFFFFB ss:$0x81] =	vst.msk $0xffff, v5;
	s15 =	sadd.s32 $0x80, s15  }
.LBB1_3:
0x2e: {  	v5 =	vld [tilespmem:s15+$0x30];
	s14 =	sadd.s32 $0x8, s14;
	[tilespmem:s12+$0xFFFFFFFC ss:$0x81] =	vst.msk $0xffff, v2  }
0x2f: {  	v6 =	vld [tilespmem:s15+$0xFFFFFFD0];
	p1 =	slt.u32 s14, $0x78;
	[tilespmem:s12+$0xFFFFFFFD ss:$0x81] =	vst.msk $0xffff, v3  }
0x30: {  	v7 =	vld [tilespmem:s15+$0xFFFFFFE0];
	[tilespmem:s12+$0xFFFFFFFE ss:$0x81] =	vst.msk $0xffff, v1  }
.Ltmp3:
0x31: {  	v2 =	vld [tilespmem:s15+$0xFFFFFFF0];
	[tilespmem:s12+$0xFFFFFFFF ss:$0x81] =	vst.msk $0xffff, v4;
	(pc) =	sbr.rel @p1 .LBB1_3-.Ltmp3, $4  }
0x32: {  	v3 =	vld [tilespmem:s15+$0x0];
	[tilespmem:s12+$0xFFFFFFF9 ss:$0x81] =	vst.msk $0xffff, v0;
	s12 =	sadd.s32 $0x8, s12  }
0x33: {  	v1 =	vld [tilespmem:s15+$0x10];
	[tilespmem:s12+$0x0 ss:$0x81] =	vst.msk $0xffff, v5  }
0x34: {  	[tilespmem:s12+$0xFFFFFFFA ss:$0x81] =	vst.msk $0xffff, v6;
	v4 =	vld [tilespmem:s15+$0x20]  }
0x35: {  	v0 =	vld [tilespmem:s15+$0xFFFFFFC0];
	[tilespmem:s12+$0xFFFFFFFB ss:$0x81] =	vst.msk $0xffff, v7;
	s15 =	sadd.s32 $0x80, s15  }
.Ltmp4:
0x36: {  	_ = 	snop;
	(pc) =	sbr.rel .LBB1_4-.Ltmp4, $1  }
0x37: {  	_ =	sdelay $0x3  }
.LBB1_6:
0x38: {  	_ =	sfence.sel $0x180000  }
0x39: {  	s2 =	simm.s32 $0x1;
	[bflag:$0x0] =	sbarrier.arrive $0xFFFF  }
0x3a: {  	s31 =	simm.s32 $0x2;
	[sflag:s2] =	ssyncpa.u1 $0x1  }
0x3b: {  	[sflag:s31] =	ssyncpa.u1 $0x1  }
0x3c: {  	p0 =	sne.s32 s0, $0x0;
	_ =	strace $0x9000004D  }
0x3d: {  	s0 =	sadd.s32 @!p0 $0x100000, s1;
	[bflag:$0x2] =	sbarrier.arrive $0xFFFF  }
0x3e: {  	[sflag:s0] =	ssyncadd.tile.s32 @!p0 $0x1;
	_ =	shalt  }
.Lfunc_end1:
_tile_overlayer_lowered:
.L_overlay_start_2:
0x3f: {  	(tag) =	ssettag $0x2  }
0x40: {  	s0 =	rddreg [dreg:$0x0];
	s2 =	stileid.u32  }
0x41: {  	s1 =	rddreg [dreg:$0x1];
	p0 =	sne.s32 s2, $0x0  }
0x42: {  	s3 =	rddreg [dreg:$0x2];
	[bflag:$0x3] =	sbarrier.arrive $0xFFFF;
	s2 =	simm.s32 @!p0 $0x1C01  }
0x43: {  	[timem:s3], [sflag:s2] =	dma.local @!p0 [hbm:s0], s1  }
0x44: {  	s0 =	simm.s32 @!p0 $0x1  }
0x45: {  	_ =	swait.ge @!p0 [sflag:s0], s1  }
0x46: {  	s1 =	ssub.s32 @!p0 $0x0, s1;
	[sflag:s0] =	ssyncset.done @!p0 $0x0  }
0x47: {  	[sflag:s0] =	ssyncadd.s32 @!p0 s1  }
0x48: {  	[bflag:$0x3] =	sbarrier.arrive $0xFFFF  }
0x49: {  	_ =	shalt  }

</sc_bundles>
